<compile_context>
chip_gen: v7x
topology: tpu7x:2x2x1
jax: 0.10.2.dev20260603
libtpu: 0.0.44.dev20260713+nightly
codegen_flags: <defaults>
</compile_context>

<pallas_src>
import functools

import jax
import jax.numpy as jnp
from jax import lax
from jax.experimental import pallas as pl
from jax.experimental.pallas import tpu as pltpu
from jax.experimental.pallas import tpu_sc as plsc

_NC = 2
_NS = 16
_NW = _NC * _NS
_L = 16
_NPAD = 128
_NB = 5


def _gather_kernel(N, HW, C, H, W):
    b_per_w = N // _NW
    n_chunks = b_per_w // 128
    n_vec = b_per_w // _L

    mesh = plsc.VectorSubcoreMesh(core_axis_name="c", subcore_axis_name="s")

    @functools.partial(
        pl.kernel,
        mesh=mesh,
        out_type=jax.ShapeDtypeStruct((N, C), jnp.float32),
        scratch_types=[
            pltpu.VMEM((b_per_w,), jnp.int32),
            pltpu.VMEM((b_per_w,), jnp.int32),
            pltpu.VMEM((b_per_w,), jnp.int32),
            pltpu.VMEM((n_chunks, 128), jnp.int32),
        ]
        + [pltpu.VMEM((128, C), jnp.float32) for _ in range(_NB)]
        + [pltpu.SemaphoreType.DMA for _ in range(2 * _NB)],
    )
    def k(table_hbm, px_hbm, py_hbm, fov_hbm, out_hbm,
          px_v, py_v, fov_v, idx_v, *bufs_and_sems):
        bufs = bufs_and_sems[:_NB]
        gsems = bufs_and_sems[_NB:2 * _NB]
        wsems = bufs_and_sems[2 * _NB:]

        wid = lax.axis_index("s") * _NC + lax.axis_index("c")
        base = wid * b_per_w

        pltpu.sync_copy(px_hbm.at[pl.ds(base, b_per_w)], px_v)
        pltpu.sync_copy(py_hbm.at[pl.ds(base, b_per_w)], py_v)
        pltpu.sync_copy(fov_hbm.at[pl.ds(base, b_per_w)], fov_v)

        lane = lax.broadcasted_iota(jnp.int32, (_L,), 0)

        def idx_body(j, _):
            xv = px_v[pl.ds(j * _L, _L)]
            yv = py_v[pl.ds(j * _L, _L)]
            fv = fov_v[pl.ds(j * _L, _L)]
            xc = jnp.clip(xv, 0, W - 1)
            yc = jnp.clip(yv, 0, H - 1)
            pad = HW + (j % 8) * _L + lane
            idx = jnp.where(fv > 0, yc * W + xc, pad)
            idx_v[j // 8, pl.ds((j % 8) * _L, _L)] = idx
            return 0

        lax.fori_loop(0, n_vec, idx_body, 0, unroll=8)

        def g_start(j, s):
            pltpu.async_copy(table_hbm.at[idx_v.at[j]], bufs[s], gsems[s])

        def g_wait(j, s):
            pltpu.make_async_copy(
                table_hbm.at[idx_v.at[j]], bufs[s], gsems[s]).wait()

        def w_start(j, s):
            pltpu.async_copy(
                bufs[s], out_hbm.at[pl.ds(base + j * 128, 128)], wsems[s])

        def w_wait(j, s):
            pltpu.make_async_copy(
                bufs[s], out_hbm.at[pl.ds(base + j * 128, 128)],
                wsems[s]).wait()

        for j in range(_NB - 1):
            g_start(j, j)
        for g in range(n_chunks):
            s = g % _NB
            g_wait(g, s)
            w_start(g, s)
            jn = g + _NB - 1
            if jn < n_chunks:
                s2 = jn % _NB
                if g >= 1:
                    w_wait(g - 1, s2)
                g_start(jn, s2)
        for j in range(n_chunks - _NB, n_chunks):
            w_wait(j, j % _NB)

    return k


def kernel(x2d, projected_pix, fov_mask):
    bs, c, h, w = x2d.shape
    n = projected_pix.shape[1]
    hw = h * w

    table = jnp.concatenate(
        [x2d.reshape(c, hw).T, jnp.zeros((_NPAD, c), jnp.float32)], axis=0)
    px = projected_pix[0, :, 0]
    py = projected_pix[0, :, 1]
    fov = fov_mask[0].astype(jnp.int32)

    y = _gather_kernel(n, hw, c, h, w)(table, px, py, fov)

    sx, sy, sz = 128, 128, 16
    return y.T.reshape(bs, c, sx, sy, sz)

# --- scband reference (transcript-rebuilt; emitter-appended) ---
"""Pipeline reference for scband-flo-sp-12086037971027 (READ-ONLY COPY).

The authoritative reference and input builder live on the scoring server;
editing this copy changes nothing except your own understanding.
"""

import jax, jax.numpy as jnp
import numpy as np

SCENE_SIZE = (256, 256, 32)
PROJECT_SCALE = 2


def setup_inputs(seed: int = 0):
    key = jax.random.key(seed)
    k1, k2, k3 = jax.random.split(key, 3)
    bs, c, h, w = 1, 128, 96, 320
    N = (SCENE_SIZE[0] // PROJECT_SCALE) * (SCENE_SIZE[1] // PROJECT_SCALE) * (SCENE_SIZE[2] // PROJECT_SCALE)
    x2d = jax.random.normal(k1, (bs, c, h, w), dtype=jnp.float32)
    projected_pix = jax.random.randint(k2, (bs, N, 2), 0, 320, dtype=jnp.int32)
    fov_mask = jax.random.randint(k3, (bs, N), 0, 2, dtype=jnp.int32).astype(jnp.bool_)
    return {"x2d": x2d, "projected_pix": projected_pix, "fov_mask": fov_mask}


def reference(x2d, projected_pix, fov_mask):
    bs, c, h, w = x2d.shape
    src = x2d.reshape(bs, c, h * w)
    # F.pad(src, (0, 1), value=0): pad one zero column at end of last dim
    src = jnp.pad(src, ((0, 0), (0, 0), (0, 1)))
    img_indices = (jnp.clip(projected_pix[..., 1], 0, h - 1) * w
                   + jnp.clip(projected_pix[..., 0], 0, w - 1))
    # out-of-FOV voxels point at the zero pad column (index h*w)
    img_indices = jnp.where(fov_mask, img_indices, h * w)
    # gather per batch element: feats[b, c, n] = src[b, c, img_indices[b, n]]
    feats = jax.vmap(lambda s, idx: jnp.take(s, idx, axis=1))(src, img_indices)
    out_shape = tuple(s // PROJECT_SCALE for s in SCENE_SIZE)
    x3d = feats.reshape(bs, c, *out_shape)
    return x3d

if __name__ == "__main__":
    import jax
    _d = setup_inputs()
    print(jax.jit(kernel)(*tuple(_d.values())))

</pallas_src>

<mosaic_0001>
#map = affine_map<(d0, d1) -> (0, 0)>
#map1 = affine_map<(d0, d1) -> (0)>
module attributes {stable_mosaic.version = 14 : i64} {
  func.func @k(%arg0: i32, %arg1: i32, %arg2: memref<30848x128xf32, #tpu.memory_space<hbm>>, %arg3: memref<262144xi32, #tpu.memory_space<hbm>>, %arg4: memref<262144xi32, #tpu.memory_space<hbm>>, %arg5: memref<262144xi32, #tpu.memory_space<hbm>>, %arg6: memref<262144x128xf32, #tpu.memory_space<hbm>>, %arg7: memref<8192xi32, #tpu.memory_space<vmem>>, %arg8: memref<8192xi32, #tpu.memory_space<vmem>>, %arg9: memref<8192xi32, #tpu.memory_space<vmem>>, %arg10: memref<64x128xi32, #tpu.memory_space<vmem>>, %arg11: memref<128x128xf32, #tpu.memory_space<vmem>>, %arg12: memref<128x128xf32, #tpu.memory_space<vmem>>, %arg13: memref<128x128xf32, #tpu.memory_space<vmem>>, %arg14: memref<128x128xf32, #tpu.memory_space<vmem>>, %arg15: memref<128x128xf32, #tpu.memory_space<vmem>>, %arg16: memref<!tpu.dma_semaphore, #tpu.memory_space<semaphore_mem>>, %arg17: memref<!tpu.dma_semaphore, #tpu.memory_space<semaphore_mem>>, %arg18: memref<!tpu.dma_semaphore, #tpu.memory_space<semaphore_mem>>, %arg19: memref<!tpu.dma_semaphore, #tpu.memory_space<semaphore_mem>>, %arg20: memref<!tpu.dma_semaphore, #tpu.memory_space<semaphore_mem>>, %arg21: memref<!tpu.dma_semaphore, #tpu.memory_space<semaphore_mem>>, %arg22: memref<!tpu.dma_semaphore, #tpu.memory_space<semaphore_mem>>, %arg23: memref<!tpu.dma_semaphore, #tpu.memory_space<semaphore_mem>>, %arg24: memref<!tpu.dma_semaphore, #tpu.memory_space<semaphore_mem>>, %arg25: memref<!tpu.dma_semaphore, #tpu.memory_space<semaphore_mem>>) attributes {dimension_semantics = [#tpu.dimension_semantics<core_parallel>, #tpu.dimension_semantics<subcore_parallel>], iteration_bounds = array<i64: 2, 16>, scalar_prefetch = 0 : i64, scratch_operands = 19 : i64, tpu.core_type = #tpu.core_type<sc_vector_subcore>, window_params = [{transform_indices = #map}, {transform_indices = #map1}, {transform_indices = #map1}, {transform_indices = #map1}, {transform_indices = #map}]} {
    %mul3A = arith.constant 2 : i32
    %mul3A_0 = arith.muli %arg1, %mul3A : i32
    %add3A = arith.addi %mul3A_0, %arg0 : i32
    %mul3A_1 = arith.constant 8192 : i32
    %mul3A_2 = arith.muli %add3A, %mul3A_1 : i32
    "tpu.region"() ({
      %run_scoped3A = tpu.sem_alloc : memref<!tpu.dma_semaphore, #tpu.memory_space<semaphore_mem>>
      %dma_start3A_1671 = tpu.memref_slice %arg3[%mul3A_2] : memref<262144xi32, #tpu.memory_space<hbm>> -> memref<8192xi32, #tpu.memory_space<hbm>>
      %dma_start3A_1672 = tpu.memref_slice %arg3[%mul3A_2] : memref<262144xi32, #tpu.memory_space<hbm>> -> memref<8192xi32, #tpu.memory_space<hbm>>
      tpu.enqueue_dma source(%dma_start3A_1672 : memref<8192xi32, #tpu.memory_space<hbm>>) target(%arg7 : memref<8192xi32, #tpu.memory_space<vmem>>) target_semaphore(%run_scoped3A : memref<!tpu.dma_semaphore, #tpu.memory_space<semaphore_mem>>)
      %dma_wait3A_1673 = tpu.memref_slice %arg3[%mul3A_2] : memref<262144xi32, #tpu.memory_space<hbm>> -> memref<8192xi32, #tpu.memory_space<hbm>>
      %dma_wait3A_1674 = tpu.memref_slice %arg3[%mul3A_2] : memref<262144xi32, #tpu.memory_space<hbm>> -> memref<8192xi32, #tpu.memory_space<hbm>>
      tpu.wait_dma2 semaphore(%run_scoped3A : memref<!tpu.dma_semaphore, #tpu.memory_space<semaphore_mem>>) src(%dma_wait3A_1674 : memref<8192xi32, #tpu.memory_space<hbm>>) dst(%arg7 : memref<8192xi32, #tpu.memory_space<vmem>>)
      tpu.yield
    }) : () -> ()
    "tpu.region"() ({
      %run_scoped3A = tpu.sem_alloc : memref<!tpu.dma_semaphore, #tpu.memory_space<semaphore_mem>>
      %dma_start3A_1671 = tpu.memref_slice %arg4[%mul3A_2] : memref<262144xi32, #tpu.memory_space<hbm>> -> memref<8192xi32, #tpu.memory_space<hbm>>
      %dma_start3A_1672 = tpu.memref_slice %arg4[%mul3A_2] : memref<262144xi32, #tpu.memory_space<hbm>> -> memref<8192xi32, #tpu.memory_space<hbm>>
      tpu.enqueue_dma source(%dma_start3A_1672 : memref<8192xi32, #tpu.memory_space<hbm>>) target(%arg8 : memref<8192xi32, #tpu.memory_space<vmem>>) target_semaphore(%run_scoped3A : memref<!tpu.dma_semaphore, #tpu.memory_space<semaphore_mem>>)
      %dma_wait3A_1673 = tpu.memref_slice %arg4[%mul3A_2] : memref<262144xi32, #tpu.memory_space<hbm>> -> memref<8192xi32, #tpu.memory_space<hbm>>
      %dma_wait3A_1674 = tpu.memref_slice %arg4[%mul3A_2] : memref<262144xi32, #tpu.memory_space<hbm>> -> memref<8192xi32, #tpu.memory_space<hbm>>
      tpu.wait_dma2 semaphore(%run_scoped3A : memref<!tpu.dma_semaphore, #tpu.memory_space<semaphore_mem>>) src(%dma_wait3A_1674 : memref<8192xi32, #tpu.memory_space<hbm>>) dst(%arg8 : memref<8192xi32, #tpu.memory_space<vmem>>)
      tpu.yield
    }) : () -> ()
    "tpu.region"() ({
      %run_scoped3A = tpu.sem_alloc : memref<!tpu.dma_semaphore, #tpu.memory_space<semaphore_mem>>
      %dma_start3A_1671 = tpu.memref_slice %arg5[%mul3A_2] : memref<262144xi32, #tpu.memory_space<hbm>> -> memref<8192xi32, #tpu.memory_space<hbm>>
      %dma_start3A_1672 = tpu.memref_slice %arg5[%mul3A_2] : memref<262144xi32, #tpu.memory_space<hbm>> -> memref<8192xi32, #tpu.memory_space<hbm>>
      tpu.enqueue_dma source(%dma_start3A_1672 : memref<8192xi32, #tpu.memory_space<hbm>>) target(%arg9 : memref<8192xi32, #tpu.memory_space<vmem>>) target_semaphore(%run_scoped3A : memref<!tpu.dma_semaphore, #tpu.memory_space<semaphore_mem>>)
      %dma_wait3A_1673 = tpu.memref_slice %arg5[%mul3A_2] : memref<262144xi32, #tpu.memory_space<hbm>> -> memref<8192xi32, #tpu.memory_space<hbm>>
      %dma_wait3A_1674 = tpu.memref_slice %arg5[%mul3A_2] : memref<262144xi32, #tpu.memory_space<hbm>> -> memref<8192xi32, #tpu.memory_space<hbm>>
      tpu.wait_dma2 semaphore(%run_scoped3A : memref<!tpu.dma_semaphore, #tpu.memory_space<semaphore_mem>>) src(%dma_wait3A_1674 : memref<8192xi32, #tpu.memory_space<hbm>>) dst(%arg9 : memref<8192xi32, #tpu.memory_space<vmem>>)
      tpu.yield
    }) : () -> ()
    %iota3A = tpu.iota {dimensions = array<i32: 0>} : vector<16xi32>
    %scan3A = arith.constant 0 : i32
    %scan3A_3 = arith.constant 0 : i32
    %scan3A_4 = arith.constant 512 : i32
    %scan3A_5 = arith.addi %scan3A_3, %scan3A_4 : i32
    %scan3A_6 = arith.constant 8 : i32
    %scan3A_7 = scf.for %scan3A_1671 = %scan3A_3 to %scan3A_5 step %scan3A_6 iter_args(%scan3A_1672 = %scan3A) -> (i32)  : i32 {
      %mul3A_1673 = arith.constant 16 : i32
      %mul3A_1674 = arith.muli %scan3A_1671, %mul3A_1673 : i32
      %get3A = arith.index_cast %mul3A_1674 : i32 to index
      %get3A_1675 = tpu.vector_load %arg7[%get3A] {strides = array<i32>} : memref<8192xi32, #tpu.memory_space<vmem>>, vector<16xi32>,
      %get3A_1676 = vector.shape_cast %get3A_1675 : vector<16xi32> to vector<16xi32>
      %mul3A_1677 = arith.constant 16 : i32
      %mul3A_1678 = arith.muli %scan3A_1671, %mul3A_1677 : i32
      %get3A_1679 = arith.index_cast %mul3A_1678 : i32 to index
      %get3A_1680 = tpu.vector_load %arg8[%get3A_1679] {strides = array<i32>} : memref<8192xi32, #tpu.memory_space<vmem>>, vector<16xi32>,
      %get3A_1681 = vector.shape_cast %get3A_1680 : vector<16xi32> to vector<16xi32>
      %mul3A_1682 = arith.constant 16 : i32
      %mul3A_1683 = arith.muli %scan3A_1671, %mul3A_1682 : i32
      %get3A_1684 = arith.index_cast %mul3A_1683 : i32 to index
      %get3A_1685 = tpu.vector_load %arg9[%get3A_1684] {strides = array<i32>} : memref<8192xi32, #tpu.memory_space<vmem>>, vector<16xi32>,
      %get3A_1686 = vector.shape_cast %get3A_1685 : vector<16xi32> to vector<16xi32>
      %jit3A = arith.constant 0 : i32
      %jit3A_1687 = arith.constant 319 : i32
      %max3A = vector.broadcast %jit3A : i32 to vector<16xi32>
      %max3A_1688 = arith.maxsi %max3A, %get3A_1676 : vector<16xi32>
      %min3A = vector.broadcast %jit3A_1687 : i32 to vector<16xi32>
      %min3A_1689 = arith.minsi %min3A, %max3A_1688 : vector<16xi32>
      %jit3A_1690 = arith.constant 0 : i32
      %jit3A_1691 = arith.constant 95 : i32
      %max3A_1692 = vector.broadcast %jit3A_1690 : i32 to vector<16xi32>
      %max3A_1693 = arith.maxsi %max3A_1692, %get3A_1681 : vector<16xi32>
      %min3A_1694 = vector.broadcast %jit3A_1691 : i32 to vector<16xi32>
      %min3A_1695 = arith.minsi %min3A_1694, %max3A_1693 : vector<16xi32>
      %jit3A_1696 = arith.constant 8 : i32
      %eq3A = arith.constant 0 : i32
      %eq3A_1697 = arith.cmpi eq, %jit3A_1696, %eq3A : i32
      %jit3A_1698 = arith.constant 1 : i32
      %select_n3A = arith.select %eq3A_1697, %jit3A_1698, %jit3A_1696 : i32
      %rem3A = arith.remsi %scan3A_1671, %select_n3A : i32
      %ne3A = arith.constant 0 : i32
      %ne3A_1699 = arith.cmpi ne, %rem3A, %ne3A : i32
      %lt3A = arith.constant 0 : i32
      %lt3A_1700 = arith.cmpi slt, %rem3A, %lt3A : i32
      %lt3A_1701 = arith.constant 0 : i32
      %lt3A_1702 = arith.cmpi slt, %select_n3A, %lt3A_1701 : i32
      %ne3A_1703 = arith.xori %lt3A_1700, %lt3A_1702 : i1
      %and3A = arith.andi %ne3A_1703, %ne3A_1699 : i1
      %add3A_1704 = arith.addi %rem3A, %select_n3A : i32
      %select_n3A_1705 = arith.select %and3A, %add3A_1704, %rem3A : i32
      %mul3A_1706 = arith.constant 16 : i32
      %mul3A_1707 = arith.muli %select_n3A_1705, %mul3A_1706 : i32
      %add3A_1708 = arith.constant 30720 : i32
      %add3A_1709 = arith.addi %add3A_1708, %mul3A_1707 : i32
      %add3A_1710 = vector.broadcast %add3A_1709 : i32 to vector<16xi32>
      %add3A_1711 = arith.addi %add3A_1710, %iota3A : vector<16xi32>
      %gt3A = arith.constant 0 : i32
      %gt3A_1712 = vector.broadcast %gt3A : i32 to vector<16xi32>
      %gt3A_1713 = arith.cmpi sgt, %get3A_1686, %gt3A_1712 : vector<16xi32>
      %mul3A_1714 = arith.constant 320 : i32
      %mul3A_1715 = vector.broadcast %mul3A_1714 : i32 to vector<16xi32>
      %mul3A_1716 = arith.muli %min3A_1695, %mul3A_1715 : vector<16xi32>
      %add3A_1717 = arith.addi %mul3A_1716, %min3A_1689 : vector<16xi32>
      %select_n3A_1718 = arith.select %gt3A_1713, %add3A_1717, %add3A_1711 : vector<16xi1>, vector<16xi32>
      %jit3A_1719 = arith.constant 8 : i32
      %div3A = arith.divsi %scan3A_1671, %jit3A_1719 : i32
      %sign3A = arith.constant 0 : i32
      %sign3A_1720 = arith.cmpi sgt, %scan3A_1671, %sign3A : i32
      %sign3A_1721 = arith.extui %sign3A_1720 : i1 to i32
      %sign3A_1722 = arith.constant 0 : i32
      %sign3A_1723 = arith.cmpi slt, %scan3A_1671, %sign3A_1722 : i32
      %sign3A_1724 = arith.extui %sign3A_1723 : i1 to i32
      %sign3A_1725 = arith.subi %sign3A_1721, %sign3A_1724 : i32
      %sign3A_1726 = arith.constant 0 : i32
      %sign3A_1727 = arith.cmpi sgt, %jit3A_1719, %sign3A_1726 : i32
      %sign3A_1728 = arith.extui %sign3A_1727 : i1 to i32
      %sign3A_1729 = arith.constant 0 : i32
      %sign3A_1730 = arith.cmpi slt, %jit3A_1719, %sign3A_1729 : i32
      %sign3A_1731 = arith.extui %sign3A_1730 : i1 to i32
      %sign3A_1732 = arith.subi %sign3A_1728, %sign3A_1731 : i32
      %ne3A_1733 = arith.cmpi ne, %sign3A_1725, %sign3A_1732 : i32
      %rem3A_1734 = arith.remsi %scan3A_1671, %jit3A_1719 : i32
      %ne3A_1735 = arith.constant 0 : i32
      %ne3A_1736 = arith.cmpi ne, %rem3A_1734, %ne3A_1735 : i32
      %and3A_1737 = arith.andi %ne3A_1733, %ne3A_1736 : i1
      %sub3A = arith.constant 1 : i32
      %sub3A_1738 = arith.subi %div3A, %sub3A : i32
      %select_n3A_1739 = arith.select %and3A_1737, %sub3A_1738, %div3A : i32
      %jit3A_1740 = arith.constant 8 : i32
      %eq3A_1741 = arith.constant 0 : i32
      %eq3A_1742 = arith.cmpi eq, %jit3A_1740, %eq3A_1741 : i32
      %jit3A_1743 = arith.constant 1 : i32
      %select_n3A_1744 = arith.select %eq3A_1742, %jit3A_1743, %jit3A_1740 : i32
      %rem3A_1745 = arith.remsi %scan3A_1671, %select_n3A_1744 : i32
      %ne3A_1746 = arith.constant 0 : i32
      %ne3A_1747 = arith.cmpi ne, %rem3A_1745, %ne3A_1746 : i32
      %lt3A_1748 = arith.constant 0 : i32
      %lt3A_1749 = arith.cmpi slt, %rem3A_1745, %lt3A_1748 : i32
      %lt3A_1750 = arith.constant 0 : i32
      %lt3A_1751 = arith.cmpi slt, %select_n3A_1744, %lt3A_1750 : i32
      %ne3A_1752 = arith.xori %lt3A_1749, %lt3A_1751 : i1
      %and3A_1753 = arith.andi %ne3A_1752, %ne3A_1747 : i1
      %add3A_1754 = arith.addi %rem3A_1745, %select_n3A_1744 : i32
      %select_n3A_1755 = arith.select %and3A_1753, %add3A_1754, %rem3A_1745 : i32
      %mul3A_1756 = arith.constant 16 : i32
      %mul3A_1757 = arith.muli %select_n3A_1755, %mul3A_1756 : i32
      %swap3A = arith.index_cast %select_n3A_1739 : i32 to index
      %swap3A_1758 = arith.index_cast %mul3A_1757 : i32 to index
      %swap3A_1759 = tpu.vector_load %arg10[%swap3A, %swap3A_1758] {strides = array<i32>} : memref<64x128xi32, #tpu.memory_space<vmem>>, vector<1x16xi32>,
      %swap3A_1760 = vector.shape_cast %swap3A_1759 : vector<1x16xi32> to vector<16xi32>
      %swap3A_1761 = vector.shape_cast %select_n3A_1718 : vector<16xi32> to vector<1x16xi32>
      tpu.vector_store %arg10[%swap3A, %swap3A_1758], %swap3A_1761 {strides = array<i32>} : memref<64x128xi32, #tpu.memory_space<vmem>>, vector<1x16xi32>,
      %scan3A_1762 = arith.constant 0 : i32
      %scan3A_1763 = arith.constant 1 : i32
      %scan3A_1764 = arith.addi %scan3A_1671, %scan3A_1763 : i32
      %mul3A_1765 = arith.constant 16 : i32
      %mul3A_1766 = arith.muli %scan3A_1764, %mul3A_1765 : i32
      %get3A_1767 = arith.index_cast %mul3A_1766 : i32 to index
      %get3A_1768 = tpu.vector_load %arg7[%get3A_1767] {strides = array<i32>} : memref<8192xi32, #tpu.memory_space<vmem>>, vector<16xi32>,
      %get3A_1769 = vector.shape_cast %get3A_1768 : vector<16xi32> to vector<16xi32>
      %mul3A_1770 = arith.constant 16 : i32
      %mul3A_1771 = arith.muli %scan3A_1764, %mul3A_1770 : i32
      %get3A_1772 = arith.index_cast %mul3A_1771 : i32 to index
      %get3A_1773 = tpu.vector_load %arg8[%get3A_1772] {strides = array<i32>} : memref<8192xi32, #tpu.memory_space<vmem>>, vector<16xi32>,
      %get3A_1774 = vector.shape_cast %get3A_1773 : vector<16xi32> to vector<16xi32>
      %mul3A_1775 = arith.constant 16 : i32
      %mul3A_1776 = arith.muli %scan3A_1764, %mul3A_1775 : i32
      %get3A_1777 = arith.index_cast %mul3A_1776 : i32 to index
      %get3A_1778 = tpu.vector_load %arg9[%get3A_1777] {strides = array<i32>} : memref<8192xi32, #tpu.memory_space<vmem>>, vector<16xi32>,
      %get3A_1779 = vector.shape_cast %get3A_1778 : vector<16xi32> to vector<16xi32>
      %jit3A_1780 = arith.constant 0 : i32
      %jit3A_1781 = arith.constant 319 : i32
      %max3A_1782 = vector.broadcast %jit3A_1780 : i32 to vector<16xi32>
      %max3A_1783 = arith.maxsi %max3A_1782, %get3A_1769 : vector<16xi32>
      %min3A_1784 = vector.broadcast %jit3A_1781 : i32 to vector<16xi32>
      %min3A_1785 = arith.minsi %min3A_1784, %max3A_1783 : vector<16xi32>
      %jit3A_1786 = arith.constant 0 : i32
      %jit3A_1787 = arith.constant 95 : i32
      %max3A_1788 = vector.broadcast %jit3A_1786 : i32 to vector<16xi32>
      %max3A_1789 = arith.maxsi %max3A_1788, %get3A_1774 : vector<16xi32>
      %min3A_1790 = vector.broadcast %jit3A_1787 : i32 to vector<16xi32>
      %min3A_1791 = arith.minsi %min3A_1790, %max3A_1789 : vector<16xi32>
      %jit3A_1792 = arith.constant 8 : i32
      %eq3A_1793 = arith.constant 0 : i32
      %eq3A_1794 = arith.cmpi eq, %jit3A_1792, %eq3A_1793 : i32
      %jit3A_1795 = arith.constant 1 : i32
      %select_n3A_1796 = arith.select %eq3A_1794, %jit3A_1795, %jit3A_1792 : i32
      %rem3A_1797 = arith.remsi %scan3A_1764, %select_n3A_1796 : i32
      %ne3A_1798 = arith.constant 0 : i32
      %ne3A_1799 = arith.cmpi ne, %rem3A_1797, %ne3A_1798 : i32
      %lt3A_1800 = arith.constant 0 : i32
      %lt3A_1801 = arith.cmpi slt, %rem3A_1797, %lt3A_1800 : i32
      %lt3A_1802 = arith.constant 0 : i32
      %lt3A_1803 = arith.cmpi slt, %select_n3A_1796, %lt3A_1802 : i32
      %ne3A_1804 = arith.xori %lt3A_1801, %lt3A_1803 : i1
      %and3A_1805 = arith.andi %ne3A_1804, %ne3A_1799 : i1
      %add3A_1806 = arith.addi %rem3A_1797, %select_n3A_1796 : i32
      %select_n3A_1807 = arith.select %and3A_1805, %add3A_1806, %rem3A_1797 : i32
      %mul3A_1808 = arith.constant 16 : i32
      %mul3A_1809 = arith.muli %select_n3A_1807, %mul3A_1808 : i32
      %add3A_1810 = arith.constant 30720 : i32
      %add3A_1811 = arith.addi %add3A_1810, %mul3A_1809 : i32
      %add3A_1812 = vector.broadcast %add3A_1811 : i32 to vector<16xi32>
      %add3A_1813 = arith.addi %add3A_1812, %iota3A : vector<16xi32>
      %gt3A_1814 = arith.constant 0 : i32
      %gt3A_1815 = vector.broadcast %gt3A_1814 : i32 to vector<16xi32>
      %gt3A_1816 = arith.cmpi sgt, %get3A_1779, %gt3A_1815 : vector<16xi32>
      %mul3A_1817 = arith.constant 320 : i32
      %mul3A_1818 = vector.broadcast %mul3A_1817 : i32 to vector<16xi32>
      %mul3A_1819 = arith.muli %min3A_1791, %mul3A_1818 : vector<16xi32>
      %add3A_1820 = arith.addi %mul3A_1819, %min3A_1785 : vector<16xi32>
      %select_n3A_1821 = arith.select %gt3A_1816, %add3A_1820, %add3A_1813 : vector<16xi1>, vector<16xi32>
      %jit3A_1822 = arith.constant 8 : i32
      %div3A_1823 = arith.divsi %scan3A_1764, %jit3A_1822 : i32
      %sign3A_1824 = arith.constant 0 : i32
      %sign3A_1825 = arith.cmpi sgt, %scan3A_1764, %sign3A_1824 : i32
      %sign3A_1826 = arith.extui %sign3A_1825 : i1 to i32
      %sign3A_1827 = arith.constant 0 : i32
      %sign3A_1828 = arith.cmpi slt, %scan3A_1764, %sign3A_1827 : i32
      %sign3A_1829 = arith.extui %sign3A_1828 : i1 to i32
      %sign3A_1830 = arith.subi %sign3A_1826, %sign3A_1829 : i32
      %sign3A_1831 = arith.constant 0 : i32
      %sign3A_1832 = arith.cmpi sgt, %jit3A_1822, %sign3A_1831 : i32
      %sign3A_1833 = arith.extui %sign3A_1832 : i1 to i32
      %sign3A_1834 = arith.constant 0 : i32
      %sign3A_1835 = arith.cmpi slt, %jit3A_1822, %sign3A_1834 : i32
      %sign3A_1836 = arith.extui %sign3A_1835 : i1 to i32
      %sign3A_1837 = arith.subi %sign3A_1833, %sign3A_1836 : i32
      %ne3A_1838 = arith.cmpi ne, %sign3A_1830, %sign3A_1837 : i32
      %rem3A_1839 = arith.remsi %scan3A_1764, %jit3A_1822 : i32
      %ne3A_1840 = arith.constant 0 : i32
      %ne3A_1841 = arith.cmpi ne, %rem3A_1839, %ne3A_1840 : i32
      %and3A_1842 = arith.andi %ne3A_1838, %ne3A_1841 : i1
      %sub3A_1843 = arith.constant 1 : i32
      %sub3A_1844 = arith.subi %div3A_1823, %sub3A_1843 : i32
      %select_n3A_1845 = arith.select %and3A_1842, %sub3A_1844, %div3A_1823 : i32
      %jit3A_1846 = arith.constant 8 : i32
      %eq3A_1847 = arith.constant 0 : i32
      %eq3A_1848 = arith.cmpi eq, %jit3A_1846, %eq3A_1847 : i32
      %jit3A_1849 = arith.constant 1 : i32
      %select_n3A_1850 = arith.select %eq3A_1848, %jit3A_1849, %jit3A_1846 : i32
      %rem3A_1851 = arith.remsi %scan3A_1764, %select_n3A_1850 : i32
      %ne3A_1852 = arith.constant 0 : i32
      %ne3A_1853 = arith.cmpi ne, %rem3A_1851, %ne3A_1852 : i32
      %lt3A_1854 = arith.constant 0 : i32
      %lt3A_1855 = arith.cmpi slt, %rem3A_1851, %lt3A_1854 : i32
      %lt3A_1856 = arith.constant 0 : i32
      %lt3A_1857 = arith.cmpi slt, %select_n3A_1850, %lt3A_1856 : i32
      %ne3A_1858 = arith.xori %lt3A_1855, %lt3A_1857 : i1
      %and3A_1859 = arith.andi %ne3A_1858, %ne3A_1853 : i1
      %add3A_1860 = arith.addi %rem3A_1851, %select_n3A_1850 : i32
      %select_n3A_1861 = arith.select %and3A_1859, %add3A_1860, %rem3A_1851 : i32
      %mul3A_1862 = arith.constant 16 : i32
      %mul3A_1863 = arith.muli %select_n3A_1861, %mul3A_1862 : i32
      %swap3A_1864 = arith.index_cast %select_n3A_1845 : i32 to index
      %swap3A_1865 = arith.index_cast %mul3A_1863 : i32 to index
      %swap3A_1866 = tpu.vector_load %arg10[%swap3A_1864, %swap3A_1865] {strides = array<i32>} : memref<64x128xi32, #tpu.memory_space<vmem>>, vector<1x16xi32>,
      %swap3A_1867 = vector.shape_cast %swap3A_1866 : vector<1x16xi32> to vector<16xi32>
      %swap3A_1868 = vector.shape_cast %select_n3A_1821 : vector<16xi32> to vector<1x16xi32>
      tpu.vector_store %arg10[%swap3A_1864, %swap3A_1865], %swap3A_1868 {strides = array<i32>} : memref<64x128xi32, #tpu.memory_space<vmem>>, vector<1x16xi32>,
      %scan3A_1869 = arith.constant 0 : i32
      %scan3A_1870 = arith.constant 2 : i32
      %scan3A_1871 = arith.addi %scan3A_1671, %scan3A_1870 : i32
      %mul3A_1872 = arith.constant 16 : i32
      %mul3A_1873 = arith.muli %scan3A_1871, %mul3A_1872 : i32
      %get3A_1874 = arith.index_cast %mul3A_1873 : i32 to index
      %get3A_1875 = tpu.vector_load %arg7[%get3A_1874] {strides = array<i32>} : memref<8192xi32, #tpu.memory_space<vmem>>, vector<16xi32>,
      %get3A_1876 = vector.shape_cast %get3A_1875 : vector<16xi32> to vector<16xi32>
      %mul3A_1877 = arith.constant 16 : i32
      %mul3A_1878 = arith.muli %scan3A_1871, %mul3A_1877 : i32
      %get3A_1879 = arith.index_cast %mul3A_1878 : i32 to index
      %get3A_1880 = tpu.vector_load %arg8[%get3A_1879] {strides = array<i32>} : memref<8192xi32, #tpu.memory_space<vmem>>, vector<16xi32>,
      %get3A_1881 = vector.shape_cast %get3A_1880 : vector<16xi32> to vector<16xi32>
      %mul3A_1882 = arith.constant 16 : i32
      %mul3A_1883 = arith.muli %scan3A_1871, %mul3A_1882 : i32
      %get3A_1884 = arith.index_cast %mul3A_1883 : i32 to index
      %get3A_1885 = tpu.vector_load %arg9[%get3A_1884] {strides = array<i32>} : memref<8192xi32, #tpu.memory_space<vmem>>, vector<16xi32>,
      %get3A_1886 = vector.shape_cast %get3A_1885 : vector<16xi32> to vector<16xi32>
      %jit3A_1887 = arith.constant 0 : i32
      %jit3A_1888 = arith.constant 319 : i32
      %max3A_1889 = vector.broadcast %jit3A_1887 : i32 to vector<16xi32>
      %max3A_1890 = arith.maxsi %max3A_1889, %get3A_1876 : vector<16xi32>
      %min3A_1891 = vector.broadcast %jit3A_1888 : i32 to vector<16xi32>
      %min3A_1892 = arith.minsi %min3A_1891, %max3A_1890 : vector<16xi32>
      %jit3A_1893 = arith.constant 0 : i32
      %jit3A_1894 = arith.constant 95 : i32
      %max3A_1895 = vector.broadcast %jit3A_1893 : i32 to vector<16xi32>
      %max3A_1896 = arith.maxsi %max3A_1895, %get3A_1881 : vector<16xi32>
      %min3A_1897 = vector.broadcast %jit3A_1894 : i32 to vector<16xi32>
      %min3A_1898 = arith.minsi %min3A_1897, %max3A_1896 : vector<16xi32>
      %jit3A_1899 = arith.constant 8 : i32
      %eq3A_1900 = arith.constant 0 : i32
      %eq3A_1901 = arith.cmpi eq, %jit3A_1899, %eq3A_1900 : i32
      %jit3A_1902 = arith.constant 1 : i32
      %select_n3A_1903 = arith.select %eq3A_1901, %jit3A_1902, %jit3A_1899 : i32
      %rem3A_1904 = arith.remsi %scan3A_1871, %select_n3A_1903 : i32
      %ne3A_1905 = arith.constant 0 : i32
      %ne3A_1906 = arith.cmpi ne, %rem3A_1904, %ne3A_1905 : i32
      %lt3A_1907 = arith.constant 0 : i32
      %lt3A_1908 = arith.cmpi slt, %rem3A_1904, %lt3A_1907 : i32
      %lt3A_1909 = arith.constant 0 : i32
      %lt3A_1910 = arith.cmpi slt, %select_n3A_1903, %lt3A_1909 : i32
      %ne3A_1911 = arith.xori %lt3A_1908, %lt3A_1910 : i1
      %and3A_1912 = arith.andi %ne3A_1911, %ne3A_1906 : i1
      %add3A_1913 = arith.addi %rem3A_1904, %select_n3A_1903 : i32
      %select_n3A_1914 = arith.select %and3A_1912, %add3A_1913, %rem3A_1904 : i32
      %mul3A_1915 = arith.constant 16 : i32
      %mul3A_1916 = arith.muli %select_n3A_1914, %mul3A_1915 : i32
      %add3A_1917 = arith.constant 30720 : i32
      %add3A_1918 = arith.addi %add3A_1917, %mul3A_1916 : i32
      %add3A_1919 = vector.broadcast %add3A_1918 : i32 to vector<16xi32>
      %add3A_1920 = arith.addi %add3A_1919, %iota3A : vector<16xi32>
      %gt3A_1921 = arith.constant 0 : i32
      %gt3A_1922 = vector.broadcast %gt3A_1921 : i32 to vector<16xi32>
      %gt3A_1923 = arith.cmpi sgt, %get3A_1886, %gt3A_1922 : vector<16xi32>
      %mul3A_1924 = arith.constant 320 : i32
      %mul3A_1925 = vector.broadcast %mul3A_1924 : i32 to vector<16xi32>
      %mul3A_1926 = arith.muli %min3A_1898, %mul3A_1925 : vector<16xi32>
      %add3A_1927 = arith.addi %mul3A_1926, %min3A_1892 : vector<16xi32>
      %select_n3A_1928 = arith.select %gt3A_1923, %add3A_1927, %add3A_1920 : vector<16xi1>, vector<16xi32>
      %jit3A_1929 = arith.constant 8 : i32
      %div3A_1930 = arith.divsi %scan3A_1871, %jit3A_1929 : i32
      %sign3A_1931 = arith.constant 0 : i32
      %sign3A_1932 = arith.cmpi sgt, %scan3A_1871, %sign3A_1931 : i32
      %sign3A_1933 = arith.extui %sign3A_1932 : i1 to i32
      %sign3A_1934 = arith.constant 0 : i32
      %sign3A_1935 = arith.cmpi slt, %scan3A_1871, %sign3A_1934 : i32
      %sign3A_1936 = arith.extui %sign3A_1935 : i1 to i32
      %sign3A_1937 = arith.subi %sign3A_1933, %sign3A_1936 : i32
      %sign3A_1938 = arith.constant 0 : i32
      %sign3A_1939 = arith.cmpi sgt, %jit3A_1929, %sign3A_1938 : i32
      %sign3A_1940 = arith.extui %sign3A_1939 : i1 to i32
      %sign3A_1941 = arith.constant 0 : i32
      %sign3A_1942 = arith.cmpi slt, %jit3A_1929, %sign3A_1941 : i32
      %sign3A_1943 = arith.extui %sign3A_1942 : i1 to i32
      %sign3A_1944 = arith.subi %sign3A_1940, %sign3A_1943 : i32
      %ne3A_1945 = arith.cmpi ne, %sign3A_1937, %sign3A_1944 : i32
      %rem3A_1946 = arith.remsi %scan3A_1871, %jit3A_1929 : i32
      %ne3A_1947 = arith.constant 0 : i32
      %ne3A_1948 = arith.cmpi ne, %rem3A_1946, %ne3A_1947 : i32
      %and3A_1949 = arith.andi %ne3A_1945, %ne3A_1948 : i1
      %sub3A_1950 = arith.constant 1 : i32
      %sub3A_1951 = arith.subi %div3A_1930, %sub3A_1950 : i32
      %select_n3A_1952 = arith.select %and3A_1949, %sub3A_1951, %div3A_1930 : i32
      %jit3A_1953 = arith.constant 8 : i32
      %eq3A_1954 = arith.constant 0 : i32
      %eq3A_1955 = arith.cmpi eq, %jit3A_1953, %eq3A_1954 : i32
      %jit3A_1956 = arith.constant 1 : i32
      %select_n3A_1957 = arith.select %eq3A_1955, %jit3A_1956, %jit3A_1953 : i32
      %rem3A_1958 = arith.remsi %scan3A_1871, %select_n3A_1957 : i32
      %ne3A_1959 = arith.constant 0 : i32
      %ne3A_1960 = arith.cmpi ne, %rem3A_1958, %ne3A_1959 : i32
      %lt3A_1961 = arith.constant 0 : i32
      %lt3A_1962 = arith.cmpi slt, %rem3A_1958, %lt3A_1961 : i32
      %lt3A_1963 = arith.constant 0 : i32
      %lt3A_1964 = arith.cmpi slt, %select_n3A_1957, %lt3A_1963 : i32
      %ne3A_1965 = arith.xori %lt3A_1962, %lt3A_1964 : i1
      %and3A_1966 = arith.andi %ne3A_1965, %ne3A_1960 : i1
      %add3A_1967 = arith.addi %rem3A_1958, %select_n3A_1957 : i32
      %select_n3A_1968 = arith.select %and3A_1966, %add3A_1967, %rem3A_1958 : i32
      %mul3A_1969 = arith.constant 16 : i32
      %mul3A_1970 = arith.muli %select_n3A_1968, %mul3A_1969 : i32
      %swap3A_1971 = arith.index_cast %select_n3A_1952 : i32 to index
      %swap3A_1972 = arith.index_cast %mul3A_1970 : i32 to index
      %swap3A_1973 = tpu.vector_load %arg10[%swap3A_1971, %swap3A_1972] {strides = array<i32>} : memref<64x128xi32, #tpu.memory_space<vmem>>, vector<1x16xi32>,
      %swap3A_1974 = vector.shape_cast %swap3A_1973 : vector<1x16xi32> to vector<16xi32>
      %swap3A_1975 = vector.shape_cast %select_n3A_1928 : vector<16xi32> to vector<1x16xi32>
      tpu.vector_store %arg10[%swap3A_1971, %swap3A_1972], %swap3A_1975 {strides = array<i32>} : memref<64x128xi32, #tpu.memory_space<vmem>>, vector<1x16xi32>,
      %scan3A_1976 = arith.constant 0 : i32
      %scan3A_1977 = arith.constant 3 : i32
      %scan3A_1978 = arith.addi %scan3A_1671, %scan3A_1977 : i32
      %mul3A_1979 = arith.constant 16 : i32
      %mul3A_1980 = arith.muli %scan3A_1978, %mul3A_1979 : i32
      %get3A_1981 = arith.index_cast %mul3A_1980 : i32 to index
      %get3A_1982 = tpu.vector_load %arg7[%get3A_1981] {strides = array<i32>} : memref<8192xi32, #tpu.memory_space<vmem>>, vector<16xi32>,
      %get3A_1983 = vector.shape_cast %get3A_1982 : vector<16xi32> to vector<16xi32>
      %mul3A_1984 = arith.constant 16 : i32
      %mul3A_1985 = arith.muli %scan3A_1978, %mul3A_1984 : i32
      %get3A_1986 = arith.index_cast %mul3A_1985 : i32 to index
      %get3A_1987 = tpu.vector_load %arg8[%get3A_1986] {strides = array<i32>} : memref<8192xi32, #tpu.memory_space<vmem>>, vector<16xi32>,
      %get3A_1988 = vector.shape_cast %get3A_1987 : vector<16xi32> to vector<16xi32>
      %mul3A_1989 = arith.constant 16 : i32
      %mul3A_1990 = arith.muli %scan3A_1978, %mul3A_1989 : i32
      %get3A_1991 = arith.index_cast %mul3A_1990 : i32 to index
      %get3A_1992 = tpu.vector_load %arg9[%get3A_1991] {strides = array<i32>} : memref<8192xi32, #tpu.memory_space<vmem>>, vector<16xi32>,
      %get3A_1993 = vector.shape_cast %get3A_1992 : vector<16xi32> to vector<16xi32>
      %jit3A_1994 = arith.constant 0 : i32
      %jit3A_1995 = arith.constant 319 : i32
      %max3A_1996 = vector.broadcast %jit3A_1994 : i32 to vector<16xi32>
      %max3A_1997 = arith.maxsi %max3A_1996, %get3A_1983 : vector<16xi32>
      %min3A_1998 = vector.broadcast %jit3A_1995 : i32 to vector<16xi32>
      %min3A_1999 = arith.minsi %min3A_1998, %max3A_1997 : vector<16xi32>
      %jit3A_2000 = arith.constant 0 : i32
      %jit3A_2001 = arith.constant 95 : i32
      %max3A_2002 = vector.broadcast %jit3A_2000 : i32 to vector<16xi32>
      %max3A_2003 = arith.maxsi %max3A_2002, %get3A_1988 : vector<16xi32>
      %min3A_2004 = vector.broadcast %jit3A_2001 : i32 to vector<16xi32>
      %min3A_2005 = arith.minsi %min3A_2004, %max3A_2003 : vector<16xi32>
      %jit3A_2006 = arith.constant 8 : i32
      %eq3A_2007 = arith.constant 0 : i32
      %eq3A_2008 = arith.cmpi eq, %jit3A_2006, %eq3A_2007 : i32
      %jit3A_2009 = arith.constant 1 : i32
      %select_n3A_2010 = arith.select %eq3A_2008, %jit3A_2009, %jit3A_2006 : i32
      %rem3A_2011 = arith.remsi %scan3A_1978, %select_n3A_2010 : i32
      %ne3A_2012 = arith.constant 0 : i32
      %ne3A_2013 = arith.cmpi ne, %rem3A_2011, %ne3A_2012 : i32
      %lt3A_2014 = arith.constant 0 : i32
      %lt3A_2015 = arith.cmpi slt, %rem3A_2011, %lt3A_2014 : i32
      %lt3A_2016 = arith.constant 0 : i32
      %lt3A_2017 = arith.cmpi slt, %select_n3A_2010, %lt3A_2016 : i32
      %ne3A_2018 = arith.xori %lt3A_2015, %lt3A_2017 : i1
      %and3A_2019 = arith.andi %ne3A_2018, %ne3A_2013 : i1
      %add3A_2020 = arith.addi %rem3A_2011, %select_n3A_2010 : i32
      %select_n3A_2021 = arith.select %and3A_2019, %add3A_2020, %rem3A_2011 : i32
      %mul3A_2022 = arith.constant 16 : i32
      %mul3A_2023 = arith.muli %select_n3A_2021, %mul3A_2022 : i32
      %add3A_2024 = arith.constant 30720 : i32
      %add3A_2025 = arith.addi %add3A_2024, %mul3A_2023 : i32
      %add3A_2026 = vector.broadcast %add3A_2025 : i32 to vector<16xi32>
      %add3A_2027 = arith.addi %add3A_2026, %iota3A : vector<16xi32>
      %gt3A_2028 = arith.constant 0 : i32
      %gt3A_2029 = vector.broadcast %gt3A_2028 : i32 to vector<16xi32>
      %gt3A_2030 = arith.cmpi sgt, %get3A_1993, %gt3A_2029 : vector<16xi32>
      %mul3A_2031 = arith.constant 320 : i32
      %mul3A_2032 = vector.broadcast %mul3A_2031 : i32 to vector<16xi32>
      %mul3A_2033 = arith.muli %min3A_2005, %mul3A_2032 : vector<16xi32>
      %add3A_2034 = arith.addi %mul3A_2033, %min3A_1999 : vector<16xi32>
      %select_n3A_2035 = arith.select %gt3A_2030, %add3A_2034, %add3A_2027 : vector<16xi1>, vector<16xi32>
      %jit3A_2036 = arith.constant 8 : i32
      %div3A_2037 = arith.divsi %scan3A_1978, %jit3A_2036 : i32
      %sign3A_2038 = arith.constant 0 : i32
      %sign3A_2039 = arith.cmpi sgt, %scan3A_1978, %sign3A_2038 : i32
      %sign3A_2040 = arith.extui %sign3A_2039 : i1 to i32
      %sign3A_2041 = arith.constant 0 : i32
      %sign3A_2042 = arith.cmpi slt, %scan3A_1978, %sign3A_2041 : i32
      %sign3A_2043 = arith.extui %sign3A_2042 : i1 to i32
      %sign3A_2044 = arith.subi %sign3A_2040, %sign3A_2043 : i32
      %sign3A_2045 = arith.constant 0 : i32
      %sign3A_2046 = arith.cmpi sgt, %jit3A_2036, %sign3A_2045 : i32
      %sign3A_2047 = arith.extui %sign3A_2046 : i1 to i32
      %sign3A_2048 = arith.constant 0 : i32
      %sign3A_2049 = arith.cmpi slt, %jit3A_2036, %sign3A_2048 : i32
      %sign3A_2050 = arith.extui %sign3A_2049 : i1 to i32
      %sign3A_2051 = arith.subi %sign3A_2047, %sign3A_2050 : i32
      %ne3A_2052 = arith.cmpi ne, %sign3A_2044, %sign3A_2051 : i32
      %rem3A_2053 = arith.remsi %scan3A_1978, %jit3A_2036 : i32
      %ne3A_2054 = arith.constant 0 : i32
      %ne3A_2055 = arith.cmpi ne, %rem3A_2053, %ne3A_2054 : i32
      %and3A_2056 = arith.andi %ne3A_2052, %ne3A_2055 : i1
      %sub3A_2057 = arith.constant 1 : i32
      %sub3A_2058 = arith.subi %div3A_2037, %sub3A_2057 : i32
      %select_n3A_2059 = arith.select %and3A_2056, %sub3A_2058, %div3A_2037 : i32
      %jit3A_2060 = arith.constant 8 : i32
      %eq3A_2061 = arith.constant 0 : i32
      %eq3A_2062 = arith.cmpi eq, %jit3A_2060, %eq3A_2061 : i32
      %jit3A_2063 = arith.constant 1 : i32
      %select_n3A_2064 = arith.select %eq3A_2062, %jit3A_2063, %jit3A_2060 : i32
      %rem3A_2065 = arith.remsi %scan3A_1978, %select_n3A_2064 : i32
      %ne3A_2066 = arith.constant 0 : i32
      %ne3A_2067 = arith.cmpi ne, %rem3A_2065, %ne3A_2066 : i32
      %lt3A_2068 = arith.constant 0 : i32
      %lt3A_2069 = arith.cmpi slt, %rem3A_2065, %lt3A_2068 : i32
      %lt3A_2070 = arith.constant 0 : i32
      %lt3A_2071 = arith.cmpi slt, %select_n3A_2064, %lt3A_2070 : i32
      %ne3A_2072 = arith.xori %lt3A_2069, %lt3A_2071 : i1
      %and3A_2073 = arith.andi %ne3A_2072, %ne3A_2067 : i1
      %add3A_2074 = arith.addi %rem3A_2065, %select_n3A_2064 : i32
      %select_n3A_2075 = arith.select %and3A_2073, %add3A_2074, %rem3A_2065 : i32
      %mul3A_2076 = arith.constant 16 : i32
      %mul3A_2077 = arith.muli %select_n3A_2075, %mul3A_2076 : i32
      %swap3A_2078 = arith.index_cast %select_n3A_2059 : i32 to index
      %swap3A_2079 = arith.index_cast %mul3A_2077 : i32 to index
      %swap3A_2080 = tpu.vector_load %arg10[%swap3A_2078, %swap3A_2079] {strides = array<i32>} : memref<64x128xi32, #tpu.memory_space<vmem>>, vector<1x16xi32>,
      %swap3A_2081 = vector.shape_cast %swap3A_2080 : vector<1x16xi32> to vector<16xi32>
      %swap3A_2082 = vector.shape_cast %select_n3A_2035 : vector<16xi32> to vector<1x16xi32>
      tpu.vector_store %arg10[%swap3A_2078, %swap3A_2079], %swap3A_2082 {strides = array<i32>} : memref<64x128xi32, #tpu.memory_space<vmem>>, vector<1x16xi32>,
      %scan3A_2083 = arith.constant 0 : i32
      %scan3A_2084 = arith.constant 4 : i32
      %scan3A_2085 = arith.addi %scan3A_1671, %scan3A_2084 : i32
      %mul3A_2086 = arith.constant 16 : i32
      %mul3A_2087 = arith.muli %scan3A_2085, %mul3A_2086 : i32
      %get3A_2088 = arith.index_cast %mul3A_2087 : i32 to index
      %get3A_2089 = tpu.vector_load %arg7[%get3A_2088] {strides = array<i32>} : memref<8192xi32, #tpu.memory_space<vmem>>, vector<16xi32>,
      %get3A_2090 = vector.shape_cast %get3A_2089 : vector<16xi32> to vector<16xi32>
      %mul3A_2091 = arith.constant 16 : i32
      %mul3A_2092 = arith.muli %scan3A_2085, %mul3A_2091 : i32
      %get3A_2093 = arith.index_cast %mul3A_2092 : i32 to index
      %get3A_2094 = tpu.vector_load %arg8[%get3A_2093] {strides = array<i32>} : memref<8192xi32, #tpu.memory_space<vmem>>, vector<16xi32>,
      %get3A_2095 = vector.shape_cast %get3A_2094 : vector<16xi32> to vector<16xi32>
      %mul3A_2096 = arith.constant 16 : i32
      %mul3A_2097 = arith.muli %scan3A_2085, %mul3A_2096 : i32
      %get3A_2098 = arith.index_cast %mul3A_2097 : i32 to index
      %get3A_2099 = tpu.vector_load %arg9[%get3A_2098] {strides = array<i32>} : memref<8192xi32, #tpu.memory_space<vmem>>, vector<16xi32>,
      %get3A_2100 = vector.shape_cast %get3A_2099 : vector<16xi32> to vector<16xi32>
      %jit3A_2101 = arith.constant 0 : i32
      %jit3A_2102 = arith.constant 319 : i32
      %max3A_2103 = vector.broadcast %jit3A_2101 : i32 to vector<16xi32>
      %max3A_2104 = arith.maxsi %max3A_2103, %get3A_2090 : vector<16xi32>
      %min3A_2105 = vector.broadcast %jit3A_2102 : i32 to vector<16xi32>
      %min3A_2106 = arith.minsi %min3A_2105, %max3A_2104 : vector<16xi32>
      %jit3A_2107 = arith.constant 0 : i32
      %jit3A_2108 = arith.constant 95 : i32
      %max3A_2109 = vector.broadcast %jit3A_2107 : i32 to vector<16xi32>
      %max3A_2110 = arith.maxsi %max3A_2109, %get3A_2095 : vector<16xi32>
      %min3A_2111 = vector.broadcast %jit3A_2108 : i32 to vector<16xi32>
      %min3A_2112 = arith.minsi %min3A_2111, %max3A_2110 : vector<16xi32>
      %jit3A_2113 = arith.constant 8 : i32
      %eq3A_2114 = arith.constant 0 : i32
      %eq3A_2115 = arith.cmpi eq, %jit3A_2113, %eq3A_2114 : i32
      %jit3A_2116 = arith.constant 1 : i32
      %select_n3A_2117 = arith.select %eq3A_2115, %jit3A_2116, %jit3A_2113 : i32
      %rem3A_2118 = arith.remsi %scan3A_2085, %select_n3A_2117 : i32
      %ne3A_2119 = arith.constant 0 : i32
      %ne3A_2120 = arith.cmpi ne, %rem3A_2118, %ne3A_2119 : i32
      %lt3A_2121 = arith.constant 0 : i32
      %lt3A_2122 = arith.cmpi slt, %rem3A_2118, %lt3A_2121 : i32
      %lt3A_2123 = arith.constant 0 : i32
      %lt3A_2124 = arith.cmpi slt, %select_n3A_2117, %lt3A_2123 : i32
      %ne3A_2125 = arith.xori %lt3A_2122, %lt3A_2124 : i1
      %and3A_2126 = arith.andi %ne3A_2125, %ne3A_2120 : i1
      %add3A_2127 = arith.addi %rem3A_2118, %select_n3A_2117 : i32
      %select_n3A_2128 = arith.select %and3A_2126, %add3A_2127, %rem3A_2118 : i32
      %mul3A_2129 = arith.constant 16 : i32
      %mul3A_2130 = arith.muli %select_n3A_2128, %mul3A_2129 : i32
      %add3A_2131 = arith.constant 30720 : i32
      %add3A_2132 = arith.addi %add3A_2131, %mul3A_2130 : i32
      %add3A_2133 = vector.broadcast %add3A_2132 : i32 to vector<16xi32>
      %add3A_2134 = arith.addi %add3A_2133, %iota3A : vector<16xi32>
      %gt3A_2135 = arith.constant 0 : i32
      %gt3A_2136 = vector.broadcast %gt3A_2135 : i32 to vector<16xi32>
      %gt3A_2137 = arith.cmpi sgt, %get3A_2100, %gt3A_2136 : vector<16xi32>
      %mul3A_2138 = arith.constant 320 : i32
      %mul3A_2139 = vector.broadcast %mul3A_2138 : i32 to vector<16xi32>
      %mul3A_2140 = arith.muli %min3A_2112, %mul3A_2139 : vector<16xi32>
      %add3A_2141 = arith.addi %mul3A_2140, %min3A_2106 : vector<16xi32>
      %select_n3A_2142 = arith.select %gt3A_2137, %add3A_2141, %add3A_2134 : vector<16xi1>, vector<16xi32>
      %jit3A_2143 = arith.constant 8 : i32
      %div3A_2144 = arith.divsi %scan3A_2085, %jit3A_2143 : i32
      %sign3A_2145 = arith.constant 0 : i32
      %sign3A_2146 = arith.cmpi sgt, %scan3A_2085, %sign3A_2145 : i32
      %sign3A_2147 = arith.extui %sign3A_2146 : i1 to i32
      %sign3A_2148 = arith.constant 0 : i32
      %sign3A_2149 = arith.cmpi slt, %scan3A_2085, %sign3A_2148 : i32
      %sign3A_2150 = arith.extui %sign3A_2149 : i1 to i32
      %sign3A_2151 = arith.subi %sign3A_2147, %sign3A_2150 : i32
      %sign3A_2152 = arith.constant 0 : i32
      %sign3A_2153 = arith.cmpi sgt, %jit3A_2143, %sign3A_2152 : i32
      %sign3A_2154 = arith.extui %sign3A_2153 : i1 to i32
      %sign3A_2155 = arith.constant 0 : i32
      %sign3A_2156 = arith.cmpi slt, %jit3A_2143, %sign3A_2155 : i32
      %sign3A_2157 = arith.extui %sign3A_2156 : i1 to i32
      %sign3A_2158 = arith.subi %sign3A_2154, %sign3A_2157 : i32
      %ne3A_2159 = arith.cmpi ne, %sign3A_2151, %sign3A_2158 : i32
      %rem3A_2160 = arith.remsi %scan3A_2085, %jit3A_2143 : i32
      %ne3A_2161 = arith.constant 0 : i32
      %ne3A_2162 = arith.cmpi ne, %rem3A_2160, %ne3A_2161 : i32
      %and3A_2163 = arith.andi %ne3A_2159, %ne3A_2162 : i1
      %sub3A_2164 = arith.constant 1 : i32
      %sub3A_2165 = arith.subi %div3A_2144, %sub3A_2164 : i32
      %select_n3A_2166 = arith.select %and3A_2163, %sub3A_2165, %div3A_2144 : i32
      %jit3A_2167 = arith.constant 8 : i32
      %eq3A_2168 = arith.constant 0 : i32
      %eq3A_2169 = arith.cmpi eq, %jit3A_2167, %eq3A_2168 : i32
      %jit3A_2170 = arith.constant 1 : i32
      %select_n3A_2171 = arith.select %eq3A_2169, %jit3A_2170, %jit3A_2167 : i32
      %rem3A_2172 = arith.remsi %scan3A_2085, %select_n3A_2171 : i32
      %ne3A_2173 = arith.constant 0 : i32
      %ne3A_2174 = arith.cmpi ne, %rem3A_2172, %ne3A_2173 : i32
      %lt3A_2175 = arith.constant 0 : i32
      %lt3A_2176 = arith.cmpi slt, %rem3A_2172, %lt3A_2175 : i32
      %lt3A_2177 = arith.constant 0 : i32
      %lt3A_2178 = arith.cmpi slt, %select_n3A_2171, %lt3A_2177 : i32
      %ne3A_2179 = arith.xori %lt3A_2176, %lt3A_2178 : i1
      %and3A_2180 = arith.andi %ne3A_2179, %ne3A_2174 : i1
      %add3A_2181 = arith.addi %rem3A_2172, %select_n3A_2171 : i32
      %select_n3A_2182 = arith.select %and3A_2180, %add3A_2181, %rem3A_2172 : i32
      %mul3A_2183 = arith.constant 16 : i32
      %mul3A_2184 = arith.muli %select_n3A_2182, %mul3A_2183 : i32
      %swap3A_2185 = arith.index_cast %select_n3A_2166 : i32 to index
      %swap3A_2186 = arith.index_cast %mul3A_2184 : i32 to index
      %swap3A_2187 = tpu.vector_load %arg10[%swap3A_2185, %swap3A_2186] {strides = array<i32>} : memref<64x128xi32, #tpu.memory_space<vmem>>, vector<1x16xi32>,
      %swap3A_2188 = vector.shape_cast %swap3A_2187 : vector<1x16xi32> to vector<16xi32>
      %swap3A_2189 = vector.shape_cast %select_n3A_2142 : vector<16xi32> to vector<1x16xi32>
      tpu.vector_store %arg10[%swap3A_2185, %swap3A_2186], %swap3A_2189 {strides = array<i32>} : memref<64x128xi32, #tpu.memory_space<vmem>>, vector<1x16xi32>,
      %scan3A_2190 = arith.constant 0 : i32
      %scan3A_2191 = arith.constant 5 : i32
      %scan3A_2192 = arith.addi %scan3A_1671, %scan3A_2191 : i32
      %mul3A_2193 = arith.constant 16 : i32
      %mul3A_2194 = arith.muli %scan3A_2192, %mul3A_2193 : i32
      %get3A_2195 = arith.index_cast %mul3A_2194 : i32 to index
      %get3A_2196 = tpu.vector_load %arg7[%get3A_2195] {strides = array<i32>} : memref<8192xi32, #tpu.memory_space<vmem>>, vector<16xi32>,
      %get3A_2197 = vector.shape_cast %get3A_2196 : vector<16xi32> to vector<16xi32>
      %mul3A_2198 = arith.constant 16 : i32
      %mul3A_2199 = arith.muli %scan3A_2192, %mul3A_2198 : i32
      %get3A_2200 = arith.index_cast %mul3A_2199 : i32 to index
      %get3A_2201 = tpu.vector_load %arg8[%get3A_2200] {strides = array<i32>} : memref<8192xi32, #tpu.memory_space<vmem>>, vector<16xi32>,
      %get3A_2202 = vector.shape_cast %get3A_2201 : vector<16xi32> to vector<16xi32>
      %mul3A_2203 = arith.constant 16 : i32
      %mul3A_2204 = arith.muli %scan3A_2192, %mul3A_2203 : i32
      %get3A_2205 = arith.index_cast %mul3A_2204 : i32 to index
      %get3A_2206 = tpu.vector_load %arg9[%get3A_2205] {strides = array<i32>} : memref<8192xi32, #tpu.memory_space<vmem>>, vector<16xi32>,
      %get3A_2207 = vector.shape_cast %get3A_2206 : vector<16xi32> to vector<16xi32>
      %jit3A_2208 = arith.constant 0 : i32
      %jit3A_2209 = arith.constant 319 : i32
      %max3A_2210 = vector.broadcast %jit3A_2208 : i32 to vector<16xi32>
      %max3A_2211 = arith.maxsi %max3A_2210, %get3A_2197 : vector<16xi32>
      %min3A_2212 = vector.broadcast %jit3A_2209 : i32 to vector<16xi32>
      %min3A_2213 = arith.minsi %min3A_2212, %max3A_2211 : vector<16xi32>
      %jit3A_2214 = arith.constant 0 : i32
      %jit3A_2215 = arith.constant 95 : i32
      %max3A_2216 = vector.broadcast %jit3A_2214 : i32 to vector<16xi32>
      %max3A_2217 = arith.maxsi %max3A_2216, %get3A_2202 : vector<16xi32>
      %min3A_2218 = vector.broadcast %jit3A_2215 : i32 to vector<16xi32>
      %min3A_2219 = arith.minsi %min3A_2218, %max3A_2217 : vector<16xi32>
      %jit3A_2220 = arith.constant 8 : i32
      %eq3A_2221 = arith.constant 0 : i32
      %eq3A_2222 = arith.cmpi eq, %jit3A_2220, %eq3A_2221 : i32
      %jit3A_2223 = arith.constant 1 : i32
      %select_n3A_2224 = arith.select %eq3A_2222, %jit3A_2223, %jit3A_2220 : i32
      %rem3A_2225 = arith.remsi %scan3A_2192, %select_n3A_2224 : i32
      %ne3A_2226 = arith.constant 0 : i32
      %ne3A_2227 = arith.cmpi ne, %rem3A_2225, %ne3A_2226 : i32
      %lt3A_2228 = arith.constant 0 : i32
      %lt3A_2229 = arith.cmpi slt, %rem3A_2225, %lt3A_2228 : i32
      %lt3A_2230 = arith.constant 0 : i32
      %lt3A_2231 = arith.cmpi slt, %select_n3A_2224, %lt3A_2230 : i32
      %ne3A_2232 = arith.xori %lt3A_2229, %lt3A_2231 : i1
      %and3A_2233 = arith.andi %ne3A_2232, %ne3A_2227 : i1
      %add3A_2234 = arith.addi %rem3A_2225, %select_n3A_2224 : i32
      %select_n3A_2235 = arith.select %and3A_2233, %add3A_2234, %rem3A_2225 : i32
      %mul3A_2236 = arith.constant 16 : i32
      %mul3A_2237 = arith.muli %select_n3A_2235, %mul3A_2236 : i32
      %add3A_2238 = arith.constant 30720 : i32
      %add3A_2239 = arith.addi %add3A_2238, %mul3A_2237 : i32
      %add3A_2240 = vector.broadcast %add3A_2239 : i32 to vector<16xi32>
      %add3A_2241 = arith.addi %add3A_2240, %iota3A : vector<16xi32>
      %gt3A_2242 = arith.constant 0 : i32
      %gt3A_2243 = vector.broadcast %gt3A_2242 : i32 to vector<16xi32>
      %gt3A_2244 = arith.cmpi sgt, %get3A_2207, %gt3A_2243 : vector<16xi32>
      %mul3A_2245 = arith.constant 320 : i32
      %mul3A_2246 = vector.broadcast %mul3A_2245 : i32 to vector<16xi32>
      %mul3A_2247 = arith.muli %min3A_2219, %mul3A_2246 : vector<16xi32>
      %add3A_2248 = arith.addi %mul3A_2247, %min3A_2213 : vector<16xi32>
      %select_n3A_2249 = arith.select %gt3A_2244, %add3A_2248, %add3A_2241 : vector<16xi1>, vector<16xi32>
      %jit3A_2250 = arith.constant 8 : i32
      %div3A_2251 = arith.divsi %scan3A_2192, %jit3A_2250 : i32
      %sign3A_2252 = arith.constant 0 : i32
      %sign3A_2253 = arith.cmpi sgt, %scan3A_2192, %sign3A_2252 : i32
      %sign3A_2254 = arith.extui %sign3A_2253 : i1 to i32
      %sign3A_2255 = arith.constant 0 : i32
      %sign3A_2256 = arith.cmpi slt, %scan3A_2192, %sign3A_2255 : i32
      %sign3A_2257 = arith.extui %sign3A_2256 : i1 to i32
      %sign3A_2258 = arith.subi %sign3A_2254, %sign3A_2257 : i32
      %sign3A_2259 = arith.constant 0 : i32
      %sign3A_2260 = arith.cmpi sgt, %jit3A_2250, %sign3A_2259 : i32
      %sign3A_2261 = arith.extui %sign3A_2260 : i1 to i32
      %sign3A_2262 = arith.constant 0 : i32
      %sign3A_2263 = arith.cmpi slt, %jit3A_2250, %sign3A_2262 : i32
      %sign3A_2264 = arith.extui %sign3A_2263 : i1 to i32
      %sign3A_2265 = arith.subi %sign3A_2261, %sign3A_2264 : i32
      %ne3A_2266 = arith.cmpi ne, %sign3A_2258, %sign3A_2265 : i32
      %rem3A_2267 = arith.remsi %scan3A_2192, %jit3A_2250 : i32
      %ne3A_2268 = arith.constant 0 : i32
      %ne3A_2269 = arith.cmpi ne, %rem3A_2267, %ne3A_2268 : i32
      %and3A_2270 = arith.andi %ne3A_2266, %ne3A_2269 : i1
      %sub3A_2271 = arith.constant 1 : i32
      %sub3A_2272 = arith.subi %div3A_2251, %sub3A_2271 : i32
      %select_n3A_2273 = arith.select %and3A_2270, %sub3A_2272, %div3A_2251 : i32
      %jit3A_2274 = arith.constant 8 : i32
      %eq3A_2275 = arith.constant 0 : i32
      %eq3A_2276 = arith.cmpi eq, %jit3A_2274, %eq3A_2275 : i32
      %jit3A_2277 = arith.constant 1 : i32
      %select_n3A_2278 = arith.select %eq3A_2276, %jit3A_2277, %jit3A_2274 : i32
      %rem3A_2279 = arith.remsi %scan3A_2192, %select_n3A_2278 : i32
      %ne3A_2280 = arith.constant 0 : i32
      %ne3A_2281 = arith.cmpi ne, %rem3A_2279, %ne3A_2280 : i32
      %lt3A_2282 = arith.constant 0 : i32
      %lt3A_2283 = arith.cmpi slt, %rem3A_2279, %lt3A_2282 : i32
      %lt3A_2284 = arith.constant 0 : i32
      %lt3A_2285 = arith.cmpi slt, %select_n3A_2278, %lt3A_2284 : i32
      %ne3A_2286 = arith.xori %lt3A_2283, %lt3A_2285 : i1
      %and3A_2287 = arith.andi %ne3A_2286, %ne3A_2281 : i1
      %add3A_2288 = arith.addi %rem3A_2279, %select_n3A_2278 : i32
      %select_n3A_2289 = arith.select %and3A_2287, %add3A_2288, %rem3A_2279 : i32
      %mul3A_2290 = arith.constant 16 : i32
      %mul3A_2291 = arith.muli %select_n3A_2289, %mul3A_2290 : i32
      %swap3A_2292 = arith.index_cast %select_n3A_2273 : i32 to index
      %swap3A_2293 = arith.index_cast %mul3A_2291 : i32 to index
      %swap3A_2294 = tpu.vector_load %arg10[%swap3A_2292, %swap3A_2293] {strides = array<i32>} : memref<64x128xi32, #tpu.memory_space<vmem>>, vector<1x16xi32>,
      %swap3A_2295 = vector.shape_cast %swap3A_2294 : vector<1x16xi32> to vector<16xi32>
      %swap3A_2296 = vector.shape_cast %select_n3A_2249 : vector<16xi32> to vector<1x16xi32>
      tpu.vector_store %arg10[%swap3A_2292, %swap3A_2293], %swap3A_2296 {strides = array<i32>} : memref<64x128xi32, #tpu.memory_space<vmem>>, vector<1x16xi32>,
      %scan3A_2297 = arith.constant 0 : i32
      %scan3A_2298 = arith.constant 6 : i32
      %scan3A_2299 = arith.addi %scan3A_1671, %scan3A_2298 : i32
      %mul3A_2300 = arith.constant 16 : i32
      %mul3A_2301 = arith.muli %scan3A_2299, %mul3A_2300 : i32
      %get3A_2302 = arith.index_cast %mul3A_2301 : i32 to index
      %get3A_2303 = tpu.vector_load %arg7[%get3A_2302] {strides = array<i32>} : memref<8192xi32, #tpu.memory_space<vmem>>, vector<16xi32>,
      %get3A_2304 = vector.shape_cast %get3A_2303 : vector<16xi32> to vector<16xi32>
      %mul3A_2305 = arith.constant 16 : i32
      %mul3A_2306 = arith.muli %scan3A_2299, %mul3A_2305 : i32
      %get3A_2307 = arith.index_cast %mul3A_2306 : i32 to index
      %get3A_2308 = tpu.vector_load %arg8[%get3A_2307] {strides = array<i32>} : memref<8192xi32, #tpu.memory_space<vmem>>, vector<16xi32>,
      %get3A_2309 = vector.shape_cast %get3A_2308 : vector<16xi32> to vector<16xi32>
      %mul3A_2310 = arith.constant 16 : i32
      %mul3A_2311 = arith.muli %scan3A_2299, %mul3A_2310 : i32
      %get3A_2312 = arith.index_cast %mul3A_2311 : i32 to index
      %get3A_2313 = tpu.vector_load %arg9[%get3A_2312] {strides = array<i32>} : memref<8192xi32, #tpu.memory_space<vmem>>, vector<16xi32>,
      %get3A_2314 = vector.shape_cast %get3A_2313 : vector<16xi32> to vector<16xi32>
      %jit3A_2315 = arith.constant 0 : i32
      %jit3A_2316 = arith.constant 319 : i32
      %max3A_2317 = vector.broadcast %jit3A_2315 : i32 to vector<16xi32>
      %max3A_2318 = arith.maxsi %max3A_2317, %get3A_2304 : vector<16xi32>
      %min3A_2319 = vector.broadcast %jit3A_2316 : i32 to vector<16xi32>
      %min3A_2320 = arith.minsi %min3A_2319, %max3A_2318 : vector<16xi32>
      %jit3A_2321 = arith.constant 0 : i32
      %jit3A_2322 = arith.constant 95 : i32
      %max3A_2323 = vector.broadcast %jit3A_2321 : i32 to vector<16xi32>
      %max3A_2324 = arith.maxsi %max3A_2323, %get3A_2309 : vector<16xi32>
      %min3A_2325 = vector.broadcast %jit3A_2322 : i32 to vector<16xi32>
      %min3A_2326 = arith.minsi %min3A_2325, %max3A_2324 : vector<16xi32>
      %jit3A_2327 = arith.constant 8 : i32
      %eq3A_2328 = arith.constant 0 : i32
      %eq3A_2329 = arith.cmpi eq, %jit3A_2327, %eq3A_2328 : i32
      %jit3A_2330 = arith.constant 1 : i32
      %select_n3A_2331 = arith.select %eq3A_2329, %jit3A_2330, %jit3A_2327 : i32
      %rem3A_2332 = arith.remsi %scan3A_2299, %select_n3A_2331 : i32
      %ne3A_2333 = arith.constant 0 : i32
      %ne3A_2334 = arith.cmpi ne, %rem3A_2332, %ne3A_2333 : i32
      %lt3A_2335 = arith.constant 0 : i32
      %lt3A_2336 = arith.cmpi slt, %rem3A_2332, %lt3A_2335 : i32
      %lt3A_2337 = arith.constant 0 : i32
      %lt3A_2338 = arith.cmpi slt, %select_n3A_2331, %lt3A_2337 : i32
      %ne3A_2339 = arith.xori %lt3A_2336, %lt3A_2338 : i1
      %and3A_2340 = arith.andi %ne3A_2339, %ne3A_2334 : i1
      %add3A_2341 = arith.addi %rem3A_2332, %select_n3A_2331 : i32
      %select_n3A_2342 = arith.select %and3A_2340, %add3A_2341, %rem3A_2332 : i32
      %mul3A_2343 = arith.constant 16 : i32
      %mul3A_2344 = arith.muli %select_n3A_2342, %mul3A_2343 : i32
      %add3A_2345 = arith.constant 30720 : i32
      %add3A_2346 = arith.addi %add3A_2345, %mul3A_2344 : i32
      %add3A_2347 = vector.broadcast %add3A_2346 : i32 to vector<16xi32>
      %add3A_2348 = arith.addi %add3A_2347, %iota3A : vector<16xi32>
      %gt3A_2349 = arith.constant 0 : i32
      %gt3A_2350 = vector.broadcast %gt3A_2349 : i32 to vector<16xi32>
      %gt3A_2351 = arith.cmpi sgt, %get3A_2314, %gt3A_2350 : vector<16xi32>
      %mul3A_2352 = arith.constant 320 : i32
      %mul3A_2353 = vector.broadcast %mul3A_2352 : i32 to vector<16xi32>
      %mul3A_2354 = arith.muli %min3A_2326, %mul3A_2353 : vector<16xi32>
      %add3A_2355 = arith.addi %mul3A_2354, %min3A_2320 : vector<16xi32>
      %select_n3A_2356 = arith.select %gt3A_2351, %add3A_2355, %add3A_2348 : vector<16xi1>, vector<16xi32>
      %jit3A_2357 = arith.constant 8 : i32
      %div3A_2358 = arith.divsi %scan3A_2299, %jit3A_2357 : i32
      %sign3A_2359 = arith.constant 0 : i32
      %sign3A_2360 = arith.cmpi sgt, %scan3A_2299, %sign3A_2359 : i32
      %sign3A_2361 = arith.extui %sign3A_2360 : i1 to i32
      %sign3A_2362 = arith.constant 0 : i32
      %sign3A_2363 = arith.cmpi slt, %scan3A_2299, %sign3A_2362 : i32
      %sign3A_2364 = arith.extui %sign3A_2363 : i1 to i32
      %sign3A_2365 = arith.subi %sign3A_2361, %sign3A_2364 : i32
      %sign3A_2366 = arith.constant 0 : i32
      %sign3A_2367 = arith.cmpi sgt, %jit3A_2357, %sign3A_2366 : i32
      %sign3A_2368 = arith.extui %sign3A_2367 : i1 to i32
      %sign3A_2369 = arith.constant 0 : i32
      %sign3A_2370 = arith.cmpi slt, %jit3A_2357, %sign3A_2369 : i32
      %sign3A_2371 = arith.extui %sign3A_2370 : i1 to i32
      %sign3A_2372 = arith.subi %sign3A_2368, %sign3A_2371 : i32
      %ne3A_2373 = arith.cmpi ne, %sign3A_2365, %sign3A_2372 : i32
      %rem3A_2374 = arith.remsi %scan3A_2299, %jit3A_2357 : i32
      %ne3A_2375 = arith.constant 0 : i32
      %ne3A_2376 = arith.cmpi ne, %rem3A_2374, %ne3A_2375 : i32
      %and3A_2377 = arith.andi %ne3A_2373, %ne3A_2376 : i1
      %sub3A_2378 = arith.constant 1 : i32
      %sub3A_2379 = arith.subi %div3A_2358, %sub3A_2378 : i32
      %select_n3A_2380 = arith.select %and3A_2377, %sub3A_2379, %div3A_2358 : i32
      %jit3A_2381 = arith.constant 8 : i32
      %eq3A_2382 = arith.constant 0 : i32
      %eq3A_2383 = arith.cmpi eq, %jit3A_2381, %eq3A_2382 : i32
      %jit3A_2384 = arith.constant 1 : i32
      %select_n3A_2385 = arith.select %eq3A_2383, %jit3A_2384, %jit3A_2381 : i32
      %rem3A_2386 = arith.remsi %scan3A_2299, %select_n3A_2385 : i32
      %ne3A_2387 = arith.constant 0 : i32
      %ne3A_2388 = arith.cmpi ne, %rem3A_2386, %ne3A_2387 : i32
      %lt3A_2389 = arith.constant 0 : i32
      %lt3A_2390 = arith.cmpi slt, %rem3A_2386, %lt3A_2389 : i32
      %lt3A_2391 = arith.constant 0 : i32
      %lt3A_2392 = arith.cmpi slt, %select_n3A_2385, %lt3A_2391 : i32
      %ne3A_2393 = arith.xori %lt3A_2390, %lt3A_2392 : i1
      %and3A_2394 = arith.andi %ne3A_2393, %ne3A_2388 : i1
      %add3A_2395 = arith.addi %rem3A_2386, %select_n3A_2385 : i32
      %select_n3A_2396 = arith.select %and3A_2394, %add3A_2395, %rem3A_2386 : i32
      %mul3A_2397 = arith.constant 16 : i32
      %mul3A_2398 = arith.muli %select_n3A_2396, %mul3A_2397 : i32
      %swap3A_2399 = arith.index_cast %select_n3A_2380 : i32 to index
      %swap3A_2400 = arith.index_cast %mul3A_2398 : i32 to index
      %swap3A_2401 = tpu.vector_load %arg10[%swap3A_2399, %swap3A_2400] {strides = array<i32>} : memref<64x128xi32, #tpu.memory_space<vmem>>, vector<1x16xi32>,
      %swap3A_2402 = vector.shape_cast %swap3A_2401 : vector<1x16xi32> to vector<16xi32>
      %swap3A_2403 = vector.shape_cast %select_n3A_2356 : vector<16xi32> to vector<1x16xi32>
      tpu.vector_store %arg10[%swap3A_2399, %swap3A_2400], %swap3A_2403 {strides = array<i32>} : memref<64x128xi32, #tpu.memory_space<vmem>>, vector<1x16xi32>,
      %scan3A_2404 = arith.constant 0 : i32
      %scan3A_2405 = arith.constant 7 : i32
      %scan3A_2406 = arith.addi %scan3A_1671, %scan3A_2405 : i32
      %mul3A_2407 = arith.constant 16 : i32
      %mul3A_2408 = arith.muli %scan3A_2406, %mul3A_2407 : i32
      %get3A_2409 = arith.index_cast %mul3A_2408 : i32 to index
      %get3A_2410 = tpu.vector_load %arg7[%get3A_2409] {strides = array<i32>} : memref<8192xi32, #tpu.memory_space<vmem>>, vector<16xi32>,
      %get3A_2411 = vector.shape_cast %get3A_2410 : vector<16xi32> to vector<16xi32>
      %mul3A_2412 = arith.constant 16 : i32
      %mul3A_2413 = arith.muli %scan3A_2406, %mul3A_2412 : i32
      %get3A_2414 = arith.index_cast %mul3A_2413 : i32 to index
      %get3A_2415 = tpu.vector_load %arg8[%get3A_2414] {strides = array<i32>} : memref<8192xi32, #tpu.memory_space<vmem>>, vector<16xi32>,
      %get3A_2416 = vector.shape_cast %get3A_2415 : vector<16xi32> to vector<16xi32>
      %mul3A_2417 = arith.constant 16 : i32
      %mul3A_2418 = arith.muli %scan3A_2406, %mul3A_2417 : i32
      %get3A_2419 = arith.index_cast %mul3A_2418 : i32 to index
      %get3A_2420 = tpu.vector_load %arg9[%get3A_2419] {strides = array<i32>} : memref<8192xi32, #tpu.memory_space<vmem>>, vector<16xi32>,
      %get3A_2421 = vector.shape_cast %get3A_2420 : vector<16xi32> to vector<16xi32>
      %jit3A_2422 = arith.constant 0 : i32
      %jit3A_2423 = arith.constant 319 : i32
      %max3A_2424 = vector.broadcast %jit3A_2422 : i32 to vector<16xi32>
      %max3A_2425 = arith.maxsi %max3A_2424, %get3A_2411 : vector<16xi32>
      %min3A_2426 = vector.broadcast %jit3A_2423 : i32 to vector<16xi32>
      %min3A_2427 = arith.minsi %min3A_2426, %max3A_2425 : vector<16xi32>
      %jit3A_2428 = arith.constant 0 : i32
      %jit3A_2429 = arith.constant 95 : i32
      %max3A_2430 = vector.broadcast %jit3A_2428 : i32 to vector<16xi32>
      %max3A_2431 = arith.maxsi %max3A_2430, %get3A_2416 : vector<16xi32>
      %min3A_2432 = vector.broadcast %jit3A_2429 : i32 to vector<16xi32>
      %min3A_2433 = arith.minsi %min3A_2432, %max3A_2431 : vector<16xi32>
      %jit3A_2434 = arith.constant 8 : i32
      %eq3A_2435 = arith.constant 0 : i32
      %eq3A_2436 = arith.cmpi eq, %jit3A_2434, %eq3A_2435 : i32
      %jit3A_2437 = arith.constant 1 : i32
      %select_n3A_2438 = arith.select %eq3A_2436, %jit3A_2437, %jit3A_2434 : i32
      %rem3A_2439 = arith.remsi %scan3A_2406, %select_n3A_2438 : i32
      %ne3A_2440 = arith.constant 0 : i32
      %ne3A_2441 = arith.cmpi ne, %rem3A_2439, %ne3A_2440 : i32
      %lt3A_2442 = arith.constant 0 : i32
      %lt3A_2443 = arith.cmpi slt, %rem3A_2439, %lt3A_2442 : i32
      %lt3A_2444 = arith.constant 0 : i32
      %lt3A_2445 = arith.cmpi slt, %select_n3A_2438, %lt3A_2444 : i32
      %ne3A_2446 = arith.xori %lt3A_2443, %lt3A_2445 : i1
      %and3A_2447 = arith.andi %ne3A_2446, %ne3A_2441 : i1
      %add3A_2448 = arith.addi %rem3A_2439, %select_n3A_2438 : i32
      %select_n3A_2449 = arith.select %and3A_2447, %add3A_2448, %rem3A_2439 : i32
      %mul3A_2450 = arith.constant 16 : i32
      %mul3A_2451 = arith.muli %select_n3A_2449, %mul3A_2450 : i32
      %add3A_2452 = arith.constant 30720 : i32
      %add3A_2453 = arith.addi %add3A_2452, %mul3A_2451 : i32
      %add3A_2454 = vector.broadcast %add3A_2453 : i32 to vector<16xi32>
      %add3A_2455 = arith.addi %add3A_2454, %iota3A : vector<16xi32>
      %gt3A_2456 = arith.constant 0 : i32
      %gt3A_2457 = vector.broadcast %gt3A_2456 : i32 to vector<16xi32>
      %gt3A_2458 = arith.cmpi sgt, %get3A_2421, %gt3A_2457 : vector<16xi32>
      %mul3A_2459 = arith.constant 320 : i32
      %mul3A_2460 = vector.broadcast %mul3A_2459 : i32 to vector<16xi32>
      %mul3A_2461 = arith.muli %min3A_2433, %mul3A_2460 : vector<16xi32>
      %add3A_2462 = arith.addi %mul3A_2461, %min3A_2427 : vector<16xi32>
      %select_n3A_2463 = arith.select %gt3A_2458, %add3A_2462, %add3A_2455 : vector<16xi1>, vector<16xi32>
      %jit3A_2464 = arith.constant 8 : i32
      %div3A_2465 = arith.divsi %scan3A_2406, %jit3A_2464 : i32
      %sign3A_2466 = arith.constant 0 : i32
      %sign3A_2467 = arith.cmpi sgt, %scan3A_2406, %sign3A_2466 : i32
      %sign3A_2468 = arith.extui %sign3A_2467 : i1 to i32
      %sign3A_2469 = arith.constant 0 : i32
      %sign3A_2470 = arith.cmpi slt, %scan3A_2406, %sign3A_2469 : i32
      %sign3A_2471 = arith.extui %sign3A_2470 : i1 to i32
      %sign3A_2472 = arith.subi %sign3A_2468, %sign3A_2471 : i32
      %sign3A_2473 = arith.constant 0 : i32
      %sign3A_2474 = arith.cmpi sgt, %jit3A_2464, %sign3A_2473 : i32
      %sign3A_2475 = arith.extui %sign3A_2474 : i1 to i32
      %sign3A_2476 = arith.constant 0 : i32
      %sign3A_2477 = arith.cmpi slt, %jit3A_2464, %sign3A_2476 : i32
      %sign3A_2478 = arith.extui %sign3A_2477 : i1 to i32
      %sign3A_2479 = arith.subi %sign3A_2475, %sign3A_2478 : i32
      %ne3A_2480 = arith.cmpi ne, %sign3A_2472, %sign3A_2479 : i32
      %rem3A_2481 = arith.remsi %scan3A_2406, %jit3A_2464 : i32
      %ne3A_2482 = arith.constant 0 : i32
      %ne3A_2483 = arith.cmpi ne, %rem3A_2481, %ne3A_2482 : i32
      %and3A_2484 = arith.andi %ne3A_2480, %ne3A_2483 : i1
      %sub3A_2485 = arith.constant 1 : i32
      %sub3A_2486 = arith.subi %div3A_2465, %sub3A_2485 : i32
      %select_n3A_2487 = arith.select %and3A_2484, %sub3A_2486, %div3A_2465 : i32
      %jit3A_2488 = arith.constant 8 : i32
      %eq3A_2489 = arith.constant 0 : i32
      %eq3A_2490 = arith.cmpi eq, %jit3A_2488, %eq3A_2489 : i32
      %jit3A_2491 = arith.constant 1 : i32
      %select_n3A_2492 = arith.select %eq3A_2490, %jit3A_2491, %jit3A_2488 : i32
      %rem3A_2493 = arith.remsi %scan3A_2406, %select_n3A_2492 : i32
      %ne3A_2494 = arith.constant 0 : i32
      %ne3A_2495 = arith.cmpi ne, %rem3A_2493, %ne3A_2494 : i32
      %lt3A_2496 = arith.constant 0 : i32
      %lt3A_2497 = arith.cmpi slt, %rem3A_2493, %lt3A_2496 : i32
      %lt3A_2498 = arith.constant 0 : i32
      %lt3A_2499 = arith.cmpi slt, %select_n3A_2492, %lt3A_2498 : i32
      %ne3A_2500 = arith.xori %lt3A_2497, %lt3A_2499 : i1
      %and3A_2501 = arith.andi %ne3A_2500, %ne3A_2495 : i1
      %add3A_2502 = arith.addi %rem3A_2493, %select_n3A_2492 : i32
      %select_n3A_2503 = arith.select %and3A_2501, %add3A_2502, %rem3A_2493 : i32
      %mul3A_2504 = arith.constant 16 : i32
      %mul3A_2505 = arith.muli %select_n3A_2503, %mul3A_2504 : i32
      %swap3A_2506 = arith.index_cast %select_n3A_2487 : i32 to index
      %swap3A_2507 = arith.index_cast %mul3A_2505 : i32 to index
      %swap3A_2508 = tpu.vector_load %arg10[%swap3A_2506, %swap3A_2507] {strides = array<i32>} : memref<64x128xi32, #tpu.memory_space<vmem>>, vector<1x16xi32>,
      %swap3A_2509 = vector.shape_cast %swap3A_2508 : vector<1x16xi32> to vector<16xi32>
      %swap3A_2510 = vector.shape_cast %select_n3A_2463 : vector<16xi32> to vector<1x16xi32>
      tpu.vector_store %arg10[%swap3A_2506, %swap3A_2507], %swap3A_2510 {strides = array<i32>} : memref<64x128xi32, #tpu.memory_space<vmem>>, vector<1x16xi32>,
      %scan3A_2511 = arith.constant 0 : i32
      scf.yield %scan3A_2511 : i32
    }
    %scan3A_8 = arith.constant 512 : i32
    %dma_start3A = arith.constant 0 : i32
    %dma_start3A_9 = arith.constant 0 : i32
    %dma_start3A_10 = tpu.memref_slice %arg10[%dma_start3A, %dma_start3A_9] : memref<64x128xi32, #tpu.memory_space<vmem>> -> memref<1x128xi32, #tpu.memory_space<vmem>>
    %dma_start3A_11 = tpu.memref_squeeze %dma_start3A_10 : memref<1x128xi32, #tpu.memory_space<vmem>> -> memref<128xi32, #tpu.memory_space<vmem>>
    %dma_start3A_12 = arith.constant 0 : i32
    %dma_start3A_13 = arith.constant 0 : i32
    %dma_start3A_14 = tpu.memref_slice %arg2[%dma_start3A_12, %dma_start3A_13] : memref<30848x128xf32, #tpu.memory_space<hbm>> -> memref<30848x128xf32, #tpu.memory_space<hbm>>
    tpu.enqueue_indirect_dma source(%dma_start3A_14 : memref<30848x128xf32, #tpu.memory_space<hbm>>) target(%arg11 : memref<128x128xf32, #tpu.memory_space<vmem>>) offsets(%dma_start3A_11 : memref<128xi32, #tpu.memory_space<vmem>>) semaphore(%arg16 : memref<!tpu.dma_semaphore, #tpu.memory_space<semaphore_mem>>)
    %dma_start3A_15 = arith.constant 1 : i32
    %dma_start3A_16 = arith.constant 0 : i32
    %dma_start3A_17 = tpu.memref_slice %arg10[%dma_start3A_15, %dma_start3A_16] : memref<64x128xi32, #tpu.memory_space<vmem>> -> memref<1x128xi32, #tpu.memory_space<vmem>>
    %dma_start3A_18 = tpu.memref_squeeze %dma_start3A_17 : memref<1x128xi32, #tpu.memory_space<vmem>> -> memref<128xi32, #tpu.memory_space<vmem>>
    %dma_start3A_19 = arith.constant 0 : i32
    %dma_start3A_20 = arith.constant 0 : i32
    %dma_start3A_21 = tpu.memref_slice %arg2[%dma_start3A_19, %dma_start3A_20] : memref<30848x128xf32, #tpu.memory_space<hbm>> -> memref<30848x128xf32, #tpu.memory_space<hbm>>
    tpu.enqueue_indirect_dma source(%dma_start3A_21 : memref<30848x128xf32, #tpu.memory_space<hbm>>) target(%arg12 : memref<128x128xf32, #tpu.memory_space<vmem>>) offsets(%dma_start3A_18 : memref<128xi32, #tpu.memory_space<vmem>>) semaphore(%arg17 : memref<!tpu.dma_semaphore, #tpu.memory_space<semaphore_mem>>)
    %dma_start3A_22 = arith.constant 2 : i32
    %dma_start3A_23 = arith.constant 0 : i32
    %dma_start3A_24 = tpu.memref_slice %arg10[%dma_start3A_22, %dma_start3A_23] : memref<64x128xi32, #tpu.memory_space<vmem>> -> memref<1x128xi32, #tpu.memory_space<vmem>>
    %dma_start3A_25 = tpu.memref_squeeze %dma_start3A_24 : memref<1x128xi32, #tpu.memory_space<vmem>> -> memref<128xi32, #tpu.memory_space<vmem>>
    %dma_start3A_26 = arith.constant 0 : i32
    %dma_start3A_27 = arith.constant 0 : i32
    %dma_start3A_28 = tpu.memref_slice %arg2[%dma_start3A_26, %dma_start3A_27] : memref<30848x128xf32, #tpu.memory_space<hbm>> -> memref<30848x128xf32, #tpu.memory_space<hbm>>
    tpu.enqueue_indirect_dma source(%dma_start3A_28 : memref<30848x128xf32, #tpu.memory_space<hbm>>) target(%arg13 : memref<128x128xf32, #tpu.memory_space<vmem>>) offsets(%dma_start3A_25 : memref<128xi32, #tpu.memory_space<vmem>>) semaphore(%arg18 : memref<!tpu.dma_semaphore, #tpu.memory_space<semaphore_mem>>)
    %dma_start3A_29 = arith.constant 3 : i32
    %dma_start3A_30 = arith.constant 0 : i32
    %dma_start3A_31 = tpu.memref_slice %arg10[%dma_start3A_29, %dma_start3A_30] : memref<64x128xi32, #tpu.memory_space<vmem>> -> memref<1x128xi32, #tpu.memory_space<vmem>>
    %dma_start3A_32 = tpu.memref_squeeze %dma_start3A_31 : memref<1x128xi32, #tpu.memory_space<vmem>> -> memref<128xi32, #tpu.memory_space<vmem>>
    %dma_start3A_33 = arith.constant 0 : i32
    %dma_start3A_34 = arith.constant 0 : i32
    %dma_start3A_35 = tpu.memref_slice %arg2[%dma_start3A_33, %dma_start3A_34] : memref<30848x128xf32, #tpu.memory_space<hbm>> -> memref<30848x128xf32, #tpu.memory_space<hbm>>
    tpu.enqueue_indirect_dma source(%dma_start3A_35 : memref<30848x128xf32, #tpu.memory_space<hbm>>) target(%arg14 : memref<128x128xf32, #tpu.memory_space<vmem>>) offsets(%dma_start3A_32 : memref<128xi32, #tpu.memory_space<vmem>>) semaphore(%arg19 : memref<!tpu.dma_semaphore, #tpu.memory_space<semaphore_mem>>)
    %dma_wait3A = arith.constant 0 : i32
    %dma_wait3A_36 = arith.constant 0 : i32
    %dma_wait3A_37 = tpu.memref_slice %arg10[%dma_wait3A, %dma_wait3A_36] : memref<64x128xi32, #tpu.memory_space<vmem>> -> memref<1x128xi32, #tpu.memory_space<vmem>>
    %dma_wait3A_38 = tpu.memref_squeeze %dma_wait3A_37 : memref<1x128xi32, #tpu.memory_space<vmem>> -> memref<128xi32, #tpu.memory_space<vmem>>
    %dma_wait3A_39 = arith.constant 0 : i32
    %dma_wait3A_40 = arith.constant 0 : i32
    %dma_wait3A_41 = tpu.memref_slice %arg2[%dma_wait3A_39, %dma_wait3A_40] : memref<30848x128xf32, #tpu.memory_space<hbm>> -> memref<30848x128xf32, #tpu.memory_space<hbm>>
    tpu.wait_indirect_dma semaphore(%arg16 : memref<!tpu.dma_semaphore, #tpu.memory_space<semaphore_mem>>) src(%dma_wait3A_41 : memref<30848x128xf32, #tpu.memory_space<hbm>>) dst(%arg11 : memref<128x128xf32, #tpu.memory_space<vmem>>)
    %add3A_42 = arith.constant 0 : i32
    %add3A_43 = arith.addi %mul3A_2, %add3A_42 : i32
    %dma_start3A_44 = arith.constant 0 : i32
    %dma_start3A_45 = tpu.memref_slice %arg6[%add3A_43, %dma_start3A_44] : memref<262144x128xf32, #tpu.memory_space<hbm>> -> memref<128x128xf32, #tpu.memory_space<hbm>>
    %dma_start3A_46 = arith.constant 0 : i32
    %dma_start3A_47 = tpu.memref_slice %arg6[%add3A_43, %dma_start3A_46] : memref<262144x128xf32, #tpu.memory_space<hbm>> -> memref<128x128xf32, #tpu.memory_space<hbm>>
    tpu.enqueue_dma source(%arg11 : memref<128x128xf32, #tpu.memory_space<vmem>>) target(%dma_start3A_47 : memref<128x128xf32, #tpu.memory_space<hbm>>) target_semaphore(%arg21 : memref<!tpu.dma_semaphore, #tpu.memory_space<semaphore_mem>>)
    %dma_start3A_48 = arith.constant 4 : i32
    %dma_start3A_49 = arith.constant 0 : i32
    %dma_start3A_50 = tpu.memref_slice %arg10[%dma_start3A_48, %dma_start3A_49] : memref<64x128xi32, #tpu.memory_space<vmem>> -> memref<1x128xi32, #tpu.memory_space<vmem>>
    %dma_start3A_51 = tpu.memref_squeeze %dma_start3A_50 : memref<1x128xi32, #tpu.memory_space<vmem>> -> memref<128xi32, #tpu.memory_space<vmem>>
    %dma_start3A_52 = arith.constant 0 : i32
    %dma_start3A_53 = arith.constant 0 : i32
    %dma_start3A_54 = tpu.memref_slice %arg2[%dma_start3A_52, %dma_start3A_53] : memref<30848x128xf32, #tpu.memory_space<hbm>> -> memref<30848x128xf32, #tpu.memory_space<hbm>>
    tpu.enqueue_indirect_dma source(%dma_start3A_54 : memref<30848x128xf32, #tpu.memory_space<hbm>>) target(%arg15 : memref<128x128xf32, #tpu.memory_space<vmem>>) offsets(%dma_start3A_51 : memref<128xi32, #tpu.memory_space<vmem>>) semaphore(%arg20 : memref<!tpu.dma_semaphore, #tpu.memory_space<semaphore_mem>>)
    %dma_wait3A_55 = arith.constant 1 : i32
    %dma_wait3A_56 = arith.constant 0 : i32
    %dma_wait3A_57 = tpu.memref_slice %arg10[%dma_wait3A_55, %dma_wait3A_56] : memref<64x128xi32, #tpu.memory_space<vmem>> -> memref<1x128xi32, #tpu.memory_space<vmem>>
    %dma_wait3A_58 = tpu.memref_squeeze %dma_wait3A_57 : memref<1x128xi32, #tpu.memory_space<vmem>> -> memref<128xi32, #tpu.memory_space<vmem>>
    %dma_wait3A_59 = arith.constant 0 : i32
    %dma_wait3A_60 = arith.constant 0 : i32
    %dma_wait3A_61 = tpu.memref_slice %arg2[%dma_wait3A_59, %dma_wait3A_60] : memref<30848x128xf32, #tpu.memory_space<hbm>> -> memref<30848x128xf32, #tpu.memory_space<hbm>>
    tpu.wait_indirect_dma semaphore(%arg17 : memref<!tpu.dma_semaphore, #tpu.memory_space<semaphore_mem>>) src(%dma_wait3A_61 : memref<30848x128xf32, #tpu.memory_space<hbm>>) dst(%arg12 : memref<128x128xf32, #tpu.memory_space<vmem>>)
    %add3A_62 = arith.constant 128 : i32
    %add3A_63 = arith.addi %mul3A_2, %add3A_62 : i32
    %dma_start3A_64 = arith.constant 0 : i32
    %dma_start3A_65 = tpu.memref_slice %arg6[%add3A_63, %dma_start3A_64] : memref<262144x128xf32, #tpu.memory_space<hbm>> -> memref<128x128xf32, #tpu.memory_space<hbm>>
    %dma_start3A_66 = arith.constant 0 : i32
    %dma_start3A_67 = tpu.memref_slice %arg6[%add3A_63, %dma_start3A_66] : memref<262144x128xf32, #tpu.memory_space<hbm>> -> memref<128x128xf32, #tpu.memory_space<hbm>>
    tpu.enqueue_dma source(%arg12 : memref<128x128xf32, #tpu.memory_space<vmem>>) target(%dma_start3A_67 : memref<128x128xf32, #tpu.memory_space<hbm>>) target_semaphore(%arg22 : memref<!tpu.dma_semaphore, #tpu.memory_space<semaphore_mem>>)
    %add3A_68 = arith.constant 0 : i32
    %add3A_69 = arith.addi %mul3A_2, %add3A_68 : i32
    %dma_wait3A_70 = arith.constant 0 : i32
    %dma_wait3A_71 = tpu.memref_slice %arg6[%add3A_69, %dma_wait3A_70] : memref<262144x128xf32, #tpu.memory_space<hbm>> -> memref<128x128xf32, #tpu.memory_space<hbm>>
    %dma_wait3A_72 = arith.constant 0 : i32
    %dma_wait3A_73 = tpu.memref_slice %arg6[%add3A_69, %dma_wait3A_72] : memref<262144x128xf32, #tpu.memory_space<hbm>> -> memref<128x128xf32, #tpu.memory_space<hbm>>
    tpu.wait_dma2 semaphore(%arg21 : memref<!tpu.dma_semaphore, #tpu.memory_space<semaphore_mem>>) src(%arg11 : memref<128x128xf32, #tpu.memory_space<vmem>>) dst(%dma_wait3A_73 : memref<128x128xf32, #tpu.memory_space<hbm>>)
    %dma_start3A_74 = arith.constant 5 : i32
    %dma_start3A_75 = arith.constant 0 : i32
    %dma_start3A_76 = tpu.memref_slice %arg10[%dma_start3A_74, %dma_start3A_75] : memref<64x128xi32, #tpu.memory_space<vmem>> -> memref<1x128xi32, #tpu.memory_space<vmem>>
    %dma_start3A_77 = tpu.memref_squeeze %dma_start3A_76 : memref<1x128xi32, #tpu.memory_space<vmem>> -> memref<128xi32, #tpu.memory_space<vmem>>
    %dma_start3A_78 = arith.constant 0 : i32
    %dma_start3A_79 = arith.constant 0 : i32
    %dma_start3A_80 = tpu.memref_slice %arg2[%dma_start3A_78, %dma_start3A_79] : memref<30848x128xf32, #tpu.memory_space<hbm>> -> memref<30848x128xf32, #tpu.memory_space<hbm>>
    tpu.enqueue_indirect_dma source(%dma_start3A_80 : memref<30848x128xf32, #tpu.memory_space<hbm>>) target(%arg11 : memref<128x128xf32, #tpu.memory_space<vmem>>) offsets(%dma_start3A_77 : memref<128xi32, #tpu.memory_space<vmem>>) semaphore(%arg16 : memref<!tpu.dma_semaphore, #tpu.memory_space<semaphore_mem>>)
    %dma_wait3A_81 = arith.constant 2 : i32
    %dma_wait3A_82 = arith.constant 0 : i32
    %dma_wait3A_83 = tpu.memref_slice %arg10[%dma_wait3A_81, %dma_wait3A_82] : memref<64x128xi32, #tpu.memory_space<vmem>> -> memref<1x128xi32, #tpu.memory_space<vmem>>
    %dma_wait3A_84 = tpu.memref_squeeze %dma_wait3A_83 : memref<1x128xi32, #tpu.memory_space<vmem>> -> memref<128xi32, #tpu.memory_space<vmem>>
    %dma_wait3A_85 = arith.constant 0 : i32
    %dma_wait3A_86 = arith.constant 0 : i32
    %dma_wait3A_87 = tpu.memref_slice %arg2[%dma_wait3A_85, %dma_wait3A_86] : memref<30848x128xf32, #tpu.memory_space<hbm>> -> memref<30848x128xf32, #tpu.memory_space<hbm>>
    tpu.wait_indirect_dma semaphore(%arg18 : memref<!tpu.dma_semaphore, #tpu.memory_space<semaphore_mem>>) src(%dma_wait3A_87 : memref<30848x128xf32, #tpu.memory_space<hbm>>) dst(%arg13 : memref<128x128xf32, #tpu.memory_space<vmem>>)
    %add3A_88 = arith.constant 256 : i32
    %add3A_89 = arith.addi %mul3A_2, %add3A_88 : i32
    %dma_start3A_90 = arith.constant 0 : i32
    %dma_start3A_91 = tpu.memref_slice %arg6[%add3A_89, %dma_start3A_90] : memref<262144x128xf32, #tpu.memory_space<hbm>> -> memref<128x128xf32, #tpu.memory_space<hbm>>
    %dma_start3A_92 = arith.constant 0 : i32
    %dma_start3A_93 = tpu.memref_slice %arg6[%add3A_89, %dma_start3A_92] : memref<262144x128xf32, #tpu.memory_space<hbm>> -> memref<128x128xf32, #tpu.memory_space<hbm>>
    tpu.enqueue_dma source(%arg13 : memref<128x128xf32, #tpu.memory_space<vmem>>) target(%dma_start3A_93 : memref<128x128xf32, #tpu.memory_space<hbm>>) target_semaphore(%arg23 : memref<!tpu.dma_semaphore, #tpu.memory_space<semaphore_mem>>)
    %add3A_94 = arith.constant 128 : i32
    %add3A_95 = arith.addi %mul3A_2, %add3A_94 : i32
    %dma_wait3A_96 = arith.constant 0 : i32
    %dma_wait3A_97 = tpu.memref_slice %arg6[%add3A_95, %dma_wait3A_96] : memref<262144x128xf32, #tpu.memory_space<hbm>> -> memref<128x128xf32, #tpu.memory_space<hbm>>
    %dma_wait3A_98 = arith.constant 0 : i32
    %dma_wait3A_99 = tpu.memref_slice %arg6[%add3A_95, %dma_wait3A_98] : memref<262144x128xf32, #tpu.memory_space<hbm>> -> memref<128x128xf32, #tpu.memory_space<hbm>>
    tpu.wait_dma2 semaphore(%arg22 : memref<!tpu.dma_semaphore, #tpu.memory_space<semaphore_mem>>) src(%arg12 : memref<128x128xf32, #tpu.memory_space<vmem>>) dst(%dma_wait3A_99 : memref<128x128xf32, #tpu.memory_space<hbm>>)
    %dma_start3A_100 = arith.constant 6 : i32
    %dma_start3A_101 = arith.constant 0 : i32
    %dma_start3A_102 = tpu.memref_slice %arg10[%dma_start3A_100, %dma_start3A_101] : memref<64x128xi32, #tpu.memory_space<vmem>> -> memref<1x128xi32, #tpu.memory_space<vmem>>
    %dma_start3A_103 = tpu.memref_squeeze %dma_start3A_102 : memref<1x128xi32, #tpu.memory_space<vmem>> -> memref<128xi32, #tpu.memory_space<vmem>>
    %dma_start3A_104 = arith.constant 0 : i32
    %dma_start3A_105 = arith.constant 0 : i32
    %dma_start3A_106 = tpu.memref_slice %arg2[%dma_start3A_104, %dma_start3A_105] : memref<30848x128xf32, #tpu.memory_space<hbm>> -> memref<30848x128xf32, #tpu.memory_space<hbm>>
    tpu.enqueue_indirect_dma source(%dma_start3A_106 : memref<30848x128xf32, #tpu.memory_space<hbm>>) target(%arg12 : memref<128x128xf32, #tpu.memory_space<vmem>>) offsets(%dma_start3A_103 : memref<128xi32, #tpu.memory_space<vmem>>) semaphore(%arg17 : memref<!tpu.dma_semaphore, #tpu.memory_space<semaphore_mem>>)
    %dma_wait3A_107 = arith.constant 3 : i32
    %dma_wait3A_108 = arith.constant 0 : i32
    %dma_wait3A_109 = tpu.memref_slice %arg10[%dma_wait3A_107, %dma_wait3A_108] : memref<64x128xi32, #tpu.memory_space<vmem>> -> memref<1x128xi32, #tpu.memory_space<vmem>>
    %dma_wait3A_110 = tpu.memref_squeeze %dma_wait3A_109 : memref<1x128xi32, #tpu.memory_space<vmem>> -> memref<128xi32, #tpu.memory_space<vmem>>
    %dma_wait3A_111 = arith.constant 0 : i32
    %dma_wait3A_112 = arith.constant 0 : i32
    %dma_wait3A_113 = tpu.memref_slice %arg2[%dma_wait3A_111, %dma_wait3A_112] : memref<30848x128xf32, #tpu.memory_space<hbm>> -> memref<30848x128xf32, #tpu.memory_space<hbm>>
    tpu.wait_indirect_dma semaphore(%arg19 : memref<!tpu.dma_semaphore, #tpu.memory_space<semaphore_mem>>) src(%dma_wait3A_113 : memref<30848x128xf32, #tpu.memory_space<hbm>>) dst(%arg14 : memref<128x128xf32, #tpu.memory_space<vmem>>)
    %add3A_114 = arith.constant 384 : i32
    %add3A_115 = arith.addi %mul3A_2, %add3A_114 : i32
    %dma_start3A_116 = arith.constant 0 : i32
    %dma_start3A_117 = tpu.memref_slice %arg6[%add3A_115, %dma_start3A_116] : memref<262144x128xf32, #tpu.memory_space<hbm>> -> memref<128x128xf32, #tpu.memory_space<hbm>>
    %dma_start3A_118 = arith.constant 0 : i32
    %dma_start3A_119 = tpu.memref_slice %arg6[%add3A_115, %dma_start3A_118] : memref<262144x128xf32, #tpu.memory_space<hbm>> -> memref<128x128xf32, #tpu.memory_space<hbm>>
    tpu.enqueue_dma source(%arg14 : memref<128x128xf32, #tpu.memory_space<vmem>>) target(%dma_start3A_119 : memref<128x128xf32, #tpu.memory_space<hbm>>) target_semaphore(%arg24 : memref<!tpu.dma_semaphore, #tpu.memory_space<semaphore_mem>>)
    %add3A_120 = arith.constant 256 : i32
    %add3A_121 = arith.addi %mul3A_2, %add3A_120 : i32
    %dma_wait3A_122 = arith.constant 0 : i32
    %dma_wait3A_123 = tpu.memref_slice %arg6[%add3A_121, %dma_wait3A_122] : memref<262144x128xf32, #tpu.memory_space<hbm>> -> memref<128x128xf32, #tpu.memory_space<hbm>>
    %dma_wait3A_124 = arith.constant 0 : i32
    %dma_wait3A_125 = tpu.memref_slice %arg6[%add3A_121, %dma_wait3A_124] : memref<262144x128xf32, #tpu.memory_space<hbm>> -> memref<128x128xf32, #tpu.memory_space<hbm>>
    tpu.wait_dma2 semaphore(%arg23 : memref<!tpu.dma_semaphore, #tpu.memory_space<semaphore_mem>>) src(%arg13 : memref<128x128xf32, #tpu.memory_space<vmem>>) dst(%dma_wait3A_125 : memref<128x128xf32, #tpu.memory_space<hbm>>)
    %dma_start3A_126 = arith.constant 7 : i32
    %dma_start3A_127 = arith.constant 0 : i32
    %dma_start3A_128 = tpu.memref_slice %arg10[%dma_start3A_126, %dma_start3A_127] : memref<64x128xi32, #tpu.memory_space<vmem>> -> memref<1x128xi32, #tpu.memory_space<vmem>>
    %dma_start3A_129 = tpu.memref_squeeze %dma_start3A_128 : memref<1x128xi32, #tpu.memory_space<vmem>> -> memref<128xi32, #tpu.memory_space<vmem>>
    %dma_start3A_130 = arith.constant 0 : i32
    %dma_start3A_131 = arith.constant 0 : i32
    %dma_start3A_132 = tpu.memref_slice %arg2[%dma_start3A_130, %dma_start3A_131] : memref<30848x128xf32, #tpu.memory_space<hbm>> -> memref<30848x128xf32, #tpu.memory_space<hbm>>
    tpu.enqueue_indirect_dma source(%dma_start3A_132 : memref<30848x128xf32, #tpu.memory_space<hbm>>) target(%arg13 : memref<128x128xf32, #tpu.memory_space<vmem>>) offsets(%dma_start3A_129 : memref<128xi32, #tpu.memory_space<vmem>>) semaphore(%arg18 : memref<!tpu.dma_semaphore, #tpu.memory_space<semaphore_mem>>)
    %dma_wait3A_133 = arith.constant 4 : i32
    %dma_wait3A_134 = arith.constant 0 : i32
    %dma_wait3A_135 = tpu.memref_slice %arg10[%dma_wait3A_133, %dma_wait3A_134] : memref<64x128xi32, #tpu.memory_space<vmem>> -> memref<1x128xi32, #tpu.memory_space<vmem>>
    %dma_wait3A_136 = tpu.memref_squeeze %dma_wait3A_135 : memref<1x128xi32, #tpu.memory_space<vmem>> -> memref<128xi32, #tpu.memory_space<vmem>>
    %dma_wait3A_137 = arith.constant 0 : i32
    %dma_wait3A_138 = arith.constant 0 : i32
    %dma_wait3A_139 = tpu.memref_slice %arg2[%dma_wait3A_137, %dma_wait3A_138] : memref<30848x128xf32, #tpu.memory_space<hbm>> -> memref<30848x128xf32, #tpu.memory_space<hbm>>
    tpu.wait_indirect_dma semaphore(%arg20 : memref<!tpu.dma_semaphore, #tpu.memory_space<semaphore_mem>>) src(%dma_wait3A_139 : memref<30848x128xf32, #tpu.memory_space<hbm>>) dst(%arg15 : memref<128x128xf32, #tpu.memory_space<vmem>>)
    %add3A_140 = arith.constant 512 : i32
    %add3A_141 = arith.addi %mul3A_2, %add3A_140 : i32
    %dma_start3A_142 = arith.constant 0 : i32
    %dma_start3A_143 = tpu.memref_slice %arg6[%add3A_141, %dma_start3A_142] : memref<262144x128xf32, #tpu.memory_space<hbm>> -> memref<128x128xf32, #tpu.memory_space<hbm>>
    %dma_start3A_144 = arith.constant 0 : i32
    %dma_start3A_145 = tpu.memref_slice %arg6[%add3A_141, %dma_start3A_144] : memref<262144x128xf32, #tpu.memory_space<hbm>> -> memref<128x128xf32, #tpu.memory_space<hbm>>
    tpu.enqueue_dma source(%arg15 : memref<128x128xf32, #tpu.memory_space<vmem>>) target(%dma_start3A_145 : memref<128x128xf32, #tpu.memory_space<hbm>>) target_semaphore(%arg25 : memref<!tpu.dma_semaphore, #tpu.memory_space<semaphore_mem>>)
    %add3A_146 = arith.constant 384 : i32
    %add3A_147 = arith.addi %mul3A_2, %add3A_146 : i32
    %dma_wait3A_148 = arith.constant 0 : i32
    %dma_wait3A_149 = tpu.memref_slice %arg6[%add3A_147, %dma_wait3A_148] : memref<262144x128xf32, #tpu.memory_space<hbm>> -> memref<128x128xf32, #tpu.memory_space<hbm>>
    %dma_wait3A_150 = arith.constant 0 : i32
    %dma_wait3A_151 = tpu.memref_slice %arg6[%add3A_147, %dma_wait3A_150] : memref<262144x128xf32, #tpu.memory_space<hbm>> -> memref<128x128xf32, #tpu.memory_space<hbm>>
    tpu.wait_dma2 semaphore(%arg24 : memref<!tpu.dma_semaphore, #tpu.memory_space<semaphore_mem>>) src(%arg14 : memref<128x128xf32, #tpu.memory_space<vmem>>) dst(%dma_wait3A_151 : memref<128x128xf32, #tpu.memory_space<hbm>>)
    %dma_start3A_152 = arith.constant 8 : i32
    %dma_start3A_153 = arith.constant 0 : i32
    %dma_start3A_154 = tpu.memref_slice %arg10[%dma_start3A_152, %dma_start3A_153] : memref<64x128xi32, #tpu.memory_space<vmem>> -> memref<1x128xi32, #tpu.memory_space<vmem>>
    %dma_start3A_155 = tpu.memref_squeeze %dma_start3A_154 : memref<1x128xi32, #tpu.memory_space<vmem>> -> memref<128xi32, #tpu.memory_space<vmem>>
    %dma_start3A_156 = arith.constant 0 : i32
    %dma_start3A_157 = arith.constant 0 : i32
    %dma_start3A_158 = tpu.memref_slice %arg2[%dma_start3A_156, %dma_start3A_157] : memref<30848x128xf32, #tpu.memory_space<hbm>> -> memref<30848x128xf32, #tpu.memory_space<hbm>>
    tpu.enqueue_indirect_dma source(%dma_start3A_158 : memref<30848x128xf32, #tpu.memory_space<hbm>>) target(%arg14 : memref<128x128xf32, #tpu.memory_space<vmem>>) offsets(%dma_start3A_155 : memref<128xi32, #tpu.memory_space<vmem>>) semaphore(%arg19 : memref<!tpu.dma_semaphore, #tpu.memory_space<semaphore_mem>>)
    %dma_wait3A_159 = arith.constant 5 : i32
    %dma_wait3A_160 = arith.constant 0 : i32
    %dma_wait3A_161 = tpu.memref_slice %arg10[%dma_wait3A_159, %dma_wait3A_160] : memref<64x128xi32, #tpu.memory_space<vmem>> -> memref<1x128xi32, #tpu.memory_space<vmem>>
    %dma_wait3A_162 = tpu.memref_squeeze %dma_wait3A_161 : memref<1x128xi32, #tpu.memory_space<vmem>> -> memref<128xi32, #tpu.memory_space<vmem>>
    %dma_wait3A_163 = arith.constant 0 : i32
    %dma_wait3A_164 = arith.constant 0 : i32
    %dma_wait3A_165 = tpu.memref_slice %arg2[%dma_wait3A_163, %dma_wait3A_164] : memref<30848x128xf32, #tpu.memory_space<hbm>> -> memref<30848x128xf32, #tpu.memory_space<hbm>>
    tpu.wait_indirect_dma semaphore(%arg16 : memref<!tpu.dma_semaphore, #tpu.memory_space<semaphore_mem>>) src(%dma_wait3A_165 : memref<30848x128xf32, #tpu.memory_space<hbm>>) dst(%arg11 : memref<128x128xf32, #tpu.memory_space<vmem>>)
    %add3A_166 = arith.constant 640 : i32
    %add3A_167 = arith.addi %mul3A_2, %add3A_166 : i32
    %dma_start3A_168 = arith.constant 0 : i32
    %dma_start3A_169 = tpu.memref_slice %arg6[%add3A_167, %dma_start3A_168] : memref<262144x128xf32, #tpu.memory_space<hbm>> -> memref<128x128xf32, #tpu.memory_space<hbm>>
    %dma_start3A_170 = arith.constant 0 : i32
    %dma_start3A_171 = tpu.memref_slice %arg6[%add3A_167, %dma_start3A_170] : memref<262144x128xf32, #tpu.memory_space<hbm>> -> memref<128x128xf32, #tpu.memory_space<hbm>>
    tpu.enqueue_dma source(%arg11 : memref<128x128xf32, #tpu.memory_space<vmem>>) target(%dma_start3A_171 : memref<128x128xf32, #tpu.memory_space<hbm>>) target_semaphore(%arg21 : memref<!tpu.dma_semaphore, #tpu.memory_space<semaphore_mem>>)
    %add3A_172 = arith.constant 512 : i32
    %add3A_173 = arith.addi %mul3A_2, %add3A_172 : i32
    %dma_wait3A_174 = arith.constant 0 : i32
    %dma_wait3A_175 = tpu.memref_slice %arg6[%add3A_173, %dma_wait3A_174] : memref<262144x128xf32, #tpu.memory_space<hbm>> -> memref<128x128xf32, #tpu.memory_space<hbm>>
    %dma_wait3A_176 = arith.constant 0 : i32
    %dma_wait3A_177 = tpu.memref_slice %arg6[%add3A_173, %dma_wait3A_176] : memref<262144x128xf32, #tpu.memory_space<hbm>> -> memref<128x128xf32, #tpu.memory_space<hbm>>
    tpu.wait_dma2 semaphore(%arg25 : memref<!tpu.dma_semaphore, #tpu.memory_space<semaphore_mem>>) src(%arg15 : memref<128x128xf32, #tpu.memory_space<vmem>>) dst(%dma_wait3A_177 : memref<128x128xf32, #tpu.memory_space<hbm>>)
    %dma_start3A_178 = arith.constant 9 : i32
    %dma_start3A_179 = arith.constant 0 : i32
    %dma_start3A_180 = tpu.memref_slice %arg10[%dma_start3A_178, %dma_start3A_179] : memref<64x128xi32, #tpu.memory_space<vmem>> -> memref<1x128xi32, #tpu.memory_space<vmem>>
    %dma_start3A_181 = tpu.memref_squeeze %dma_start3A_180 : memref<1x128xi32, #tpu.memory_space<vmem>> -> memref<128xi32, #tpu.memory_space<vmem>>
    %dma_start3A_182 = arith.constant 0 : i32
    %dma_start3A_183 = arith.constant 0 : i32
    %dma_start3A_184 = tpu.memref_slice %arg2[%dma_start3A_182, %dma_start3A_183] : memref<30848x128xf32, #tpu.memory_space<hbm>> -> memref<30848x128xf32, #tpu.memory_space<hbm>>
    tpu.enqueue_indirect_dma source(%dma_start3A_184 : memref<30848x128xf32, #tpu.memory_space<hbm>>) target(%arg15 : memref<128x128xf32, #tpu.memory_space<vmem>>) offsets(%dma_start3A_181 : memref<128xi32, #tpu.memory_space<vmem>>) semaphore(%arg20 : memref<!tpu.dma_semaphore, #tpu.memory_space<semaphore_mem>>)
    %dma_wait3A_185 = arith.constant 6 : i32
    %dma_wait3A_186 = arith.constant 0 : i32
    %dma_wait3A_187 = tpu.memref_slice %arg10[%dma_wait3A_185, %dma_wait3A_186] : memref<64x128xi32, #tpu.memory_space<vmem>> -> memref<1x128xi32, #tpu.memory_space<vmem>>
    %dma_wait3A_188 = tpu.memref_squeeze %dma_wait3A_187 : memref<1x128xi32, #tpu.memory_space<vmem>> -> memref<128xi32, #tpu.memory_space<vmem>>
    %dma_wait3A_189 = arith.constant 0 : i32
    %dma_wait3A_190 = arith.constant 0 : i32
    %dma_wait3A_191 = tpu.memref_slice %arg2[%dma_wait3A_189, %dma_wait3A_190] : memref<30848x128xf32, #tpu.memory_space<hbm>> -> memref<30848x128xf32, #tpu.memory_space<hbm>>
    tpu.wait_indirect_dma semaphore(%arg17 : memref<!tpu.dma_semaphore, #tpu.memory_space<semaphore_mem>>) src(%dma_wait3A_191 : memref<30848x128xf32, #tpu.memory_space<hbm>>) dst(%arg12 : memref<128x128xf32, #tpu.memory_space<vmem>>)
    %add3A_192 = arith.constant 768 : i32
    %add3A_193 = arith.addi %mul3A_2, %add3A_192 : i32
    %dma_start3A_194 = arith.constant 0 : i32
    %dma_start3A_195 = tpu.memref_slice %arg6[%add3A_193, %dma_start3A_194] : memref<262144x128xf32, #tpu.memory_space<hbm>> -> memref<128x128xf32, #tpu.memory_space<hbm>>
    %dma_start3A_196 = arith.constant 0 : i32
    %dma_start3A_197 = tpu.memref_slice %arg6[%add3A_193, %dma_start3A_196] : memref<262144x128xf32, #tpu.memory_space<hbm>> -> memref<128x128xf32, #tpu.memory_space<hbm>>
    tpu.enqueue_dma source(%arg12 : memref<128x128xf32, #tpu.memory_space<vmem>>) target(%dma_start3A_197 : memref<128x128xf32, #tpu.memory_space<hbm>>) target_semaphore(%arg22 : memref<!tpu.dma_semaphore, #tpu.memory_space<semaphore_mem>>)
    %add3A_198 = arith.constant 640 : i32
    %add3A_199 = arith.addi %mul3A_2, %add3A_198 : i32
    %dma_wait3A_200 = arith.constant 0 : i32
    %dma_wait3A_201 = tpu.memref_slice %arg6[%add3A_199, %dma_wait3A_200] : memref<262144x128xf32, #tpu.memory_space<hbm>> -> memref<128x128xf32, #tpu.memory_space<hbm>>
    %dma_wait3A_202 = arith.constant 0 : i32
    %dma_wait3A_203 = tpu.memref_slice %arg6[%add3A_199, %dma_wait3A_202] : memref<262144x128xf32, #tpu.memory_space<hbm>> -> memref<128x128xf32, #tpu.memory_space<hbm>>
    tpu.wait_dma2 semaphore(%arg21 : memref<!tpu.dma_semaphore, #tpu.memory_space<semaphore_mem>>) src(%arg11 : memref<128x128xf32, #tpu.memory_space<vmem>>) dst(%dma_wait3A_203 : memref<128x128xf32, #tpu.memory_space<hbm>>)
    %dma_start3A_204 = arith.constant 10 : i32
    %dma_start3A_205 = arith.constant 0 : i32
    %dma_start3A_206 = tpu.memref_slice %arg10[%dma_start3A_204, %dma_start3A_205] : memref<64x128xi32, #tpu.memory_space<vmem>> -> memref<1x128xi32, #tpu.memory_space<vmem>>
    %dma_start3A_207 = tpu.memref_squeeze %dma_start3A_206 : memref<1x128xi32, #tpu.memory_space<vmem>> -> memref<128xi32, #tpu.memory_space<vmem>>
    %dma_start3A_208 = arith.constant 0 : i32
    %dma_start3A_209 = arith.constant 0 : i32
    %dma_start3A_210 = tpu.memref_slice %arg2[%dma_start3A_208, %dma_start3A_209] : memref<30848x128xf32, #tpu.memory_space<hbm>> -> memref<30848x128xf32, #tpu.memory_space<hbm>>
    tpu.enqueue_indirect_dma source(%dma_start3A_210 : memref<30848x128xf32, #tpu.memory_space<hbm>>) target(%arg11 : memref<128x128xf32, #tpu.memory_space<vmem>>) offsets(%dma_start3A_207 : memref<128xi32, #tpu.memory_space<vmem>>) semaphore(%arg16 : memref<!tpu.dma_semaphore, #tpu.memory_space<semaphore_mem>>)
    %dma_wait3A_211 = arith.constant 7 : i32
    %dma_wait3A_212 = arith.constant 0 : i32
    %dma_wait3A_213 = tpu.memref_slice %arg10[%dma_wait3A_211, %dma_wait3A_212] : memref<64x128xi32, #tpu.memory_space<vmem>> -> memref<1x128xi32, #tpu.memory_space<vmem>>
    %dma_wait3A_214 = tpu.memref_squeeze %dma_wait3A_213 : memref<1x128xi32, #tpu.memory_space<vmem>> -> memref<128xi32, #tpu.memory_space<vmem>>
    %dma_wait3A_215 = arith.constant 0 : i32
    %dma_wait3A_216 = arith.constant 0 : i32
    %dma_wait3A_217 = tpu.memref_slice %arg2[%dma_wait3A_215, %dma_wait3A_216] : memref<30848x128xf32, #tpu.memory_space<hbm>> -> memref<30848x128xf32, #tpu.memory_space<hbm>>
    tpu.wait_indirect_dma semaphore(%arg18 : memref<!tpu.dma_semaphore, #tpu.memory_space<semaphore_mem>>) src(%dma_wait3A_217 : memref<30848x128xf32, #tpu.memory_space<hbm>>) dst(%arg13 : memref<128x128xf32, #tpu.memory_space<vmem>>)
    %add3A_218 = arith.constant 896 : i32
    %add3A_219 = arith.addi %mul3A_2, %add3A_218 : i32
    %dma_start3A_220 = arith.constant 0 : i32
    %dma_start3A_221 = tpu.memref_slice %arg6[%add3A_219, %dma_start3A_220] : memref<262144x128xf32, #tpu.memory_space<hbm>> -> memref<128x128xf32, #tpu.memory_space<hbm>>
    %dma_start3A_222 = arith.constant 0 : i32
    %dma_start3A_223 = tpu.memref_slice %arg6[%add3A_219, %dma_start3A_222] : memref<262144x128xf32, #tpu.memory_space<hbm>> -> memref<128x128xf32, #tpu.memory_space<hbm>>
    tpu.enqueue_dma source(%arg13 : memref<128x128xf32, #tpu.memory_space<vmem>>) target(%dma_start3A_223 : memref<128x128xf32, #tpu.memory_space<hbm>>) target_semaphore(%arg23 : memref<!tpu.dma_semaphore, #tpu.memory_space<semaphore_mem>>)
    %add3A_224 = arith.constant 768 : i32
    %add3A_225 = arith.addi %mul3A_2, %add3A_224 : i32
    %dma_wait3A_226 = arith.constant 0 : i32
    %dma_wait3A_227 = tpu.memref_slice %arg6[%add3A_225, %dma_wait3A_226] : memref<262144x128xf32, #tpu.memory_space<hbm>> -> memref<128x128xf32, #tpu.memory_space<hbm>>
    %dma_wait3A_228 = arith.constant 0 : i32
    %dma_wait3A_229 = tpu.memref_slice %arg6[%add3A_225, %dma_wait3A_228] : memref<262144x128xf32, #tpu.memory_space<hbm>> -> memref<128x128xf32, #tpu.memory_space<hbm>>
    tpu.wait_dma2 semaphore(%arg22 : memref<!tpu.dma_semaphore, #tpu.memory_space<semaphore_mem>>) src(%arg12 : memref<128x128xf32, #tpu.memory_space<vmem>>) dst(%dma_wait3A_229 : memref<128x128xf32, #tpu.memory_space<hbm>>)
    %dma_start3A_230 = arith.constant 11 : i32
    %dma_start3A_231 = arith.constant 0 : i32
    %dma_start3A_232 = tpu.memref_slice %arg10[%dma_start3A_230, %dma_start3A_231] : memref<64x128xi32, #tpu.memory_space<vmem>> -> memref<1x128xi32, #tpu.memory_space<vmem>>
    %dma_start3A_233 = tpu.memref_squeeze %dma_start3A_232 : memref<1x128xi32, #tpu.memory_space<vmem>> -> memref<128xi32, #tpu.memory_space<vmem>>
    %dma_start3A_234 = arith.constant 0 : i32
    %dma_start3A_235 = arith.constant 0 : i32
    %dma_start3A_236 = tpu.memref_slice %arg2[%dma_start3A_234, %dma_start3A_235] : memref<30848x128xf32, #tpu.memory_space<hbm>> -> memref<30848x128xf32, #tpu.memory_space<hbm>>
    tpu.enqueue_indirect_dma source(%dma_start3A_236 : memref<30848x128xf32, #tpu.memory_space<hbm>>) target(%arg12 : memref<128x128xf32, #tpu.memory_space<vmem>>) offsets(%dma_start3A_233 : memref<128xi32, #tpu.memory_space<vmem>>) semaphore(%arg17 : memref<!tpu.dma_semaphore, #tpu.memory_space<semaphore_mem>>)
    %dma_wait3A_237 = arith.constant 8 : i32
    %dma_wait3A_238 = arith.constant 0 : i32
    %dma_wait3A_239 = tpu.memref_slice %arg10[%dma_wait3A_237, %dma_wait3A_238] : memref<64x128xi32, #tpu.memory_space<vmem>> -> memref<1x128xi32, #tpu.memory_space<vmem>>
    %dma_wait3A_240 = tpu.memref_squeeze %dma_wait3A_239 : memref<1x128xi32, #tpu.memory_space<vmem>> -> memref<128xi32, #tpu.memory_space<vmem>>
    %dma_wait3A_241 = arith.constant 0 : i32
    %dma_wait3A_242 = arith.constant 0 : i32
    %dma_wait3A_243 = tpu.memref_slice %arg2[%dma_wait3A_241, %dma_wait3A_242] : memref<30848x128xf32, #tpu.memory_space<hbm>> -> memref<30848x128xf32, #tpu.memory_space<hbm>>
    tpu.wait_indirect_dma semaphore(%arg19 : memref<!tpu.dma_semaphore, #tpu.memory_space<semaphore_mem>>) src(%dma_wait3A_243 : memref<30848x128xf32, #tpu.memory_space<hbm>>) dst(%arg14 : memref<128x128xf32, #tpu.memory_space<vmem>>)
    %add3A_244 = arith.constant 1024 : i32
    %add3A_245 = arith.addi %mul3A_2, %add3A_244 : i32
    %dma_start3A_246 = arith.constant 0 : i32
    %dma_start3A_247 = tpu.memref_slice %arg6[%add3A_245, %dma_start3A_246] : memref<262144x128xf32, #tpu.memory_space<hbm>> -> memref<128x128xf32, #tpu.memory_space<hbm>>
    %dma_start3A_248 = arith.constant 0 : i32
    %dma_start3A_249 = tpu.memref_slice %arg6[%add3A_245, %dma_start3A_248] : memref<262144x128xf32, #tpu.memory_space<hbm>> -> memref<128x128xf32, #tpu.memory_space<hbm>>
    tpu.enqueue_dma source(%arg14 : memref<128x128xf32, #tpu.memory_space<vmem>>) target(%dma_start3A_249 : memref<128x128xf32, #tpu.memory_space<hbm>>) target_semaphore(%arg24 : memref<!tpu.dma_semaphore, #tpu.memory_space<semaphore_mem>>)
    %add3A_250 = arith.constant 896 : i32
    %add3A_251 = arith.addi %mul3A_2, %add3A_250 : i32
    %dma_wait3A_252 = arith.constant 0 : i32
    %dma_wait3A_253 = tpu.memref_slice %arg6[%add3A_251, %dma_wait3A_252] : memref<262144x128xf32, #tpu.memory_space<hbm>> -> memref<128x128xf32, #tpu.memory_space<hbm>>
    %dma_wait3A_254 = arith.constant 0 : i32
    %dma_wait3A_255 = tpu.memref_slice %arg6[%add3A_251, %dma_wait3A_254] : memref<262144x128xf32, #tpu.memory_space<hbm>> -> memref<128x128xf32, #tpu.memory_space<hbm>>
    tpu.wait_dma2 semaphore(%arg23 : memref<!tpu.dma_semaphore, #tpu.memory_space<semaphore_mem>>) src(%arg13 : memref<128x128xf32, #tpu.memory_space<vmem>>) dst(%dma_wait3A_255 : memref<128x128xf32, #tpu.memory_space<hbm>>)
    %dma_start3A_256 = arith.constant 12 : i32
    %dma_start3A_257 = arith.constant 0 : i32
    %dma_start3A_258 = tpu.memref_slice %arg10[%dma_start3A_256, %dma_start3A_257] : memref<64x128xi32, #tpu.memory_space<vmem>> -> memref<1x128xi32, #tpu.memory_space<vmem>>
    %dma_start3A_259 = tpu.memref_squeeze %dma_start3A_258 : memref<1x128xi32, #tpu.memory_space<vmem>> -> memref<128xi32, #tpu.memory_space<vmem>>
    %dma_start3A_260 = arith.constant 0 : i32
    %dma_start3A_261 = arith.constant 0 : i32
    %dma_start3A_262 = tpu.memref_slice %arg2[%dma_start3A_260, %dma_start3A_261] : memref<30848x128xf32, #tpu.memory_space<hbm>> -> memref<30848x128xf32, #tpu.memory_space<hbm>>
    tpu.enqueue_indirect_dma source(%dma_start3A_262 : memref<30848x128xf32, #tpu.memory_space<hbm>>) target(%arg13 : memref<128x128xf32, #tpu.memory_space<vmem>>) offsets(%dma_start3A_259 : memref<128xi32, #tpu.memory_space<vmem>>) semaphore(%arg18 : memref<!tpu.dma_semaphore, #tpu.memory_space<semaphore_mem>>)
    %dma_wait3A_263 = arith.constant 9 : i32
    %dma_wait3A_264 = arith.constant 0 : i32
    %dma_wait3A_265 = tpu.memref_slice %arg10[%dma_wait3A_263, %dma_wait3A_264] : memref<64x128xi32, #tpu.memory_space<vmem>> -> memref<1x128xi32, #tpu.memory_space<vmem>>
    %dma_wait3A_266 = tpu.memref_squeeze %dma_wait3A_265 : memref<1x128xi32, #tpu.memory_space<vmem>> -> memref<128xi32, #tpu.memory_space<vmem>>
    %dma_wait3A_267 = arith.constant 0 : i32
    %dma_wait3A_268 = arith.constant 0 : i32
    %dma_wait3A_269 = tpu.memref_slice %arg2[%dma_wait3A_267, %dma_wait3A_268] : memref<30848x128xf32, #tpu.memory_space<hbm>> -> memref<30848x128xf32, #tpu.memory_space<hbm>>
    tpu.wait_indirect_dma semaphore(%arg20 : memref<!tpu.dma_semaphore, #tpu.memory_space<semaphore_mem>>) src(%dma_wait3A_269 : memref<30848x128xf32, #tpu.memory_space<hbm>>) dst(%arg15 : memref<128x128xf32, #tpu.memory_space<vmem>>)
    %add3A_270 = arith.constant 1152 : i32
    %add3A_271 = arith.addi %mul3A_2, %add3A_270 : i32
    %dma_start3A_272 = arith.constant 0 : i32
    %dma_start3A_273 = tpu.memref_slice %arg6[%add3A_271, %dma_start3A_272] : memref<262144x128xf32, #tpu.memory_space<hbm>> -> memref<128x128xf32, #tpu.memory_space<hbm>>
    %dma_start3A_274 = arith.constant 0 : i32
    %dma_start3A_275 = tpu.memref_slice %arg6[%add3A_271, %dma_start3A_274] : memref<262144x128xf32, #tpu.memory_space<hbm>> -> memref<128x128xf32, #tpu.memory_space<hbm>>
    tpu.enqueue_dma source(%arg15 : memref<128x128xf32, #tpu.memory_space<vmem>>) target(%dma_start3A_275 : memref<128x128xf32, #tpu.memory_space<hbm>>) target_semaphore(%arg25 : memref<!tpu.dma_semaphore, #tpu.memory_space<semaphore_mem>>)
    %add3A_276 = arith.constant 1024 : i32
    %add3A_277 = arith.addi %mul3A_2, %add3A_276 : i32
    %dma_wait3A_278 = arith.constant 0 : i32
    %dma_wait3A_279 = tpu.memref_slice %arg6[%add3A_277, %dma_wait3A_278] : memref<262144x128xf32, #tpu.memory_space<hbm>> -> memref<128x128xf32, #tpu.memory_space<hbm>>
    %dma_wait3A_280 = arith.constant 0 : i32
    %dma_wait3A_281 = tpu.memref_slice %arg6[%add3A_277, %dma_wait3A_280] : memref<262144x128xf32, #tpu.memory_space<hbm>> -> memref<128x128xf32, #tpu.memory_space<hbm>>
    tpu.wait_dma2 semaphore(%arg24 : memref<!tpu.dma_semaphore, #tpu.memory_space<semaphore_mem>>) src(%arg14 : memref<128x128xf32, #tpu.memory_space<vmem>>) dst(%dma_wait3A_281 : memref<128x128xf32, #tpu.memory_space<hbm>>)
    %dma_start3A_282 = arith.constant 13 : i32
    %dma_start3A_283 = arith.constant 0 : i32
    %dma_start3A_284 = tpu.memref_slice %arg10[%dma_start3A_282, %dma_start3A_283] : memref<64x128xi32, #tpu.memory_space<vmem>> -> memref<1x128xi32, #tpu.memory_space<vmem>>
    %dma_start3A_285 = tpu.memref_squeeze %dma_start3A_284 : memref<1x128xi32, #tpu.memory_space<vmem>> -> memref<128xi32, #tpu.memory_space<vmem>>
    %dma_start3A_286 = arith.constant 0 : i32
    %dma_start3A_287 = arith.constant 0 : i32
    %dma_start3A_288 = tpu.memref_slice %arg2[%dma_start3A_286, %dma_start3A_287] : memref<30848x128xf32, #tpu.memory_space<hbm>> -> memref<30848x128xf32, #tpu.memory_space<hbm>>
    tpu.enqueue_indirect_dma source(%dma_start3A_288 : memref<30848x128xf32, #tpu.memory_space<hbm>>) target(%arg14 : memref<128x128xf32, #tpu.memory_space<vmem>>) offsets(%dma_start3A_285 : memref<128xi32, #tpu.memory_space<vmem>>) semaphore(%arg19 : memref<!tpu.dma_semaphore, #tpu.memory_space<semaphore_mem>>)
    %dma_wait3A_289 = arith.constant 10 : i32
    %dma_wait3A_290 = arith.constant 0 : i32
    %dma_wait3A_291 = tpu.memref_slice %arg10[%dma_wait3A_289, %dma_wait3A_290] : memref<64x128xi32, #tpu.memory_space<vmem>> -> memref<1x128xi32, #tpu.memory_space<vmem>>
    %dma_wait3A_292 = tpu.memref_squeeze %dma_wait3A_291 : memref<1x128xi32, #tpu.memory_space<vmem>> -> memref<128xi32, #tpu.memory_space<vmem>>
    %dma_wait3A_293 = arith.constant 0 : i32
    %dma_wait3A_294 = arith.constant 0 : i32
    %dma_wait3A_295 = tpu.memref_slice %arg2[%dma_wait3A_293, %dma_wait3A_294] : memref<30848x128xf32, #tpu.memory_space<hbm>> -> memref<30848x128xf32, #tpu.memory_space<hbm>>
    tpu.wait_indirect_dma semaphore(%arg16 : memref<!tpu.dma_semaphore, #tpu.memory_space<semaphore_mem>>) src(%dma_wait3A_295 : memref<30848x128xf32, #tpu.memory_space<hbm>>) dst(%arg11 : memref<128x128xf32, #tpu.memory_space<vmem>>)
    %add3A_296 = arith.constant 1280 : i32
    %add3A_297 = arith.addi %mul3A_2, %add3A_296 : i32
    %dma_start3A_298 = arith.constant 0 : i32
    %dma_start3A_299 = tpu.memref_slice %arg6[%add3A_297, %dma_start3A_298] : memref<262144x128xf32, #tpu.memory_space<hbm>> -> memref<128x128xf32, #tpu.memory_space<hbm>>
    %dma_start3A_300 = arith.constant 0 : i32
    %dma_start3A_301 = tpu.memref_slice %arg6[%add3A_297, %dma_start3A_300] : memref<262144x128xf32, #tpu.memory_space<hbm>> -> memref<128x128xf32, #tpu.memory_space<hbm>>
    tpu.enqueue_dma source(%arg11 : memref<128x128xf32, #tpu.memory_space<vmem>>) target(%dma_start3A_301 : memref<128x128xf32, #tpu.memory_space<hbm>>) target_semaphore(%arg21 : memref<!tpu.dma_semaphore, #tpu.memory_space<semaphore_mem>>)
    %add3A_302 = arith.constant 1152 : i32
    %add3A_303 = arith.addi %mul3A_2, %add3A_302 : i32
    %dma_wait3A_304 = arith.constant 0 : i32
    %dma_wait3A_305 = tpu.memref_slice %arg6[%add3A_303, %dma_wait3A_304] : memref<262144x128xf32, #tpu.memory_space<hbm>> -> memref<128x128xf32, #tpu.memory_space<hbm>>
    %dma_wait3A_306 = arith.constant 0 : i32
    %dma_wait3A_307 = tpu.memref_slice %arg6[%add3A_303, %dma_wait3A_306] : memref<262144x128xf32, #tpu.memory_space<hbm>> -> memref<128x128xf32, #tpu.memory_space<hbm>>
    tpu.wait_dma2 semaphore(%arg25 : memref<!tpu.dma_semaphore, #tpu.memory_space<semaphore_mem>>) src(%arg15 : memref<128x128xf32, #tpu.memory_space<vmem>>) dst(%dma_wait3A_307 : memref<128x128xf32, #tpu.memory_space<hbm>>)
    %dma_start3A_308 = arith.constant 14 : i32
    %dma_start3A_309 = arith.constant 0 : i32
    %dma_start3A_310 = tpu.memref_slice %arg10[%dma_start3A_308, %dma_start3A_309] : memref<64x128xi32, #tpu.memory_space<vmem>> -> memref<1x128xi32, #tpu.memory_space<vmem>>
    %dma_start3A_311 = tpu.memref_squeeze %dma_start3A_310 : memref<1x128xi32, #tpu.memory_space<vmem>> -> memref<128xi32, #tpu.memory_space<vmem>>
    %dma_start3A_312 = arith.constant 0 : i32
    %dma_start3A_313 = arith.constant 0 : i32
    %dma_start3A_314 = tpu.memref_slice %arg2[%dma_start3A_312, %dma_start3A_313] : memref<30848x128xf32, #tpu.memory_space<hbm>> -> memref<30848x128xf32, #tpu.memory_space<hbm>>
    tpu.enqueue_indirect_dma source(%dma_start3A_314 : memref<30848x128xf32, #tpu.memory_space<hbm>>) target(%arg15 : memref<128x128xf32, #tpu.memory_space<vmem>>) offsets(%dma_start3A_311 : memref<128xi32, #tpu.memory_space<vmem>>) semaphore(%arg20 : memref<!tpu.dma_semaphore, #tpu.memory_space<semaphore_mem>>)
    %dma_wait3A_315 = arith.constant 11 : i32
    %dma_wait3A_316 = arith.constant 0 : i32
    %dma_wait3A_317 = tpu.memref_slice %arg10[%dma_wait3A_315, %dma_wait3A_316] : memref<64x128xi32, #tpu.memory_space<vmem>> -> memref<1x128xi32, #tpu.memory_space<vmem>>
    %dma_wait3A_318 = tpu.memref_squeeze %dma_wait3A_317 : memref<1x128xi32, #tpu.memory_space<vmem>> -> memref<128xi32, #tpu.memory_space<vmem>>
    %dma_wait3A_319 = arith.constant 0 : i32
    %dma_wait3A_320 = arith.constant 0 : i32
    %dma_wait3A_321 = tpu.memref_slice %arg2[%dma_wait3A_319, %dma_wait3A_320] : memref<30848x128xf32, #tpu.memory_space<hbm>> -> memref<30848x128xf32, #tpu.memory_space<hbm>>
    tpu.wait_indirect_dma semaphore(%arg17 : memref<!tpu.dma_semaphore, #tpu.memory_space<semaphore_mem>>) src(%dma_wait3A_321 : memref<30848x128xf32, #tpu.memory_space<hbm>>) dst(%arg12 : memref<128x128xf32, #tpu.memory_space<vmem>>)
    %add3A_322 = arith.constant 1408 : i32
    %add3A_323 = arith.addi %mul3A_2, %add3A_322 : i32
    %dma_start3A_324 = arith.constant 0 : i32
    %dma_start3A_325 = tpu.memref_slice %arg6[%add3A_323, %dma_start3A_324] : memref<262144x128xf32, #tpu.memory_space<hbm>> -> memref<128x128xf32, #tpu.memory_space<hbm>>
    %dma_start3A_326 = arith.constant 0 : i32
    %dma_start3A_327 = tpu.memref_slice %arg6[%add3A_323, %dma_start3A_326] : memref<262144x128xf32, #tpu.memory_space<hbm>> -> memref<128x128xf32, #tpu.memory_space<hbm>>
    tpu.enqueue_dma source(%arg12 : memref<128x128xf32, #tpu.memory_space<vmem>>) target(%dma_start3A_327 : memref<128x128xf32, #tpu.memory_space<hbm>>) target_semaphore(%arg22 : memref<!tpu.dma_semaphore, #tpu.memory_space<semaphore_mem>>)
    %add3A_328 = arith.constant 1280 : i32
    %add3A_329 = arith.addi %mul3A_2, %add3A_328 : i32
    %dma_wait3A_330 = arith.constant 0 : i32
    %dma_wait3A_331 = tpu.memref_slice %arg6[%add3A_329, %dma_wait3A_330] : memref<262144x128xf32, #tpu.memory_space<hbm>> -> memref<128x128xf32, #tpu.memory_space<hbm>>
    %dma_wait3A_332 = arith.constant 0 : i32
    %dma_wait3A_333 = tpu.memref_slice %arg6[%add3A_329, %dma_wait3A_332] : memref<262144x128xf32, #tpu.memory_space<hbm>> -> memref<128x128xf32, #tpu.memory_space<hbm>>
    tpu.wait_dma2 semaphore(%arg21 : memref<!tpu.dma_semaphore, #tpu.memory_space<semaphore_mem>>) src(%arg11 : memref<128x128xf32, #tpu.memory_space<vmem>>) dst(%dma_wait3A_333 : memref<128x128xf32, #tpu.memory_space<hbm>>)
    %dma_start3A_334 = arith.constant 15 : i32
    %dma_start3A_335 = arith.constant 0 : i32
    %dma_start3A_336 = tpu.memref_slice %arg10[%dma_start3A_334, %dma_start3A_335] : memref<64x128xi32, #tpu.memory_space<vmem>> -> memref<1x128xi32, #tpu.memory_space<vmem>>
    %dma_start3A_337 = tpu.memref_squeeze %dma_start3A_336 : memref<1x128xi32, #tpu.memory_space<vmem>> -> memref<128xi32, #tpu.memory_space<vmem>>
    %dma_start3A_338 = arith.constant 0 : i32
    %dma_start3A_339 = arith.constant 0 : i32
    %dma_start3A_340 = tpu.memref_slice %arg2[%dma_start3A_338, %dma_start3A_339] : memref<30848x128xf32, #tpu.memory_space<hbm>> -> memref<30848x128xf32, #tpu.memory_space<hbm>>
    tpu.enqueue_indirect_dma source(%dma_start3A_340 : memref<30848x128xf32, #tpu.memory_space<hbm>>) target(%arg11 : memref<128x128xf32, #tpu.memory_space<vmem>>) offsets(%dma_start3A_337 : memref<128xi32, #tpu.memory_space<vmem>>) semaphore(%arg16 : memref<!tpu.dma_semaphore, #tpu.memory_space<semaphore_mem>>)
    %dma_wait3A_341 = arith.constant 12 : i32
    %dma_wait3A_342 = arith.constant 0 : i32
    %dma_wait3A_343 = tpu.memref_slice %arg10[%dma_wait3A_341, %dma_wait3A_342] : memref<64x128xi32, #tpu.memory_space<vmem>> -> memref<1x128xi32, #tpu.memory_space<vmem>>
    %dma_wait3A_344 = tpu.memref_squeeze %dma_wait3A_343 : memref<1x128xi32, #tpu.memory_space<vmem>> -> memref<128xi32, #tpu.memory_space<vmem>>
    %dma_wait3A_345 = arith.constant 0 : i32
    %dma_wait3A_346 = arith.constant 0 : i32
    %dma_wait3A_347 = tpu.memref_slice %arg2[%dma_wait3A_345, %dma_wait3A_346] : memref<30848x128xf32, #tpu.memory_space<hbm>> -> memref<30848x128xf32, #tpu.memory_space<hbm>>
    tpu.wait_indirect_dma semaphore(%arg18 : memref<!tpu.dma_semaphore, #tpu.memory_space<semaphore_mem>>) src(%dma_wait3A_347 : memref<30848x128xf32, #tpu.memory_space<hbm>>) dst(%arg13 : memref<128x128xf32, #tpu.memory_space<vmem>>)
    %add3A_348 = arith.constant 1536 : i32
    %add3A_349 = arith.addi %mul3A_2, %add3A_348 : i32
    %dma_start3A_350 = arith.constant 0 : i32
    %dma_start3A_351 = tpu.memref_slice %arg6[%add3A_349, %dma_start3A_350] : memref<262144x128xf32, #tpu.memory_space<hbm>> -> memref<128x128xf32, #tpu.memory_space<hbm>>
    %dma_start3A_352 = arith.constant 0 : i32
    %dma_start3A_353 = tpu.memref_slice %arg6[%add3A_349, %dma_start3A_352] : memref<262144x128xf32, #tpu.memory_space<hbm>> -> memref<128x128xf32, #tpu.memory_space<hbm>>
    tpu.enqueue_dma source(%arg13 : memref<128x128xf32, #tpu.memory_space<vmem>>) target(%dma_start3A_353 : memref<128x128xf32, #tpu.memory_space<hbm>>) target_semaphore(%arg23 : memref<!tpu.dma_semaphore, #tpu.memory_space<semaphore_mem>>)
    %add3A_354 = arith.constant 1408 : i32
    %add3A_355 = arith.addi %mul3A_2, %add3A_354 : i32
    %dma_wait3A_356 = arith.constant 0 : i32
    %dma_wait3A_357 = tpu.memref_slice %arg6[%add3A_355, %dma_wait3A_356] : memref<262144x128xf32, #tpu.memory_space<hbm>> -> memref<128x128xf32, #tpu.memory_space<hbm>>
    %dma_wait3A_358 = arith.constant 0 : i32
    %dma_wait3A_359 = tpu.memref_slice %arg6[%add3A_355, %dma_wait3A_358] : memref<262144x128xf32, #tpu.memory_space<hbm>> -> memref<128x128xf32, #tpu.memory_space<hbm>>
    tpu.wait_dma2 semaphore(%arg22 : memref<!tpu.dma_semaphore, #tpu.memory_space<semaphore_mem>>) src(%arg12 : memref<128x128xf32, #tpu.memory_space<vmem>>) dst(%dma_wait3A_359 : memref<128x128xf32, #tpu.memory_space<hbm>>)
    %dma_start3A_360 = arith.constant 16 : i32
    %dma_start3A_361 = arith.constant 0 : i32
    %dma_start3A_362 = tpu.memref_slice %arg10[%dma_start3A_360, %dma_start3A_361] : memref<64x128xi32, #tpu.memory_space<vmem>> -> memref<1x128xi32, #tpu.memory_space<vmem>>
    %dma_start3A_363 = tpu.memref_squeeze %dma_start3A_362 : memref<1x128xi32, #tpu.memory_space<vmem>> -> memref<128xi32, #tpu.memory_space<vmem>>
    %dma_start3A_364 = arith.constant 0 : i32
    %dma_start3A_365 = arith.constant 0 : i32
    %dma_start3A_366 = tpu.memref_slice %arg2[%dma_start3A_364, %dma_start3A_365] : memref<30848x128xf32, #tpu.memory_space<hbm>> -> memref<30848x128xf32, #tpu.memory_space<hbm>>
    tpu.enqueue_indirect_dma source(%dma_start3A_366 : memref<30848x128xf32, #tpu.memory_space<hbm>>) target(%arg12 : memref<128x128xf32, #tpu.memory_space<vmem>>) offsets(%dma_start3A_363 : memref<128xi32, #tpu.memory_space<vmem>>) semaphore(%arg17 : memref<!tpu.dma_semaphore, #tpu.memory_space<semaphore_mem>>)
    %dma_wait3A_367 = arith.constant 13 : i32
    %dma_wait3A_368 = arith.constant 0 : i32
    %dma_wait3A_369 = tpu.memref_slice %arg10[%dma_wait3A_367, %dma_wait3A_368] : memref<64x128xi32, #tpu.memory_space<vmem>> -> memref<1x128xi32, #tpu.memory_space<vmem>>
    %dma_wait3A_370 = tpu.memref_squeeze %dma_wait3A_369 : memref<1x128xi32, #tpu.memory_space<vmem>> -> memref<128xi32, #tpu.memory_space<vmem>>
    %dma_wait3A_371 = arith.constant 0 : i32
    %dma_wait3A_372 = arith.constant 0 : i32
    %dma_wait3A_373 = tpu.memref_slice %arg2[%dma_wait3A_371, %dma_wait3A_372] : memref<30848x128xf32, #tpu.memory_space<hbm>> -> memref<30848x128xf32, #tpu.memory_space<hbm>>
    tpu.wait_indirect_dma semaphore(%arg19 : memref<!tpu.dma_semaphore, #tpu.memory_space<semaphore_mem>>) src(%dma_wait3A_373 : memref<30848x128xf32, #tpu.memory_space<hbm>>) dst(%arg14 : memref<128x128xf32, #tpu.memory_space<vmem>>)
    %add3A_374 = arith.constant 1664 : i32
    %add3A_375 = arith.addi %mul3A_2, %add3A_374 : i32
    %dma_start3A_376 = arith.constant 0 : i32
    %dma_start3A_377 = tpu.memref_slice %arg6[%add3A_375, %dma_start3A_376] : memref<262144x128xf32, #tpu.memory_space<hbm>> -> memref<128x128xf32, #tpu.memory_space<hbm>>
    %dma_start3A_378 = arith.constant 0 : i32
    %dma_start3A_379 = tpu.memref_slice %arg6[%add3A_375, %dma_start3A_378] : memref<262144x128xf32, #tpu.memory_space<hbm>> -> memref<128x128xf32, #tpu.memory_space<hbm>>
    tpu.enqueue_dma source(%arg14 : memref<128x128xf32, #tpu.memory_space<vmem>>) target(%dma_start3A_379 : memref<128x128xf32, #tpu.memory_space<hbm>>) target_semaphore(%arg24 : memref<!tpu.dma_semaphore, #tpu.memory_space<semaphore_mem>>)
    %add3A_380 = arith.constant 1536 : i32
    %add3A_381 = arith.addi %mul3A_2, %add3A_380 : i32
    %dma_wait3A_382 = arith.constant 0 : i32
    %dma_wait3A_383 = tpu.memref_slice %arg6[%add3A_381, %dma_wait3A_382] : memref<262144x128xf32, #tpu.memory_space<hbm>> -> memref<128x128xf32, #tpu.memory_space<hbm>>
    %dma_wait3A_384 = arith.constant 0 : i32
    %dma_wait3A_385 = tpu.memref_slice %arg6[%add3A_381, %dma_wait3A_384] : memref<262144x128xf32, #tpu.memory_space<hbm>> -> memref<128x128xf32, #tpu.memory_space<hbm>>
    tpu.wait_dma2 semaphore(%arg23 : memref<!tpu.dma_semaphore, #tpu.memory_space<semaphore_mem>>) src(%arg13 : memref<128x128xf32, #tpu.memory_space<vmem>>) dst(%dma_wait3A_385 : memref<128x128xf32, #tpu.memory_space<hbm>>)
    %dma_start3A_386 = arith.constant 17 : i32
    %dma_start3A_387 = arith.constant 0 : i32
    %dma_start3A_388 = tpu.memref_slice %arg10[%dma_start3A_386, %dma_start3A_387] : memref<64x128xi32, #tpu.memory_space<vmem>> -> memref<1x128xi32, #tpu.memory_space<vmem>>
    %dma_start3A_389 = tpu.memref_squeeze %dma_start3A_388 : memref<1x128xi32, #tpu.memory_space<vmem>> -> memref<128xi32, #tpu.memory_space<vmem>>
    %dma_start3A_390 = arith.constant 0 : i32
    %dma_start3A_391 = arith.constant 0 : i32
    %dma_start3A_392 = tpu.memref_slice %arg2[%dma_start3A_390, %dma_start3A_391] : memref<30848x128xf32, #tpu.memory_space<hbm>> -> memref<30848x128xf32, #tpu.memory_space<hbm>>
    tpu.enqueue_indirect_dma source(%dma_start3A_392 : memref<30848x128xf32, #tpu.memory_space<hbm>>) target(%arg13 : memref<128x128xf32, #tpu.memory_space<vmem>>) offsets(%dma_start3A_389 : memref<128xi32, #tpu.memory_space<vmem>>) semaphore(%arg18 : memref<!tpu.dma_semaphore, #tpu.memory_space<semaphore_mem>>)
    %dma_wait3A_393 = arith.constant 14 : i32
    %dma_wait3A_394 = arith.constant 0 : i32
    %dma_wait3A_395 = tpu.memref_slice %arg10[%dma_wait3A_393, %dma_wait3A_394] : memref<64x128xi32, #tpu.memory_space<vmem>> -> memref<1x128xi32, #tpu.memory_space<vmem>>
    %dma_wait3A_396 = tpu.memref_squeeze %dma_wait3A_395 : memref<1x128xi32, #tpu.memory_space<vmem>> -> memref<128xi32, #tpu.memory_space<vmem>>
    %dma_wait3A_397 = arith.constant 0 : i32
    %dma_wait3A_398 = arith.constant 0 : i32
    %dma_wait3A_399 = tpu.memref_slice %arg2[%dma_wait3A_397, %dma_wait3A_398] : memref<30848x128xf32, #tpu.memory_space<hbm>> -> memref<30848x128xf32, #tpu.memory_space<hbm>>
    tpu.wait_indirect_dma semaphore(%arg20 : memref<!tpu.dma_semaphore, #tpu.memory_space<semaphore_mem>>) src(%dma_wait3A_399 : memref<30848x128xf32, #tpu.memory_space<hbm>>) dst(%arg15 : memref<128x128xf32, #tpu.memory_space<vmem>>)
    %add3A_400 = arith.constant 1792 : i32
    %add3A_401 = arith.addi %mul3A_2, %add3A_400 : i32
    %dma_start3A_402 = arith.constant 0 : i32
    %dma_start3A_403 = tpu.memref_slice %arg6[%add3A_401, %dma_start3A_402] : memref<262144x128xf32, #tpu.memory_space<hbm>> -> memref<128x128xf32, #tpu.memory_space<hbm>>
    %dma_start3A_404 = arith.constant 0 : i32
    %dma_start3A_405 = tpu.memref_slice %arg6[%add3A_401, %dma_start3A_404] : memref<262144x128xf32, #tpu.memory_space<hbm>> -> memref<128x128xf32, #tpu.memory_space<hbm>>
    tpu.enqueue_dma source(%arg15 : memref<128x128xf32, #tpu.memory_space<vmem>>) target(%dma_start3A_405 : memref<128x128xf32, #tpu.memory_space<hbm>>) target_semaphore(%arg25 : memref<!tpu.dma_semaphore, #tpu.memory_space<semaphore_mem>>)
    %add3A_406 = arith.constant 1664 : i32
    %add3A_407 = arith.addi %mul3A_2, %add3A_406 : i32
    %dma_wait3A_408 = arith.constant 0 : i32
    %dma_wait3A_409 = tpu.memref_slice %arg6[%add3A_407, %dma_wait3A_408] : memref<262144x128xf32, #tpu.memory_space<hbm>> -> memref<128x128xf32, #tpu.memory_space<hbm>>
    %dma_wait3A_410 = arith.constant 0 : i32
    %dma_wait3A_411 = tpu.memref_slice %arg6[%add3A_407, %dma_wait3A_410] : memref<262144x128xf32, #tpu.memory_space<hbm>> -> memref<128x128xf32, #tpu.memory_space<hbm>>
    tpu.wait_dma2 semaphore(%arg24 : memref<!tpu.dma_semaphore, #tpu.memory_space<semaphore_mem>>) src(%arg14 : memref<128x128xf32, #tpu.memory_space<vmem>>) dst(%dma_wait3A_411 : memref<128x128xf32, #tpu.memory_space<hbm>>)
    %dma_start3A_412 = arith.constant 18 : i32
    %dma_start3A_413 = arith.constant 0 : i32
    %dma_start3A_414 = tpu.memref_slice %arg10[%dma_start3A_412, %dma_start3A_413] : memref<64x128xi32, #tpu.memory_space<vmem>> -> memref<1x128xi32, #tpu.memory_space<vmem>>
    %dma_start3A_415 = tpu.memref_squeeze %dma_start3A_414 : memref<1x128xi32, #tpu.memory_space<vmem>> -> memref<128xi32, #tpu.memory_space<vmem>>
    %dma_start3A_416 = arith.constant 0 : i32
    %dma_start3A_417 = arith.constant 0 : i32
    %dma_start3A_418 = tpu.memref_slice %arg2[%dma_start3A_416, %dma_start3A_417] : memref<30848x128xf32, #tpu.memory_space<hbm>> -> memref<30848x128xf32, #tpu.memory_space<hbm>>
    tpu.enqueue_indirect_dma source(%dma_start3A_418 : memref<30848x128xf32, #tpu.memory_space<hbm>>) target(%arg14 : memref<128x128xf32, #tpu.memory_space<vmem>>) offsets(%dma_start3A_415 : memref<128xi32, #tpu.memory_space<vmem>>) semaphore(%arg19 : memref<!tpu.dma_semaphore, #tpu.memory_space<semaphore_mem>>)
    %dma_wait3A_419 = arith.constant 15 : i32
    %dma_wait3A_420 = arith.constant 0 : i32
    %dma_wait3A_421 = tpu.memref_slice %arg10[%dma_wait3A_419, %dma_wait3A_420] : memref<64x128xi32, #tpu.memory_space<vmem>> -> memref<1x128xi32, #tpu.memory_space<vmem>>
    %dma_wait3A_422 = tpu.memref_squeeze %dma_wait3A_421 : memref<1x128xi32, #tpu.memory_space<vmem>> -> memref<128xi32, #tpu.memory_space<vmem>>
    %dma_wait3A_423 = arith.constant 0 : i32
    %dma_wait3A_424 = arith.constant 0 : i32
    %dma_wait3A_425 = tpu.memref_slice %arg2[%dma_wait3A_423, %dma_wait3A_424] : memref<30848x128xf32, #tpu.memory_space<hbm>> -> memref<30848x128xf32, #tpu.memory_space<hbm>>
    tpu.wait_indirect_dma semaphore(%arg16 : memref<!tpu.dma_semaphore, #tpu.memory_space<semaphore_mem>>) src(%dma_wait3A_425 : memref<30848x128xf32, #tpu.memory_space<hbm>>) dst(%arg11 : memref<128x128xf32, #tpu.memory_space<vmem>>)
    %add3A_426 = arith.constant 1920 : i32
    %add3A_427 = arith.addi %mul3A_2, %add3A_426 : i32
    %dma_start3A_428 = arith.constant 0 : i32
    %dma_start3A_429 = tpu.memref_slice %arg6[%add3A_427, %dma_start3A_428] : memref<262144x128xf32, #tpu.memory_space<hbm>> -> memref<128x128xf32, #tpu.memory_space<hbm>>
    %dma_start3A_430 = arith.constant 0 : i32
    %dma_start3A_431 = tpu.memref_slice %arg6[%add3A_427, %dma_start3A_430] : memref<262144x128xf32, #tpu.memory_space<hbm>> -> memref<128x128xf32, #tpu.memory_space<hbm>>
    tpu.enqueue_dma source(%arg11 : memref<128x128xf32, #tpu.memory_space<vmem>>) target(%dma_start3A_431 : memref<128x128xf32, #tpu.memory_space<hbm>>) target_semaphore(%arg21 : memref<!tpu.dma_semaphore, #tpu.memory_space<semaphore_mem>>)
    %add3A_432 = arith.constant 1792 : i32
    %add3A_433 = arith.addi %mul3A_2, %add3A_432 : i32
    %dma_wait3A_434 = arith.constant 0 : i32
    %dma_wait3A_435 = tpu.memref_slice %arg6[%add3A_433, %dma_wait3A_434] : memref<262144x128xf32, #tpu.memory_space<hbm>> -> memref<128x128xf32, #tpu.memory_space<hbm>>
    %dma_wait3A_436 = arith.constant 0 : i32
    %dma_wait3A_437 = tpu.memref_slice %arg6[%add3A_433, %dma_wait3A_436] : memref<262144x128xf32, #tpu.memory_space<hbm>> -> memref<128x128xf32, #tpu.memory_space<hbm>>
    tpu.wait_dma2 semaphore(%arg25 : memref<!tpu.dma_semaphore, #tpu.memory_space<semaphore_mem>>) src(%arg15 : memref<128x128xf32, #tpu.memory_space<vmem>>) dst(%dma_wait3A_437 : memref<128x128xf32, #tpu.memory_space<hbm>>)
    %dma_start3A_438 = arith.constant 19 : i32
    %dma_start3A_439 = arith.constant 0 : i32
    %dma_start3A_440 = tpu.memref_slice %arg10[%dma_start3A_438, %dma_start3A_439] : memref<64x128xi32, #tpu.memory_space<vmem>> -> memref<1x128xi32, #tpu.memory_space<vmem>>
    %dma_start3A_441 = tpu.memref_squeeze %dma_start3A_440 : memref<1x128xi32, #tpu.memory_space<vmem>> -> memref<128xi32, #tpu.memory_space<vmem>>
    %dma_start3A_442 = arith.constant 0 : i32
    %dma_start3A_443 = arith.constant 0 : i32
    %dma_start3A_444 = tpu.memref_slice %arg2[%dma_start3A_442, %dma_start3A_443] : memref<30848x128xf32, #tpu.memory_space<hbm>> -> memref<30848x128xf32, #tpu.memory_space<hbm>>
    tpu.enqueue_indirect_dma source(%dma_start3A_444 : memref<30848x128xf32, #tpu.memory_space<hbm>>) target(%arg15 : memref<128x128xf32, #tpu.memory_space<vmem>>) offsets(%dma_start3A_441 : memref<128xi32, #tpu.memory_space<vmem>>) semaphore(%arg20 : memref<!tpu.dma_semaphore, #tpu.memory_space<semaphore_mem>>)
    %dma_wait3A_445 = arith.constant 16 : i32
    %dma_wait3A_446 = arith.constant 0 : i32
    %dma_wait3A_447 = tpu.memref_slice %arg10[%dma_wait3A_445, %dma_wait3A_446] : memref<64x128xi32, #tpu.memory_space<vmem>> -> memref<1x128xi32, #tpu.memory_space<vmem>>
    %dma_wait3A_448 = tpu.memref_squeeze %dma_wait3A_447 : memref<1x128xi32, #tpu.memory_space<vmem>> -> memref<128xi32, #tpu.memory_space<vmem>>
    %dma_wait3A_449 = arith.constant 0 : i32
    %dma_wait3A_450 = arith.constant 0 : i32
    %dma_wait3A_451 = tpu.memref_slice %arg2[%dma_wait3A_449, %dma_wait3A_450] : memref<30848x128xf32, #tpu.memory_space<hbm>> -> memref<30848x128xf32, #tpu.memory_space<hbm>>
    tpu.wait_indirect_dma semaphore(%arg17 : memref<!tpu.dma_semaphore, #tpu.memory_space<semaphore_mem>>) src(%dma_wait3A_451 : memref<30848x128xf32, #tpu.memory_space<hbm>>) dst(%arg12 : memref<128x128xf32, #tpu.memory_space<vmem>>)
    %add3A_452 = arith.constant 2048 : i32
    %add3A_453 = arith.addi %mul3A_2, %add3A_452 : i32
    %dma_start3A_454 = arith.constant 0 : i32
    %dma_start3A_455 = tpu.memref_slice %arg6[%add3A_453, %dma_start3A_454] : memref<262144x128xf32, #tpu.memory_space<hbm>> -> memref<128x128xf32, #tpu.memory_space<hbm>>
    %dma_start3A_456 = arith.constant 0 : i32
    %dma_start3A_457 = tpu.memref_slice %arg6[%add3A_453, %dma_start3A_456] : memref<262144x128xf32, #tpu.memory_space<hbm>> -> memref<128x128xf32, #tpu.memory_space<hbm>>
    tpu.enqueue_dma source(%arg12 : memref<128x128xf32, #tpu.memory_space<vmem>>) target(%dma_start3A_457 : memref<128x128xf32, #tpu.memory_space<hbm>>) target_semaphore(%arg22 : memref<!tpu.dma_semaphore, #tpu.memory_space<semaphore_mem>>)
    %add3A_458 = arith.constant 1920 : i32
    %add3A_459 = arith.addi %mul3A_2, %add3A_458 : i32
    %dma_wait3A_460 = arith.constant 0 : i32
    %dma_wait3A_461 = tpu.memref_slice %arg6[%add3A_459, %dma_wait3A_460] : memref<262144x128xf32, #tpu.memory_space<hbm>> -> memref<128x128xf32, #tpu.memory_space<hbm>>
    %dma_wait3A_462 = arith.constant 0 : i32
    %dma_wait3A_463 = tpu.memref_slice %arg6[%add3A_459, %dma_wait3A_462] : memref<262144x128xf32, #tpu.memory_space<hbm>> -> memref<128x128xf32, #tpu.memory_space<hbm>>
    tpu.wait_dma2 semaphore(%arg21 : memref<!tpu.dma_semaphore, #tpu.memory_space<semaphore_mem>>) src(%arg11 : memref<128x128xf32, #tpu.memory_space<vmem>>) dst(%dma_wait3A_463 : memref<128x128xf32, #tpu.memory_space<hbm>>)
    %dma_start3A_464 = arith.constant 20 : i32
    %dma_start3A_465 = arith.constant 0 : i32
    %dma_start3A_466 = tpu.memref_slice %arg10[%dma_start3A_464, %dma_start3A_465] : memref<64x128xi32, #tpu.memory_space<vmem>> -> memref<1x128xi32, #tpu.memory_space<vmem>>
    %dma_start3A_467 = tpu.memref_squeeze %dma_start3A_466 : memref<1x128xi32, #tpu.memory_space<vmem>> -> memref<128xi32, #tpu.memory_space<vmem>>
    %dma_start3A_468 = arith.constant 0 : i32
    %dma_start3A_469 = arith.constant 0 : i32
    %dma_start3A_470 = tpu.memref_slice %arg2[%dma_start3A_468, %dma_start3A_469] : memref<30848x128xf32, #tpu.memory_space<hbm>> -> memref<30848x128xf32, #tpu.memory_space<hbm>>
    tpu.enqueue_indirect_dma source(%dma_start3A_470 : memref<30848x128xf32, #tpu.memory_space<hbm>>) target(%arg11 : memref<128x128xf32, #tpu.memory_space<vmem>>) offsets(%dma_start3A_467 : memref<128xi32, #tpu.memory_space<vmem>>) semaphore(%arg16 : memref<!tpu.dma_semaphore, #tpu.memory_space<semaphore_mem>>)
    %dma_wait3A_471 = arith.constant 17 : i32
    %dma_wait3A_472 = arith.constant 0 : i32
    %dma_wait3A_473 = tpu.memref_slice %arg10[%dma_wait3A_471, %dma_wait3A_472] : memref<64x128xi32, #tpu.memory_space<vmem>> -> memref<1x128xi32, #tpu.memory_space<vmem>>
    %dma_wait3A_474 = tpu.memref_squeeze %dma_wait3A_473 : memref<1x128xi32, #tpu.memory_space<vmem>> -> memref<128xi32, #tpu.memory_space<vmem>>
    %dma_wait3A_475 = arith.constant 0 : i32
    %dma_wait3A_476 = arith.constant 0 : i32
    %dma_wait3A_477 = tpu.memref_slice %arg2[%dma_wait3A_475, %dma_wait3A_476] : memref<30848x128xf32, #tpu.memory_space<hbm>> -> memref<30848x128xf32, #tpu.memory_space<hbm>>
    tpu.wait_indirect_dma semaphore(%arg18 : memref<!tpu.dma_semaphore, #tpu.memory_space<semaphore_mem>>) src(%dma_wait3A_477 : memref<30848x128xf32, #tpu.memory_space<hbm>>) dst(%arg13 : memref<128x128xf32, #tpu.memory_space<vmem>>)
    %add3A_478 = arith.constant 2176 : i32
    %add3A_479 = arith.addi %mul3A_2, %add3A_478 : i32
    %dma_start3A_480 = arith.constant 0 : i32
    %dma_start3A_481 = tpu.memref_slice %arg6[%add3A_479, %dma_start3A_480] : memref<262144x128xf32, #tpu.memory_space<hbm>> -> memref<128x128xf32, #tpu.memory_space<hbm>>
    %dma_start3A_482 = arith.constant 0 : i32
    %dma_start3A_483 = tpu.memref_slice %arg6[%add3A_479, %dma_start3A_482] : memref<262144x128xf32, #tpu.memory_space<hbm>> -> memref<128x128xf32, #tpu.memory_space<hbm>>
    tpu.enqueue_dma source(%arg13 : memref<128x128xf32, #tpu.memory_space<vmem>>) target(%dma_start3A_483 : memref<128x128xf32, #tpu.memory_space<hbm>>) target_semaphore(%arg23 : memref<!tpu.dma_semaphore, #tpu.memory_space<semaphore_mem>>)
    %add3A_484 = arith.constant 2048 : i32
    %add3A_485 = arith.addi %mul3A_2, %add3A_484 : i32
    %dma_wait3A_486 = arith.constant 0 : i32
    %dma_wait3A_487 = tpu.memref_slice %arg6[%add3A_485, %dma_wait3A_486] : memref<262144x128xf32, #tpu.memory_space<hbm>> -> memref<128x128xf32, #tpu.memory_space<hbm>>
    %dma_wait3A_488 = arith.constant 0 : i32
    %dma_wait3A_489 = tpu.memref_slice %arg6[%add3A_485, %dma_wait3A_488] : memref<262144x128xf32, #tpu.memory_space<hbm>> -> memref<128x128xf32, #tpu.memory_space<hbm>>
    tpu.wait_dma2 semaphore(%arg22 : memref<!tpu.dma_semaphore, #tpu.memory_space<semaphore_mem>>) src(%arg12 : memref<128x128xf32, #tpu.memory_space<vmem>>) dst(%dma_wait3A_489 : memref<128x128xf32, #tpu.memory_space<hbm>>)
    %dma_start3A_490 = arith.constant 21 : i32
    %dma_start3A_491 = arith.constant 0 : i32
    %dma_start3A_492 = tpu.memref_slice %arg10[%dma_start3A_490, %dma_start3A_491] : memref<64x128xi32, #tpu.memory_space<vmem>> -> memref<1x128xi32, #tpu.memory_space<vmem>>
    %dma_start3A_493 = tpu.memref_squeeze %dma_start3A_492 : memref<1x128xi32, #tpu.memory_space<vmem>> -> memref<128xi32, #tpu.memory_space<vmem>>
    %dma_start3A_494 = arith.constant 0 : i32
    %dma_start3A_495 = arith.constant 0 : i32
    %dma_start3A_496 = tpu.memref_slice %arg2[%dma_start3A_494, %dma_start3A_495] : memref<30848x128xf32, #tpu.memory_space<hbm>> -> memref<30848x128xf32, #tpu.memory_space<hbm>>
    tpu.enqueue_indirect_dma source(%dma_start3A_496 : memref<30848x128xf32, #tpu.memory_space<hbm>>) target(%arg12 : memref<128x128xf32, #tpu.memory_space<vmem>>) offsets(%dma_start3A_493 : memref<128xi32, #tpu.memory_space<vmem>>) semaphore(%arg17 : memref<!tpu.dma_semaphore, #tpu.memory_space<semaphore_mem>>)
    %dma_wait3A_497 = arith.constant 18 : i32
    %dma_wait3A_498 = arith.constant 0 : i32
    %dma_wait3A_499 = tpu.memref_slice %arg10[%dma_wait3A_497, %dma_wait3A_498] : memref<64x128xi32, #tpu.memory_space<vmem>> -> memref<1x128xi32, #tpu.memory_space<vmem>>
    %dma_wait3A_500 = tpu.memref_squeeze %dma_wait3A_499 : memref<1x128xi32, #tpu.memory_space<vmem>> -> memref<128xi32, #tpu.memory_space<vmem>>
    %dma_wait3A_501 = arith.constant 0 : i32
    %dma_wait3A_502 = arith.constant 0 : i32
    %dma_wait3A_503 = tpu.memref_slice %arg2[%dma_wait3A_501, %dma_wait3A_502] : memref<30848x128xf32, #tpu.memory_space<hbm>> -> memref<30848x128xf32, #tpu.memory_space<hbm>>
    tpu.wait_indirect_dma semaphore(%arg19 : memref<!tpu.dma_semaphore, #tpu.memory_space<semaphore_mem>>) src(%dma_wait3A_503 : memref<30848x128xf32, #tpu.memory_space<hbm>>) dst(%arg14 : memref<128x128xf32, #tpu.memory_space<vmem>>)
    %add3A_504 = arith.constant 2304 : i32
    %add3A_505 = arith.addi %mul3A_2, %add3A_504 : i32
    %dma_start3A_506 = arith.constant 0 : i32
    %dma_start3A_507 = tpu.memref_slice %arg6[%add3A_505, %dma_start3A_506] : memref<262144x128xf32, #tpu.memory_space<hbm>> -> memref<128x128xf32, #tpu.memory_space<hbm>>
    %dma_start3A_508 = arith.constant 0 : i32
    %dma_start3A_509 = tpu.memref_slice %arg6[%add3A_505, %dma_start3A_508] : memref<262144x128xf32, #tpu.memory_space<hbm>> -> memref<128x128xf32, #tpu.memory_space<hbm>>
    tpu.enqueue_dma source(%arg14 : memref<128x128xf32, #tpu.memory_space<vmem>>) target(%dma_start3A_509 : memref<128x128xf32, #tpu.memory_space<hbm>>) target_semaphore(%arg24 : memref<!tpu.dma_semaphore, #tpu.memory_space<semaphore_mem>>)
    %add3A_510 = arith.constant 2176 : i32
    %add3A_511 = arith.addi %mul3A_2, %add3A_510 : i32
    %dma_wait3A_512 = arith.constant 0 : i32
    %dma_wait3A_513 = tpu.memref_slice %arg6[%add3A_511, %dma_wait3A_512] : memref<262144x128xf32, #tpu.memory_space<hbm>> -> memref<128x128xf32, #tpu.memory_space<hbm>>
    %dma_wait3A_514 = arith.constant 0 : i32
    %dma_wait3A_515 = tpu.memref_slice %arg6[%add3A_511, %dma_wait3A_514] : memref<262144x128xf32, #tpu.memory_space<hbm>> -> memref<128x128xf32, #tpu.memory_space<hbm>>
    tpu.wait_dma2 semaphore(%arg23 : memref<!tpu.dma_semaphore, #tpu.memory_space<semaphore_mem>>) src(%arg13 : memref<128x128xf32, #tpu.memory_space<vmem>>) dst(%dma_wait3A_515 : memref<128x128xf32, #tpu.memory_space<hbm>>)
    %dma_start3A_516 = arith.constant 22 : i32
    %dma_start3A_517 = arith.constant 0 : i32
    %dma_start3A_518 = tpu.memref_slice %arg10[%dma_start3A_516, %dma_start3A_517] : memref<64x128xi32, #tpu.memory_space<vmem>> -> memref<1x128xi32, #tpu.memory_space<vmem>>
    %dma_start3A_519 = tpu.memref_squeeze %dma_start3A_518 : memref<1x128xi32, #tpu.memory_space<vmem>> -> memref<128xi32, #tpu.memory_space<vmem>>
    %dma_start3A_520 = arith.constant 0 : i32
    %dma_start3A_521 = arith.constant 0 : i32
    %dma_start3A_522 = tpu.memref_slice %arg2[%dma_start3A_520, %dma_start3A_521] : memref<30848x128xf32, #tpu.memory_space<hbm>> -> memref<30848x128xf32, #tpu.memory_space<hbm>>
    tpu.enqueue_indirect_dma source(%dma_start3A_522 : memref<30848x128xf32, #tpu.memory_space<hbm>>) target(%arg13 : memref<128x128xf32, #tpu.memory_space<vmem>>) offsets(%dma_start3A_519 : memref<128xi32, #tpu.memory_space<vmem>>) semaphore(%arg18 : memref<!tpu.dma_semaphore, #tpu.memory_space<semaphore_mem>>)
    %dma_wait3A_523 = arith.constant 19 : i32
    %dma_wait3A_524 = arith.constant 0 : i32
    %dma_wait3A_525 = tpu.memref_slice %arg10[%dma_wait3A_523, %dma_wait3A_524] : memref<64x128xi32, #tpu.memory_space<vmem>> -> memref<1x128xi32, #tpu.memory_space<vmem>>
    %dma_wait3A_526 = tpu.memref_squeeze %dma_wait3A_525 : memref<1x128xi32, #tpu.memory_space<vmem>> -> memref<128xi32, #tpu.memory_space<vmem>>
    %dma_wait3A_527 = arith.constant 0 : i32
    %dma_wait3A_528 = arith.constant 0 : i32
    %dma_wait3A_529 = tpu.memref_slice %arg2[%dma_wait3A_527, %dma_wait3A_528] : memref<30848x128xf32, #tpu.memory_space<hbm>> -> memref<30848x128xf32, #tpu.memory_space<hbm>>
    tpu.wait_indirect_dma semaphore(%arg20 : memref<!tpu.dma_semaphore, #tpu.memory_space<semaphore_mem>>) src(%dma_wait3A_529 : memref<30848x128xf32, #tpu.memory_space<hbm>>) dst(%arg15 : memref<128x128xf32, #tpu.memory_space<vmem>>)
    %add3A_530 = arith.constant 2432 : i32
    %add3A_531 = arith.addi %mul3A_2, %add3A_530 : i32
    %dma_start3A_532 = arith.constant 0 : i32
    %dma_start3A_533 = tpu.memref_slice %arg6[%add3A_531, %dma_start3A_532] : memref<262144x128xf32, #tpu.memory_space<hbm>> -> memref<128x128xf32, #tpu.memory_space<hbm>>
    %dma_start3A_534 = arith.constant 0 : i32
    %dma_start3A_535 = tpu.memref_slice %arg6[%add3A_531, %dma_start3A_534] : memref<262144x128xf32, #tpu.memory_space<hbm>> -> memref<128x128xf32, #tpu.memory_space<hbm>>
    tpu.enqueue_dma source(%arg15 : memref<128x128xf32, #tpu.memory_space<vmem>>) target(%dma_start3A_535 : memref<128x128xf32, #tpu.memory_space<hbm>>) target_semaphore(%arg25 : memref<!tpu.dma_semaphore, #tpu.memory_space<semaphore_mem>>)
    %add3A_536 = arith.constant 2304 : i32
    %add3A_537 = arith.addi %mul3A_2, %add3A_536 : i32
    %dma_wait3A_538 = arith.constant 0 : i32
    %dma_wait3A_539 = tpu.memref_slice %arg6[%add3A_537, %dma_wait3A_538] : memref<262144x128xf32, #tpu.memory_space<hbm>> -> memref<128x128xf32, #tpu.memory_space<hbm>>
    %dma_wait3A_540 = arith.constant 0 : i32
    %dma_wait3A_541 = tpu.memref_slice %arg6[%add3A_537, %dma_wait3A_540] : memref<262144x128xf32, #tpu.memory_space<hbm>> -> memref<128x128xf32, #tpu.memory_space<hbm>>
    tpu.wait_dma2 semaphore(%arg24 : memref<!tpu.dma_semaphore, #tpu.memory_space<semaphore_mem>>) src(%arg14 : memref<128x128xf32, #tpu.memory_space<vmem>>) dst(%dma_wait3A_541 : memref<128x128xf32, #tpu.memory_space<hbm>>)
    %dma_start3A_542 = arith.constant 23 : i32
    %dma_start3A_543 = arith.constant 0 : i32
    %dma_start3A_544 = tpu.memref_slice %arg10[%dma_start3A_542, %dma_start3A_543] : memref<64x128xi32, #tpu.memory_space<vmem>> -> memref<1x128xi32, #tpu.memory_space<vmem>>
    %dma_start3A_545 = tpu.memref_squeeze %dma_start3A_544 : memref<1x128xi32, #tpu.memory_space<vmem>> -> memref<128xi32, #tpu.memory_space<vmem>>
    %dma_start3A_546 = arith.constant 0 : i32
    %dma_start3A_547 = arith.constant 0 : i32
    %dma_start3A_548 = tpu.memref_slice %arg2[%dma_start3A_546, %dma_start3A_547] : memref<30848x128xf32, #tpu.memory_space<hbm>> -> memref<30848x128xf32, #tpu.memory_space<hbm>>
    tpu.enqueue_indirect_dma source(%dma_start3A_548 : memref<30848x128xf32, #tpu.memory_space<hbm>>) target(%arg14 : memref<128x128xf32, #tpu.memory_space<vmem>>) offsets(%dma_start3A_545 : memref<128xi32, #tpu.memory_space<vmem>>) semaphore(%arg19 : memref<!tpu.dma_semaphore, #tpu.memory_space<semaphore_mem>>)
    %dma_wait3A_549 = arith.constant 20 : i32
    %dma_wait3A_550 = arith.constant 0 : i32
    %dma_wait3A_551 = tpu.memref_slice %arg10[%dma_wait3A_549, %dma_wait3A_550] : memref<64x128xi32, #tpu.memory_space<vmem>> -> memref<1x128xi32, #tpu.memory_space<vmem>>
    %dma_wait3A_552 = tpu.memref_squeeze %dma_wait3A_551 : memref<1x128xi32, #tpu.memory_space<vmem>> -> memref<128xi32, #tpu.memory_space<vmem>>
    %dma_wait3A_553 = arith.constant 0 : i32
    %dma_wait3A_554 = arith.constant 0 : i32
    %dma_wait3A_555 = tpu.memref_slice %arg2[%dma_wait3A_553, %dma_wait3A_554] : memref<30848x128xf32, #tpu.memory_space<hbm>> -> memref<30848x128xf32, #tpu.memory_space<hbm>>
    tpu.wait_indirect_dma semaphore(%arg16 : memref<!tpu.dma_semaphore, #tpu.memory_space<semaphore_mem>>) src(%dma_wait3A_555 : memref<30848x128xf32, #tpu.memory_space<hbm>>) dst(%arg11 : memref<128x128xf32, #tpu.memory_space<vmem>>)
    %add3A_556 = arith.constant 2560 : i32
    %add3A_557 = arith.addi %mul3A_2, %add3A_556 : i32
    %dma_start3A_558 = arith.constant 0 : i32
    %dma_start3A_559 = tpu.memref_slice %arg6[%add3A_557, %dma_start3A_558] : memref<262144x128xf32, #tpu.memory_space<hbm>> -> memref<128x128xf32, #tpu.memory_space<hbm>>
    %dma_start3A_560 = arith.constant 0 : i32
    %dma_start3A_561 = tpu.memref_slice %arg6[%add3A_557, %dma_start3A_560] : memref<262144x128xf32, #tpu.memory_space<hbm>> -> memref<128x128xf32, #tpu.memory_space<hbm>>
    tpu.enqueue_dma source(%arg11 : memref<128x128xf32, #tpu.memory_space<vmem>>) target(%dma_start3A_561 : memref<128x128xf32, #tpu.memory_space<hbm>>) target_semaphore(%arg21 : memref<!tpu.dma_semaphore, #tpu.memory_space<semaphore_mem>>)
    %add3A_562 = arith.constant 2432 : i32
    %add3A_563 = arith.addi %mul3A_2, %add3A_562 : i32
    %dma_wait3A_564 = arith.constant 0 : i32
    %dma_wait3A_565 = tpu.memref_slice %arg6[%add3A_563, %dma_wait3A_564] : memref<262144x128xf32, #tpu.memory_space<hbm>> -> memref<128x128xf32, #tpu.memory_space<hbm>>
    %dma_wait3A_566 = arith.constant 0 : i32
    %dma_wait3A_567 = tpu.memref_slice %arg6[%add3A_563, %dma_wait3A_566] : memref<262144x128xf32, #tpu.memory_space<hbm>> -> memref<128x128xf32, #tpu.memory_space<hbm>>
    tpu.wait_dma2 semaphore(%arg25 : memref<!tpu.dma_semaphore, #tpu.memory_space<semaphore_mem>>) src(%arg15 : memref<128x128xf32, #tpu.memory_space<vmem>>) dst(%dma_wait3A_567 : memref<128x128xf32, #tpu.memory_space<hbm>>)
    %dma_start3A_568 = arith.constant 24 : i32
    %dma_start3A_569 = arith.constant 0 : i32
    %dma_start3A_570 = tpu.memref_slice %arg10[%dma_start3A_568, %dma_start3A_569] : memref<64x128xi32, #tpu.memory_space<vmem>> -> memref<1x128xi32, #tpu.memory_space<vmem>>
    %dma_start3A_571 = tpu.memref_squeeze %dma_start3A_570 : memref<1x128xi32, #tpu.memory_space<vmem>> -> memref<128xi32, #tpu.memory_space<vmem>>
    %dma_start3A_572 = arith.constant 0 : i32
    %dma_start3A_573 = arith.constant 0 : i32
    %dma_start3A_574 = tpu.memref_slice %arg2[%dma_start3A_572, %dma_start3A_573] : memref<30848x128xf32, #tpu.memory_space<hbm>> -> memref<30848x128xf32, #tpu.memory_space<hbm>>
    tpu.enqueue_indirect_dma source(%dma_start3A_574 : memref<30848x128xf32, #tpu.memory_space<hbm>>) target(%arg15 : memref<128x128xf32, #tpu.memory_space<vmem>>) offsets(%dma_start3A_571 : memref<128xi32, #tpu.memory_space<vmem>>) semaphore(%arg20 : memref<!tpu.dma_semaphore, #tpu.memory_space<semaphore_mem>>)
    %dma_wait3A_575 = arith.constant 21 : i32
    %dma_wait3A_576 = arith.constant 0 : i32
    %dma_wait3A_577 = tpu.memref_slice %arg10[%dma_wait3A_575, %dma_wait3A_576] : memref<64x128xi32, #tpu.memory_space<vmem>> -> memref<1x128xi32, #tpu.memory_space<vmem>>
    %dma_wait3A_578 = tpu.memref_squeeze %dma_wait3A_577 : memref<1x128xi32, #tpu.memory_space<vmem>> -> memref<128xi32, #tpu.memory_space<vmem>>
    %dma_wait3A_579 = arith.constant 0 : i32
    %dma_wait3A_580 = arith.constant 0 : i32
    %dma_wait3A_581 = tpu.memref_slice %arg2[%dma_wait3A_579, %dma_wait3A_580] : memref<30848x128xf32, #tpu.memory_space<hbm>> -> memref<30848x128xf32, #tpu.memory_space<hbm>>
    tpu.wait_indirect_dma semaphore(%arg17 : memref<!tpu.dma_semaphore, #tpu.memory_space<semaphore_mem>>) src(%dma_wait3A_581 : memref<30848x128xf32, #tpu.memory_space<hbm>>) dst(%arg12 : memref<128x128xf32, #tpu.memory_space<vmem>>)
    %add3A_582 = arith.constant 2688 : i32
    %add3A_583 = arith.addi %mul3A_2, %add3A_582 : i32
    %dma_start3A_584 = arith.constant 0 : i32
    %dma_start3A_585 = tpu.memref_slice %arg6[%add3A_583, %dma_start3A_584] : memref<262144x128xf32, #tpu.memory_space<hbm>> -> memref<128x128xf32, #tpu.memory_space<hbm>>
    %dma_start3A_586 = arith.constant 0 : i32
    %dma_start3A_587 = tpu.memref_slice %arg6[%add3A_583, %dma_start3A_586] : memref<262144x128xf32, #tpu.memory_space<hbm>> -> memref<128x128xf32, #tpu.memory_space<hbm>>
    tpu.enqueue_dma source(%arg12 : memref<128x128xf32, #tpu.memory_space<vmem>>) target(%dma_start3A_587 : memref<128x128xf32, #tpu.memory_space<hbm>>) target_semaphore(%arg22 : memref<!tpu.dma_semaphore, #tpu.memory_space<semaphore_mem>>)
    %add3A_588 = arith.constant 2560 : i32
    %add3A_589 = arith.addi %mul3A_2, %add3A_588 : i32
    %dma_wait3A_590 = arith.constant 0 : i32
    %dma_wait3A_591 = tpu.memref_slice %arg6[%add3A_589, %dma_wait3A_590] : memref<262144x128xf32, #tpu.memory_space<hbm>> -> memref<128x128xf32, #tpu.memory_space<hbm>>
    %dma_wait3A_592 = arith.constant 0 : i32
    %dma_wait3A_593 = tpu.memref_slice %arg6[%add3A_589, %dma_wait3A_592] : memref<262144x128xf32, #tpu.memory_space<hbm>> -> memref<128x128xf32, #tpu.memory_space<hbm>>
    tpu.wait_dma2 semaphore(%arg21 : memref<!tpu.dma_semaphore, #tpu.memory_space<semaphore_mem>>) src(%arg11 : memref<128x128xf32, #tpu.memory_space<vmem>>) dst(%dma_wait3A_593 : memref<128x128xf32, #tpu.memory_space<hbm>>)
    %dma_start3A_594 = arith.constant 25 : i32
    %dma_start3A_595 = arith.constant 0 : i32
    %dma_start3A_596 = tpu.memref_slice %arg10[%dma_start3A_594, %dma_start3A_595] : memref<64x128xi32, #tpu.memory_space<vmem>> -> memref<1x128xi32, #tpu.memory_space<vmem>>
    %dma_start3A_597 = tpu.memref_squeeze %dma_start3A_596 : memref<1x128xi32, #tpu.memory_space<vmem>> -> memref<128xi32, #tpu.memory_space<vmem>>
    %dma_start3A_598 = arith.constant 0 : i32
    %dma_start3A_599 = arith.constant 0 : i32
    %dma_start3A_600 = tpu.memref_slice %arg2[%dma_start3A_598, %dma_start3A_599] : memref<30848x128xf32, #tpu.memory_space<hbm>> -> memref<30848x128xf32, #tpu.memory_space<hbm>>
    tpu.enqueue_indirect_dma source(%dma_start3A_600 : memref<30848x128xf32, #tpu.memory_space<hbm>>) target(%arg11 : memref<128x128xf32, #tpu.memory_space<vmem>>) offsets(%dma_start3A_597 : memref<128xi32, #tpu.memory_space<vmem>>) semaphore(%arg16 : memref<!tpu.dma_semaphore, #tpu.memory_space<semaphore_mem>>)
    %dma_wait3A_601 = arith.constant 22 : i32
    %dma_wait3A_602 = arith.constant 0 : i32
    %dma_wait3A_603 = tpu.memref_slice %arg10[%dma_wait3A_601, %dma_wait3A_602] : memref<64x128xi32, #tpu.memory_space<vmem>> -> memref<1x128xi32, #tpu.memory_space<vmem>>
    %dma_wait3A_604 = tpu.memref_squeeze %dma_wait3A_603 : memref<1x128xi32, #tpu.memory_space<vmem>> -> memref<128xi32, #tpu.memory_space<vmem>>
    %dma_wait3A_605 = arith.constant 0 : i32
    %dma_wait3A_606 = arith.constant 0 : i32
    %dma_wait3A_607 = tpu.memref_slice %arg2[%dma_wait3A_605, %dma_wait3A_606] : memref<30848x128xf32, #tpu.memory_space<hbm>> -> memref<30848x128xf32, #tpu.memory_space<hbm>>
    tpu.wait_indirect_dma semaphore(%arg18 : memref<!tpu.dma_semaphore, #tpu.memory_space<semaphore_mem>>) src(%dma_wait3A_607 : memref<30848x128xf32, #tpu.memory_space<hbm>>) dst(%arg13 : memref<128x128xf32, #tpu.memory_space<vmem>>)
    %add3A_608 = arith.constant 2816 : i32
    %add3A_609 = arith.addi %mul3A_2, %add3A_608 : i32
    %dma_start3A_610 = arith.constant 0 : i32
    %dma_start3A_611 = tpu.memref_slice %arg6[%add3A_609, %dma_start3A_610] : memref<262144x128xf32, #tpu.memory_space<hbm>> -> memref<128x128xf32, #tpu.memory_space<hbm>>
    %dma_start3A_612 = arith.constant 0 : i32
    %dma_start3A_613 = tpu.memref_slice %arg6[%add3A_609, %dma_start3A_612] : memref<262144x128xf32, #tpu.memory_space<hbm>> -> memref<128x128xf32, #tpu.memory_space<hbm>>
    tpu.enqueue_dma source(%arg13 : memref<128x128xf32, #tpu.memory_space<vmem>>) target(%dma_start3A_613 : memref<128x128xf32, #tpu.memory_space<hbm>>) target_semaphore(%arg23 : memref<!tpu.dma_semaphore, #tpu.memory_space<semaphore_mem>>)
    %add3A_614 = arith.constant 2688 : i32
    %add3A_615 = arith.addi %mul3A_2, %add3A_614 : i32
    %dma_wait3A_616 = arith.constant 0 : i32
    %dma_wait3A_617 = tpu.memref_slice %arg6[%add3A_615, %dma_wait3A_616] : memref<262144x128xf32, #tpu.memory_space<hbm>> -> memref<128x128xf32, #tpu.memory_space<hbm>>
    %dma_wait3A_618 = arith.constant 0 : i32
    %dma_wait3A_619 = tpu.memref_slice %arg6[%add3A_615, %dma_wait3A_618] : memref<262144x128xf32, #tpu.memory_space<hbm>> -> memref<128x128xf32, #tpu.memory_space<hbm>>
    tpu.wait_dma2 semaphore(%arg22 : memref<!tpu.dma_semaphore, #tpu.memory_space<semaphore_mem>>) src(%arg12 : memref<128x128xf32, #tpu.memory_space<vmem>>) dst(%dma_wait3A_619 : memref<128x128xf32, #tpu.memory_space<hbm>>)
    %dma_start3A_620 = arith.constant 26 : i32
    %dma_start3A_621 = arith.constant 0 : i32
    %dma_start3A_622 = tpu.memref_slice %arg10[%dma_start3A_620, %dma_start3A_621] : memref<64x128xi32, #tpu.memory_space<vmem>> -> memref<1x128xi32, #tpu.memory_space<vmem>>
    %dma_start3A_623 = tpu.memref_squeeze %dma_start3A_622 : memref<1x128xi32, #tpu.memory_space<vmem>> -> memref<128xi32, #tpu.memory_space<vmem>>
    %dma_start3A_624 = arith.constant 0 : i32
    %dma_start3A_625 = arith.constant 0 : i32
    %dma_start3A_626 = tpu.memref_slice %arg2[%dma_start3A_624, %dma_start3A_625] : memref<30848x128xf32, #tpu.memory_space<hbm>> -> memref<30848x128xf32, #tpu.memory_space<hbm>>
    tpu.enqueue_indirect_dma source(%dma_start3A_626 : memref<30848x128xf32, #tpu.memory_space<hbm>>) target(%arg12 : memref<128x128xf32, #tpu.memory_space<vmem>>) offsets(%dma_start3A_623 : memref<128xi32, #tpu.memory_space<vmem>>) semaphore(%arg17 : memref<!tpu.dma_semaphore, #tpu.memory_space<semaphore_mem>>)
    %dma_wait3A_627 = arith.constant 23 : i32
    %dma_wait3A_628 = arith.constant 0 : i32
    %dma_wait3A_629 = tpu.memref_slice %arg10[%dma_wait3A_627, %dma_wait3A_628] : memref<64x128xi32, #tpu.memory_space<vmem>> -> memref<1x128xi32, #tpu.memory_space<vmem>>
    %dma_wait3A_630 = tpu.memref_squeeze %dma_wait3A_629 : memref<1x128xi32, #tpu.memory_space<vmem>> -> memref<128xi32, #tpu.memory_space<vmem>>
    %dma_wait3A_631 = arith.constant 0 : i32
    %dma_wait3A_632 = arith.constant 0 : i32
    %dma_wait3A_633 = tpu.memref_slice %arg2[%dma_wait3A_631, %dma_wait3A_632] : memref<30848x128xf32, #tpu.memory_space<hbm>> -> memref<30848x128xf32, #tpu.memory_space<hbm>>
    tpu.wait_indirect_dma semaphore(%arg19 : memref<!tpu.dma_semaphore, #tpu.memory_space<semaphore_mem>>) src(%dma_wait3A_633 : memref<30848x128xf32, #tpu.memory_space<hbm>>) dst(%arg14 : memref<128x128xf32, #tpu.memory_space<vmem>>)
    %add3A_634 = arith.constant 2944 : i32
    %add3A_635 = arith.addi %mul3A_2, %add3A_634 : i32
    %dma_start3A_636 = arith.constant 0 : i32
    %dma_start3A_637 = tpu.memref_slice %arg6[%add3A_635, %dma_start3A_636] : memref<262144x128xf32, #tpu.memory_space<hbm>> -> memref<128x128xf32, #tpu.memory_space<hbm>>
    %dma_start3A_638 = arith.constant 0 : i32
    %dma_start3A_639 = tpu.memref_slice %arg6[%add3A_635, %dma_start3A_638] : memref<262144x128xf32, #tpu.memory_space<hbm>> -> memref<128x128xf32, #tpu.memory_space<hbm>>
    tpu.enqueue_dma source(%arg14 : memref<128x128xf32, #tpu.memory_space<vmem>>) target(%dma_start3A_639 : memref<128x128xf32, #tpu.memory_space<hbm>>) target_semaphore(%arg24 : memref<!tpu.dma_semaphore, #tpu.memory_space<semaphore_mem>>)
    %add3A_640 = arith.constant 2816 : i32
    %add3A_641 = arith.addi %mul3A_2, %add3A_640 : i32
    %dma_wait3A_642 = arith.constant 0 : i32
    %dma_wait3A_643 = tpu.memref_slice %arg6[%add3A_641, %dma_wait3A_642] : memref<262144x128xf32, #tpu.memory_space<hbm>> -> memref<128x128xf32, #tpu.memory_space<hbm>>
    %dma_wait3A_644 = arith.constant 0 : i32
    %dma_wait3A_645 = tpu.memref_slice %arg6[%add3A_641, %dma_wait3A_644] : memref<262144x128xf32, #tpu.memory_space<hbm>> -> memref<128x128xf32, #tpu.memory_space<hbm>>
    tpu.wait_dma2 semaphore(%arg23 : memref<!tpu.dma_semaphore, #tpu.memory_space<semaphore_mem>>) src(%arg13 : memref<128x128xf32, #tpu.memory_space<vmem>>) dst(%dma_wait3A_645 : memref<128x128xf32, #tpu.memory_space<hbm>>)
    %dma_start3A_646 = arith.constant 27 : i32
    %dma_start3A_647 = arith.constant 0 : i32
    %dma_start3A_648 = tpu.memref_slice %arg10[%dma_start3A_646, %dma_start3A_647] : memref<64x128xi32, #tpu.memory_space<vmem>> -> memref<1x128xi32, #tpu.memory_space<vmem>>
    %dma_start3A_649 = tpu.memref_squeeze %dma_start3A_648 : memref<1x128xi32, #tpu.memory_space<vmem>> -> memref<128xi32, #tpu.memory_space<vmem>>
    %dma_start3A_650 = arith.constant 0 : i32
    %dma_start3A_651 = arith.constant 0 : i32
    %dma_start3A_652 = tpu.memref_slice %arg2[%dma_start3A_650, %dma_start3A_651] : memref<30848x128xf32, #tpu.memory_space<hbm>> -> memref<30848x128xf32, #tpu.memory_space<hbm>>
    tpu.enqueue_indirect_dma source(%dma_start3A_652 : memref<30848x128xf32, #tpu.memory_space<hbm>>) target(%arg13 : memref<128x128xf32, #tpu.memory_space<vmem>>) offsets(%dma_start3A_649 : memref<128xi32, #tpu.memory_space<vmem>>) semaphore(%arg18 : memref<!tpu.dma_semaphore, #tpu.memory_space<semaphore_mem>>)
    %dma_wait3A_653 = arith.constant 24 : i32
    %dma_wait3A_654 = arith.constant 0 : i32
    %dma_wait3A_655 = tpu.memref_slice %arg10[%dma_wait3A_653, %dma_wait3A_654] : memref<64x128xi32, #tpu.memory_space<vmem>> -> memref<1x128xi32, #tpu.memory_space<vmem>>
    %dma_wait3A_656 = tpu.memref_squeeze %dma_wait3A_655 : memref<1x128xi32, #tpu.memory_space<vmem>> -> memref<128xi32, #tpu.memory_space<vmem>>
    %dma_wait3A_657 = arith.constant 0 : i32
    %dma_wait3A_658 = arith.constant 0 : i32
    %dma_wait3A_659 = tpu.memref_slice %arg2[%dma_wait3A_657, %dma_wait3A_658] : memref<30848x128xf32, #tpu.memory_space<hbm>> -> memref<30848x128xf32, #tpu.memory_space<hbm>>
    tpu.wait_indirect_dma semaphore(%arg20 : memref<!tpu.dma_semaphore, #tpu.memory_space<semaphore_mem>>) src(%dma_wait3A_659 : memref<30848x128xf32, #tpu.memory_space<hbm>>) dst(%arg15 : memref<128x128xf32, #tpu.memory_space<vmem>>)
    %add3A_660 = arith.constant 3072 : i32
    %add3A_661 = arith.addi %mul3A_2, %add3A_660 : i32
    %dma_start3A_662 = arith.constant 0 : i32
    %dma_start3A_663 = tpu.memref_slice %arg6[%add3A_661, %dma_start3A_662] : memref<262144x128xf32, #tpu.memory_space<hbm>> -> memref<128x128xf32, #tpu.memory_space<hbm>>
    %dma_start3A_664 = arith.constant 0 : i32
    %dma_start3A_665 = tpu.memref_slice %arg6[%add3A_661, %dma_start3A_664] : memref<262144x128xf32, #tpu.memory_space<hbm>> -> memref<128x128xf32, #tpu.memory_space<hbm>>
    tpu.enqueue_dma source(%arg15 : memref<128x128xf32, #tpu.memory_space<vmem>>) target(%dma_start3A_665 : memref<128x128xf32, #tpu.memory_space<hbm>>) target_semaphore(%arg25 : memref<!tpu.dma_semaphore, #tpu.memory_space<semaphore_mem>>)
    %add3A_666 = arith.constant 2944 : i32
    %add3A_667 = arith.addi %mul3A_2, %add3A_666 : i32
    %dma_wait3A_668 = arith.constant 0 : i32
    %dma_wait3A_669 = tpu.memref_slice %arg6[%add3A_667, %dma_wait3A_668] : memref<262144x128xf32, #tpu.memory_space<hbm>> -> memref<128x128xf32, #tpu.memory_space<hbm>>
    %dma_wait3A_670 = arith.constant 0 : i32
    %dma_wait3A_671 = tpu.memref_slice %arg6[%add3A_667, %dma_wait3A_670] : memref<262144x128xf32, #tpu.memory_space<hbm>> -> memref<128x128xf32, #tpu.memory_space<hbm>>
    tpu.wait_dma2 semaphore(%arg24 : memref<!tpu.dma_semaphore, #tpu.memory_space<semaphore_mem>>) src(%arg14 : memref<128x128xf32, #tpu.memory_space<vmem>>) dst(%dma_wait3A_671 : memref<128x128xf32, #tpu.memory_space<hbm>>)
    %dma_start3A_672 = arith.constant 28 : i32
    %dma_start3A_673 = arith.constant 0 : i32
    %dma_start3A_674 = tpu.memref_slice %arg10[%dma_start3A_672, %dma_start3A_673] : memref<64x128xi32, #tpu.memory_space<vmem>> -> memref<1x128xi32, #tpu.memory_space<vmem>>
    %dma_start3A_675 = tpu.memref_squeeze %dma_start3A_674 : memref<1x128xi32, #tpu.memory_space<vmem>> -> memref<128xi32, #tpu.memory_space<vmem>>
    %dma_start3A_676 = arith.constant 0 : i32
    %dma_start3A_677 = arith.constant 0 : i32
    %dma_start3A_678 = tpu.memref_slice %arg2[%dma_start3A_676, %dma_start3A_677] : memref<30848x128xf32, #tpu.memory_space<hbm>> -> memref<30848x128xf32, #tpu.memory_space<hbm>>
    tpu.enqueue_indirect_dma source(%dma_start3A_678 : memref<30848x128xf32, #tpu.memory_space<hbm>>) target(%arg14 : memref<128x128xf32, #tpu.memory_space<vmem>>) offsets(%dma_start3A_675 : memref<128xi32, #tpu.memory_space<vmem>>) semaphore(%arg19 : memref<!tpu.dma_semaphore, #tpu.memory_space<semaphore_mem>>)
    %dma_wait3A_679 = arith.constant 25 : i32
    %dma_wait3A_680 = arith.constant 0 : i32
    %dma_wait3A_681 = tpu.memref_slice %arg10[%dma_wait3A_679, %dma_wait3A_680] : memref<64x128xi32, #tpu.memory_space<vmem>> -> memref<1x128xi32, #tpu.memory_space<vmem>>
    %dma_wait3A_682 = tpu.memref_squeeze %dma_wait3A_681 : memref<1x128xi32, #tpu.memory_space<vmem>> -> memref<128xi32, #tpu.memory_space<vmem>>
    %dma_wait3A_683 = arith.constant 0 : i32
    %dma_wait3A_684 = arith.constant 0 : i32
    %dma_wait3A_685 = tpu.memref_slice %arg2[%dma_wait3A_683, %dma_wait3A_684] : memref<30848x128xf32, #tpu.memory_space<hbm>> -> memref<30848x128xf32, #tpu.memory_space<hbm>>
    tpu.wait_indirect_dma semaphore(%arg16 : memref<!tpu.dma_semaphore, #tpu.memory_space<semaphore_mem>>) src(%dma_wait3A_685 : memref<30848x128xf32, #tpu.memory_space<hbm>>) dst(%arg11 : memref<128x128xf32, #tpu.memory_space<vmem>>)
    %add3A_686 = arith.constant 3200 : i32
    %add3A_687 = arith.addi %mul3A_2, %add3A_686 : i32
    %dma_start3A_688 = arith.constant 0 : i32
    %dma_start3A_689 = tpu.memref_slice %arg6[%add3A_687, %dma_start3A_688] : memref<262144x128xf32, #tpu.memory_space<hbm>> -> memref<128x128xf32, #tpu.memory_space<hbm>>
    %dma_start3A_690 = arith.constant 0 : i32
    %dma_start3A_691 = tpu.memref_slice %arg6[%add3A_687, %dma_start3A_690] : memref<262144x128xf32, #tpu.memory_space<hbm>> -> memref<128x128xf32, #tpu.memory_space<hbm>>
    tpu.enqueue_dma source(%arg11 : memref<128x128xf32, #tpu.memory_space<vmem>>) target(%dma_start3A_691 : memref<128x128xf32, #tpu.memory_space<hbm>>) target_semaphore(%arg21 : memref<!tpu.dma_semaphore, #tpu.memory_space<semaphore_mem>>)
    %add3A_692 = arith.constant 3072 : i32
    %add3A_693 = arith.addi %mul3A_2, %add3A_692 : i32
    %dma_wait3A_694 = arith.constant 0 : i32
    %dma_wait3A_695 = tpu.memref_slice %arg6[%add3A_693, %dma_wait3A_694] : memref<262144x128xf32, #tpu.memory_space<hbm>> -> memref<128x128xf32, #tpu.memory_space<hbm>>
    %dma_wait3A_696 = arith.constant 0 : i32
    %dma_wait3A_697 = tpu.memref_slice %arg6[%add3A_693, %dma_wait3A_696] : memref<262144x128xf32, #tpu.memory_space<hbm>> -> memref<128x128xf32, #tpu.memory_space<hbm>>
    tpu.wait_dma2 semaphore(%arg25 : memref<!tpu.dma_semaphore, #tpu.memory_space<semaphore_mem>>) src(%arg15 : memref<128x128xf32, #tpu.memory_space<vmem>>) dst(%dma_wait3A_697 : memref<128x128xf32, #tpu.memory_space<hbm>>)
    %dma_start3A_698 = arith.constant 29 : i32
    %dma_start3A_699 = arith.constant 0 : i32
    %dma_start3A_700 = tpu.memref_slice %arg10[%dma_start3A_698, %dma_start3A_699] : memref<64x128xi32, #tpu.memory_space<vmem>> -> memref<1x128xi32, #tpu.memory_space<vmem>>
    %dma_start3A_701 = tpu.memref_squeeze %dma_start3A_700 : memref<1x128xi32, #tpu.memory_space<vmem>> -> memref<128xi32, #tpu.memory_space<vmem>>
    %dma_start3A_702 = arith.constant 0 : i32
    %dma_start3A_703 = arith.constant 0 : i32
    %dma_start3A_704 = tpu.memref_slice %arg2[%dma_start3A_702, %dma_start3A_703] : memref<30848x128xf32, #tpu.memory_space<hbm>> -> memref<30848x128xf32, #tpu.memory_space<hbm>>
    tpu.enqueue_indirect_dma source(%dma_start3A_704 : memref<30848x128xf32, #tpu.memory_space<hbm>>) target(%arg15 : memref<128x128xf32, #tpu.memory_space<vmem>>) offsets(%dma_start3A_701 : memref<128xi32, #tpu.memory_space<vmem>>) semaphore(%arg20 : memref<!tpu.dma_semaphore, #tpu.memory_space<semaphore_mem>>)
    %dma_wait3A_705 = arith.constant 26 : i32
    %dma_wait3A_706 = arith.constant 0 : i32
    %dma_wait3A_707 = tpu.memref_slice %arg10[%dma_wait3A_705, %dma_wait3A_706] : memref<64x128xi32, #tpu.memory_space<vmem>> -> memref<1x128xi32, #tpu.memory_space<vmem>>
    %dma_wait3A_708 = tpu.memref_squeeze %dma_wait3A_707 : memref<1x128xi32, #tpu.memory_space<vmem>> -> memref<128xi32, #tpu.memory_space<vmem>>
    %dma_wait3A_709 = arith.constant 0 : i32
    %dma_wait3A_710 = arith.constant 0 : i32
    %dma_wait3A_711 = tpu.memref_slice %arg2[%dma_wait3A_709, %dma_wait3A_710] : memref<30848x128xf32, #tpu.memory_space<hbm>> -> memref<30848x128xf32, #tpu.memory_space<hbm>>
    tpu.wait_indirect_dma semaphore(%arg17 : memref<!tpu.dma_semaphore, #tpu.memory_space<semaphore_mem>>) src(%dma_wait3A_711 : memref<30848x128xf32, #tpu.memory_space<hbm>>) dst(%arg12 : memref<128x128xf32, #tpu.memory_space<vmem>>)
    %add3A_712 = arith.constant 3328 : i32
    %add3A_713 = arith.addi %mul3A_2, %add3A_712 : i32
    %dma_start3A_714 = arith.constant 0 : i32
    %dma_start3A_715 = tpu.memref_slice %arg6[%add3A_713, %dma_start3A_714] : memref<262144x128xf32, #tpu.memory_space<hbm>> -> memref<128x128xf32, #tpu.memory_space<hbm>>
    %dma_start3A_716 = arith.constant 0 : i32
    %dma_start3A_717 = tpu.memref_slice %arg6[%add3A_713, %dma_start3A_716] : memref<262144x128xf32, #tpu.memory_space<hbm>> -> memref<128x128xf32, #tpu.memory_space<hbm>>
    tpu.enqueue_dma source(%arg12 : memref<128x128xf32, #tpu.memory_space<vmem>>) target(%dma_start3A_717 : memref<128x128xf32, #tpu.memory_space<hbm>>) target_semaphore(%arg22 : memref<!tpu.dma_semaphore, #tpu.memory_space<semaphore_mem>>)
    %add3A_718 = arith.constant 3200 : i32
    %add3A_719 = arith.addi %mul3A_2, %add3A_718 : i32
    %dma_wait3A_720 = arith.constant 0 : i32
    %dma_wait3A_721 = tpu.memref_slice %arg6[%add3A_719, %dma_wait3A_720] : memref<262144x128xf32, #tpu.memory_space<hbm>> -> memref<128x128xf32, #tpu.memory_space<hbm>>
    %dma_wait3A_722 = arith.constant 0 : i32
    %dma_wait3A_723 = tpu.memref_slice %arg6[%add3A_719, %dma_wait3A_722] : memref<262144x128xf32, #tpu.memory_space<hbm>> -> memref<128x128xf32, #tpu.memory_space<hbm>>
    tpu.wait_dma2 semaphore(%arg21 : memref<!tpu.dma_semaphore, #tpu.memory_space<semaphore_mem>>) src(%arg11 : memref<128x128xf32, #tpu.memory_space<vmem>>) dst(%dma_wait3A_723 : memref<128x128xf32, #tpu.memory_space<hbm>>)
    %dma_start3A_724 = arith.constant 30 : i32
    %dma_start3A_725 = arith.constant 0 : i32
    %dma_start3A_726 = tpu.memref_slice %arg10[%dma_start3A_724, %dma_start3A_725] : memref<64x128xi32, #tpu.memory_space<vmem>> -> memref<1x128xi32, #tpu.memory_space<vmem>>
    %dma_start3A_727 = tpu.memref_squeeze %dma_start3A_726 : memref<1x128xi32, #tpu.memory_space<vmem>> -> memref<128xi32, #tpu.memory_space<vmem>>
    %dma_start3A_728 = arith.constant 0 : i32
    %dma_start3A_729 = arith.constant 0 : i32
    %dma_start3A_730 = tpu.memref_slice %arg2[%dma_start3A_728, %dma_start3A_729] : memref<30848x128xf32, #tpu.memory_space<hbm>> -> memref<30848x128xf32, #tpu.memory_space<hbm>>
    tpu.enqueue_indirect_dma source(%dma_start3A_730 : memref<30848x128xf32, #tpu.memory_space<hbm>>) target(%arg11 : memref<128x128xf32, #tpu.memory_space<vmem>>) offsets(%dma_start3A_727 : memref<128xi32, #tpu.memory_space<vmem>>) semaphore(%arg16 : memref<!tpu.dma_semaphore, #tpu.memory_space<semaphore_mem>>)
    %dma_wait3A_731 = arith.constant 27 : i32
    %dma_wait3A_732 = arith.constant 0 : i32
    %dma_wait3A_733 = tpu.memref_slice %arg10[%dma_wait3A_731, %dma_wait3A_732] : memref<64x128xi32, #tpu.memory_space<vmem>> -> memref<1x128xi32, #tpu.memory_space<vmem>>
    %dma_wait3A_734 = tpu.memref_squeeze %dma_wait3A_733 : memref<1x128xi32, #tpu.memory_space<vmem>> -> memref<128xi32, #tpu.memory_space<vmem>>
    %dma_wait3A_735 = arith.constant 0 : i32
    %dma_wait3A_736 = arith.constant 0 : i32
    %dma_wait3A_737 = tpu.memref_slice %arg2[%dma_wait3A_735, %dma_wait3A_736] : memref<30848x128xf32, #tpu.memory_space<hbm>> -> memref<30848x128xf32, #tpu.memory_space<hbm>>
    tpu.wait_indirect_dma semaphore(%arg18 : memref<!tpu.dma_semaphore, #tpu.memory_space<semaphore_mem>>) src(%dma_wait3A_737 : memref<30848x128xf32, #tpu.memory_space<hbm>>) dst(%arg13 : memref<128x128xf32, #tpu.memory_space<vmem>>)
    %add3A_738 = arith.constant 3456 : i32
    %add3A_739 = arith.addi %mul3A_2, %add3A_738 : i32
    %dma_start3A_740 = arith.constant 0 : i32
    %dma_start3A_741 = tpu.memref_slice %arg6[%add3A_739, %dma_start3A_740] : memref<262144x128xf32, #tpu.memory_space<hbm>> -> memref<128x128xf32, #tpu.memory_space<hbm>>
    %dma_start3A_742 = arith.constant 0 : i32
    %dma_start3A_743 = tpu.memref_slice %arg6[%add3A_739, %dma_start3A_742] : memref<262144x128xf32, #tpu.memory_space<hbm>> -> memref<128x128xf32, #tpu.memory_space<hbm>>
    tpu.enqueue_dma source(%arg13 : memref<128x128xf32, #tpu.memory_space<vmem>>) target(%dma_start3A_743 : memref<128x128xf32, #tpu.memory_space<hbm>>) target_semaphore(%arg23 : memref<!tpu.dma_semaphore, #tpu.memory_space<semaphore_mem>>)
    %add3A_744 = arith.constant 3328 : i32
    %add3A_745 = arith.addi %mul3A_2, %add3A_744 : i32
    %dma_wait3A_746 = arith.constant 0 : i32
    %dma_wait3A_747 = tpu.memref_slice %arg6[%add3A_745, %dma_wait3A_746] : memref<262144x128xf32, #tpu.memory_space<hbm>> -> memref<128x128xf32, #tpu.memory_space<hbm>>
    %dma_wait3A_748 = arith.constant 0 : i32
    %dma_wait3A_749 = tpu.memref_slice %arg6[%add3A_745, %dma_wait3A_748] : memref<262144x128xf32, #tpu.memory_space<hbm>> -> memref<128x128xf32, #tpu.memory_space<hbm>>
    tpu.wait_dma2 semaphore(%arg22 : memref<!tpu.dma_semaphore, #tpu.memory_space<semaphore_mem>>) src(%arg12 : memref<128x128xf32, #tpu.memory_space<vmem>>) dst(%dma_wait3A_749 : memref<128x128xf32, #tpu.memory_space<hbm>>)
    %dma_start3A_750 = arith.constant 31 : i32
    %dma_start3A_751 = arith.constant 0 : i32
    %dma_start3A_752 = tpu.memref_slice %arg10[%dma_start3A_750, %dma_start3A_751] : memref<64x128xi32, #tpu.memory_space<vmem>> -> memref<1x128xi32, #tpu.memory_space<vmem>>
    %dma_start3A_753 = tpu.memref_squeeze %dma_start3A_752 : memref<1x128xi32, #tpu.memory_space<vmem>> -> memref<128xi32, #tpu.memory_space<vmem>>
    %dma_start3A_754 = arith.constant 0 : i32
    %dma_start3A_755 = arith.constant 0 : i32
    %dma_start3A_756 = tpu.memref_slice %arg2[%dma_start3A_754, %dma_start3A_755] : memref<30848x128xf32, #tpu.memory_space<hbm>> -> memref<30848x128xf32, #tpu.memory_space<hbm>>
    tpu.enqueue_indirect_dma source(%dma_start3A_756 : memref<30848x128xf32, #tpu.memory_space<hbm>>) target(%arg12 : memref<128x128xf32, #tpu.memory_space<vmem>>) offsets(%dma_start3A_753 : memref<128xi32, #tpu.memory_space<vmem>>) semaphore(%arg17 : memref<!tpu.dma_semaphore, #tpu.memory_space<semaphore_mem>>)
    %dma_wait3A_757 = arith.constant 28 : i32
    %dma_wait3A_758 = arith.constant 0 : i32
    %dma_wait3A_759 = tpu.memref_slice %arg10[%dma_wait3A_757, %dma_wait3A_758] : memref<64x128xi32, #tpu.memory_space<vmem>> -> memref<1x128xi32, #tpu.memory_space<vmem>>
    %dma_wait3A_760 = tpu.memref_squeeze %dma_wait3A_759 : memref<1x128xi32, #tpu.memory_space<vmem>> -> memref<128xi32, #tpu.memory_space<vmem>>
    %dma_wait3A_761 = arith.constant 0 : i32
    %dma_wait3A_762 = arith.constant 0 : i32
    %dma_wait3A_763 = tpu.memref_slice %arg2[%dma_wait3A_761, %dma_wait3A_762] : memref<30848x128xf32, #tpu.memory_space<hbm>> -> memref<30848x128xf32, #tpu.memory_space<hbm>>
    tpu.wait_indirect_dma semaphore(%arg19 : memref<!tpu.dma_semaphore, #tpu.memory_space<semaphore_mem>>) src(%dma_wait3A_763 : memref<30848x128xf32, #tpu.memory_space<hbm>>) dst(%arg14 : memref<128x128xf32, #tpu.memory_space<vmem>>)
    %add3A_764 = arith.constant 3584 : i32
    %add3A_765 = arith.addi %mul3A_2, %add3A_764 : i32
    %dma_start3A_766 = arith.constant 0 : i32
    %dma_start3A_767 = tpu.memref_slice %arg6[%add3A_765, %dma_start3A_766] : memref<262144x128xf32, #tpu.memory_space<hbm>> -> memref<128x128xf32, #tpu.memory_space<hbm>>
    %dma_start3A_768 = arith.constant 0 : i32
    %dma_start3A_769 = tpu.memref_slice %arg6[%add3A_765, %dma_start3A_768] : memref<262144x128xf32, #tpu.memory_space<hbm>> -> memref<128x128xf32, #tpu.memory_space<hbm>>
    tpu.enqueue_dma source(%arg14 : memref<128x128xf32, #tpu.memory_space<vmem>>) target(%dma_start3A_769 : memref<128x128xf32, #tpu.memory_space<hbm>>) target_semaphore(%arg24 : memref<!tpu.dma_semaphore, #tpu.memory_space<semaphore_mem>>)
    %add3A_770 = arith.constant 3456 : i32
    %add3A_771 = arith.addi %mul3A_2, %add3A_770 : i32
    %dma_wait3A_772 = arith.constant 0 : i32
    %dma_wait3A_773 = tpu.memref_slice %arg6[%add3A_771, %dma_wait3A_772] : memref<262144x128xf32, #tpu.memory_space<hbm>> -> memref<128x128xf32, #tpu.memory_space<hbm>>
    %dma_wait3A_774 = arith.constant 0 : i32
    %dma_wait3A_775 = tpu.memref_slice %arg6[%add3A_771, %dma_wait3A_774] : memref<262144x128xf32, #tpu.memory_space<hbm>> -> memref<128x128xf32, #tpu.memory_space<hbm>>
    tpu.wait_dma2 semaphore(%arg23 : memref<!tpu.dma_semaphore, #tpu.memory_space<semaphore_mem>>) src(%arg13 : memref<128x128xf32, #tpu.memory_space<vmem>>) dst(%dma_wait3A_775 : memref<128x128xf32, #tpu.memory_space<hbm>>)
    %dma_start3A_776 = arith.constant 32 : i32
    %dma_start3A_777 = arith.constant 0 : i32
    %dma_start3A_778 = tpu.memref_slice %arg10[%dma_start3A_776, %dma_start3A_777] : memref<64x128xi32, #tpu.memory_space<vmem>> -> memref<1x128xi32, #tpu.memory_space<vmem>>
    %dma_start3A_779 = tpu.memref_squeeze %dma_start3A_778 : memref<1x128xi32, #tpu.memory_space<vmem>> -> memref<128xi32, #tpu.memory_space<vmem>>
    %dma_start3A_780 = arith.constant 0 : i32
    %dma_start3A_781 = arith.constant 0 : i32
    %dma_start3A_782 = tpu.memref_slice %arg2[%dma_start3A_780, %dma_start3A_781] : memref<30848x128xf32, #tpu.memory_space<hbm>> -> memref<30848x128xf32, #tpu.memory_space<hbm>>
    tpu.enqueue_indirect_dma source(%dma_start3A_782 : memref<30848x128xf32, #tpu.memory_space<hbm>>) target(%arg13 : memref<128x128xf32, #tpu.memory_space<vmem>>) offsets(%dma_start3A_779 : memref<128xi32, #tpu.memory_space<vmem>>) semaphore(%arg18 : memref<!tpu.dma_semaphore, #tpu.memory_space<semaphore_mem>>)
    %dma_wait3A_783 = arith.constant 29 : i32
    %dma_wait3A_784 = arith.constant 0 : i32
    %dma_wait3A_785 = tpu.memref_slice %arg10[%dma_wait3A_783, %dma_wait3A_784] : memref<64x128xi32, #tpu.memory_space<vmem>> -> memref<1x128xi32, #tpu.memory_space<vmem>>
    %dma_wait3A_786 = tpu.memref_squeeze %dma_wait3A_785 : memref<1x128xi32, #tpu.memory_space<vmem>> -> memref<128xi32, #tpu.memory_space<vmem>>
    %dma_wait3A_787 = arith.constant 0 : i32
    %dma_wait3A_788 = arith.constant 0 : i32
    %dma_wait3A_789 = tpu.memref_slice %arg2[%dma_wait3A_787, %dma_wait3A_788] : memref<30848x128xf32, #tpu.memory_space<hbm>> -> memref<30848x128xf32, #tpu.memory_space<hbm>>
    tpu.wait_indirect_dma semaphore(%arg20 : memref<!tpu.dma_semaphore, #tpu.memory_space<semaphore_mem>>) src(%dma_wait3A_789 : memref<30848x128xf32, #tpu.memory_space<hbm>>) dst(%arg15 : memref<128x128xf32, #tpu.memory_space<vmem>>)
    %add3A_790 = arith.constant 3712 : i32
    %add3A_791 = arith.addi %mul3A_2, %add3A_790 : i32
    %dma_start3A_792 = arith.constant 0 : i32
    %dma_start3A_793 = tpu.memref_slice %arg6[%add3A_791, %dma_start3A_792] : memref<262144x128xf32, #tpu.memory_space<hbm>> -> memref<128x128xf32, #tpu.memory_space<hbm>>
    %dma_start3A_794 = arith.constant 0 : i32
    %dma_start3A_795 = tpu.memref_slice %arg6[%add3A_791, %dma_start3A_794] : memref<262144x128xf32, #tpu.memory_space<hbm>> -> memref<128x128xf32, #tpu.memory_space<hbm>>
    tpu.enqueue_dma source(%arg15 : memref<128x128xf32, #tpu.memory_space<vmem>>) target(%dma_start3A_795 : memref<128x128xf32, #tpu.memory_space<hbm>>) target_semaphore(%arg25 : memref<!tpu.dma_semaphore, #tpu.memory_space<semaphore_mem>>)
    %add3A_796 = arith.constant 3584 : i32
    %add3A_797 = arith.addi %mul3A_2, %add3A_796 : i32
    %dma_wait3A_798 = arith.constant 0 : i32
    %dma_wait3A_799 = tpu.memref_slice %arg6[%add3A_797, %dma_wait3A_798] : memref<262144x128xf32, #tpu.memory_space<hbm>> -> memref<128x128xf32, #tpu.memory_space<hbm>>
    %dma_wait3A_800 = arith.constant 0 : i32
    %dma_wait3A_801 = tpu.memref_slice %arg6[%add3A_797, %dma_wait3A_800] : memref<262144x128xf32, #tpu.memory_space<hbm>> -> memref<128x128xf32, #tpu.memory_space<hbm>>
    tpu.wait_dma2 semaphore(%arg24 : memref<!tpu.dma_semaphore, #tpu.memory_space<semaphore_mem>>) src(%arg14 : memref<128x128xf32, #tpu.memory_space<vmem>>) dst(%dma_wait3A_801 : memref<128x128xf32, #tpu.memory_space<hbm>>)
    %dma_start3A_802 = arith.constant 33 : i32
    %dma_start3A_803 = arith.constant 0 : i32
    %dma_start3A_804 = tpu.memref_slice %arg10[%dma_start3A_802, %dma_start3A_803] : memref<64x128xi32, #tpu.memory_space<vmem>> -> memref<1x128xi32, #tpu.memory_space<vmem>>
    %dma_start3A_805 = tpu.memref_squeeze %dma_start3A_804 : memref<1x128xi32, #tpu.memory_space<vmem>> -> memref<128xi32, #tpu.memory_space<vmem>>
    %dma_start3A_806 = arith.constant 0 : i32
    %dma_start3A_807 = arith.constant 0 : i32
    %dma_start3A_808 = tpu.memref_slice %arg2[%dma_start3A_806, %dma_start3A_807] : memref<30848x128xf32, #tpu.memory_space<hbm>> -> memref<30848x128xf32, #tpu.memory_space<hbm>>
    tpu.enqueue_indirect_dma source(%dma_start3A_808 : memref<30848x128xf32, #tpu.memory_space<hbm>>) target(%arg14 : memref<128x128xf32, #tpu.memory_space<vmem>>) offsets(%dma_start3A_805 : memref<128xi32, #tpu.memory_space<vmem>>) semaphore(%arg19 : memref<!tpu.dma_semaphore, #tpu.memory_space<semaphore_mem>>)
    %dma_wait3A_809 = arith.constant 30 : i32
    %dma_wait3A_810 = arith.constant 0 : i32
    %dma_wait3A_811 = tpu.memref_slice %arg10[%dma_wait3A_809, %dma_wait3A_810] : memref<64x128xi32, #tpu.memory_space<vmem>> -> memref<1x128xi32, #tpu.memory_space<vmem>>
    %dma_wait3A_812 = tpu.memref_squeeze %dma_wait3A_811 : memref<1x128xi32, #tpu.memory_space<vmem>> -> memref<128xi32, #tpu.memory_space<vmem>>
    %dma_wait3A_813 = arith.constant 0 : i32
    %dma_wait3A_814 = arith.constant 0 : i32
    %dma_wait3A_815 = tpu.memref_slice %arg2[%dma_wait3A_813, %dma_wait3A_814] : memref<30848x128xf32, #tpu.memory_space<hbm>> -> memref<30848x128xf32, #tpu.memory_space<hbm>>
    tpu.wait_indirect_dma semaphore(%arg16 : memref<!tpu.dma_semaphore, #tpu.memory_space<semaphore_mem>>) src(%dma_wait3A_815 : memref<30848x128xf32, #tpu.memory_space<hbm>>) dst(%arg11 : memref<128x128xf32, #tpu.memory_space<vmem>>)
    %add3A_816 = arith.constant 3840 : i32
    %add3A_817 = arith.addi %mul3A_2, %add3A_816 : i32
    %dma_start3A_818 = arith.constant 0 : i32
    %dma_start3A_819 = tpu.memref_slice %arg6[%add3A_817, %dma_start3A_818] : memref<262144x128xf32, #tpu.memory_space<hbm>> -> memref<128x128xf32, #tpu.memory_space<hbm>>
    %dma_start3A_820 = arith.constant 0 : i32
    %dma_start3A_821 = tpu.memref_slice %arg6[%add3A_817, %dma_start3A_820] : memref<262144x128xf32, #tpu.memory_space<hbm>> -> memref<128x128xf32, #tpu.memory_space<hbm>>
    tpu.enqueue_dma source(%arg11 : memref<128x128xf32, #tpu.memory_space<vmem>>) target(%dma_start3A_821 : memref<128x128xf32, #tpu.memory_space<hbm>>) target_semaphore(%arg21 : memref<!tpu.dma_semaphore, #tpu.memory_space<semaphore_mem>>)
    %add3A_822 = arith.constant 3712 : i32
    %add3A_823 = arith.addi %mul3A_2, %add3A_822 : i32
    %dma_wait3A_824 = arith.constant 0 : i32
    %dma_wait3A_825 = tpu.memref_slice %arg6[%add3A_823, %dma_wait3A_824] : memref<262144x128xf32, #tpu.memory_space<hbm>> -> memref<128x128xf32, #tpu.memory_space<hbm>>
    %dma_wait3A_826 = arith.constant 0 : i32
    %dma_wait3A_827 = tpu.memref_slice %arg6[%add3A_823, %dma_wait3A_826] : memref<262144x128xf32, #tpu.memory_space<hbm>> -> memref<128x128xf32, #tpu.memory_space<hbm>>
    tpu.wait_dma2 semaphore(%arg25 : memref<!tpu.dma_semaphore, #tpu.memory_space<semaphore_mem>>) src(%arg15 : memref<128x128xf32, #tpu.memory_space<vmem>>) dst(%dma_wait3A_827 : memref<128x128xf32, #tpu.memory_space<hbm>>)
    %dma_start3A_828 = arith.constant 34 : i32
    %dma_start3A_829 = arith.constant 0 : i32
    %dma_start3A_830 = tpu.memref_slice %arg10[%dma_start3A_828, %dma_start3A_829] : memref<64x128xi32, #tpu.memory_space<vmem>> -> memref<1x128xi32, #tpu.memory_space<vmem>>
    %dma_start3A_831 = tpu.memref_squeeze %dma_start3A_830 : memref<1x128xi32, #tpu.memory_space<vmem>> -> memref<128xi32, #tpu.memory_space<vmem>>
    %dma_start3A_832 = arith.constant 0 : i32
    %dma_start3A_833 = arith.constant 0 : i32
    %dma_start3A_834 = tpu.memref_slice %arg2[%dma_start3A_832, %dma_start3A_833] : memref<30848x128xf32, #tpu.memory_space<hbm>> -> memref<30848x128xf32, #tpu.memory_space<hbm>>
    tpu.enqueue_indirect_dma source(%dma_start3A_834 : memref<30848x128xf32, #tpu.memory_space<hbm>>) target(%arg15 : memref<128x128xf32, #tpu.memory_space<vmem>>) offsets(%dma_start3A_831 : memref<128xi32, #tpu.memory_space<vmem>>) semaphore(%arg20 : memref<!tpu.dma_semaphore, #tpu.memory_space<semaphore_mem>>)
    %dma_wait3A_835 = arith.constant 31 : i32
    %dma_wait3A_836 = arith.constant 0 : i32
    %dma_wait3A_837 = tpu.memref_slice %arg10[%dma_wait3A_835, %dma_wait3A_836] : memref<64x128xi32, #tpu.memory_space<vmem>> -> memref<1x128xi32, #tpu.memory_space<vmem>>
    %dma_wait3A_838 = tpu.memref_squeeze %dma_wait3A_837 : memref<1x128xi32, #tpu.memory_space<vmem>> -> memref<128xi32, #tpu.memory_space<vmem>>
    %dma_wait3A_839 = arith.constant 0 : i32
    %dma_wait3A_840 = arith.constant 0 : i32
    %dma_wait3A_841 = tpu.memref_slice %arg2[%dma_wait3A_839, %dma_wait3A_840] : memref<30848x128xf32, #tpu.memory_space<hbm>> -> memref<30848x128xf32, #tpu.memory_space<hbm>>
    tpu.wait_indirect_dma semaphore(%arg17 : memref<!tpu.dma_semaphore, #tpu.memory_space<semaphore_mem>>) src(%dma_wait3A_841 : memref<30848x128xf32, #tpu.memory_space<hbm>>) dst(%arg12 : memref<128x128xf32, #tpu.memory_space<vmem>>)
    %add3A_842 = arith.constant 3968 : i32
    %add3A_843 = arith.addi %mul3A_2, %add3A_842 : i32
    %dma_start3A_844 = arith.constant 0 : i32
    %dma_start3A_845 = tpu.memref_slice %arg6[%add3A_843, %dma_start3A_844] : memref<262144x128xf32, #tpu.memory_space<hbm>> -> memref<128x128xf32, #tpu.memory_space<hbm>>
    %dma_start3A_846 = arith.constant 0 : i32
    %dma_start3A_847 = tpu.memref_slice %arg6[%add3A_843, %dma_start3A_846] : memref<262144x128xf32, #tpu.memory_space<hbm>> -> memref<128x128xf32, #tpu.memory_space<hbm>>
    tpu.enqueue_dma source(%arg12 : memref<128x128xf32, #tpu.memory_space<vmem>>) target(%dma_start3A_847 : memref<128x128xf32, #tpu.memory_space<hbm>>) target_semaphore(%arg22 : memref<!tpu.dma_semaphore, #tpu.memory_space<semaphore_mem>>)
    %add3A_848 = arith.constant 3840 : i32
    %add3A_849 = arith.addi %mul3A_2, %add3A_848 : i32
    %dma_wait3A_850 = arith.constant 0 : i32
    %dma_wait3A_851 = tpu.memref_slice %arg6[%add3A_849, %dma_wait3A_850] : memref<262144x128xf32, #tpu.memory_space<hbm>> -> memref<128x128xf32, #tpu.memory_space<hbm>>
    %dma_wait3A_852 = arith.constant 0 : i32
    %dma_wait3A_853 = tpu.memref_slice %arg6[%add3A_849, %dma_wait3A_852] : memref<262144x128xf32, #tpu.memory_space<hbm>> -> memref<128x128xf32, #tpu.memory_space<hbm>>
    tpu.wait_dma2 semaphore(%arg21 : memref<!tpu.dma_semaphore, #tpu.memory_space<semaphore_mem>>) src(%arg11 : memref<128x128xf32, #tpu.memory_space<vmem>>) dst(%dma_wait3A_853 : memref<128x128xf32, #tpu.memory_space<hbm>>)
    %dma_start3A_854 = arith.constant 35 : i32
    %dma_start3A_855 = arith.constant 0 : i32
    %dma_start3A_856 = tpu.memref_slice %arg10[%dma_start3A_854, %dma_start3A_855] : memref<64x128xi32, #tpu.memory_space<vmem>> -> memref<1x128xi32, #tpu.memory_space<vmem>>
    %dma_start3A_857 = tpu.memref_squeeze %dma_start3A_856 : memref<1x128xi32, #tpu.memory_space<vmem>> -> memref<128xi32, #tpu.memory_space<vmem>>
    %dma_start3A_858 = arith.constant 0 : i32
    %dma_start3A_859 = arith.constant 0 : i32
    %dma_start3A_860 = tpu.memref_slice %arg2[%dma_start3A_858, %dma_start3A_859] : memref<30848x128xf32, #tpu.memory_space<hbm>> -> memref<30848x128xf32, #tpu.memory_space<hbm>>
    tpu.enqueue_indirect_dma source(%dma_start3A_860 : memref<30848x128xf32, #tpu.memory_space<hbm>>) target(%arg11 : memref<128x128xf32, #tpu.memory_space<vmem>>) offsets(%dma_start3A_857 : memref<128xi32, #tpu.memory_space<vmem>>) semaphore(%arg16 : memref<!tpu.dma_semaphore, #tpu.memory_space<semaphore_mem>>)
    %dma_wait3A_861 = arith.constant 32 : i32
    %dma_wait3A_862 = arith.constant 0 : i32
    %dma_wait3A_863 = tpu.memref_slice %arg10[%dma_wait3A_861, %dma_wait3A_862] : memref<64x128xi32, #tpu.memory_space<vmem>> -> memref<1x128xi32, #tpu.memory_space<vmem>>
    %dma_wait3A_864 = tpu.memref_squeeze %dma_wait3A_863 : memref<1x128xi32, #tpu.memory_space<vmem>> -> memref<128xi32, #tpu.memory_space<vmem>>
    %dma_wait3A_865 = arith.constant 0 : i32
    %dma_wait3A_866 = arith.constant 0 : i32
    %dma_wait3A_867 = tpu.memref_slice %arg2[%dma_wait3A_865, %dma_wait3A_866] : memref<30848x128xf32, #tpu.memory_space<hbm>> -> memref<30848x128xf32, #tpu.memory_space<hbm>>
    tpu.wait_indirect_dma semaphore(%arg18 : memref<!tpu.dma_semaphore, #tpu.memory_space<semaphore_mem>>) src(%dma_wait3A_867 : memref<30848x128xf32, #tpu.memory_space<hbm>>) dst(%arg13 : memref<128x128xf32, #tpu.memory_space<vmem>>)
    %add3A_868 = arith.constant 4096 : i32
    %add3A_869 = arith.addi %mul3A_2, %add3A_868 : i32
    %dma_start3A_870 = arith.constant 0 : i32
    %dma_start3A_871 = tpu.memref_slice %arg6[%add3A_869, %dma_start3A_870] : memref<262144x128xf32, #tpu.memory_space<hbm>> -> memref<128x128xf32, #tpu.memory_space<hbm>>
    %dma_start3A_872 = arith.constant 0 : i32
    %dma_start3A_873 = tpu.memref_slice %arg6[%add3A_869, %dma_start3A_872] : memref<262144x128xf32, #tpu.memory_space<hbm>> -> memref<128x128xf32, #tpu.memory_space<hbm>>
    tpu.enqueue_dma source(%arg13 : memref<128x128xf32, #tpu.memory_space<vmem>>) target(%dma_start3A_873 : memref<128x128xf32, #tpu.memory_space<hbm>>) target_semaphore(%arg23 : memref<!tpu.dma_semaphore, #tpu.memory_space<semaphore_mem>>)
    %add3A_874 = arith.constant 3968 : i32
    %add3A_875 = arith.addi %mul3A_2, %add3A_874 : i32
    %dma_wait3A_876 = arith.constant 0 : i32
    %dma_wait3A_877 = tpu.memref_slice %arg6[%add3A_875, %dma_wait3A_876] : memref<262144x128xf32, #tpu.memory_space<hbm>> -> memref<128x128xf32, #tpu.memory_space<hbm>>
    %dma_wait3A_878 = arith.constant 0 : i32
    %dma_wait3A_879 = tpu.memref_slice %arg6[%add3A_875, %dma_wait3A_878] : memref<262144x128xf32, #tpu.memory_space<hbm>> -> memref<128x128xf32, #tpu.memory_space<hbm>>
    tpu.wait_dma2 semaphore(%arg22 : memref<!tpu.dma_semaphore, #tpu.memory_space<semaphore_mem>>) src(%arg12 : memref<128x128xf32, #tpu.memory_space<vmem>>) dst(%dma_wait3A_879 : memref<128x128xf32, #tpu.memory_space<hbm>>)
    %dma_start3A_880 = arith.constant 36 : i32
    %dma_start3A_881 = arith.constant 0 : i32
    %dma_start3A_882 = tpu.memref_slice %arg10[%dma_start3A_880, %dma_start3A_881] : memref<64x128xi32, #tpu.memory_space<vmem>> -> memref<1x128xi32, #tpu.memory_space<vmem>>
    %dma_start3A_883 = tpu.memref_squeeze %dma_start3A_882 : memref<1x128xi32, #tpu.memory_space<vmem>> -> memref<128xi32, #tpu.memory_space<vmem>>
    %dma_start3A_884 = arith.constant 0 : i32
    %dma_start3A_885 = arith.constant 0 : i32
    %dma_start3A_886 = tpu.memref_slice %arg2[%dma_start3A_884, %dma_start3A_885] : memref<30848x128xf32, #tpu.memory_space<hbm>> -> memref<30848x128xf32, #tpu.memory_space<hbm>>
    tpu.enqueue_indirect_dma source(%dma_start3A_886 : memref<30848x128xf32, #tpu.memory_space<hbm>>) target(%arg12 : memref<128x128xf32, #tpu.memory_space<vmem>>) offsets(%dma_start3A_883 : memref<128xi32, #tpu.memory_space<vmem>>) semaphore(%arg17 : memref<!tpu.dma_semaphore, #tpu.memory_space<semaphore_mem>>)
    %dma_wait3A_887 = arith.constant 33 : i32
    %dma_wait3A_888 = arith.constant 0 : i32
    %dma_wait3A_889 = tpu.memref_slice %arg10[%dma_wait3A_887, %dma_wait3A_888] : memref<64x128xi32, #tpu.memory_space<vmem>> -> memref<1x128xi32, #tpu.memory_space<vmem>>
    %dma_wait3A_890 = tpu.memref_squeeze %dma_wait3A_889 : memref<1x128xi32, #tpu.memory_space<vmem>> -> memref<128xi32, #tpu.memory_space<vmem>>
    %dma_wait3A_891 = arith.constant 0 : i32
    %dma_wait3A_892 = arith.constant 0 : i32
    %dma_wait3A_893 = tpu.memref_slice %arg2[%dma_wait3A_891, %dma_wait3A_892] : memref<30848x128xf32, #tpu.memory_space<hbm>> -> memref<30848x128xf32, #tpu.memory_space<hbm>>
    tpu.wait_indirect_dma semaphore(%arg19 : memref<!tpu.dma_semaphore, #tpu.memory_space<semaphore_mem>>) src(%dma_wait3A_893 : memref<30848x128xf32, #tpu.memory_space<hbm>>) dst(%arg14 : memref<128x128xf32, #tpu.memory_space<vmem>>)
    %add3A_894 = arith.constant 4224 : i32
    %add3A_895 = arith.addi %mul3A_2, %add3A_894 : i32
    %dma_start3A_896 = arith.constant 0 : i32
    %dma_start3A_897 = tpu.memref_slice %arg6[%add3A_895, %dma_start3A_896] : memref<262144x128xf32, #tpu.memory_space<hbm>> -> memref<128x128xf32, #tpu.memory_space<hbm>>
    %dma_start3A_898 = arith.constant 0 : i32
    %dma_start3A_899 = tpu.memref_slice %arg6[%add3A_895, %dma_start3A_898] : memref<262144x128xf32, #tpu.memory_space<hbm>> -> memref<128x128xf32, #tpu.memory_space<hbm>>
    tpu.enqueue_dma source(%arg14 : memref<128x128xf32, #tpu.memory_space<vmem>>) target(%dma_start3A_899 : memref<128x128xf32, #tpu.memory_space<hbm>>) target_semaphore(%arg24 : memref<!tpu.dma_semaphore, #tpu.memory_space<semaphore_mem>>)
    %add3A_900 = arith.constant 4096 : i32
    %add3A_901 = arith.addi %mul3A_2, %add3A_900 : i32
    %dma_wait3A_902 = arith.constant 0 : i32
    %dma_wait3A_903 = tpu.memref_slice %arg6[%add3A_901, %dma_wait3A_902] : memref<262144x128xf32, #tpu.memory_space<hbm>> -> memref<128x128xf32, #tpu.memory_space<hbm>>
    %dma_wait3A_904 = arith.constant 0 : i32
    %dma_wait3A_905 = tpu.memref_slice %arg6[%add3A_901, %dma_wait3A_904] : memref<262144x128xf32, #tpu.memory_space<hbm>> -> memref<128x128xf32, #tpu.memory_space<hbm>>
    tpu.wait_dma2 semaphore(%arg23 : memref<!tpu.dma_semaphore, #tpu.memory_space<semaphore_mem>>) src(%arg13 : memref<128x128xf32, #tpu.memory_space<vmem>>) dst(%dma_wait3A_905 : memref<128x128xf32, #tpu.memory_space<hbm>>)
    %dma_start3A_906 = arith.constant 37 : i32
    %dma_start3A_907 = arith.constant 0 : i32
    %dma_start3A_908 = tpu.memref_slice %arg10[%dma_start3A_906, %dma_start3A_907] : memref<64x128xi32, #tpu.memory_space<vmem>> -> memref<1x128xi32, #tpu.memory_space<vmem>>
    %dma_start3A_909 = tpu.memref_squeeze %dma_start3A_908 : memref<1x128xi32, #tpu.memory_space<vmem>> -> memref<128xi32, #tpu.memory_space<vmem>>
    %dma_start3A_910 = arith.constant 0 : i32
    %dma_start3A_911 = arith.constant 0 : i32
    %dma_start3A_912 = tpu.memref_slice %arg2[%dma_start3A_910, %dma_start3A_911] : memref<30848x128xf32, #tpu.memory_space<hbm>> -> memref<30848x128xf32, #tpu.memory_space<hbm>>
    tpu.enqueue_indirect_dma source(%dma_start3A_912 : memref<30848x128xf32, #tpu.memory_space<hbm>>) target(%arg13 : memref<128x128xf32, #tpu.memory_space<vmem>>) offsets(%dma_start3A_909 : memref<128xi32, #tpu.memory_space<vmem>>) semaphore(%arg18 : memref<!tpu.dma_semaphore, #tpu.memory_space<semaphore_mem>>)
    %dma_wait3A_913 = arith.constant 34 : i32
    %dma_wait3A_914 = arith.constant 0 : i32
    %dma_wait3A_915 = tpu.memref_slice %arg10[%dma_wait3A_913, %dma_wait3A_914] : memref<64x128xi32, #tpu.memory_space<vmem>> -> memref<1x128xi32, #tpu.memory_space<vmem>>
    %dma_wait3A_916 = tpu.memref_squeeze %dma_wait3A_915 : memref<1x128xi32, #tpu.memory_space<vmem>> -> memref<128xi32, #tpu.memory_space<vmem>>
    %dma_wait3A_917 = arith.constant 0 : i32
    %dma_wait3A_918 = arith.constant 0 : i32
    %dma_wait3A_919 = tpu.memref_slice %arg2[%dma_wait3A_917, %dma_wait3A_918] : memref<30848x128xf32, #tpu.memory_space<hbm>> -> memref<30848x128xf32, #tpu.memory_space<hbm>>
    tpu.wait_indirect_dma semaphore(%arg20 : memref<!tpu.dma_semaphore, #tpu.memory_space<semaphore_mem>>) src(%dma_wait3A_919 : memref<30848x128xf32, #tpu.memory_space<hbm>>) dst(%arg15 : memref<128x128xf32, #tpu.memory_space<vmem>>)
    %add3A_920 = arith.constant 4352 : i32
    %add3A_921 = arith.addi %mul3A_2, %add3A_920 : i32
    %dma_start3A_922 = arith.constant 0 : i32
    %dma_start3A_923 = tpu.memref_slice %arg6[%add3A_921, %dma_start3A_922] : memref<262144x128xf32, #tpu.memory_space<hbm>> -> memref<128x128xf32, #tpu.memory_space<hbm>>
    %dma_start3A_924 = arith.constant 0 : i32
    %dma_start3A_925 = tpu.memref_slice %arg6[%add3A_921, %dma_start3A_924] : memref<262144x128xf32, #tpu.memory_space<hbm>> -> memref<128x128xf32, #tpu.memory_space<hbm>>
    tpu.enqueue_dma source(%arg15 : memref<128x128xf32, #tpu.memory_space<vmem>>) target(%dma_start3A_925 : memref<128x128xf32, #tpu.memory_space<hbm>>) target_semaphore(%arg25 : memref<!tpu.dma_semaphore, #tpu.memory_space<semaphore_mem>>)
    %add3A_926 = arith.constant 4224 : i32
    %add3A_927 = arith.addi %mul3A_2, %add3A_926 : i32
    %dma_wait3A_928 = arith.constant 0 : i32
    %dma_wait3A_929 = tpu.memref_slice %arg6[%add3A_927, %dma_wait3A_928] : memref<262144x128xf32, #tpu.memory_space<hbm>> -> memref<128x128xf32, #tpu.memory_space<hbm>>
    %dma_wait3A_930 = arith.constant 0 : i32
    %dma_wait3A_931 = tpu.memref_slice %arg6[%add3A_927, %dma_wait3A_930] : memref<262144x128xf32, #tpu.memory_space<hbm>> -> memref<128x128xf32, #tpu.memory_space<hbm>>
    tpu.wait_dma2 semaphore(%arg24 : memref<!tpu.dma_semaphore, #tpu.memory_space<semaphore_mem>>) src(%arg14 : memref<128x128xf32, #tpu.memory_space<vmem>>) dst(%dma_wait3A_931 : memref<128x128xf32, #tpu.memory_space<hbm>>)
    %dma_start3A_932 = arith.constant 38 : i32
    %dma_start3A_933 = arith.constant 0 : i32
    %dma_start3A_934 = tpu.memref_slice %arg10[%dma_start3A_932, %dma_start3A_933] : memref<64x128xi32, #tpu.memory_space<vmem>> -> memref<1x128xi32, #tpu.memory_space<vmem>>
    %dma_start3A_935 = tpu.memref_squeeze %dma_start3A_934 : memref<1x128xi32, #tpu.memory_space<vmem>> -> memref<128xi32, #tpu.memory_space<vmem>>
    %dma_start3A_936 = arith.constant 0 : i32
    %dma_start3A_937 = arith.constant 0 : i32
    %dma_start3A_938 = tpu.memref_slice %arg2[%dma_start3A_936, %dma_start3A_937] : memref<30848x128xf32, #tpu.memory_space<hbm>> -> memref<30848x128xf32, #tpu.memory_space<hbm>>
    tpu.enqueue_indirect_dma source(%dma_start3A_938 : memref<30848x128xf32, #tpu.memory_space<hbm>>) target(%arg14 : memref<128x128xf32, #tpu.memory_space<vmem>>) offsets(%dma_start3A_935 : memref<128xi32, #tpu.memory_space<vmem>>) semaphore(%arg19 : memref<!tpu.dma_semaphore, #tpu.memory_space<semaphore_mem>>)
    %dma_wait3A_939 = arith.constant 35 : i32
    %dma_wait3A_940 = arith.constant 0 : i32
    %dma_wait3A_941 = tpu.memref_slice %arg10[%dma_wait3A_939, %dma_wait3A_940] : memref<64x128xi32, #tpu.memory_space<vmem>> -> memref<1x128xi32, #tpu.memory_space<vmem>>
    %dma_wait3A_942 = tpu.memref_squeeze %dma_wait3A_941 : memref<1x128xi32, #tpu.memory_space<vmem>> -> memref<128xi32, #tpu.memory_space<vmem>>
    %dma_wait3A_943 = arith.constant 0 : i32
    %dma_wait3A_944 = arith.constant 0 : i32
    %dma_wait3A_945 = tpu.memref_slice %arg2[%dma_wait3A_943, %dma_wait3A_944] : memref<30848x128xf32, #tpu.memory_space<hbm>> -> memref<30848x128xf32, #tpu.memory_space<hbm>>
    tpu.wait_indirect_dma semaphore(%arg16 : memref<!tpu.dma_semaphore, #tpu.memory_space<semaphore_mem>>) src(%dma_wait3A_945 : memref<30848x128xf32, #tpu.memory_space<hbm>>) dst(%arg11 : memref<128x128xf32, #tpu.memory_space<vmem>>)
    %add3A_946 = arith.constant 4480 : i32
    %add3A_947 = arith.addi %mul3A_2, %add3A_946 : i32
    %dma_start3A_948 = arith.constant 0 : i32
    %dma_start3A_949 = tpu.memref_slice %arg6[%add3A_947, %dma_start3A_948] : memref<262144x128xf32, #tpu.memory_space<hbm>> -> memref<128x128xf32, #tpu.memory_space<hbm>>
    %dma_start3A_950 = arith.constant 0 : i32
    %dma_start3A_951 = tpu.memref_slice %arg6[%add3A_947, %dma_start3A_950] : memref<262144x128xf32, #tpu.memory_space<hbm>> -> memref<128x128xf32, #tpu.memory_space<hbm>>
    tpu.enqueue_dma source(%arg11 : memref<128x128xf32, #tpu.memory_space<vmem>>) target(%dma_start3A_951 : memref<128x128xf32, #tpu.memory_space<hbm>>) target_semaphore(%arg21 : memref<!tpu.dma_semaphore, #tpu.memory_space<semaphore_mem>>)
    %add3A_952 = arith.constant 4352 : i32
    %add3A_953 = arith.addi %mul3A_2, %add3A_952 : i32
    %dma_wait3A_954 = arith.constant 0 : i32
    %dma_wait3A_955 = tpu.memref_slice %arg6[%add3A_953, %dma_wait3A_954] : memref<262144x128xf32, #tpu.memory_space<hbm>> -> memref<128x128xf32, #tpu.memory_space<hbm>>
    %dma_wait3A_956 = arith.constant 0 : i32
    %dma_wait3A_957 = tpu.memref_slice %arg6[%add3A_953, %dma_wait3A_956] : memref<262144x128xf32, #tpu.memory_space<hbm>> -> memref<128x128xf32, #tpu.memory_space<hbm>>
    tpu.wait_dma2 semaphore(%arg25 : memref<!tpu.dma_semaphore, #tpu.memory_space<semaphore_mem>>) src(%arg15 : memref<128x128xf32, #tpu.memory_space<vmem>>) dst(%dma_wait3A_957 : memref<128x128xf32, #tpu.memory_space<hbm>>)
    %dma_start3A_958 = arith.constant 39 : i32
    %dma_start3A_959 = arith.constant 0 : i32
    %dma_start3A_960 = tpu.memref_slice %arg10[%dma_start3A_958, %dma_start3A_959] : memref<64x128xi32, #tpu.memory_space<vmem>> -> memref<1x128xi32, #tpu.memory_space<vmem>>
    %dma_start3A_961 = tpu.memref_squeeze %dma_start3A_960 : memref<1x128xi32, #tpu.memory_space<vmem>> -> memref<128xi32, #tpu.memory_space<vmem>>
    %dma_start3A_962 = arith.constant 0 : i32
    %dma_start3A_963 = arith.constant 0 : i32
    %dma_start3A_964 = tpu.memref_slice %arg2[%dma_start3A_962, %dma_start3A_963] : memref<30848x128xf32, #tpu.memory_space<hbm>> -> memref<30848x128xf32, #tpu.memory_space<hbm>>
    tpu.enqueue_indirect_dma source(%dma_start3A_964 : memref<30848x128xf32, #tpu.memory_space<hbm>>) target(%arg15 : memref<128x128xf32, #tpu.memory_space<vmem>>) offsets(%dma_start3A_961 : memref<128xi32, #tpu.memory_space<vmem>>) semaphore(%arg20 : memref<!tpu.dma_semaphore, #tpu.memory_space<semaphore_mem>>)
    %dma_wait3A_965 = arith.constant 36 : i32
    %dma_wait3A_966 = arith.constant 0 : i32
    %dma_wait3A_967 = tpu.memref_slice %arg10[%dma_wait3A_965, %dma_wait3A_966] : memref<64x128xi32, #tpu.memory_space<vmem>> -> memref<1x128xi32, #tpu.memory_space<vmem>>
    %dma_wait3A_968 = tpu.memref_squeeze %dma_wait3A_967 : memref<1x128xi32, #tpu.memory_space<vmem>> -> memref<128xi32, #tpu.memory_space<vmem>>
    %dma_wait3A_969 = arith.constant 0 : i32
    %dma_wait3A_970 = arith.constant 0 : i32
    %dma_wait3A_971 = tpu.memref_slice %arg2[%dma_wait3A_969, %dma_wait3A_970] : memref<30848x128xf32, #tpu.memory_space<hbm>> -> memref<30848x128xf32, #tpu.memory_space<hbm>>
    tpu.wait_indirect_dma semaphore(%arg17 : memref<!tpu.dma_semaphore, #tpu.memory_space<semaphore_mem>>) src(%dma_wait3A_971 : memref<30848x128xf32, #tpu.memory_space<hbm>>) dst(%arg12 : memref<128x128xf32, #tpu.memory_space<vmem>>)
    %add3A_972 = arith.constant 4608 : i32
    %add3A_973 = arith.addi %mul3A_2, %add3A_972 : i32
    %dma_start3A_974 = arith.constant 0 : i32
    %dma_start3A_975 = tpu.memref_slice %arg6[%add3A_973, %dma_start3A_974] : memref<262144x128xf32, #tpu.memory_space<hbm>> -> memref<128x128xf32, #tpu.memory_space<hbm>>
    %dma_start3A_976 = arith.constant 0 : i32
    %dma_start3A_977 = tpu.memref_slice %arg6[%add3A_973, %dma_start3A_976] : memref<262144x128xf32, #tpu.memory_space<hbm>> -> memref<128x128xf32, #tpu.memory_space<hbm>>
    tpu.enqueue_dma source(%arg12 : memref<128x128xf32, #tpu.memory_space<vmem>>) target(%dma_start3A_977 : memref<128x128xf32, #tpu.memory_space<hbm>>) target_semaphore(%arg22 : memref<!tpu.dma_semaphore, #tpu.memory_space<semaphore_mem>>)
    %add3A_978 = arith.constant 4480 : i32
    %add3A_979 = arith.addi %mul3A_2, %add3A_978 : i32
    %dma_wait3A_980 = arith.constant 0 : i32
    %dma_wait3A_981 = tpu.memref_slice %arg6[%add3A_979, %dma_wait3A_980] : memref<262144x128xf32, #tpu.memory_space<hbm>> -> memref<128x128xf32, #tpu.memory_space<hbm>>
    %dma_wait3A_982 = arith.constant 0 : i32
    %dma_wait3A_983 = tpu.memref_slice %arg6[%add3A_979, %dma_wait3A_982] : memref<262144x128xf32, #tpu.memory_space<hbm>> -> memref<128x128xf32, #tpu.memory_space<hbm>>
    tpu.wait_dma2 semaphore(%arg21 : memref<!tpu.dma_semaphore, #tpu.memory_space<semaphore_mem>>) src(%arg11 : memref<128x128xf32, #tpu.memory_space<vmem>>) dst(%dma_wait3A_983 : memref<128x128xf32, #tpu.memory_space<hbm>>)
    %dma_start3A_984 = arith.constant 40 : i32
    %dma_start3A_985 = arith.constant 0 : i32
    %dma_start3A_986 = tpu.memref_slice %arg10[%dma_start3A_984, %dma_start3A_985] : memref<64x128xi32, #tpu.memory_space<vmem>> -> memref<1x128xi32, #tpu.memory_space<vmem>>
    %dma_start3A_987 = tpu.memref_squeeze %dma_start3A_986 : memref<1x128xi32, #tpu.memory_space<vmem>> -> memref<128xi32, #tpu.memory_space<vmem>>
    %dma_start3A_988 = arith.constant 0 : i32
    %dma_start3A_989 = arith.constant 0 : i32
    %dma_start3A_990 = tpu.memref_slice %arg2[%dma_start3A_988, %dma_start3A_989] : memref<30848x128xf32, #tpu.memory_space<hbm>> -> memref<30848x128xf32, #tpu.memory_space<hbm>>
    tpu.enqueue_indirect_dma source(%dma_start3A_990 : memref<30848x128xf32, #tpu.memory_space<hbm>>) target(%arg11 : memref<128x128xf32, #tpu.memory_space<vmem>>) offsets(%dma_start3A_987 : memref<128xi32, #tpu.memory_space<vmem>>) semaphore(%arg16 : memref<!tpu.dma_semaphore, #tpu.memory_space<semaphore_mem>>)
    %dma_wait3A_991 = arith.constant 37 : i32
    %dma_wait3A_992 = arith.constant 0 : i32
    %dma_wait3A_993 = tpu.memref_slice %arg10[%dma_wait3A_991, %dma_wait3A_992] : memref<64x128xi32, #tpu.memory_space<vmem>> -> memref<1x128xi32, #tpu.memory_space<vmem>>
    %dma_wait3A_994 = tpu.memref_squeeze %dma_wait3A_993 : memref<1x128xi32, #tpu.memory_space<vmem>> -> memref<128xi32, #tpu.memory_space<vmem>>
    %dma_wait3A_995 = arith.constant 0 : i32
    %dma_wait3A_996 = arith.constant 0 : i32
    %dma_wait3A_997 = tpu.memref_slice %arg2[%dma_wait3A_995, %dma_wait3A_996] : memref<30848x128xf32, #tpu.memory_space<hbm>> -> memref<30848x128xf32, #tpu.memory_space<hbm>>
    tpu.wait_indirect_dma semaphore(%arg18 : memref<!tpu.dma_semaphore, #tpu.memory_space<semaphore_mem>>) src(%dma_wait3A_997 : memref<30848x128xf32, #tpu.memory_space<hbm>>) dst(%arg13 : memref<128x128xf32, #tpu.memory_space<vmem>>)
    %add3A_998 = arith.constant 4736 : i32
    %add3A_999 = arith.addi %mul3A_2, %add3A_998 : i32
    %dma_start3A_1000 = arith.constant 0 : i32
    %dma_start3A_1001 = tpu.memref_slice %arg6[%add3A_999, %dma_start3A_1000] : memref<262144x128xf32, #tpu.memory_space<hbm>> -> memref<128x128xf32, #tpu.memory_space<hbm>>
    %dma_start3A_1002 = arith.constant 0 : i32
    %dma_start3A_1003 = tpu.memref_slice %arg6[%add3A_999, %dma_start3A_1002] : memref<262144x128xf32, #tpu.memory_space<hbm>> -> memref<128x128xf32, #tpu.memory_space<hbm>>
    tpu.enqueue_dma source(%arg13 : memref<128x128xf32, #tpu.memory_space<vmem>>) target(%dma_start3A_1003 : memref<128x128xf32, #tpu.memory_space<hbm>>) target_semaphore(%arg23 : memref<!tpu.dma_semaphore, #tpu.memory_space<semaphore_mem>>)
    %add3A_1004 = arith.constant 4608 : i32
    %add3A_1005 = arith.addi %mul3A_2, %add3A_1004 : i32
    %dma_wait3A_1006 = arith.constant 0 : i32
    %dma_wait3A_1007 = tpu.memref_slice %arg6[%add3A_1005, %dma_wait3A_1006] : memref<262144x128xf32, #tpu.memory_space<hbm>> -> memref<128x128xf32, #tpu.memory_space<hbm>>
    %dma_wait3A_1008 = arith.constant 0 : i32
    %dma_wait3A_1009 = tpu.memref_slice %arg6[%add3A_1005, %dma_wait3A_1008] : memref<262144x128xf32, #tpu.memory_space<hbm>> -> memref<128x128xf32, #tpu.memory_space<hbm>>
    tpu.wait_dma2 semaphore(%arg22 : memref<!tpu.dma_semaphore, #tpu.memory_space<semaphore_mem>>) src(%arg12 : memref<128x128xf32, #tpu.memory_space<vmem>>) dst(%dma_wait3A_1009 : memref<128x128xf32, #tpu.memory_space<hbm>>)
    %dma_start3A_1010 = arith.constant 41 : i32
    %dma_start3A_1011 = arith.constant 0 : i32
    %dma_start3A_1012 = tpu.memref_slice %arg10[%dma_start3A_1010, %dma_start3A_1011] : memref<64x128xi32, #tpu.memory_space<vmem>> -> memref<1x128xi32, #tpu.memory_space<vmem>>
    %dma_start3A_1013 = tpu.memref_squeeze %dma_start3A_1012 : memref<1x128xi32, #tpu.memory_space<vmem>> -> memref<128xi32, #tpu.memory_space<vmem>>
    %dma_start3A_1014 = arith.constant 0 : i32
    %dma_start3A_1015 = arith.constant 0 : i32
    %dma_start3A_1016 = tpu.memref_slice %arg2[%dma_start3A_1014, %dma_start3A_1015] : memref<30848x128xf32, #tpu.memory_space<hbm>> -> memref<30848x128xf32, #tpu.memory_space<hbm>>
    tpu.enqueue_indirect_dma source(%dma_start3A_1016 : memref<30848x128xf32, #tpu.memory_space<hbm>>) target(%arg12 : memref<128x128xf32, #tpu.memory_space<vmem>>) offsets(%dma_start3A_1013 : memref<128xi32, #tpu.memory_space<vmem>>) semaphore(%arg17 : memref<!tpu.dma_semaphore, #tpu.memory_space<semaphore_mem>>)
    %dma_wait3A_1017 = arith.constant 38 : i32
    %dma_wait3A_1018 = arith.constant 0 : i32
    %dma_wait3A_1019 = tpu.memref_slice %arg10[%dma_wait3A_1017, %dma_wait3A_1018] : memref<64x128xi32, #tpu.memory_space<vmem>> -> memref<1x128xi32, #tpu.memory_space<vmem>>
    %dma_wait3A_1020 = tpu.memref_squeeze %dma_wait3A_1019 : memref<1x128xi32, #tpu.memory_space<vmem>> -> memref<128xi32, #tpu.memory_space<vmem>>
    %dma_wait3A_1021 = arith.constant 0 : i32
    %dma_wait3A_1022 = arith.constant 0 : i32
    %dma_wait3A_1023 = tpu.memref_slice %arg2[%dma_wait3A_1021, %dma_wait3A_1022] : memref<30848x128xf32, #tpu.memory_space<hbm>> -> memref<30848x128xf32, #tpu.memory_space<hbm>>
    tpu.wait_indirect_dma semaphore(%arg19 : memref<!tpu.dma_semaphore, #tpu.memory_space<semaphore_mem>>) src(%dma_wait3A_1023 : memref<30848x128xf32, #tpu.memory_space<hbm>>) dst(%arg14 : memref<128x128xf32, #tpu.memory_space<vmem>>)
    %add3A_1024 = arith.constant 4864 : i32
    %add3A_1025 = arith.addi %mul3A_2, %add3A_1024 : i32
    %dma_start3A_1026 = arith.constant 0 : i32
    %dma_start3A_1027 = tpu.memref_slice %arg6[%add3A_1025, %dma_start3A_1026] : memref<262144x128xf32, #tpu.memory_space<hbm>> -> memref<128x128xf32, #tpu.memory_space<hbm>>
    %dma_start3A_1028 = arith.constant 0 : i32
    %dma_start3A_1029 = tpu.memref_slice %arg6[%add3A_1025, %dma_start3A_1028] : memref<262144x128xf32, #tpu.memory_space<hbm>> -> memref<128x128xf32, #tpu.memory_space<hbm>>
    tpu.enqueue_dma source(%arg14 : memref<128x128xf32, #tpu.memory_space<vmem>>) target(%dma_start3A_1029 : memref<128x128xf32, #tpu.memory_space<hbm>>) target_semaphore(%arg24 : memref<!tpu.dma_semaphore, #tpu.memory_space<semaphore_mem>>)
    %add3A_1030 = arith.constant 4736 : i32
    %add3A_1031 = arith.addi %mul3A_2, %add3A_1030 : i32
    %dma_wait3A_1032 = arith.constant 0 : i32
    %dma_wait3A_1033 = tpu.memref_slice %arg6[%add3A_1031, %dma_wait3A_1032] : memref<262144x128xf32, #tpu.memory_space<hbm>> -> memref<128x128xf32, #tpu.memory_space<hbm>>
    %dma_wait3A_1034 = arith.constant 0 : i32
    %dma_wait3A_1035 = tpu.memref_slice %arg6[%add3A_1031, %dma_wait3A_1034] : memref<262144x128xf32, #tpu.memory_space<hbm>> -> memref<128x128xf32, #tpu.memory_space<hbm>>
    tpu.wait_dma2 semaphore(%arg23 : memref<!tpu.dma_semaphore, #tpu.memory_space<semaphore_mem>>) src(%arg13 : memref<128x128xf32, #tpu.memory_space<vmem>>) dst(%dma_wait3A_1035 : memref<128x128xf32, #tpu.memory_space<hbm>>)
    %dma_start3A_1036 = arith.constant 42 : i32
    %dma_start3A_1037 = arith.constant 0 : i32
    %dma_start3A_1038 = tpu.memref_slice %arg10[%dma_start3A_1036, %dma_start3A_1037] : memref<64x128xi32, #tpu.memory_space<vmem>> -> memref<1x128xi32, #tpu.memory_space<vmem>>
    %dma_start3A_1039 = tpu.memref_squeeze %dma_start3A_1038 : memref<1x128xi32, #tpu.memory_space<vmem>> -> memref<128xi32, #tpu.memory_space<vmem>>
    %dma_start3A_1040 = arith.constant 0 : i32
    %dma_start3A_1041 = arith.constant 0 : i32
    %dma_start3A_1042 = tpu.memref_slice %arg2[%dma_start3A_1040, %dma_start3A_1041] : memref<30848x128xf32, #tpu.memory_space<hbm>> -> memref<30848x128xf32, #tpu.memory_space<hbm>>
    tpu.enqueue_indirect_dma source(%dma_start3A_1042 : memref<30848x128xf32, #tpu.memory_space<hbm>>) target(%arg13 : memref<128x128xf32, #tpu.memory_space<vmem>>) offsets(%dma_start3A_1039 : memref<128xi32, #tpu.memory_space<vmem>>) semaphore(%arg18 : memref<!tpu.dma_semaphore, #tpu.memory_space<semaphore_mem>>)
    %dma_wait3A_1043 = arith.constant 39 : i32
    %dma_wait3A_1044 = arith.constant 0 : i32
    %dma_wait3A_1045 = tpu.memref_slice %arg10[%dma_wait3A_1043, %dma_wait3A_1044] : memref<64x128xi32, #tpu.memory_space<vmem>> -> memref<1x128xi32, #tpu.memory_space<vmem>>
    %dma_wait3A_1046 = tpu.memref_squeeze %dma_wait3A_1045 : memref<1x128xi32, #tpu.memory_space<vmem>> -> memref<128xi32, #tpu.memory_space<vmem>>
    %dma_wait3A_1047 = arith.constant 0 : i32
    %dma_wait3A_1048 = arith.constant 0 : i32
    %dma_wait3A_1049 = tpu.memref_slice %arg2[%dma_wait3A_1047, %dma_wait3A_1048] : memref<30848x128xf32, #tpu.memory_space<hbm>> -> memref<30848x128xf32, #tpu.memory_space<hbm>>
    tpu.wait_indirect_dma semaphore(%arg20 : memref<!tpu.dma_semaphore, #tpu.memory_space<semaphore_mem>>) src(%dma_wait3A_1049 : memref<30848x128xf32, #tpu.memory_space<hbm>>) dst(%arg15 : memref<128x128xf32, #tpu.memory_space<vmem>>)
    %add3A_1050 = arith.constant 4992 : i32
    %add3A_1051 = arith.addi %mul3A_2, %add3A_1050 : i32
    %dma_start3A_1052 = arith.constant 0 : i32
    %dma_start3A_1053 = tpu.memref_slice %arg6[%add3A_1051, %dma_start3A_1052] : memref<262144x128xf32, #tpu.memory_space<hbm>> -> memref<128x128xf32, #tpu.memory_space<hbm>>
    %dma_start3A_1054 = arith.constant 0 : i32
    %dma_start3A_1055 = tpu.memref_slice %arg6[%add3A_1051, %dma_start3A_1054] : memref<262144x128xf32, #tpu.memory_space<hbm>> -> memref<128x128xf32, #tpu.memory_space<hbm>>
    tpu.enqueue_dma source(%arg15 : memref<128x128xf32, #tpu.memory_space<vmem>>) target(%dma_start3A_1055 : memref<128x128xf32, #tpu.memory_space<hbm>>) target_semaphore(%arg25 : memref<!tpu.dma_semaphore, #tpu.memory_space<semaphore_mem>>)
    %add3A_1056 = arith.constant 4864 : i32
    %add3A_1057 = arith.addi %mul3A_2, %add3A_1056 : i32
    %dma_wait3A_1058 = arith.constant 0 : i32
    %dma_wait3A_1059 = tpu.memref_slice %arg6[%add3A_1057, %dma_wait3A_1058] : memref<262144x128xf32, #tpu.memory_space<hbm>> -> memref<128x128xf32, #tpu.memory_space<hbm>>
    %dma_wait3A_1060 = arith.constant 0 : i32
    %dma_wait3A_1061 = tpu.memref_slice %arg6[%add3A_1057, %dma_wait3A_1060] : memref<262144x128xf32, #tpu.memory_space<hbm>> -> memref<128x128xf32, #tpu.memory_space<hbm>>
    tpu.wait_dma2 semaphore(%arg24 : memref<!tpu.dma_semaphore, #tpu.memory_space<semaphore_mem>>) src(%arg14 : memref<128x128xf32, #tpu.memory_space<vmem>>) dst(%dma_wait3A_1061 : memref<128x128xf32, #tpu.memory_space<hbm>>)
    %dma_start3A_1062 = arith.constant 43 : i32
    %dma_start3A_1063 = arith.constant 0 : i32
    %dma_start3A_1064 = tpu.memref_slice %arg10[%dma_start3A_1062, %dma_start3A_1063] : memref<64x128xi32, #tpu.memory_space<vmem>> -> memref<1x128xi32, #tpu.memory_space<vmem>>
    %dma_start3A_1065 = tpu.memref_squeeze %dma_start3A_1064 : memref<1x128xi32, #tpu.memory_space<vmem>> -> memref<128xi32, #tpu.memory_space<vmem>>
    %dma_start3A_1066 = arith.constant 0 : i32
    %dma_start3A_1067 = arith.constant 0 : i32
    %dma_start3A_1068 = tpu.memref_slice %arg2[%dma_start3A_1066, %dma_start3A_1067] : memref<30848x128xf32, #tpu.memory_space<hbm>> -> memref<30848x128xf32, #tpu.memory_space<hbm>>
    tpu.enqueue_indirect_dma source(%dma_start3A_1068 : memref<30848x128xf32, #tpu.memory_space<hbm>>) target(%arg14 : memref<128x128xf32, #tpu.memory_space<vmem>>) offsets(%dma_start3A_1065 : memref<128xi32, #tpu.memory_space<vmem>>) semaphore(%arg19 : memref<!tpu.dma_semaphore, #tpu.memory_space<semaphore_mem>>)
    %dma_wait3A_1069 = arith.constant 40 : i32
    %dma_wait3A_1070 = arith.constant 0 : i32
    %dma_wait3A_1071 = tpu.memref_slice %arg10[%dma_wait3A_1069, %dma_wait3A_1070] : memref<64x128xi32, #tpu.memory_space<vmem>> -> memref<1x128xi32, #tpu.memory_space<vmem>>
    %dma_wait3A_1072 = tpu.memref_squeeze %dma_wait3A_1071 : memref<1x128xi32, #tpu.memory_space<vmem>> -> memref<128xi32, #tpu.memory_space<vmem>>
    %dma_wait3A_1073 = arith.constant 0 : i32
    %dma_wait3A_1074 = arith.constant 0 : i32
    %dma_wait3A_1075 = tpu.memref_slice %arg2[%dma_wait3A_1073, %dma_wait3A_1074] : memref<30848x128xf32, #tpu.memory_space<hbm>> -> memref<30848x128xf32, #tpu.memory_space<hbm>>
    tpu.wait_indirect_dma semaphore(%arg16 : memref<!tpu.dma_semaphore, #tpu.memory_space<semaphore_mem>>) src(%dma_wait3A_1075 : memref<30848x128xf32, #tpu.memory_space<hbm>>) dst(%arg11 : memref<128x128xf32, #tpu.memory_space<vmem>>)
    %add3A_1076 = arith.constant 5120 : i32
    %add3A_1077 = arith.addi %mul3A_2, %add3A_1076 : i32
    %dma_start3A_1078 = arith.constant 0 : i32
    %dma_start3A_1079 = tpu.memref_slice %arg6[%add3A_1077, %dma_start3A_1078] : memref<262144x128xf32, #tpu.memory_space<hbm>> -> memref<128x128xf32, #tpu.memory_space<hbm>>
    %dma_start3A_1080 = arith.constant 0 : i32
    %dma_start3A_1081 = tpu.memref_slice %arg6[%add3A_1077, %dma_start3A_1080] : memref<262144x128xf32, #tpu.memory_space<hbm>> -> memref<128x128xf32, #tpu.memory_space<hbm>>
    tpu.enqueue_dma source(%arg11 : memref<128x128xf32, #tpu.memory_space<vmem>>) target(%dma_start3A_1081 : memref<128x128xf32, #tpu.memory_space<hbm>>) target_semaphore(%arg21 : memref<!tpu.dma_semaphore, #tpu.memory_space<semaphore_mem>>)
    %add3A_1082 = arith.constant 4992 : i32
    %add3A_1083 = arith.addi %mul3A_2, %add3A_1082 : i32
    %dma_wait3A_1084 = arith.constant 0 : i32
    %dma_wait3A_1085 = tpu.memref_slice %arg6[%add3A_1083, %dma_wait3A_1084] : memref<262144x128xf32, #tpu.memory_space<hbm>> -> memref<128x128xf32, #tpu.memory_space<hbm>>
    %dma_wait3A_1086 = arith.constant 0 : i32
    %dma_wait3A_1087 = tpu.memref_slice %arg6[%add3A_1083, %dma_wait3A_1086] : memref<262144x128xf32, #tpu.memory_space<hbm>> -> memref<128x128xf32, #tpu.memory_space<hbm>>
    tpu.wait_dma2 semaphore(%arg25 : memref<!tpu.dma_semaphore, #tpu.memory_space<semaphore_mem>>) src(%arg15 : memref<128x128xf32, #tpu.memory_space<vmem>>) dst(%dma_wait3A_1087 : memref<128x128xf32, #tpu.memory_space<hbm>>)
    %dma_start3A_1088 = arith.constant 44 : i32
    %dma_start3A_1089 = arith.constant 0 : i32
    %dma_start3A_1090 = tpu.memref_slice %arg10[%dma_start3A_1088, %dma_start3A_1089] : memref<64x128xi32, #tpu.memory_space<vmem>> -> memref<1x128xi32, #tpu.memory_space<vmem>>
    %dma_start3A_1091 = tpu.memref_squeeze %dma_start3A_1090 : memref<1x128xi32, #tpu.memory_space<vmem>> -> memref<128xi32, #tpu.memory_space<vmem>>
    %dma_start3A_1092 = arith.constant 0 : i32
    %dma_start3A_1093 = arith.constant 0 : i32
    %dma_start3A_1094 = tpu.memref_slice %arg2[%dma_start3A_1092, %dma_start3A_1093] : memref<30848x128xf32, #tpu.memory_space<hbm>> -> memref<30848x128xf32, #tpu.memory_space<hbm>>
    tpu.enqueue_indirect_dma source(%dma_start3A_1094 : memref<30848x128xf32, #tpu.memory_space<hbm>>) target(%arg15 : memref<128x128xf32, #tpu.memory_space<vmem>>) offsets(%dma_start3A_1091 : memref<128xi32, #tpu.memory_space<vmem>>) semaphore(%arg20 : memref<!tpu.dma_semaphore, #tpu.memory_space<semaphore_mem>>)
    %dma_wait3A_1095 = arith.constant 41 : i32
    %dma_wait3A_1096 = arith.constant 0 : i32
    %dma_wait3A_1097 = tpu.memref_slice %arg10[%dma_wait3A_1095, %dma_wait3A_1096] : memref<64x128xi32, #tpu.memory_space<vmem>> -> memref<1x128xi32, #tpu.memory_space<vmem>>
    %dma_wait3A_1098 = tpu.memref_squeeze %dma_wait3A_1097 : memref<1x128xi32, #tpu.memory_space<vmem>> -> memref<128xi32, #tpu.memory_space<vmem>>
    %dma_wait3A_1099 = arith.constant 0 : i32
    %dma_wait3A_1100 = arith.constant 0 : i32
    %dma_wait3A_1101 = tpu.memref_slice %arg2[%dma_wait3A_1099, %dma_wait3A_1100] : memref<30848x128xf32, #tpu.memory_space<hbm>> -> memref<30848x128xf32, #tpu.memory_space<hbm>>
    tpu.wait_indirect_dma semaphore(%arg17 : memref<!tpu.dma_semaphore, #tpu.memory_space<semaphore_mem>>) src(%dma_wait3A_1101 : memref<30848x128xf32, #tpu.memory_space<hbm>>) dst(%arg12 : memref<128x128xf32, #tpu.memory_space<vmem>>)
    %add3A_1102 = arith.constant 5248 : i32
    %add3A_1103 = arith.addi %mul3A_2, %add3A_1102 : i32
    %dma_start3A_1104 = arith.constant 0 : i32
    %dma_start3A_1105 = tpu.memref_slice %arg6[%add3A_1103, %dma_start3A_1104] : memref<262144x128xf32, #tpu.memory_space<hbm>> -> memref<128x128xf32, #tpu.memory_space<hbm>>
    %dma_start3A_1106 = arith.constant 0 : i32
    %dma_start3A_1107 = tpu.memref_slice %arg6[%add3A_1103, %dma_start3A_1106] : memref<262144x128xf32, #tpu.memory_space<hbm>> -> memref<128x128xf32, #tpu.memory_space<hbm>>
    tpu.enqueue_dma source(%arg12 : memref<128x128xf32, #tpu.memory_space<vmem>>) target(%dma_start3A_1107 : memref<128x128xf32, #tpu.memory_space<hbm>>) target_semaphore(%arg22 : memref<!tpu.dma_semaphore, #tpu.memory_space<semaphore_mem>>)
    %add3A_1108 = arith.constant 5120 : i32
    %add3A_1109 = arith.addi %mul3A_2, %add3A_1108 : i32
    %dma_wait3A_1110 = arith.constant 0 : i32
    %dma_wait3A_1111 = tpu.memref_slice %arg6[%add3A_1109, %dma_wait3A_1110] : memref<262144x128xf32, #tpu.memory_space<hbm>> -> memref<128x128xf32, #tpu.memory_space<hbm>>
    %dma_wait3A_1112 = arith.constant 0 : i32
    %dma_wait3A_1113 = tpu.memref_slice %arg6[%add3A_1109, %dma_wait3A_1112] : memref<262144x128xf32, #tpu.memory_space<hbm>> -> memref<128x128xf32, #tpu.memory_space<hbm>>
    tpu.wait_dma2 semaphore(%arg21 : memref<!tpu.dma_semaphore, #tpu.memory_space<semaphore_mem>>) src(%arg11 : memref<128x128xf32, #tpu.memory_space<vmem>>) dst(%dma_wait3A_1113 : memref<128x128xf32, #tpu.memory_space<hbm>>)
    %dma_start3A_1114 = arith.constant 45 : i32
    %dma_start3A_1115 = arith.constant 0 : i32
    %dma_start3A_1116 = tpu.memref_slice %arg10[%dma_start3A_1114, %dma_start3A_1115] : memref<64x128xi32, #tpu.memory_space<vmem>> -> memref<1x128xi32, #tpu.memory_space<vmem>>
    %dma_start3A_1117 = tpu.memref_squeeze %dma_start3A_1116 : memref<1x128xi32, #tpu.memory_space<vmem>> -> memref<128xi32, #tpu.memory_space<vmem>>
    %dma_start3A_1118 = arith.constant 0 : i32
    %dma_start3A_1119 = arith.constant 0 : i32
    %dma_start3A_1120 = tpu.memref_slice %arg2[%dma_start3A_1118, %dma_start3A_1119] : memref<30848x128xf32, #tpu.memory_space<hbm>> -> memref<30848x128xf32, #tpu.memory_space<hbm>>
    tpu.enqueue_indirect_dma source(%dma_start3A_1120 : memref<30848x128xf32, #tpu.memory_space<hbm>>) target(%arg11 : memref<128x128xf32, #tpu.memory_space<vmem>>) offsets(%dma_start3A_1117 : memref<128xi32, #tpu.memory_space<vmem>>) semaphore(%arg16 : memref<!tpu.dma_semaphore, #tpu.memory_space<semaphore_mem>>)
    %dma_wait3A_1121 = arith.constant 42 : i32
    %dma_wait3A_1122 = arith.constant 0 : i32
    %dma_wait3A_1123 = tpu.memref_slice %arg10[%dma_wait3A_1121, %dma_wait3A_1122] : memref<64x128xi32, #tpu.memory_space<vmem>> -> memref<1x128xi32, #tpu.memory_space<vmem>>
    %dma_wait3A_1124 = tpu.memref_squeeze %dma_wait3A_1123 : memref<1x128xi32, #tpu.memory_space<vmem>> -> memref<128xi32, #tpu.memory_space<vmem>>
    %dma_wait3A_1125 = arith.constant 0 : i32
    %dma_wait3A_1126 = arith.constant 0 : i32
    %dma_wait3A_1127 = tpu.memref_slice %arg2[%dma_wait3A_1125, %dma_wait3A_1126] : memref<30848x128xf32, #tpu.memory_space<hbm>> -> memref<30848x128xf32, #tpu.memory_space<hbm>>
    tpu.wait_indirect_dma semaphore(%arg18 : memref<!tpu.dma_semaphore, #tpu.memory_space<semaphore_mem>>) src(%dma_wait3A_1127 : memref<30848x128xf32, #tpu.memory_space<hbm>>) dst(%arg13 : memref<128x128xf32, #tpu.memory_space<vmem>>)
    %add3A_1128 = arith.constant 5376 : i32
    %add3A_1129 = arith.addi %mul3A_2, %add3A_1128 : i32
    %dma_start3A_1130 = arith.constant 0 : i32
    %dma_start3A_1131 = tpu.memref_slice %arg6[%add3A_1129, %dma_start3A_1130] : memref<262144x128xf32, #tpu.memory_space<hbm>> -> memref<128x128xf32, #tpu.memory_space<hbm>>
    %dma_start3A_1132 = arith.constant 0 : i32
    %dma_start3A_1133 = tpu.memref_slice %arg6[%add3A_1129, %dma_start3A_1132] : memref<262144x128xf32, #tpu.memory_space<hbm>> -> memref<128x128xf32, #tpu.memory_space<hbm>>
    tpu.enqueue_dma source(%arg13 : memref<128x128xf32, #tpu.memory_space<vmem>>) target(%dma_start3A_1133 : memref<128x128xf32, #tpu.memory_space<hbm>>) target_semaphore(%arg23 : memref<!tpu.dma_semaphore, #tpu.memory_space<semaphore_mem>>)
    %add3A_1134 = arith.constant 5248 : i32
    %add3A_1135 = arith.addi %mul3A_2, %add3A_1134 : i32
    %dma_wait3A_1136 = arith.constant 0 : i32
    %dma_wait3A_1137 = tpu.memref_slice %arg6[%add3A_1135, %dma_wait3A_1136] : memref<262144x128xf32, #tpu.memory_space<hbm>> -> memref<128x128xf32, #tpu.memory_space<hbm>>
    %dma_wait3A_1138 = arith.constant 0 : i32
    %dma_wait3A_1139 = tpu.memref_slice %arg6[%add3A_1135, %dma_wait3A_1138] : memref<262144x128xf32, #tpu.memory_space<hbm>> -> memref<128x128xf32, #tpu.memory_space<hbm>>
    tpu.wait_dma2 semaphore(%arg22 : memref<!tpu.dma_semaphore, #tpu.memory_space<semaphore_mem>>) src(%arg12 : memref<128x128xf32, #tpu.memory_space<vmem>>) dst(%dma_wait3A_1139 : memref<128x128xf32, #tpu.memory_space<hbm>>)
    %dma_start3A_1140 = arith.constant 46 : i32
    %dma_start3A_1141 = arith.constant 0 : i32
    %dma_start3A_1142 = tpu.memref_slice %arg10[%dma_start3A_1140, %dma_start3A_1141] : memref<64x128xi32, #tpu.memory_space<vmem>> -> memref<1x128xi32, #tpu.memory_space<vmem>>
    %dma_start3A_1143 = tpu.memref_squeeze %dma_start3A_1142 : memref<1x128xi32, #tpu.memory_space<vmem>> -> memref<128xi32, #tpu.memory_space<vmem>>
    %dma_start3A_1144 = arith.constant 0 : i32
    %dma_start3A_1145 = arith.constant 0 : i32
    %dma_start3A_1146 = tpu.memref_slice %arg2[%dma_start3A_1144, %dma_start3A_1145] : memref<30848x128xf32, #tpu.memory_space<hbm>> -> memref<30848x128xf32, #tpu.memory_space<hbm>>
    tpu.enqueue_indirect_dma source(%dma_start3A_1146 : memref<30848x128xf32, #tpu.memory_space<hbm>>) target(%arg12 : memref<128x128xf32, #tpu.memory_space<vmem>>) offsets(%dma_start3A_1143 : memref<128xi32, #tpu.memory_space<vmem>>) semaphore(%arg17 : memref<!tpu.dma_semaphore, #tpu.memory_space<semaphore_mem>>)
    %dma_wait3A_1147 = arith.constant 43 : i32
    %dma_wait3A_1148 = arith.constant 0 : i32
    %dma_wait3A_1149 = tpu.memref_slice %arg10[%dma_wait3A_1147, %dma_wait3A_1148] : memref<64x128xi32, #tpu.memory_space<vmem>> -> memref<1x128xi32, #tpu.memory_space<vmem>>
    %dma_wait3A_1150 = tpu.memref_squeeze %dma_wait3A_1149 : memref<1x128xi32, #tpu.memory_space<vmem>> -> memref<128xi32, #tpu.memory_space<vmem>>
    %dma_wait3A_1151 = arith.constant 0 : i32
    %dma_wait3A_1152 = arith.constant 0 : i32
    %dma_wait3A_1153 = tpu.memref_slice %arg2[%dma_wait3A_1151, %dma_wait3A_1152] : memref<30848x128xf32, #tpu.memory_space<hbm>> -> memref<30848x128xf32, #tpu.memory_space<hbm>>
    tpu.wait_indirect_dma semaphore(%arg19 : memref<!tpu.dma_semaphore, #tpu.memory_space<semaphore_mem>>) src(%dma_wait3A_1153 : memref<30848x128xf32, #tpu.memory_space<hbm>>) dst(%arg14 : memref<128x128xf32, #tpu.memory_space<vmem>>)
    %add3A_1154 = arith.constant 5504 : i32
    %add3A_1155 = arith.addi %mul3A_2, %add3A_1154 : i32
    %dma_start3A_1156 = arith.constant 0 : i32
    %dma_start3A_1157 = tpu.memref_slice %arg6[%add3A_1155, %dma_start3A_1156] : memref<262144x128xf32, #tpu.memory_space<hbm>> -> memref<128x128xf32, #tpu.memory_space<hbm>>
    %dma_start3A_1158 = arith.constant 0 : i32
    %dma_start3A_1159 = tpu.memref_slice %arg6[%add3A_1155, %dma_start3A_1158] : memref<262144x128xf32, #tpu.memory_space<hbm>> -> memref<128x128xf32, #tpu.memory_space<hbm>>
    tpu.enqueue_dma source(%arg14 : memref<128x128xf32, #tpu.memory_space<vmem>>) target(%dma_start3A_1159 : memref<128x128xf32, #tpu.memory_space<hbm>>) target_semaphore(%arg24 : memref<!tpu.dma_semaphore, #tpu.memory_space<semaphore_mem>>)
    %add3A_1160 = arith.constant 5376 : i32
    %add3A_1161 = arith.addi %mul3A_2, %add3A_1160 : i32
    %dma_wait3A_1162 = arith.constant 0 : i32
    %dma_wait3A_1163 = tpu.memref_slice %arg6[%add3A_1161, %dma_wait3A_1162] : memref<262144x128xf32, #tpu.memory_space<hbm>> -> memref<128x128xf32, #tpu.memory_space<hbm>>
    %dma_wait3A_1164 = arith.constant 0 : i32
    %dma_wait3A_1165 = tpu.memref_slice %arg6[%add3A_1161, %dma_wait3A_1164] : memref<262144x128xf32, #tpu.memory_space<hbm>> -> memref<128x128xf32, #tpu.memory_space<hbm>>
    tpu.wait_dma2 semaphore(%arg23 : memref<!tpu.dma_semaphore, #tpu.memory_space<semaphore_mem>>) src(%arg13 : memref<128x128xf32, #tpu.memory_space<vmem>>) dst(%dma_wait3A_1165 : memref<128x128xf32, #tpu.memory_space<hbm>>)
    %dma_start3A_1166 = arith.constant 47 : i32
    %dma_start3A_1167 = arith.constant 0 : i32
    %dma_start3A_1168 = tpu.memref_slice %arg10[%dma_start3A_1166, %dma_start3A_1167] : memref<64x128xi32, #tpu.memory_space<vmem>> -> memref<1x128xi32, #tpu.memory_space<vmem>>
    %dma_start3A_1169 = tpu.memref_squeeze %dma_start3A_1168 : memref<1x128xi32, #tpu.memory_space<vmem>> -> memref<128xi32, #tpu.memory_space<vmem>>
    %dma_start3A_1170 = arith.constant 0 : i32
    %dma_start3A_1171 = arith.constant 0 : i32
    %dma_start3A_1172 = tpu.memref_slice %arg2[%dma_start3A_1170, %dma_start3A_1171] : memref<30848x128xf32, #tpu.memory_space<hbm>> -> memref<30848x128xf32, #tpu.memory_space<hbm>>
    tpu.enqueue_indirect_dma source(%dma_start3A_1172 : memref<30848x128xf32, #tpu.memory_space<hbm>>) target(%arg13 : memref<128x128xf32, #tpu.memory_space<vmem>>) offsets(%dma_start3A_1169 : memref<128xi32, #tpu.memory_space<vmem>>) semaphore(%arg18 : memref<!tpu.dma_semaphore, #tpu.memory_space<semaphore_mem>>)
    %dma_wait3A_1173 = arith.constant 44 : i32
    %dma_wait3A_1174 = arith.constant 0 : i32
    %dma_wait3A_1175 = tpu.memref_slice %arg10[%dma_wait3A_1173, %dma_wait3A_1174] : memref<64x128xi32, #tpu.memory_space<vmem>> -> memref<1x128xi32, #tpu.memory_space<vmem>>
    %dma_wait3A_1176 = tpu.memref_squeeze %dma_wait3A_1175 : memref<1x128xi32, #tpu.memory_space<vmem>> -> memref<128xi32, #tpu.memory_space<vmem>>
    %dma_wait3A_1177 = arith.constant 0 : i32
    %dma_wait3A_1178 = arith.constant 0 : i32
    %dma_wait3A_1179 = tpu.memref_slice %arg2[%dma_wait3A_1177, %dma_wait3A_1178] : memref<30848x128xf32, #tpu.memory_space<hbm>> -> memref<30848x128xf32, #tpu.memory_space<hbm>>
    tpu.wait_indirect_dma semaphore(%arg20 : memref<!tpu.dma_semaphore, #tpu.memory_space<semaphore_mem>>) src(%dma_wait3A_1179 : memref<30848x128xf32, #tpu.memory_space<hbm>>) dst(%arg15 : memref<128x128xf32, #tpu.memory_space<vmem>>)
    %add3A_1180 = arith.constant 5632 : i32
    %add3A_1181 = arith.addi %mul3A_2, %add3A_1180 : i32
    %dma_start3A_1182 = arith.constant 0 : i32
    %dma_start3A_1183 = tpu.memref_slice %arg6[%add3A_1181, %dma_start3A_1182] : memref<262144x128xf32, #tpu.memory_space<hbm>> -> memref<128x128xf32, #tpu.memory_space<hbm>>
    %dma_start3A_1184 = arith.constant 0 : i32
    %dma_start3A_1185 = tpu.memref_slice %arg6[%add3A_1181, %dma_start3A_1184] : memref<262144x128xf32, #tpu.memory_space<hbm>> -> memref<128x128xf32, #tpu.memory_space<hbm>>
    tpu.enqueue_dma source(%arg15 : memref<128x128xf32, #tpu.memory_space<vmem>>) target(%dma_start3A_1185 : memref<128x128xf32, #tpu.memory_space<hbm>>) target_semaphore(%arg25 : memref<!tpu.dma_semaphore, #tpu.memory_space<semaphore_mem>>)
    %add3A_1186 = arith.constant 5504 : i32
    %add3A_1187 = arith.addi %mul3A_2, %add3A_1186 : i32
    %dma_wait3A_1188 = arith.constant 0 : i32
    %dma_wait3A_1189 = tpu.memref_slice %arg6[%add3A_1187, %dma_wait3A_1188] : memref<262144x128xf32, #tpu.memory_space<hbm>> -> memref<128x128xf32, #tpu.memory_space<hbm>>
    %dma_wait3A_1190 = arith.constant 0 : i32
    %dma_wait3A_1191 = tpu.memref_slice %arg6[%add3A_1187, %dma_wait3A_1190] : memref<262144x128xf32, #tpu.memory_space<hbm>> -> memref<128x128xf32, #tpu.memory_space<hbm>>
    tpu.wait_dma2 semaphore(%arg24 : memref<!tpu.dma_semaphore, #tpu.memory_space<semaphore_mem>>) src(%arg14 : memref<128x128xf32, #tpu.memory_space<vmem>>) dst(%dma_wait3A_1191 : memref<128x128xf32, #tpu.memory_space<hbm>>)
    %dma_start3A_1192 = arith.constant 48 : i32
    %dma_start3A_1193 = arith.constant 0 : i32
    %dma_start3A_1194 = tpu.memref_slice %arg10[%dma_start3A_1192, %dma_start3A_1193] : memref<64x128xi32, #tpu.memory_space<vmem>> -> memref<1x128xi32, #tpu.memory_space<vmem>>
    %dma_start3A_1195 = tpu.memref_squeeze %dma_start3A_1194 : memref<1x128xi32, #tpu.memory_space<vmem>> -> memref<128xi32, #tpu.memory_space<vmem>>
    %dma_start3A_1196 = arith.constant 0 : i32
    %dma_start3A_1197 = arith.constant 0 : i32
    %dma_start3A_1198 = tpu.memref_slice %arg2[%dma_start3A_1196, %dma_start3A_1197] : memref<30848x128xf32, #tpu.memory_space<hbm>> -> memref<30848x128xf32, #tpu.memory_space<hbm>>
    tpu.enqueue_indirect_dma source(%dma_start3A_1198 : memref<30848x128xf32, #tpu.memory_space<hbm>>) target(%arg14 : memref<128x128xf32, #tpu.memory_space<vmem>>) offsets(%dma_start3A_1195 : memref<128xi32, #tpu.memory_space<vmem>>) semaphore(%arg19 : memref<!tpu.dma_semaphore, #tpu.memory_space<semaphore_mem>>)
    %dma_wait3A_1199 = arith.constant 45 : i32
    %dma_wait3A_1200 = arith.constant 0 : i32
    %dma_wait3A_1201 = tpu.memref_slice %arg10[%dma_wait3A_1199, %dma_wait3A_1200] : memref<64x128xi32, #tpu.memory_space<vmem>> -> memref<1x128xi32, #tpu.memory_space<vmem>>
    %dma_wait3A_1202 = tpu.memref_squeeze %dma_wait3A_1201 : memref<1x128xi32, #tpu.memory_space<vmem>> -> memref<128xi32, #tpu.memory_space<vmem>>
    %dma_wait3A_1203 = arith.constant 0 : i32
    %dma_wait3A_1204 = arith.constant 0 : i32
    %dma_wait3A_1205 = tpu.memref_slice %arg2[%dma_wait3A_1203, %dma_wait3A_1204] : memref<30848x128xf32, #tpu.memory_space<hbm>> -> memref<30848x128xf32, #tpu.memory_space<hbm>>
    tpu.wait_indirect_dma semaphore(%arg16 : memref<!tpu.dma_semaphore, #tpu.memory_space<semaphore_mem>>) src(%dma_wait3A_1205 : memref<30848x128xf32, #tpu.memory_space<hbm>>) dst(%arg11 : memref<128x128xf32, #tpu.memory_space<vmem>>)
    %add3A_1206 = arith.constant 5760 : i32
    %add3A_1207 = arith.addi %mul3A_2, %add3A_1206 : i32
    %dma_start3A_1208 = arith.constant 0 : i32
    %dma_start3A_1209 = tpu.memref_slice %arg6[%add3A_1207, %dma_start3A_1208] : memref<262144x128xf32, #tpu.memory_space<hbm>> -> memref<128x128xf32, #tpu.memory_space<hbm>>
    %dma_start3A_1210 = arith.constant 0 : i32
    %dma_start3A_1211 = tpu.memref_slice %arg6[%add3A_1207, %dma_start3A_1210] : memref<262144x128xf32, #tpu.memory_space<hbm>> -> memref<128x128xf32, #tpu.memory_space<hbm>>
    tpu.enqueue_dma source(%arg11 : memref<128x128xf32, #tpu.memory_space<vmem>>) target(%dma_start3A_1211 : memref<128x128xf32, #tpu.memory_space<hbm>>) target_semaphore(%arg21 : memref<!tpu.dma_semaphore, #tpu.memory_space<semaphore_mem>>)
    %add3A_1212 = arith.constant 5632 : i32
    %add3A_1213 = arith.addi %mul3A_2, %add3A_1212 : i32
    %dma_wait3A_1214 = arith.constant 0 : i32
    %dma_wait3A_1215 = tpu.memref_slice %arg6[%add3A_1213, %dma_wait3A_1214] : memref<262144x128xf32, #tpu.memory_space<hbm>> -> memref<128x128xf32, #tpu.memory_space<hbm>>
    %dma_wait3A_1216 = arith.constant 0 : i32
    %dma_wait3A_1217 = tpu.memref_slice %arg6[%add3A_1213, %dma_wait3A_1216] : memref<262144x128xf32, #tpu.memory_space<hbm>> -> memref<128x128xf32, #tpu.memory_space<hbm>>
    tpu.wait_dma2 semaphore(%arg25 : memref<!tpu.dma_semaphore, #tpu.memory_space<semaphore_mem>>) src(%arg15 : memref<128x128xf32, #tpu.memory_space<vmem>>) dst(%dma_wait3A_1217 : memref<128x128xf32, #tpu.memory_space<hbm>>)
    %dma_start3A_1218 = arith.constant 49 : i32
    %dma_start3A_1219 = arith.constant 0 : i32
    %dma_start3A_1220 = tpu.memref_slice %arg10[%dma_start3A_1218, %dma_start3A_1219] : memref<64x128xi32, #tpu.memory_space<vmem>> -> memref<1x128xi32, #tpu.memory_space<vmem>>
    %dma_start3A_1221 = tpu.memref_squeeze %dma_start3A_1220 : memref<1x128xi32, #tpu.memory_space<vmem>> -> memref<128xi32, #tpu.memory_space<vmem>>
    %dma_start3A_1222 = arith.constant 0 : i32
    %dma_start3A_1223 = arith.constant 0 : i32
    %dma_start3A_1224 = tpu.memref_slice %arg2[%dma_start3A_1222, %dma_start3A_1223] : memref<30848x128xf32, #tpu.memory_space<hbm>> -> memref<30848x128xf32, #tpu.memory_space<hbm>>
    tpu.enqueue_indirect_dma source(%dma_start3A_1224 : memref<30848x128xf32, #tpu.memory_space<hbm>>) target(%arg15 : memref<128x128xf32, #tpu.memory_space<vmem>>) offsets(%dma_start3A_1221 : memref<128xi32, #tpu.memory_space<vmem>>) semaphore(%arg20 : memref<!tpu.dma_semaphore, #tpu.memory_space<semaphore_mem>>)
    %dma_wait3A_1225 = arith.constant 46 : i32
    %dma_wait3A_1226 = arith.constant 0 : i32
    %dma_wait3A_1227 = tpu.memref_slice %arg10[%dma_wait3A_1225, %dma_wait3A_1226] : memref<64x128xi32, #tpu.memory_space<vmem>> -> memref<1x128xi32, #tpu.memory_space<vmem>>
    %dma_wait3A_1228 = tpu.memref_squeeze %dma_wait3A_1227 : memref<1x128xi32, #tpu.memory_space<vmem>> -> memref<128xi32, #tpu.memory_space<vmem>>
    %dma_wait3A_1229 = arith.constant 0 : i32
    %dma_wait3A_1230 = arith.constant 0 : i32
    %dma_wait3A_1231 = tpu.memref_slice %arg2[%dma_wait3A_1229, %dma_wait3A_1230] : memref<30848x128xf32, #tpu.memory_space<hbm>> -> memref<30848x128xf32, #tpu.memory_space<hbm>>
    tpu.wait_indirect_dma semaphore(%arg17 : memref<!tpu.dma_semaphore, #tpu.memory_space<semaphore_mem>>) src(%dma_wait3A_1231 : memref<30848x128xf32, #tpu.memory_space<hbm>>) dst(%arg12 : memref<128x128xf32, #tpu.memory_space<vmem>>)
    %add3A_1232 = arith.constant 5888 : i32
    %add3A_1233 = arith.addi %mul3A_2, %add3A_1232 : i32
    %dma_start3A_1234 = arith.constant 0 : i32
    %dma_start3A_1235 = tpu.memref_slice %arg6[%add3A_1233, %dma_start3A_1234] : memref<262144x128xf32, #tpu.memory_space<hbm>> -> memref<128x128xf32, #tpu.memory_space<hbm>>
    %dma_start3A_1236 = arith.constant 0 : i32
    %dma_start3A_1237 = tpu.memref_slice %arg6[%add3A_1233, %dma_start3A_1236] : memref<262144x128xf32, #tpu.memory_space<hbm>> -> memref<128x128xf32, #tpu.memory_space<hbm>>
    tpu.enqueue_dma source(%arg12 : memref<128x128xf32, #tpu.memory_space<vmem>>) target(%dma_start3A_1237 : memref<128x128xf32, #tpu.memory_space<hbm>>) target_semaphore(%arg22 : memref<!tpu.dma_semaphore, #tpu.memory_space<semaphore_mem>>)
    %add3A_1238 = arith.constant 5760 : i32
    %add3A_1239 = arith.addi %mul3A_2, %add3A_1238 : i32
    %dma_wait3A_1240 = arith.constant 0 : i32
    %dma_wait3A_1241 = tpu.memref_slice %arg6[%add3A_1239, %dma_wait3A_1240] : memref<262144x128xf32, #tpu.memory_space<hbm>> -> memref<128x128xf32, #tpu.memory_space<hbm>>
    %dma_wait3A_1242 = arith.constant 0 : i32
    %dma_wait3A_1243 = tpu.memref_slice %arg6[%add3A_1239, %dma_wait3A_1242] : memref<262144x128xf32, #tpu.memory_space<hbm>> -> memref<128x128xf32, #tpu.memory_space<hbm>>
    tpu.wait_dma2 semaphore(%arg21 : memref<!tpu.dma_semaphore, #tpu.memory_space<semaphore_mem>>) src(%arg11 : memref<128x128xf32, #tpu.memory_space<vmem>>) dst(%dma_wait3A_1243 : memref<128x128xf32, #tpu.memory_space<hbm>>)
    %dma_start3A_1244 = arith.constant 50 : i32
    %dma_start3A_1245 = arith.constant 0 : i32
    %dma_start3A_1246 = tpu.memref_slice %arg10[%dma_start3A_1244, %dma_start3A_1245] : memref<64x128xi32, #tpu.memory_space<vmem>> -> memref<1x128xi32, #tpu.memory_space<vmem>>
    %dma_start3A_1247 = tpu.memref_squeeze %dma_start3A_1246 : memref<1x128xi32, #tpu.memory_space<vmem>> -> memref<128xi32, #tpu.memory_space<vmem>>
    %dma_start3A_1248 = arith.constant 0 : i32
    %dma_start3A_1249 = arith.constant 0 : i32
    %dma_start3A_1250 = tpu.memref_slice %arg2[%dma_start3A_1248, %dma_start3A_1249] : memref<30848x128xf32, #tpu.memory_space<hbm>> -> memref<30848x128xf32, #tpu.memory_space<hbm>>
    tpu.enqueue_indirect_dma source(%dma_start3A_1250 : memref<30848x128xf32, #tpu.memory_space<hbm>>) target(%arg11 : memref<128x128xf32, #tpu.memory_space<vmem>>) offsets(%dma_start3A_1247 : memref<128xi32, #tpu.memory_space<vmem>>) semaphore(%arg16 : memref<!tpu.dma_semaphore, #tpu.memory_space<semaphore_mem>>)
    %dma_wait3A_1251 = arith.constant 47 : i32
    %dma_wait3A_1252 = arith.constant 0 : i32
    %dma_wait3A_1253 = tpu.memref_slice %arg10[%dma_wait3A_1251, %dma_wait3A_1252] : memref<64x128xi32, #tpu.memory_space<vmem>> -> memref<1x128xi32, #tpu.memory_space<vmem>>
    %dma_wait3A_1254 = tpu.memref_squeeze %dma_wait3A_1253 : memref<1x128xi32, #tpu.memory_space<vmem>> -> memref<128xi32, #tpu.memory_space<vmem>>
    %dma_wait3A_1255 = arith.constant 0 : i32
    %dma_wait3A_1256 = arith.constant 0 : i32
    %dma_wait3A_1257 = tpu.memref_slice %arg2[%dma_wait3A_1255, %dma_wait3A_1256] : memref<30848x128xf32, #tpu.memory_space<hbm>> -> memref<30848x128xf32, #tpu.memory_space<hbm>>
    tpu.wait_indirect_dma semaphore(%arg18 : memref<!tpu.dma_semaphore, #tpu.memory_space<semaphore_mem>>) src(%dma_wait3A_1257 : memref<30848x128xf32, #tpu.memory_space<hbm>>) dst(%arg13 : memref<128x128xf32, #tpu.memory_space<vmem>>)
    %add3A_1258 = arith.constant 6016 : i32
    %add3A_1259 = arith.addi %mul3A_2, %add3A_1258 : i32
    %dma_start3A_1260 = arith.constant 0 : i32
    %dma_start3A_1261 = tpu.memref_slice %arg6[%add3A_1259, %dma_start3A_1260] : memref<262144x128xf32, #tpu.memory_space<hbm>> -> memref<128x128xf32, #tpu.memory_space<hbm>>
    %dma_start3A_1262 = arith.constant 0 : i32
    %dma_start3A_1263 = tpu.memref_slice %arg6[%add3A_1259, %dma_start3A_1262] : memref<262144x128xf32, #tpu.memory_space<hbm>> -> memref<128x128xf32, #tpu.memory_space<hbm>>
    tpu.enqueue_dma source(%arg13 : memref<128x128xf32, #tpu.memory_space<vmem>>) target(%dma_start3A_1263 : memref<128x128xf32, #tpu.memory_space<hbm>>) target_semaphore(%arg23 : memref<!tpu.dma_semaphore, #tpu.memory_space<semaphore_mem>>)
    %add3A_1264 = arith.constant 5888 : i32
    %add3A_1265 = arith.addi %mul3A_2, %add3A_1264 : i32
    %dma_wait3A_1266 = arith.constant 0 : i32
    %dma_wait3A_1267 = tpu.memref_slice %arg6[%add3A_1265, %dma_wait3A_1266] : memref<262144x128xf32, #tpu.memory_space<hbm>> -> memref<128x128xf32, #tpu.memory_space<hbm>>
    %dma_wait3A_1268 = arith.constant 0 : i32
    %dma_wait3A_1269 = tpu.memref_slice %arg6[%add3A_1265, %dma_wait3A_1268] : memref<262144x128xf32, #tpu.memory_space<hbm>> -> memref<128x128xf32, #tpu.memory_space<hbm>>
    tpu.wait_dma2 semaphore(%arg22 : memref<!tpu.dma_semaphore, #tpu.memory_space<semaphore_mem>>) src(%arg12 : memref<128x128xf32, #tpu.memory_space<vmem>>) dst(%dma_wait3A_1269 : memref<128x128xf32, #tpu.memory_space<hbm>>)
    %dma_start3A_1270 = arith.constant 51 : i32
    %dma_start3A_1271 = arith.constant 0 : i32
    %dma_start3A_1272 = tpu.memref_slice %arg10[%dma_start3A_1270, %dma_start3A_1271] : memref<64x128xi32, #tpu.memory_space<vmem>> -> memref<1x128xi32, #tpu.memory_space<vmem>>
    %dma_start3A_1273 = tpu.memref_squeeze %dma_start3A_1272 : memref<1x128xi32, #tpu.memory_space<vmem>> -> memref<128xi32, #tpu.memory_space<vmem>>
    %dma_start3A_1274 = arith.constant 0 : i32
    %dma_start3A_1275 = arith.constant 0 : i32
    %dma_start3A_1276 = tpu.memref_slice %arg2[%dma_start3A_1274, %dma_start3A_1275] : memref<30848x128xf32, #tpu.memory_space<hbm>> -> memref<30848x128xf32, #tpu.memory_space<hbm>>
    tpu.enqueue_indirect_dma source(%dma_start3A_1276 : memref<30848x128xf32, #tpu.memory_space<hbm>>) target(%arg12 : memref<128x128xf32, #tpu.memory_space<vmem>>) offsets(%dma_start3A_1273 : memref<128xi32, #tpu.memory_space<vmem>>) semaphore(%arg17 : memref<!tpu.dma_semaphore, #tpu.memory_space<semaphore_mem>>)
    %dma_wait3A_1277 = arith.constant 48 : i32
    %dma_wait3A_1278 = arith.constant 0 : i32
    %dma_wait3A_1279 = tpu.memref_slice %arg10[%dma_wait3A_1277, %dma_wait3A_1278] : memref<64x128xi32, #tpu.memory_space<vmem>> -> memref<1x128xi32, #tpu.memory_space<vmem>>
    %dma_wait3A_1280 = tpu.memref_squeeze %dma_wait3A_1279 : memref<1x128xi32, #tpu.memory_space<vmem>> -> memref<128xi32, #tpu.memory_space<vmem>>
    %dma_wait3A_1281 = arith.constant 0 : i32
    %dma_wait3A_1282 = arith.constant 0 : i32
    %dma_wait3A_1283 = tpu.memref_slice %arg2[%dma_wait3A_1281, %dma_wait3A_1282] : memref<30848x128xf32, #tpu.memory_space<hbm>> -> memref<30848x128xf32, #tpu.memory_space<hbm>>
    tpu.wait_indirect_dma semaphore(%arg19 : memref<!tpu.dma_semaphore, #tpu.memory_space<semaphore_mem>>) src(%dma_wait3A_1283 : memref<30848x128xf32, #tpu.memory_space<hbm>>) dst(%arg14 : memref<128x128xf32, #tpu.memory_space<vmem>>)
    %add3A_1284 = arith.constant 6144 : i32
    %add3A_1285 = arith.addi %mul3A_2, %add3A_1284 : i32
    %dma_start3A_1286 = arith.constant 0 : i32
    %dma_start3A_1287 = tpu.memref_slice %arg6[%add3A_1285, %dma_start3A_1286] : memref<262144x128xf32, #tpu.memory_space<hbm>> -> memref<128x128xf32, #tpu.memory_space<hbm>>
    %dma_start3A_1288 = arith.constant 0 : i32
    %dma_start3A_1289 = tpu.memref_slice %arg6[%add3A_1285, %dma_start3A_1288] : memref<262144x128xf32, #tpu.memory_space<hbm>> -> memref<128x128xf32, #tpu.memory_space<hbm>>
    tpu.enqueue_dma source(%arg14 : memref<128x128xf32, #tpu.memory_space<vmem>>) target(%dma_start3A_1289 : memref<128x128xf32, #tpu.memory_space<hbm>>) target_semaphore(%arg24 : memref<!tpu.dma_semaphore, #tpu.memory_space<semaphore_mem>>)
    %add3A_1290 = arith.constant 6016 : i32
    %add3A_1291 = arith.addi %mul3A_2, %add3A_1290 : i32
    %dma_wait3A_1292 = arith.constant 0 : i32
    %dma_wait3A_1293 = tpu.memref_slice %arg6[%add3A_1291, %dma_wait3A_1292] : memref<262144x128xf32, #tpu.memory_space<hbm>> -> memref<128x128xf32, #tpu.memory_space<hbm>>
    %dma_wait3A_1294 = arith.constant 0 : i32
    %dma_wait3A_1295 = tpu.memref_slice %arg6[%add3A_1291, %dma_wait3A_1294] : memref<262144x128xf32, #tpu.memory_space<hbm>> -> memref<128x128xf32, #tpu.memory_space<hbm>>
    tpu.wait_dma2 semaphore(%arg23 : memref<!tpu.dma_semaphore, #tpu.memory_space<semaphore_mem>>) src(%arg13 : memref<128x128xf32, #tpu.memory_space<vmem>>) dst(%dma_wait3A_1295 : memref<128x128xf32, #tpu.memory_space<hbm>>)
    %dma_start3A_1296 = arith.constant 52 : i32
    %dma_start3A_1297 = arith.constant 0 : i32
    %dma_start3A_1298 = tpu.memref_slice %arg10[%dma_start3A_1296, %dma_start3A_1297] : memref<64x128xi32, #tpu.memory_space<vmem>> -> memref<1x128xi32, #tpu.memory_space<vmem>>
    %dma_start3A_1299 = tpu.memref_squeeze %dma_start3A_1298 : memref<1x128xi32, #tpu.memory_space<vmem>> -> memref<128xi32, #tpu.memory_space<vmem>>
    %dma_start3A_1300 = arith.constant 0 : i32
    %dma_start3A_1301 = arith.constant 0 : i32
    %dma_start3A_1302 = tpu.memref_slice %arg2[%dma_start3A_1300, %dma_start3A_1301] : memref<30848x128xf32, #tpu.memory_space<hbm>> -> memref<30848x128xf32, #tpu.memory_space<hbm>>
    tpu.enqueue_indirect_dma source(%dma_start3A_1302 : memref<30848x128xf32, #tpu.memory_space<hbm>>) target(%arg13 : memref<128x128xf32, #tpu.memory_space<vmem>>) offsets(%dma_start3A_1299 : memref<128xi32, #tpu.memory_space<vmem>>) semaphore(%arg18 : memref<!tpu.dma_semaphore, #tpu.memory_space<semaphore_mem>>)
    %dma_wait3A_1303 = arith.constant 49 : i32
    %dma_wait3A_1304 = arith.constant 0 : i32
    %dma_wait3A_1305 = tpu.memref_slice %arg10[%dma_wait3A_1303, %dma_wait3A_1304] : memref<64x128xi32, #tpu.memory_space<vmem>> -> memref<1x128xi32, #tpu.memory_space<vmem>>
    %dma_wait3A_1306 = tpu.memref_squeeze %dma_wait3A_1305 : memref<1x128xi32, #tpu.memory_space<vmem>> -> memref<128xi32, #tpu.memory_space<vmem>>
    %dma_wait3A_1307 = arith.constant 0 : i32
    %dma_wait3A_1308 = arith.constant 0 : i32
    %dma_wait3A_1309 = tpu.memref_slice %arg2[%dma_wait3A_1307, %dma_wait3A_1308] : memref<30848x128xf32, #tpu.memory_space<hbm>> -> memref<30848x128xf32, #tpu.memory_space<hbm>>
    tpu.wait_indirect_dma semaphore(%arg20 : memref<!tpu.dma_semaphore, #tpu.memory_space<semaphore_mem>>) src(%dma_wait3A_1309 : memref<30848x128xf32, #tpu.memory_space<hbm>>) dst(%arg15 : memref<128x128xf32, #tpu.memory_space<vmem>>)
    %add3A_1310 = arith.constant 6272 : i32
    %add3A_1311 = arith.addi %mul3A_2, %add3A_1310 : i32
    %dma_start3A_1312 = arith.constant 0 : i32
    %dma_start3A_1313 = tpu.memref_slice %arg6[%add3A_1311, %dma_start3A_1312] : memref<262144x128xf32, #tpu.memory_space<hbm>> -> memref<128x128xf32, #tpu.memory_space<hbm>>
    %dma_start3A_1314 = arith.constant 0 : i32
    %dma_start3A_1315 = tpu.memref_slice %arg6[%add3A_1311, %dma_start3A_1314] : memref<262144x128xf32, #tpu.memory_space<hbm>> -> memref<128x128xf32, #tpu.memory_space<hbm>>
    tpu.enqueue_dma source(%arg15 : memref<128x128xf32, #tpu.memory_space<vmem>>) target(%dma_start3A_1315 : memref<128x128xf32, #tpu.memory_space<hbm>>) target_semaphore(%arg25 : memref<!tpu.dma_semaphore, #tpu.memory_space<semaphore_mem>>)
    %add3A_1316 = arith.constant 6144 : i32
    %add3A_1317 = arith.addi %mul3A_2, %add3A_1316 : i32
    %dma_wait3A_1318 = arith.constant 0 : i32
    %dma_wait3A_1319 = tpu.memref_slice %arg6[%add3A_1317, %dma_wait3A_1318] : memref<262144x128xf32, #tpu.memory_space<hbm>> -> memref<128x128xf32, #tpu.memory_space<hbm>>
    %dma_wait3A_1320 = arith.constant 0 : i32
    %dma_wait3A_1321 = tpu.memref_slice %arg6[%add3A_1317, %dma_wait3A_1320] : memref<262144x128xf32, #tpu.memory_space<hbm>> -> memref<128x128xf32, #tpu.memory_space<hbm>>
    tpu.wait_dma2 semaphore(%arg24 : memref<!tpu.dma_semaphore, #tpu.memory_space<semaphore_mem>>) src(%arg14 : memref<128x128xf32, #tpu.memory_space<vmem>>) dst(%dma_wait3A_1321 : memref<128x128xf32, #tpu.memory_space<hbm>>)
    %dma_start3A_1322 = arith.constant 53 : i32
    %dma_start3A_1323 = arith.constant 0 : i32
    %dma_start3A_1324 = tpu.memref_slice %arg10[%dma_start3A_1322, %dma_start3A_1323] : memref<64x128xi32, #tpu.memory_space<vmem>> -> memref<1x128xi32, #tpu.memory_space<vmem>>
    %dma_start3A_1325 = tpu.memref_squeeze %dma_start3A_1324 : memref<1x128xi32, #tpu.memory_space<vmem>> -> memref<128xi32, #tpu.memory_space<vmem>>
    %dma_start3A_1326 = arith.constant 0 : i32
    %dma_start3A_1327 = arith.constant 0 : i32
    %dma_start3A_1328 = tpu.memref_slice %arg2[%dma_start3A_1326, %dma_start3A_1327] : memref<30848x128xf32, #tpu.memory_space<hbm>> -> memref<30848x128xf32, #tpu.memory_space<hbm>>
    tpu.enqueue_indirect_dma source(%dma_start3A_1328 : memref<30848x128xf32, #tpu.memory_space<hbm>>) target(%arg14 : memref<128x128xf32, #tpu.memory_space<vmem>>) offsets(%dma_start3A_1325 : memref<128xi32, #tpu.memory_space<vmem>>) semaphore(%arg19 : memref<!tpu.dma_semaphore, #tpu.memory_space<semaphore_mem>>)
    %dma_wait3A_1329 = arith.constant 50 : i32
    %dma_wait3A_1330 = arith.constant 0 : i32
    %dma_wait3A_1331 = tpu.memref_slice %arg10[%dma_wait3A_1329, %dma_wait3A_1330] : memref<64x128xi32, #tpu.memory_space<vmem>> -> memref<1x128xi32, #tpu.memory_space<vmem>>
    %dma_wait3A_1332 = tpu.memref_squeeze %dma_wait3A_1331 : memref<1x128xi32, #tpu.memory_space<vmem>> -> memref<128xi32, #tpu.memory_space<vmem>>
    %dma_wait3A_1333 = arith.constant 0 : i32
    %dma_wait3A_1334 = arith.constant 0 : i32
    %dma_wait3A_1335 = tpu.memref_slice %arg2[%dma_wait3A_1333, %dma_wait3A_1334] : memref<30848x128xf32, #tpu.memory_space<hbm>> -> memref<30848x128xf32, #tpu.memory_space<hbm>>
    tpu.wait_indirect_dma semaphore(%arg16 : memref<!tpu.dma_semaphore, #tpu.memory_space<semaphore_mem>>) src(%dma_wait3A_1335 : memref<30848x128xf32, #tpu.memory_space<hbm>>) dst(%arg11 : memref<128x128xf32, #tpu.memory_space<vmem>>)
    %add3A_1336 = arith.constant 6400 : i32
    %add3A_1337 = arith.addi %mul3A_2, %add3A_1336 : i32
    %dma_start3A_1338 = arith.constant 0 : i32
    %dma_start3A_1339 = tpu.memref_slice %arg6[%add3A_1337, %dma_start3A_1338] : memref<262144x128xf32, #tpu.memory_space<hbm>> -> memref<128x128xf32, #tpu.memory_space<hbm>>
    %dma_start3A_1340 = arith.constant 0 : i32
    %dma_start3A_1341 = tpu.memref_slice %arg6[%add3A_1337, %dma_start3A_1340] : memref<262144x128xf32, #tpu.memory_space<hbm>> -> memref<128x128xf32, #tpu.memory_space<hbm>>
    tpu.enqueue_dma source(%arg11 : memref<128x128xf32, #tpu.memory_space<vmem>>) target(%dma_start3A_1341 : memref<128x128xf32, #tpu.memory_space<hbm>>) target_semaphore(%arg21 : memref<!tpu.dma_semaphore, #tpu.memory_space<semaphore_mem>>)
    %add3A_1342 = arith.constant 6272 : i32
    %add3A_1343 = arith.addi %mul3A_2, %add3A_1342 : i32
    %dma_wait3A_1344 = arith.constant 0 : i32
    %dma_wait3A_1345 = tpu.memref_slice %arg6[%add3A_1343, %dma_wait3A_1344] : memref<262144x128xf32, #tpu.memory_space<hbm>> -> memref<128x128xf32, #tpu.memory_space<hbm>>
    %dma_wait3A_1346 = arith.constant 0 : i32
    %dma_wait3A_1347 = tpu.memref_slice %arg6[%add3A_1343, %dma_wait3A_1346] : memref<262144x128xf32, #tpu.memory_space<hbm>> -> memref<128x128xf32, #tpu.memory_space<hbm>>
    tpu.wait_dma2 semaphore(%arg25 : memref<!tpu.dma_semaphore, #tpu.memory_space<semaphore_mem>>) src(%arg15 : memref<128x128xf32, #tpu.memory_space<vmem>>) dst(%dma_wait3A_1347 : memref<128x128xf32, #tpu.memory_space<hbm>>)
    %dma_start3A_1348 = arith.constant 54 : i32
    %dma_start3A_1349 = arith.constant 0 : i32
    %dma_start3A_1350 = tpu.memref_slice %arg10[%dma_start3A_1348, %dma_start3A_1349] : memref<64x128xi32, #tpu.memory_space<vmem>> -> memref<1x128xi32, #tpu.memory_space<vmem>>
    %dma_start3A_1351 = tpu.memref_squeeze %dma_start3A_1350 : memref<1x128xi32, #tpu.memory_space<vmem>> -> memref<128xi32, #tpu.memory_space<vmem>>
    %dma_start3A_1352 = arith.constant 0 : i32
    %dma_start3A_1353 = arith.constant 0 : i32
    %dma_start3A_1354 = tpu.memref_slice %arg2[%dma_start3A_1352, %dma_start3A_1353] : memref<30848x128xf32, #tpu.memory_space<hbm>> -> memref<30848x128xf32, #tpu.memory_space<hbm>>
    tpu.enqueue_indirect_dma source(%dma_start3A_1354 : memref<30848x128xf32, #tpu.memory_space<hbm>>) target(%arg15 : memref<128x128xf32, #tpu.memory_space<vmem>>) offsets(%dma_start3A_1351 : memref<128xi32, #tpu.memory_space<vmem>>) semaphore(%arg20 : memref<!tpu.dma_semaphore, #tpu.memory_space<semaphore_mem>>)
    %dma_wait3A_1355 = arith.constant 51 : i32
    %dma_wait3A_1356 = arith.constant 0 : i32
    %dma_wait3A_1357 = tpu.memref_slice %arg10[%dma_wait3A_1355, %dma_wait3A_1356] : memref<64x128xi32, #tpu.memory_space<vmem>> -> memref<1x128xi32, #tpu.memory_space<vmem>>
    %dma_wait3A_1358 = tpu.memref_squeeze %dma_wait3A_1357 : memref<1x128xi32, #tpu.memory_space<vmem>> -> memref<128xi32, #tpu.memory_space<vmem>>
    %dma_wait3A_1359 = arith.constant 0 : i32
    %dma_wait3A_1360 = arith.constant 0 : i32
    %dma_wait3A_1361 = tpu.memref_slice %arg2[%dma_wait3A_1359, %dma_wait3A_1360] : memref<30848x128xf32, #tpu.memory_space<hbm>> -> memref<30848x128xf32, #tpu.memory_space<hbm>>
    tpu.wait_indirect_dma semaphore(%arg17 : memref<!tpu.dma_semaphore, #tpu.memory_space<semaphore_mem>>) src(%dma_wait3A_1361 : memref<30848x128xf32, #tpu.memory_space<hbm>>) dst(%arg12 : memref<128x128xf32, #tpu.memory_space<vmem>>)
    %add3A_1362 = arith.constant 6528 : i32
    %add3A_1363 = arith.addi %mul3A_2, %add3A_1362 : i32
    %dma_start3A_1364 = arith.constant 0 : i32
    %dma_start3A_1365 = tpu.memref_slice %arg6[%add3A_1363, %dma_start3A_1364] : memref<262144x128xf32, #tpu.memory_space<hbm>> -> memref<128x128xf32, #tpu.memory_space<hbm>>
    %dma_start3A_1366 = arith.constant 0 : i32
    %dma_start3A_1367 = tpu.memref_slice %arg6[%add3A_1363, %dma_start3A_1366] : memref<262144x128xf32, #tpu.memory_space<hbm>> -> memref<128x128xf32, #tpu.memory_space<hbm>>
    tpu.enqueue_dma source(%arg12 : memref<128x128xf32, #tpu.memory_space<vmem>>) target(%dma_start3A_1367 : memref<128x128xf32, #tpu.memory_space<hbm>>) target_semaphore(%arg22 : memref<!tpu.dma_semaphore, #tpu.memory_space<semaphore_mem>>)
    %add3A_1368 = arith.constant 6400 : i32
    %add3A_1369 = arith.addi %mul3A_2, %add3A_1368 : i32
    %dma_wait3A_1370 = arith.constant 0 : i32
    %dma_wait3A_1371 = tpu.memref_slice %arg6[%add3A_1369, %dma_wait3A_1370] : memref<262144x128xf32, #tpu.memory_space<hbm>> -> memref<128x128xf32, #tpu.memory_space<hbm>>
    %dma_wait3A_1372 = arith.constant 0 : i32
    %dma_wait3A_1373 = tpu.memref_slice %arg6[%add3A_1369, %dma_wait3A_1372] : memref<262144x128xf32, #tpu.memory_space<hbm>> -> memref<128x128xf32, #tpu.memory_space<hbm>>
    tpu.wait_dma2 semaphore(%arg21 : memref<!tpu.dma_semaphore, #tpu.memory_space<semaphore_mem>>) src(%arg11 : memref<128x128xf32, #tpu.memory_space<vmem>>) dst(%dma_wait3A_1373 : memref<128x128xf32, #tpu.memory_space<hbm>>)
    %dma_start3A_1374 = arith.constant 55 : i32
    %dma_start3A_1375 = arith.constant 0 : i32
    %dma_start3A_1376 = tpu.memref_slice %arg10[%dma_start3A_1374, %dma_start3A_1375] : memref<64x128xi32, #tpu.memory_space<vmem>> -> memref<1x128xi32, #tpu.memory_space<vmem>>
    %dma_start3A_1377 = tpu.memref_squeeze %dma_start3A_1376 : memref<1x128xi32, #tpu.memory_space<vmem>> -> memref<128xi32, #tpu.memory_space<vmem>>
    %dma_start3A_1378 = arith.constant 0 : i32
    %dma_start3A_1379 = arith.constant 0 : i32
    %dma_start3A_1380 = tpu.memref_slice %arg2[%dma_start3A_1378, %dma_start3A_1379] : memref<30848x128xf32, #tpu.memory_space<hbm>> -> memref<30848x128xf32, #tpu.memory_space<hbm>>
    tpu.enqueue_indirect_dma source(%dma_start3A_1380 : memref<30848x128xf32, #tpu.memory_space<hbm>>) target(%arg11 : memref<128x128xf32, #tpu.memory_space<vmem>>) offsets(%dma_start3A_1377 : memref<128xi32, #tpu.memory_space<vmem>>) semaphore(%arg16 : memref<!tpu.dma_semaphore, #tpu.memory_space<semaphore_mem>>)
    %dma_wait3A_1381 = arith.constant 52 : i32
    %dma_wait3A_1382 = arith.constant 0 : i32
    %dma_wait3A_1383 = tpu.memref_slice %arg10[%dma_wait3A_1381, %dma_wait3A_1382] : memref<64x128xi32, #tpu.memory_space<vmem>> -> memref<1x128xi32, #tpu.memory_space<vmem>>
    %dma_wait3A_1384 = tpu.memref_squeeze %dma_wait3A_1383 : memref<1x128xi32, #tpu.memory_space<vmem>> -> memref<128xi32, #tpu.memory_space<vmem>>
    %dma_wait3A_1385 = arith.constant 0 : i32
    %dma_wait3A_1386 = arith.constant 0 : i32
    %dma_wait3A_1387 = tpu.memref_slice %arg2[%dma_wait3A_1385, %dma_wait3A_1386] : memref<30848x128xf32, #tpu.memory_space<hbm>> -> memref<30848x128xf32, #tpu.memory_space<hbm>>
    tpu.wait_indirect_dma semaphore(%arg18 : memref<!tpu.dma_semaphore, #tpu.memory_space<semaphore_mem>>) src(%dma_wait3A_1387 : memref<30848x128xf32, #tpu.memory_space<hbm>>) dst(%arg13 : memref<128x128xf32, #tpu.memory_space<vmem>>)
    %add3A_1388 = arith.constant 6656 : i32
    %add3A_1389 = arith.addi %mul3A_2, %add3A_1388 : i32
    %dma_start3A_1390 = arith.constant 0 : i32
    %dma_start3A_1391 = tpu.memref_slice %arg6[%add3A_1389, %dma_start3A_1390] : memref<262144x128xf32, #tpu.memory_space<hbm>> -> memref<128x128xf32, #tpu.memory_space<hbm>>
    %dma_start3A_1392 = arith.constant 0 : i32
    %dma_start3A_1393 = tpu.memref_slice %arg6[%add3A_1389, %dma_start3A_1392] : memref<262144x128xf32, #tpu.memory_space<hbm>> -> memref<128x128xf32, #tpu.memory_space<hbm>>
    tpu.enqueue_dma source(%arg13 : memref<128x128xf32, #tpu.memory_space<vmem>>) target(%dma_start3A_1393 : memref<128x128xf32, #tpu.memory_space<hbm>>) target_semaphore(%arg23 : memref<!tpu.dma_semaphore, #tpu.memory_space<semaphore_mem>>)
    %add3A_1394 = arith.constant 6528 : i32
    %add3A_1395 = arith.addi %mul3A_2, %add3A_1394 : i32
    %dma_wait3A_1396 = arith.constant 0 : i32
    %dma_wait3A_1397 = tpu.memref_slice %arg6[%add3A_1395, %dma_wait3A_1396] : memref<262144x128xf32, #tpu.memory_space<hbm>> -> memref<128x128xf32, #tpu.memory_space<hbm>>
    %dma_wait3A_1398 = arith.constant 0 : i32
    %dma_wait3A_1399 = tpu.memref_slice %arg6[%add3A_1395, %dma_wait3A_1398] : memref<262144x128xf32, #tpu.memory_space<hbm>> -> memref<128x128xf32, #tpu.memory_space<hbm>>
    tpu.wait_dma2 semaphore(%arg22 : memref<!tpu.dma_semaphore, #tpu.memory_space<semaphore_mem>>) src(%arg12 : memref<128x128xf32, #tpu.memory_space<vmem>>) dst(%dma_wait3A_1399 : memref<128x128xf32, #tpu.memory_space<hbm>>)
    %dma_start3A_1400 = arith.constant 56 : i32
    %dma_start3A_1401 = arith.constant 0 : i32
    %dma_start3A_1402 = tpu.memref_slice %arg10[%dma_start3A_1400, %dma_start3A_1401] : memref<64x128xi32, #tpu.memory_space<vmem>> -> memref<1x128xi32, #tpu.memory_space<vmem>>
    %dma_start3A_1403 = tpu.memref_squeeze %dma_start3A_1402 : memref<1x128xi32, #tpu.memory_space<vmem>> -> memref<128xi32, #tpu.memory_space<vmem>>
    %dma_start3A_1404 = arith.constant 0 : i32
    %dma_start3A_1405 = arith.constant 0 : i32
    %dma_start3A_1406 = tpu.memref_slice %arg2[%dma_start3A_1404, %dma_start3A_1405] : memref<30848x128xf32, #tpu.memory_space<hbm>> -> memref<30848x128xf32, #tpu.memory_space<hbm>>
    tpu.enqueue_indirect_dma source(%dma_start3A_1406 : memref<30848x128xf32, #tpu.memory_space<hbm>>) target(%arg12 : memref<128x128xf32, #tpu.memory_space<vmem>>) offsets(%dma_start3A_1403 : memref<128xi32, #tpu.memory_space<vmem>>) semaphore(%arg17 : memref<!tpu.dma_semaphore, #tpu.memory_space<semaphore_mem>>)
    %dma_wait3A_1407 = arith.constant 53 : i32
    %dma_wait3A_1408 = arith.constant 0 : i32
    %dma_wait3A_1409 = tpu.memref_slice %arg10[%dma_wait3A_1407, %dma_wait3A_1408] : memref<64x128xi32, #tpu.memory_space<vmem>> -> memref<1x128xi32, #tpu.memory_space<vmem>>
    %dma_wait3A_1410 = tpu.memref_squeeze %dma_wait3A_1409 : memref<1x128xi32, #tpu.memory_space<vmem>> -> memref<128xi32, #tpu.memory_space<vmem>>
    %dma_wait3A_1411 = arith.constant 0 : i32
    %dma_wait3A_1412 = arith.constant 0 : i32
    %dma_wait3A_1413 = tpu.memref_slice %arg2[%dma_wait3A_1411, %dma_wait3A_1412] : memref<30848x128xf32, #tpu.memory_space<hbm>> -> memref<30848x128xf32, #tpu.memory_space<hbm>>
    tpu.wait_indirect_dma semaphore(%arg19 : memref<!tpu.dma_semaphore, #tpu.memory_space<semaphore_mem>>) src(%dma_wait3A_1413 : memref<30848x128xf32, #tpu.memory_space<hbm>>) dst(%arg14 : memref<128x128xf32, #tpu.memory_space<vmem>>)
    %add3A_1414 = arith.constant 6784 : i32
    %add3A_1415 = arith.addi %mul3A_2, %add3A_1414 : i32
    %dma_start3A_1416 = arith.constant 0 : i32
    %dma_start3A_1417 = tpu.memref_slice %arg6[%add3A_1415, %dma_start3A_1416] : memref<262144x128xf32, #tpu.memory_space<hbm>> -> memref<128x128xf32, #tpu.memory_space<hbm>>
    %dma_start3A_1418 = arith.constant 0 : i32
    %dma_start3A_1419 = tpu.memref_slice %arg6[%add3A_1415, %dma_start3A_1418] : memref<262144x128xf32, #tpu.memory_space<hbm>> -> memref<128x128xf32, #tpu.memory_space<hbm>>
    tpu.enqueue_dma source(%arg14 : memref<128x128xf32, #tpu.memory_space<vmem>>) target(%dma_start3A_1419 : memref<128x128xf32, #tpu.memory_space<hbm>>) target_semaphore(%arg24 : memref<!tpu.dma_semaphore, #tpu.memory_space<semaphore_mem>>)
    %add3A_1420 = arith.constant 6656 : i32
    %add3A_1421 = arith.addi %mul3A_2, %add3A_1420 : i32
    %dma_wait3A_1422 = arith.constant 0 : i32
    %dma_wait3A_1423 = tpu.memref_slice %arg6[%add3A_1421, %dma_wait3A_1422] : memref<262144x128xf32, #tpu.memory_space<hbm>> -> memref<128x128xf32, #tpu.memory_space<hbm>>
    %dma_wait3A_1424 = arith.constant 0 : i32
    %dma_wait3A_1425 = tpu.memref_slice %arg6[%add3A_1421, %dma_wait3A_1424] : memref<262144x128xf32, #tpu.memory_space<hbm>> -> memref<128x128xf32, #tpu.memory_space<hbm>>
    tpu.wait_dma2 semaphore(%arg23 : memref<!tpu.dma_semaphore, #tpu.memory_space<semaphore_mem>>) src(%arg13 : memref<128x128xf32, #tpu.memory_space<vmem>>) dst(%dma_wait3A_1425 : memref<128x128xf32, #tpu.memory_space<hbm>>)
    %dma_start3A_1426 = arith.constant 57 : i32
    %dma_start3A_1427 = arith.constant 0 : i32
    %dma_start3A_1428 = tpu.memref_slice %arg10[%dma_start3A_1426, %dma_start3A_1427] : memref<64x128xi32, #tpu.memory_space<vmem>> -> memref<1x128xi32, #tpu.memory_space<vmem>>
    %dma_start3A_1429 = tpu.memref_squeeze %dma_start3A_1428 : memref<1x128xi32, #tpu.memory_space<vmem>> -> memref<128xi32, #tpu.memory_space<vmem>>
    %dma_start3A_1430 = arith.constant 0 : i32
    %dma_start3A_1431 = arith.constant 0 : i32
    %dma_start3A_1432 = tpu.memref_slice %arg2[%dma_start3A_1430, %dma_start3A_1431] : memref<30848x128xf32, #tpu.memory_space<hbm>> -> memref<30848x128xf32, #tpu.memory_space<hbm>>
    tpu.enqueue_indirect_dma source(%dma_start3A_1432 : memref<30848x128xf32, #tpu.memory_space<hbm>>) target(%arg13 : memref<128x128xf32, #tpu.memory_space<vmem>>) offsets(%dma_start3A_1429 : memref<128xi32, #tpu.memory_space<vmem>>) semaphore(%arg18 : memref<!tpu.dma_semaphore, #tpu.memory_space<semaphore_mem>>)
    %dma_wait3A_1433 = arith.constant 54 : i32
    %dma_wait3A_1434 = arith.constant 0 : i32
    %dma_wait3A_1435 = tpu.memref_slice %arg10[%dma_wait3A_1433, %dma_wait3A_1434] : memref<64x128xi32, #tpu.memory_space<vmem>> -> memref<1x128xi32, #tpu.memory_space<vmem>>
    %dma_wait3A_1436 = tpu.memref_squeeze %dma_wait3A_1435 : memref<1x128xi32, #tpu.memory_space<vmem>> -> memref<128xi32, #tpu.memory_space<vmem>>
    %dma_wait3A_1437 = arith.constant 0 : i32
    %dma_wait3A_1438 = arith.constant 0 : i32
    %dma_wait3A_1439 = tpu.memref_slice %arg2[%dma_wait3A_1437, %dma_wait3A_1438] : memref<30848x128xf32, #tpu.memory_space<hbm>> -> memref<30848x128xf32, #tpu.memory_space<hbm>>
    tpu.wait_indirect_dma semaphore(%arg20 : memref<!tpu.dma_semaphore, #tpu.memory_space<semaphore_mem>>) src(%dma_wait3A_1439 : memref<30848x128xf32, #tpu.memory_space<hbm>>) dst(%arg15 : memref<128x128xf32, #tpu.memory_space<vmem>>)
    %add3A_1440 = arith.constant 6912 : i32
    %add3A_1441 = arith.addi %mul3A_2, %add3A_1440 : i32
    %dma_start3A_1442 = arith.constant 0 : i32
    %dma_start3A_1443 = tpu.memref_slice %arg6[%add3A_1441, %dma_start3A_1442] : memref<262144x128xf32, #tpu.memory_space<hbm>> -> memref<128x128xf32, #tpu.memory_space<hbm>>
    %dma_start3A_1444 = arith.constant 0 : i32
    %dma_start3A_1445 = tpu.memref_slice %arg6[%add3A_1441, %dma_start3A_1444] : memref<262144x128xf32, #tpu.memory_space<hbm>> -> memref<128x128xf32, #tpu.memory_space<hbm>>
    tpu.enqueue_dma source(%arg15 : memref<128x128xf32, #tpu.memory_space<vmem>>) target(%dma_start3A_1445 : memref<128x128xf32, #tpu.memory_space<hbm>>) target_semaphore(%arg25 : memref<!tpu.dma_semaphore, #tpu.memory_space<semaphore_mem>>)
    %add3A_1446 = arith.constant 6784 : i32
    %add3A_1447 = arith.addi %mul3A_2, %add3A_1446 : i32
    %dma_wait3A_1448 = arith.constant 0 : i32
    %dma_wait3A_1449 = tpu.memref_slice %arg6[%add3A_1447, %dma_wait3A_1448] : memref<262144x128xf32, #tpu.memory_space<hbm>> -> memref<128x128xf32, #tpu.memory_space<hbm>>
    %dma_wait3A_1450 = arith.constant 0 : i32
    %dma_wait3A_1451 = tpu.memref_slice %arg6[%add3A_1447, %dma_wait3A_1450] : memref<262144x128xf32, #tpu.memory_space<hbm>> -> memref<128x128xf32, #tpu.memory_space<hbm>>
    tpu.wait_dma2 semaphore(%arg24 : memref<!tpu.dma_semaphore, #tpu.memory_space<semaphore_mem>>) src(%arg14 : memref<128x128xf32, #tpu.memory_space<vmem>>) dst(%dma_wait3A_1451 : memref<128x128xf32, #tpu.memory_space<hbm>>)
    %dma_start3A_1452 = arith.constant 58 : i32
    %dma_start3A_1453 = arith.constant 0 : i32
    %dma_start3A_1454 = tpu.memref_slice %arg10[%dma_start3A_1452, %dma_start3A_1453] : memref<64x128xi32, #tpu.memory_space<vmem>> -> memref<1x128xi32, #tpu.memory_space<vmem>>
    %dma_start3A_1455 = tpu.memref_squeeze %dma_start3A_1454 : memref<1x128xi32, #tpu.memory_space<vmem>> -> memref<128xi32, #tpu.memory_space<vmem>>
    %dma_start3A_1456 = arith.constant 0 : i32
    %dma_start3A_1457 = arith.constant 0 : i32
    %dma_start3A_1458 = tpu.memref_slice %arg2[%dma_start3A_1456, %dma_start3A_1457] : memref<30848x128xf32, #tpu.memory_space<hbm>> -> memref<30848x128xf32, #tpu.memory_space<hbm>>
    tpu.enqueue_indirect_dma source(%dma_start3A_1458 : memref<30848x128xf32, #tpu.memory_space<hbm>>) target(%arg14 : memref<128x128xf32, #tpu.memory_space<vmem>>) offsets(%dma_start3A_1455 : memref<128xi32, #tpu.memory_space<vmem>>) semaphore(%arg19 : memref<!tpu.dma_semaphore, #tpu.memory_space<semaphore_mem>>)
    %dma_wait3A_1459 = arith.constant 55 : i32
    %dma_wait3A_1460 = arith.constant 0 : i32
    %dma_wait3A_1461 = tpu.memref_slice %arg10[%dma_wait3A_1459, %dma_wait3A_1460] : memref<64x128xi32, #tpu.memory_space<vmem>> -> memref<1x128xi32, #tpu.memory_space<vmem>>
    %dma_wait3A_1462 = tpu.memref_squeeze %dma_wait3A_1461 : memref<1x128xi32, #tpu.memory_space<vmem>> -> memref<128xi32, #tpu.memory_space<vmem>>
    %dma_wait3A_1463 = arith.constant 0 : i32
    %dma_wait3A_1464 = arith.constant 0 : i32
    %dma_wait3A_1465 = tpu.memref_slice %arg2[%dma_wait3A_1463, %dma_wait3A_1464] : memref<30848x128xf32, #tpu.memory_space<hbm>> -> memref<30848x128xf32, #tpu.memory_space<hbm>>
    tpu.wait_indirect_dma semaphore(%arg16 : memref<!tpu.dma_semaphore, #tpu.memory_space<semaphore_mem>>) src(%dma_wait3A_1465 : memref<30848x128xf32, #tpu.memory_space<hbm>>) dst(%arg11 : memref<128x128xf32, #tpu.memory_space<vmem>>)
    %add3A_1466 = arith.constant 7040 : i32
    %add3A_1467 = arith.addi %mul3A_2, %add3A_1466 : i32
    %dma_start3A_1468 = arith.constant 0 : i32
    %dma_start3A_1469 = tpu.memref_slice %arg6[%add3A_1467, %dma_start3A_1468] : memref<262144x128xf32, #tpu.memory_space<hbm>> -> memref<128x128xf32, #tpu.memory_space<hbm>>
    %dma_start3A_1470 = arith.constant 0 : i32
    %dma_start3A_1471 = tpu.memref_slice %arg6[%add3A_1467, %dma_start3A_1470] : memref<262144x128xf32, #tpu.memory_space<hbm>> -> memref<128x128xf32, #tpu.memory_space<hbm>>
    tpu.enqueue_dma source(%arg11 : memref<128x128xf32, #tpu.memory_space<vmem>>) target(%dma_start3A_1471 : memref<128x128xf32, #tpu.memory_space<hbm>>) target_semaphore(%arg21 : memref<!tpu.dma_semaphore, #tpu.memory_space<semaphore_mem>>)
    %add3A_1472 = arith.constant 6912 : i32
    %add3A_1473 = arith.addi %mul3A_2, %add3A_1472 : i32
    %dma_wait3A_1474 = arith.constant 0 : i32
    %dma_wait3A_1475 = tpu.memref_slice %arg6[%add3A_1473, %dma_wait3A_1474] : memref<262144x128xf32, #tpu.memory_space<hbm>> -> memref<128x128xf32, #tpu.memory_space<hbm>>
    %dma_wait3A_1476 = arith.constant 0 : i32
    %dma_wait3A_1477 = tpu.memref_slice %arg6[%add3A_1473, %dma_wait3A_1476] : memref<262144x128xf32, #tpu.memory_space<hbm>> -> memref<128x128xf32, #tpu.memory_space<hbm>>
    tpu.wait_dma2 semaphore(%arg25 : memref<!tpu.dma_semaphore, #tpu.memory_space<semaphore_mem>>) src(%arg15 : memref<128x128xf32, #tpu.memory_space<vmem>>) dst(%dma_wait3A_1477 : memref<128x128xf32, #tpu.memory_space<hbm>>)
    %dma_start3A_1478 = arith.constant 59 : i32
    %dma_start3A_1479 = arith.constant 0 : i32
    %dma_start3A_1480 = tpu.memref_slice %arg10[%dma_start3A_1478, %dma_start3A_1479] : memref<64x128xi32, #tpu.memory_space<vmem>> -> memref<1x128xi32, #tpu.memory_space<vmem>>
    %dma_start3A_1481 = tpu.memref_squeeze %dma_start3A_1480 : memref<1x128xi32, #tpu.memory_space<vmem>> -> memref<128xi32, #tpu.memory_space<vmem>>
    %dma_start3A_1482 = arith.constant 0 : i32
    %dma_start3A_1483 = arith.constant 0 : i32
    %dma_start3A_1484 = tpu.memref_slice %arg2[%dma_start3A_1482, %dma_start3A_1483] : memref<30848x128xf32, #tpu.memory_space<hbm>> -> memref<30848x128xf32, #tpu.memory_space<hbm>>
    tpu.enqueue_indirect_dma source(%dma_start3A_1484 : memref<30848x128xf32, #tpu.memory_space<hbm>>) target(%arg15 : memref<128x128xf32, #tpu.memory_space<vmem>>) offsets(%dma_start3A_1481 : memref<128xi32, #tpu.memory_space<vmem>>) semaphore(%arg20 : memref<!tpu.dma_semaphore, #tpu.memory_space<semaphore_mem>>)
    %dma_wait3A_1485 = arith.constant 56 : i32
    %dma_wait3A_1486 = arith.constant 0 : i32
    %dma_wait3A_1487 = tpu.memref_slice %arg10[%dma_wait3A_1485, %dma_wait3A_1486] : memref<64x128xi32, #tpu.memory_space<vmem>> -> memref<1x128xi32, #tpu.memory_space<vmem>>
    %dma_wait3A_1488 = tpu.memref_squeeze %dma_wait3A_1487 : memref<1x128xi32, #tpu.memory_space<vmem>> -> memref<128xi32, #tpu.memory_space<vmem>>
    %dma_wait3A_1489 = arith.constant 0 : i32
    %dma_wait3A_1490 = arith.constant 0 : i32
    %dma_wait3A_1491 = tpu.memref_slice %arg2[%dma_wait3A_1489, %dma_wait3A_1490] : memref<30848x128xf32, #tpu.memory_space<hbm>> -> memref<30848x128xf32, #tpu.memory_space<hbm>>
    tpu.wait_indirect_dma semaphore(%arg17 : memref<!tpu.dma_semaphore, #tpu.memory_space<semaphore_mem>>) src(%dma_wait3A_1491 : memref<30848x128xf32, #tpu.memory_space<hbm>>) dst(%arg12 : memref<128x128xf32, #tpu.memory_space<vmem>>)
    %add3A_1492 = arith.constant 7168 : i32
    %add3A_1493 = arith.addi %mul3A_2, %add3A_1492 : i32
    %dma_start3A_1494 = arith.constant 0 : i32
    %dma_start3A_1495 = tpu.memref_slice %arg6[%add3A_1493, %dma_start3A_1494] : memref<262144x128xf32, #tpu.memory_space<hbm>> -> memref<128x128xf32, #tpu.memory_space<hbm>>
    %dma_start3A_1496 = arith.constant 0 : i32
    %dma_start3A_1497 = tpu.memref_slice %arg6[%add3A_1493, %dma_start3A_1496] : memref<262144x128xf32, #tpu.memory_space<hbm>> -> memref<128x128xf32, #tpu.memory_space<hbm>>
    tpu.enqueue_dma source(%arg12 : memref<128x128xf32, #tpu.memory_space<vmem>>) target(%dma_start3A_1497 : memref<128x128xf32, #tpu.memory_space<hbm>>) target_semaphore(%arg22 : memref<!tpu.dma_semaphore, #tpu.memory_space<semaphore_mem>>)
    %add3A_1498 = arith.constant 7040 : i32
    %add3A_1499 = arith.addi %mul3A_2, %add3A_1498 : i32
    %dma_wait3A_1500 = arith.constant 0 : i32
    %dma_wait3A_1501 = tpu.memref_slice %arg6[%add3A_1499, %dma_wait3A_1500] : memref<262144x128xf32, #tpu.memory_space<hbm>> -> memref<128x128xf32, #tpu.memory_space<hbm>>
    %dma_wait3A_1502 = arith.constant 0 : i32
    %dma_wait3A_1503 = tpu.memref_slice %arg6[%add3A_1499, %dma_wait3A_1502] : memref<262144x128xf32, #tpu.memory_space<hbm>> -> memref<128x128xf32, #tpu.memory_space<hbm>>
    tpu.wait_dma2 semaphore(%arg21 : memref<!tpu.dma_semaphore, #tpu.memory_space<semaphore_mem>>) src(%arg11 : memref<128x128xf32, #tpu.memory_space<vmem>>) dst(%dma_wait3A_1503 : memref<128x128xf32, #tpu.memory_space<hbm>>)
    %dma_start3A_1504 = arith.constant 60 : i32
    %dma_start3A_1505 = arith.constant 0 : i32
    %dma_start3A_1506 = tpu.memref_slice %arg10[%dma_start3A_1504, %dma_start3A_1505] : memref<64x128xi32, #tpu.memory_space<vmem>> -> memref<1x128xi32, #tpu.memory_space<vmem>>
    %dma_start3A_1507 = tpu.memref_squeeze %dma_start3A_1506 : memref<1x128xi32, #tpu.memory_space<vmem>> -> memref<128xi32, #tpu.memory_space<vmem>>
    %dma_start3A_1508 = arith.constant 0 : i32
    %dma_start3A_1509 = arith.constant 0 : i32
    %dma_start3A_1510 = tpu.memref_slice %arg2[%dma_start3A_1508, %dma_start3A_1509] : memref<30848x128xf32, #tpu.memory_space<hbm>> -> memref<30848x128xf32, #tpu.memory_space<hbm>>
    tpu.enqueue_indirect_dma source(%dma_start3A_1510 : memref<30848x128xf32, #tpu.memory_space<hbm>>) target(%arg11 : memref<128x128xf32, #tpu.memory_space<vmem>>) offsets(%dma_start3A_1507 : memref<128xi32, #tpu.memory_space<vmem>>) semaphore(%arg16 : memref<!tpu.dma_semaphore, #tpu.memory_space<semaphore_mem>>)
    %dma_wait3A_1511 = arith.constant 57 : i32
    %dma_wait3A_1512 = arith.constant 0 : i32
    %dma_wait3A_1513 = tpu.memref_slice %arg10[%dma_wait3A_1511, %dma_wait3A_1512] : memref<64x128xi32, #tpu.memory_space<vmem>> -> memref<1x128xi32, #tpu.memory_space<vmem>>
    %dma_wait3A_1514 = tpu.memref_squeeze %dma_wait3A_1513 : memref<1x128xi32, #tpu.memory_space<vmem>> -> memref<128xi32, #tpu.memory_space<vmem>>
    %dma_wait3A_1515 = arith.constant 0 : i32
    %dma_wait3A_1516 = arith.constant 0 : i32
    %dma_wait3A_1517 = tpu.memref_slice %arg2[%dma_wait3A_1515, %dma_wait3A_1516] : memref<30848x128xf32, #tpu.memory_space<hbm>> -> memref<30848x128xf32, #tpu.memory_space<hbm>>
    tpu.wait_indirect_dma semaphore(%arg18 : memref<!tpu.dma_semaphore, #tpu.memory_space<semaphore_mem>>) src(%dma_wait3A_1517 : memref<30848x128xf32, #tpu.memory_space<hbm>>) dst(%arg13 : memref<128x128xf32, #tpu.memory_space<vmem>>)
    %add3A_1518 = arith.constant 7296 : i32
    %add3A_1519 = arith.addi %mul3A_2, %add3A_1518 : i32
    %dma_start3A_1520 = arith.constant 0 : i32
    %dma_start3A_1521 = tpu.memref_slice %arg6[%add3A_1519, %dma_start3A_1520] : memref<262144x128xf32, #tpu.memory_space<hbm>> -> memref<128x128xf32, #tpu.memory_space<hbm>>
    %dma_start3A_1522 = arith.constant 0 : i32
    %dma_start3A_1523 = tpu.memref_slice %arg6[%add3A_1519, %dma_start3A_1522] : memref<262144x128xf32, #tpu.memory_space<hbm>> -> memref<128x128xf32, #tpu.memory_space<hbm>>
    tpu.enqueue_dma source(%arg13 : memref<128x128xf32, #tpu.memory_space<vmem>>) target(%dma_start3A_1523 : memref<128x128xf32, #tpu.memory_space<hbm>>) target_semaphore(%arg23 : memref<!tpu.dma_semaphore, #tpu.memory_space<semaphore_mem>>)
    %add3A_1524 = arith.constant 7168 : i32
    %add3A_1525 = arith.addi %mul3A_2, %add3A_1524 : i32
    %dma_wait3A_1526 = arith.constant 0 : i32
    %dma_wait3A_1527 = tpu.memref_slice %arg6[%add3A_1525, %dma_wait3A_1526] : memref<262144x128xf32, #tpu.memory_space<hbm>> -> memref<128x128xf32, #tpu.memory_space<hbm>>
    %dma_wait3A_1528 = arith.constant 0 : i32
    %dma_wait3A_1529 = tpu.memref_slice %arg6[%add3A_1525, %dma_wait3A_1528] : memref<262144x128xf32, #tpu.memory_space<hbm>> -> memref<128x128xf32, #tpu.memory_space<hbm>>
    tpu.wait_dma2 semaphore(%arg22 : memref<!tpu.dma_semaphore, #tpu.memory_space<semaphore_mem>>) src(%arg12 : memref<128x128xf32, #tpu.memory_space<vmem>>) dst(%dma_wait3A_1529 : memref<128x128xf32, #tpu.memory_space<hbm>>)
    %dma_start3A_1530 = arith.constant 61 : i32
    %dma_start3A_1531 = arith.constant 0 : i32
    %dma_start3A_1532 = tpu.memref_slice %arg10[%dma_start3A_1530, %dma_start3A_1531] : memref<64x128xi32, #tpu.memory_space<vmem>> -> memref<1x128xi32, #tpu.memory_space<vmem>>
    %dma_start3A_1533 = tpu.memref_squeeze %dma_start3A_1532 : memref<1x128xi32, #tpu.memory_space<vmem>> -> memref<128xi32, #tpu.memory_space<vmem>>
    %dma_start3A_1534 = arith.constant 0 : i32
    %dma_start3A_1535 = arith.constant 0 : i32
    %dma_start3A_1536 = tpu.memref_slice %arg2[%dma_start3A_1534, %dma_start3A_1535] : memref<30848x128xf32, #tpu.memory_space<hbm>> -> memref<30848x128xf32, #tpu.memory_space<hbm>>
    tpu.enqueue_indirect_dma source(%dma_start3A_1536 : memref<30848x128xf32, #tpu.memory_space<hbm>>) target(%arg12 : memref<128x128xf32, #tpu.memory_space<vmem>>) offsets(%dma_start3A_1533 : memref<128xi32, #tpu.memory_space<vmem>>) semaphore(%arg17 : memref<!tpu.dma_semaphore, #tpu.memory_space<semaphore_mem>>)
    %dma_wait3A_1537 = arith.constant 58 : i32
    %dma_wait3A_1538 = arith.constant 0 : i32
    %dma_wait3A_1539 = tpu.memref_slice %arg10[%dma_wait3A_1537, %dma_wait3A_1538] : memref<64x128xi32, #tpu.memory_space<vmem>> -> memref<1x128xi32, #tpu.memory_space<vmem>>
    %dma_wait3A_1540 = tpu.memref_squeeze %dma_wait3A_1539 : memref<1x128xi32, #tpu.memory_space<vmem>> -> memref<128xi32, #tpu.memory_space<vmem>>
    %dma_wait3A_1541 = arith.constant 0 : i32
    %dma_wait3A_1542 = arith.constant 0 : i32
    %dma_wait3A_1543 = tpu.memref_slice %arg2[%dma_wait3A_1541, %dma_wait3A_1542] : memref<30848x128xf32, #tpu.memory_space<hbm>> -> memref<30848x128xf32, #tpu.memory_space<hbm>>
    tpu.wait_indirect_dma semaphore(%arg19 : memref<!tpu.dma_semaphore, #tpu.memory_space<semaphore_mem>>) src(%dma_wait3A_1543 : memref<30848x128xf32, #tpu.memory_space<hbm>>) dst(%arg14 : memref<128x128xf32, #tpu.memory_space<vmem>>)
    %add3A_1544 = arith.constant 7424 : i32
    %add3A_1545 = arith.addi %mul3A_2, %add3A_1544 : i32
    %dma_start3A_1546 = arith.constant 0 : i32
    %dma_start3A_1547 = tpu.memref_slice %arg6[%add3A_1545, %dma_start3A_1546] : memref<262144x128xf32, #tpu.memory_space<hbm>> -> memref<128x128xf32, #tpu.memory_space<hbm>>
    %dma_start3A_1548 = arith.constant 0 : i32
    %dma_start3A_1549 = tpu.memref_slice %arg6[%add3A_1545, %dma_start3A_1548] : memref<262144x128xf32, #tpu.memory_space<hbm>> -> memref<128x128xf32, #tpu.memory_space<hbm>>
    tpu.enqueue_dma source(%arg14 : memref<128x128xf32, #tpu.memory_space<vmem>>) target(%dma_start3A_1549 : memref<128x128xf32, #tpu.memory_space<hbm>>) target_semaphore(%arg24 : memref<!tpu.dma_semaphore, #tpu.memory_space<semaphore_mem>>)
    %add3A_1550 = arith.constant 7296 : i32
    %add3A_1551 = arith.addi %mul3A_2, %add3A_1550 : i32
    %dma_wait3A_1552 = arith.constant 0 : i32
    %dma_wait3A_1553 = tpu.memref_slice %arg6[%add3A_1551, %dma_wait3A_1552] : memref<262144x128xf32, #tpu.memory_space<hbm>> -> memref<128x128xf32, #tpu.memory_space<hbm>>
    %dma_wait3A_1554 = arith.constant 0 : i32
    %dma_wait3A_1555 = tpu.memref_slice %arg6[%add3A_1551, %dma_wait3A_1554] : memref<262144x128xf32, #tpu.memory_space<hbm>> -> memref<128x128xf32, #tpu.memory_space<hbm>>
    tpu.wait_dma2 semaphore(%arg23 : memref<!tpu.dma_semaphore, #tpu.memory_space<semaphore_mem>>) src(%arg13 : memref<128x128xf32, #tpu.memory_space<vmem>>) dst(%dma_wait3A_1555 : memref<128x128xf32, #tpu.memory_space<hbm>>)
    %dma_start3A_1556 = arith.constant 62 : i32
    %dma_start3A_1557 = arith.constant 0 : i32
    %dma_start3A_1558 = tpu.memref_slice %arg10[%dma_start3A_1556, %dma_start3A_1557] : memref<64x128xi32, #tpu.memory_space<vmem>> -> memref<1x128xi32, #tpu.memory_space<vmem>>
    %dma_start3A_1559 = tpu.memref_squeeze %dma_start3A_1558 : memref<1x128xi32, #tpu.memory_space<vmem>> -> memref<128xi32, #tpu.memory_space<vmem>>
    %dma_start3A_1560 = arith.constant 0 : i32
    %dma_start3A_1561 = arith.constant 0 : i32
    %dma_start3A_1562 = tpu.memref_slice %arg2[%dma_start3A_1560, %dma_start3A_1561] : memref<30848x128xf32, #tpu.memory_space<hbm>> -> memref<30848x128xf32, #tpu.memory_space<hbm>>
    tpu.enqueue_indirect_dma source(%dma_start3A_1562 : memref<30848x128xf32, #tpu.memory_space<hbm>>) target(%arg13 : memref<128x128xf32, #tpu.memory_space<vmem>>) offsets(%dma_start3A_1559 : memref<128xi32, #tpu.memory_space<vmem>>) semaphore(%arg18 : memref<!tpu.dma_semaphore, #tpu.memory_space<semaphore_mem>>)
    %dma_wait3A_1563 = arith.constant 59 : i32
    %dma_wait3A_1564 = arith.constant 0 : i32
    %dma_wait3A_1565 = tpu.memref_slice %arg10[%dma_wait3A_1563, %dma_wait3A_1564] : memref<64x128xi32, #tpu.memory_space<vmem>> -> memref<1x128xi32, #tpu.memory_space<vmem>>
    %dma_wait3A_1566 = tpu.memref_squeeze %dma_wait3A_1565 : memref<1x128xi32, #tpu.memory_space<vmem>> -> memref<128xi32, #tpu.memory_space<vmem>>
    %dma_wait3A_1567 = arith.constant 0 : i32
    %dma_wait3A_1568 = arith.constant 0 : i32
    %dma_wait3A_1569 = tpu.memref_slice %arg2[%dma_wait3A_1567, %dma_wait3A_1568] : memref<30848x128xf32, #tpu.memory_space<hbm>> -> memref<30848x128xf32, #tpu.memory_space<hbm>>
    tpu.wait_indirect_dma semaphore(%arg20 : memref<!tpu.dma_semaphore, #tpu.memory_space<semaphore_mem>>) src(%dma_wait3A_1569 : memref<30848x128xf32, #tpu.memory_space<hbm>>) dst(%arg15 : memref<128x128xf32, #tpu.memory_space<vmem>>)
    %add3A_1570 = arith.constant 7552 : i32
    %add3A_1571 = arith.addi %mul3A_2, %add3A_1570 : i32
    %dma_start3A_1572 = arith.constant 0 : i32
    %dma_start3A_1573 = tpu.memref_slice %arg6[%add3A_1571, %dma_start3A_1572] : memref<262144x128xf32, #tpu.memory_space<hbm>> -> memref<128x128xf32, #tpu.memory_space<hbm>>
    %dma_start3A_1574 = arith.constant 0 : i32
    %dma_start3A_1575 = tpu.memref_slice %arg6[%add3A_1571, %dma_start3A_1574] : memref<262144x128xf32, #tpu.memory_space<hbm>> -> memref<128x128xf32, #tpu.memory_space<hbm>>
    tpu.enqueue_dma source(%arg15 : memref<128x128xf32, #tpu.memory_space<vmem>>) target(%dma_start3A_1575 : memref<128x128xf32, #tpu.memory_space<hbm>>) target_semaphore(%arg25 : memref<!tpu.dma_semaphore, #tpu.memory_space<semaphore_mem>>)
    %add3A_1576 = arith.constant 7424 : i32
    %add3A_1577 = arith.addi %mul3A_2, %add3A_1576 : i32
    %dma_wait3A_1578 = arith.constant 0 : i32
    %dma_wait3A_1579 = tpu.memref_slice %arg6[%add3A_1577, %dma_wait3A_1578] : memref<262144x128xf32, #tpu.memory_space<hbm>> -> memref<128x128xf32, #tpu.memory_space<hbm>>
    %dma_wait3A_1580 = arith.constant 0 : i32
    %dma_wait3A_1581 = tpu.memref_slice %arg6[%add3A_1577, %dma_wait3A_1580] : memref<262144x128xf32, #tpu.memory_space<hbm>> -> memref<128x128xf32, #tpu.memory_space<hbm>>
    tpu.wait_dma2 semaphore(%arg24 : memref<!tpu.dma_semaphore, #tpu.memory_space<semaphore_mem>>) src(%arg14 : memref<128x128xf32, #tpu.memory_space<vmem>>) dst(%dma_wait3A_1581 : memref<128x128xf32, #tpu.memory_space<hbm>>)
    %dma_start3A_1582 = arith.constant 63 : i32
    %dma_start3A_1583 = arith.constant 0 : i32
    %dma_start3A_1584 = tpu.memref_slice %arg10[%dma_start3A_1582, %dma_start3A_1583] : memref<64x128xi32, #tpu.memory_space<vmem>> -> memref<1x128xi32, #tpu.memory_space<vmem>>
    %dma_start3A_1585 = tpu.memref_squeeze %dma_start3A_1584 : memref<1x128xi32, #tpu.memory_space<vmem>> -> memref<128xi32, #tpu.memory_space<vmem>>
    %dma_start3A_1586 = arith.constant 0 : i32
    %dma_start3A_1587 = arith.constant 0 : i32
    %dma_start3A_1588 = tpu.memref_slice %arg2[%dma_start3A_1586, %dma_start3A_1587] : memref<30848x128xf32, #tpu.memory_space<hbm>> -> memref<30848x128xf32, #tpu.memory_space<hbm>>
    tpu.enqueue_indirect_dma source(%dma_start3A_1588 : memref<30848x128xf32, #tpu.memory_space<hbm>>) target(%arg14 : memref<128x128xf32, #tpu.memory_space<vmem>>) offsets(%dma_start3A_1585 : memref<128xi32, #tpu.memory_space<vmem>>) semaphore(%arg19 : memref<!tpu.dma_semaphore, #tpu.memory_space<semaphore_mem>>)
    %dma_wait3A_1589 = arith.constant 60 : i32
    %dma_wait3A_1590 = arith.constant 0 : i32
    %dma_wait3A_1591 = tpu.memref_slice %arg10[%dma_wait3A_1589, %dma_wait3A_1590] : memref<64x128xi32, #tpu.memory_space<vmem>> -> memref<1x128xi32, #tpu.memory_space<vmem>>
    %dma_wait3A_1592 = tpu.memref_squeeze %dma_wait3A_1591 : memref<1x128xi32, #tpu.memory_space<vmem>> -> memref<128xi32, #tpu.memory_space<vmem>>
    %dma_wait3A_1593 = arith.constant 0 : i32
    %dma_wait3A_1594 = arith.constant 0 : i32
    %dma_wait3A_1595 = tpu.memref_slice %arg2[%dma_wait3A_1593, %dma_wait3A_1594] : memref<30848x128xf32, #tpu.memory_space<hbm>> -> memref<30848x128xf32, #tpu.memory_space<hbm>>
    tpu.wait_indirect_dma semaphore(%arg16 : memref<!tpu.dma_semaphore, #tpu.memory_space<semaphore_mem>>) src(%dma_wait3A_1595 : memref<30848x128xf32, #tpu.memory_space<hbm>>) dst(%arg11 : memref<128x128xf32, #tpu.memory_space<vmem>>)
    %add3A_1596 = arith.constant 7680 : i32
    %add3A_1597 = arith.addi %mul3A_2, %add3A_1596 : i32
    %dma_start3A_1598 = arith.constant 0 : i32
    %dma_start3A_1599 = tpu.memref_slice %arg6[%add3A_1597, %dma_start3A_1598] : memref<262144x128xf32, #tpu.memory_space<hbm>> -> memref<128x128xf32, #tpu.memory_space<hbm>>
    %dma_start3A_1600 = arith.constant 0 : i32
    %dma_start3A_1601 = tpu.memref_slice %arg6[%add3A_1597, %dma_start3A_1600] : memref<262144x128xf32, #tpu.memory_space<hbm>> -> memref<128x128xf32, #tpu.memory_space<hbm>>
    tpu.enqueue_dma source(%arg11 : memref<128x128xf32, #tpu.memory_space<vmem>>) target(%dma_start3A_1601 : memref<128x128xf32, #tpu.memory_space<hbm>>) target_semaphore(%arg21 : memref<!tpu.dma_semaphore, #tpu.memory_space<semaphore_mem>>)
    %dma_wait3A_1602 = arith.constant 61 : i32
    %dma_wait3A_1603 = arith.constant 0 : i32
    %dma_wait3A_1604 = tpu.memref_slice %arg10[%dma_wait3A_1602, %dma_wait3A_1603] : memref<64x128xi32, #tpu.memory_space<vmem>> -> memref<1x128xi32, #tpu.memory_space<vmem>>
    %dma_wait3A_1605 = tpu.memref_squeeze %dma_wait3A_1604 : memref<1x128xi32, #tpu.memory_space<vmem>> -> memref<128xi32, #tpu.memory_space<vmem>>
    %dma_wait3A_1606 = arith.constant 0 : i32
    %dma_wait3A_1607 = arith.constant 0 : i32
    %dma_wait3A_1608 = tpu.memref_slice %arg2[%dma_wait3A_1606, %dma_wait3A_1607] : memref<30848x128xf32, #tpu.memory_space<hbm>> -> memref<30848x128xf32, #tpu.memory_space<hbm>>
    tpu.wait_indirect_dma semaphore(%arg17 : memref<!tpu.dma_semaphore, #tpu.memory_space<semaphore_mem>>) src(%dma_wait3A_1608 : memref<30848x128xf32, #tpu.memory_space<hbm>>) dst(%arg12 : memref<128x128xf32, #tpu.memory_space<vmem>>)
    %add3A_1609 = arith.constant 7808 : i32
    %add3A_1610 = arith.addi %mul3A_2, %add3A_1609 : i32
    %dma_start3A_1611 = arith.constant 0 : i32
    %dma_start3A_1612 = tpu.memref_slice %arg6[%add3A_1610, %dma_start3A_1611] : memref<262144x128xf32, #tpu.memory_space<hbm>> -> memref<128x128xf32, #tpu.memory_space<hbm>>
    %dma_start3A_1613 = arith.constant 0 : i32
    %dma_start3A_1614 = tpu.memref_slice %arg6[%add3A_1610, %dma_start3A_1613] : memref<262144x128xf32, #tpu.memory_space<hbm>> -> memref<128x128xf32, #tpu.memory_space<hbm>>
    tpu.enqueue_dma source(%arg12 : memref<128x128xf32, #tpu.memory_space<vmem>>) target(%dma_start3A_1614 : memref<128x128xf32, #tpu.memory_space<hbm>>) target_semaphore(%arg22 : memref<!tpu.dma_semaphore, #tpu.memory_space<semaphore_mem>>)
    %dma_wait3A_1615 = arith.constant 62 : i32
    %dma_wait3A_1616 = arith.constant 0 : i32
    %dma_wait3A_1617 = tpu.memref_slice %arg10[%dma_wait3A_1615, %dma_wait3A_1616] : memref<64x128xi32, #tpu.memory_space<vmem>> -> memref<1x128xi32, #tpu.memory_space<vmem>>
    %dma_wait3A_1618 = tpu.memref_squeeze %dma_wait3A_1617 : memref<1x128xi32, #tpu.memory_space<vmem>> -> memref<128xi32, #tpu.memory_space<vmem>>
    %dma_wait3A_1619 = arith.constant 0 : i32
    %dma_wait3A_1620 = arith.constant 0 : i32
    %dma_wait3A_1621 = tpu.memref_slice %arg2[%dma_wait3A_1619, %dma_wait3A_1620] : memref<30848x128xf32, #tpu.memory_space<hbm>> -> memref<30848x128xf32, #tpu.memory_space<hbm>>
    tpu.wait_indirect_dma semaphore(%arg18 : memref<!tpu.dma_semaphore, #tpu.memory_space<semaphore_mem>>) src(%dma_wait3A_1621 : memref<30848x128xf32, #tpu.memory_space<hbm>>) dst(%arg13 : memref<128x128xf32, #tpu.memory_space<vmem>>)
    %add3A_1622 = arith.constant 7936 : i32
    %add3A_1623 = arith.addi %mul3A_2, %add3A_1622 : i32
    %dma_start3A_1624 = arith.constant 0 : i32
    %dma_start3A_1625 = tpu.memref_slice %arg6[%add3A_1623, %dma_start3A_1624] : memref<262144x128xf32, #tpu.memory_space<hbm>> -> memref<128x128xf32, #tpu.memory_space<hbm>>
    %dma_start3A_1626 = arith.constant 0 : i32
    %dma_start3A_1627 = tpu.memref_slice %arg6[%add3A_1623, %dma_start3A_1626] : memref<262144x128xf32, #tpu.memory_space<hbm>> -> memref<128x128xf32, #tpu.memory_space<hbm>>
    tpu.enqueue_dma source(%arg13 : memref<128x128xf32, #tpu.memory_space<vmem>>) target(%dma_start3A_1627 : memref<128x128xf32, #tpu.memory_space<hbm>>) target_semaphore(%arg23 : memref<!tpu.dma_semaphore, #tpu.memory_space<semaphore_mem>>)
    %dma_wait3A_1628 = arith.constant 63 : i32
    %dma_wait3A_1629 = arith.constant 0 : i32
    %dma_wait3A_1630 = tpu.memref_slice %arg10[%dma_wait3A_1628, %dma_wait3A_1629] : memref<64x128xi32, #tpu.memory_space<vmem>> -> memref<1x128xi32, #tpu.memory_space<vmem>>
    %dma_wait3A_1631 = tpu.memref_squeeze %dma_wait3A_1630 : memref<1x128xi32, #tpu.memory_space<vmem>> -> memref<128xi32, #tpu.memory_space<vmem>>
    %dma_wait3A_1632 = arith.constant 0 : i32
    %dma_wait3A_1633 = arith.constant 0 : i32
    %dma_wait3A_1634 = tpu.memref_slice %arg2[%dma_wait3A_1632, %dma_wait3A_1633] : memref<30848x128xf32, #tpu.memory_space<hbm>> -> memref<30848x128xf32, #tpu.memory_space<hbm>>
    tpu.wait_indirect_dma semaphore(%arg19 : memref<!tpu.dma_semaphore, #tpu.memory_space<semaphore_mem>>) src(%dma_wait3A_1634 : memref<30848x128xf32, #tpu.memory_space<hbm>>) dst(%arg14 : memref<128x128xf32, #tpu.memory_space<vmem>>)
    %add3A_1635 = arith.constant 8064 : i32
    %add3A_1636 = arith.addi %mul3A_2, %add3A_1635 : i32
    %dma_start3A_1637 = arith.constant 0 : i32
    %dma_start3A_1638 = tpu.memref_slice %arg6[%add3A_1636, %dma_start3A_1637] : memref<262144x128xf32, #tpu.memory_space<hbm>> -> memref<128x128xf32, #tpu.memory_space<hbm>>
    %dma_start3A_1639 = arith.constant 0 : i32
    %dma_start3A_1640 = tpu.memref_slice %arg6[%add3A_1636, %dma_start3A_1639] : memref<262144x128xf32, #tpu.memory_space<hbm>> -> memref<128x128xf32, #tpu.memory_space<hbm>>
    tpu.enqueue_dma source(%arg14 : memref<128x128xf32, #tpu.memory_space<vmem>>) target(%dma_start3A_1640 : memref<128x128xf32, #tpu.memory_space<hbm>>) target_semaphore(%arg24 : memref<!tpu.dma_semaphore, #tpu.memory_space<semaphore_mem>>)
    %add3A_1641 = arith.constant 7552 : i32
    %add3A_1642 = arith.addi %mul3A_2, %add3A_1641 : i32
    %dma_wait3A_1643 = arith.constant 0 : i32
    %dma_wait3A_1644 = tpu.memref_slice %arg6[%add3A_1642, %dma_wait3A_1643] : memref<262144x128xf32, #tpu.memory_space<hbm>> -> memref<128x128xf32, #tpu.memory_space<hbm>>
    %dma_wait3A_1645 = arith.constant 0 : i32
    %dma_wait3A_1646 = tpu.memref_slice %arg6[%add3A_1642, %dma_wait3A_1645] : memref<262144x128xf32, #tpu.memory_space<hbm>> -> memref<128x128xf32, #tpu.memory_space<hbm>>
    tpu.wait_dma2 semaphore(%arg25 : memref<!tpu.dma_semaphore, #tpu.memory_space<semaphore_mem>>) src(%arg15 : memref<128x128xf32, #tpu.memory_space<vmem>>) dst(%dma_wait3A_1646 : memref<128x128xf32, #tpu.memory_space<hbm>>)
    %add3A_1647 = arith.constant 7680 : i32
    %add3A_1648 = arith.addi %mul3A_2, %add3A_1647 : i32
    %dma_wait3A_1649 = arith.constant 0 : i32
    %dma_wait3A_1650 = tpu.memref_slice %arg6[%add3A_1648, %dma_wait3A_1649] : memref<262144x128xf32, #tpu.memory_space<hbm>> -> memref<128x128xf32, #tpu.memory_space<hbm>>
    %dma_wait3A_1651 = arith.constant 0 : i32
    %dma_wait3A_1652 = tpu.memref_slice %arg6[%add3A_1648, %dma_wait3A_1651] : memref<262144x128xf32, #tpu.memory_space<hbm>> -> memref<128x128xf32, #tpu.memory_space<hbm>>
    tpu.wait_dma2 semaphore(%arg21 : memref<!tpu.dma_semaphore, #tpu.memory_space<semaphore_mem>>) src(%arg11 : memref<128x128xf32, #tpu.memory_space<vmem>>) dst(%dma_wait3A_1652 : memref<128x128xf32, #tpu.memory_space<hbm>>)
    %add3A_1653 = arith.constant 7808 : i32
    %add3A_1654 = arith.addi %mul3A_2, %add3A_1653 : i32
    %dma_wait3A_1655 = arith.constant 0 : i32
    %dma_wait3A_1656 = tpu.memref_slice %arg6[%add3A_1654, %dma_wait3A_1655] : memref<262144x128xf32, #tpu.memory_space<hbm>> -> memref<128x128xf32, #tpu.memory_space<hbm>>
    %dma_wait3A_1657 = arith.constant 0 : i32
    %dma_wait3A_1658 = tpu.memref_slice %arg6[%add3A_1654, %dma_wait3A_1657] : memref<262144x128xf32, #tpu.memory_space<hbm>> -> memref<128x128xf32, #tpu.memory_space<hbm>>
    tpu.wait_dma2 semaphore(%arg22 : memref<!tpu.dma_semaphore, #tpu.memory_space<semaphore_mem>>) src(%arg12 : memref<128x128xf32, #tpu.memory_space<vmem>>) dst(%dma_wait3A_1658 : memref<128x128xf32, #tpu.memory_space<hbm>>)
    %add3A_1659 = arith.constant 7936 : i32
    %add3A_1660 = arith.addi %mul3A_2, %add3A_1659 : i32
    %dma_wait3A_1661 = arith.constant 0 : i32
    %dma_wait3A_1662 = tpu.memref_slice %arg6[%add3A_1660, %dma_wait3A_1661] : memref<262144x128xf32, #tpu.memory_space<hbm>> -> memref<128x128xf32, #tpu.memory_space<hbm>>
    %dma_wait3A_1663 = arith.constant 0 : i32
    %dma_wait3A_1664 = tpu.memref_slice %arg6[%add3A_1660, %dma_wait3A_1663] : memref<262144x128xf32, #tpu.memory_space<hbm>> -> memref<128x128xf32, #tpu.memory_space<hbm>>
    tpu.wait_dma2 semaphore(%arg23 : memref<!tpu.dma_semaphore, #tpu.memory_space<semaphore_mem>>) src(%arg13 : memref<128x128xf32, #tpu.memory_space<vmem>>) dst(%dma_wait3A_1664 : memref<128x128xf32, #tpu.memory_space<hbm>>)
    %add3A_1665 = arith.constant 8064 : i32
    %add3A_1666 = arith.addi %mul3A_2, %add3A_1665 : i32
    %dma_wait3A_1667 = arith.constant 0 : i32
    %dma_wait3A_1668 = tpu.memref_slice %arg6[%add3A_1666, %dma_wait3A_1667] : memref<262144x128xf32, #tpu.memory_space<hbm>> -> memref<128x128xf32, #tpu.memory_space<hbm>>
    %dma_wait3A_1669 = arith.constant 0 : i32
    %dma_wait3A_1670 = tpu.memref_slice %arg6[%add3A_1666, %dma_wait3A_1669] : memref<262144x128xf32, #tpu.memory_space<hbm>> -> memref<128x128xf32, #tpu.memory_space<hbm>>
    tpu.wait_dma2 semaphore(%arg24 : memref<!tpu.dma_semaphore, #tpu.memory_space<semaphore_mem>>) src(%arg14 : memref<128x128xf32, #tpu.memory_space<vmem>>) dst(%dma_wait3A_1670 : memref<128x128xf32, #tpu.memory_space<hbm>>)
    return
  }
}

</mosaic_0001>

<sc_bundles>
// kernel: kernel.3.cloned.1.call-start
scs
__scs_entry_jumppad:
0x0: {  	(pc) =	sbr.rel $0x88, $3  }
0x1: {  	(tag) =	ssettag $0x0;
	lr =	simm.s32 $0x1  }
0x2: {  	[smem:$0x3F9E] =	sst lr;
	_ =	strace $0xD0000000  }
0x3: {  	_ = 	snop  }
0x4: {  	_ = 	snop  }
0x5: {  	_ = 	snop  }
0x6: {  	_ = 	snop  }
0x7: {  	_ = 	snop  }
__scs_overlays_trampoline_lowered:
0x8: {  	[smem:$0x3FAD] =	sst s0  }
0x9: {  	[smem:$0x3FAE] =	sst s1  }
0xa: {  	[smem:$0x3FAF] =	sst s2  }
0xb: {  	[smem:$0x3FB0] =	sst s3  }
0xc: {  	[smem:$0x3FB1] =	sst s4  }
0xd: {  	[smem:$0x3FB2] =	sst s5  }
0xe: {  	[smem:$0x3FB3] =	sst s6  }
0xf: {  	[smem:$0x3FB4] =	sst s7  }
0x10: {  	[smem:$0x3FB5] =	sst s8  }
0x11: {  	[smem:$0x3FB6] =	sst s9;
	s0 =	simm.s32 @!p0 $0x0  }
0x12: {  	s1 =	sld [smem:$0x3F9C];
	s0 =	simm.s32 @p0 $0x1  }
0x13: {  	[smem:$0x3FB7] =	sst s0;
	s0 =	simm.s32 @!p1 $0x0  }
0x14: {  	s2 =	sld [smem:$0x3F9B];
	s0 =	simm.s32 @p1 $0x1  }
0x15: {  	[smem:$0x3FB8] =	sst s0;
	s0 =	simm.s32 @!p2 $0x0  }
0x16: {  	s3 =	sld [smem:$0x3FDB];
	s0 =	simm.s32 @p2 $0x1  }
0x17: {  	s4 =	simm.s32 $0x1BF5;
	[smem:$0x3FBA] =	sst s0  }
0x18: {  	s0 =	sld [smem:$0x3F9D];
	_ =	swait.ge [sflag:s4], $0x0  }
0x19: {  	s7 =	sld [smem:$0x3F9E]  }
0x1a: {  	s8 =	sadd.s32 $0xFFFFE003, lr  }
0x1b: {  	s9 =	sadd.s32 $0xFFFFFEF7, lr;
	s5 =	simm.s32 $0xFFFFFFFF;
	p2 =	slt.u32 s8, $0xFFFFF086  }
0x1c: {  	p1 =	slt.u32 s9, $0xF7A;
	s5 =	simm.s32 @!p2 $0x0  }
0x1d: {  	s5 =	simm.s32 @p1 $0x1;
	p0 =	seq.s32 s7, s2  }
0x1e: {  	s7 =	smul.u32 @!p0 $0xF7A, s2;
	p2 =	seq.s32 @!p0 s5, $0x0  }
0x1f: {  	s9 =	smul.u32 $0xF7A, s1;
	s8 =	simm.s32 @!p0 $0x1BF5;
	p2 =	por !p2, p0  }
0x20: {  	[sflag:s8] =	ssyncset.s32 @!p0 $0xFFFFF086;
	s6 =	sadd.s32 @!p0 s3, s7;
	s7 =	simm.s32 @!p0 $0x108  }
0x21: {  	s3 =	sadd.s32 s3, s9;
	s6 =	sadd.s32 @!p0 $0x88, s6;
	s7 =	simm.s32 @p2 $0x1082  }
0x22: {  	[simem:s7], [sflag:s8] =	dma.local @!p0 [hbm:s6], $0xF7A  }
0x23: {  	s9 =	sor.u32 $0xD0000000, s2;
	s6 =	simm.s32 $0x108;
	_ =	swait.ge @!p0 [sflag:s8], $0x0  }
0x24: {  	s3 =	sadd.s32 $0x88, s3;
	s6 =	simm.s32 @!p1 $0x1082;
	[sflag:s4] =	ssyncset.s32 $0xFFFFF086  }
0x25: {  	[simem:s6], [sflag:s4] =	dma.local [hbm:s3], $0xF7A  }
0x26: {  	[smem:$0x3F9E] =	sst s1;
	(tag) =	ssettag s2;
	_ =	strace s9  }
0x27: {  	s1 =	sld [smem:$0x3FAE]  }
0x28: {  	s2 =	sld [smem:$0x3FAF]  }
0x29: {  	s4 =	sld [smem:$0x3FB1]  }
0x2a: {  	p0 =	seq.s32 s5, $0x0;
	s5 =	sld [smem:$0x3FB2]  }
0x2b: {  	s6 =	sld [smem:$0x3FB3]  }
0x2c: {  	s7 =	sld [smem:$0x3FB4]  }
0x2d: {  	s3 =	simm.s32 $0x108;
	s8 =	sld [smem:$0x3FB5]  }
0x2e: {  	s3 =	simm.s32 @!p0 $0x1082;
	s9 =	sld [smem:$0x3FB6]  }
0x2f: {  	lr =	sadd.s32 s0, s3;
	s0 =	sld [smem:$0x3FAD]  }
0x30: {  	s3 =	sld [smem:$0x3FB0]  }
0x31: {  	[smem:$0x3FB9] =	sst s10  }
0x32: {  	s10 =	sld [smem:$0x3FB7];
	_ =	sdelay $0x3  }
0x33: {  	p0 =	seq.s32 s10, $0x1;
	s10 =	sld [smem:$0x3FB9];
	_ =	sdelay $0x3  }
0x34: {  	[smem:$0x3FB9] =	sst s10  }
0x35: {  	s10 =	sld [smem:$0x3FB8];
	_ =	sdelay $0x3  }
0x36: {  	p1 =	seq.s32 s10, $0x1;
	s10 =	sld [smem:$0x3FB9];
	_ =	sdelay $0x3  }
0x37: {  	[smem:$0x3FB9] =	sst s10  }
0x38: {  	s10 =	sld [smem:$0x3FBA]  }
0x39: {  	_ = 	snop;
	(pc) =	sbr.ind lr, $3  }
0x3a: {  	_ = 	snop  }
0x3b: {  	_ = 	snop  }
0x3c: {  	p2 =	seq.s32 s10, $0x1;
	s10 =	sld [smem:$0x3FB9]  }
0x3d: {  	_ =	shalt  }
0x3e: {  	_ =	shalt  }
0x3f: {  	_ =	shalt  }
0x40: {  	_ =	shalt  }
0x41: {  	_ =	shalt  }
0x42: {  	_ =	shalt  }
0x43: {  	_ =	shalt  }
0x44: {  	_ =	shalt  }
0x45: {  	_ =	shalt  }
0x46: {  	_ =	shalt  }
0x47: {  	_ =	shalt  }
0x48: {  	_ =	shalt  }
0x49: {  	_ =	shalt  }
0x4a: {  	_ =	shalt  }
0x4b: {  	_ =	shalt  }
0x4c: {  	_ =	shalt  }
0x4d: {  	_ =	shalt  }
0x4e: {  	_ =	shalt  }
0x4f: {  	_ =	shalt  }
0x50: {  	_ =	shalt  }
0x51: {  	_ =	shalt  }
0x52: {  	_ =	shalt  }
0x53: {  	_ =	shalt  }
0x54: {  	_ =	shalt  }
0x55: {  	_ =	shalt  }
0x56: {  	_ =	shalt  }
0x57: {  	_ =	shalt  }
0x58: {  	_ =	shalt  }
0x59: {  	_ =	shalt  }
0x5a: {  	_ =	shalt  }
0x5b: {  	_ =	shalt  }
0x5c: {  	_ =	shalt  }
0x5d: {  	_ =	shalt  }
0x5e: {  	_ =	shalt  }
0x5f: {  	_ =	shalt  }
0x60: {  	_ =	shalt  }
0x61: {  	_ =	shalt  }
0x62: {  	_ =	shalt  }
0x63: {  	_ =	shalt  }
0x64: {  	_ =	shalt  }
0x65: {  	_ =	shalt  }
0x66: {  	_ =	shalt  }
0x67: {  	_ =	shalt  }
0x68: {  	_ =	shalt  }
0x69: {  	_ =	shalt  }
0x6a: {  	_ =	shalt  }
0x6b: {  	_ =	shalt  }
0x6c: {  	_ =	shalt  }
0x6d: {  	_ =	shalt  }
0x6e: {  	_ =	shalt  }
0x6f: {  	_ =	shalt  }
0x70: {  	_ =	shalt  }
0x71: {  	_ =	shalt  }
0x72: {  	_ =	shalt  }
0x73: {  	_ =	shalt  }
0x74: {  	_ =	shalt  }
0x75: {  	_ =	shalt  }
0x76: {  	_ =	shalt  }
0x77: {  	_ =	shalt  }
0x78: {  	_ =	shalt  }
0x79: {  	_ =	shalt  }
0x7a: {  	_ =	shalt  }
0x7b: {  	_ =	shalt  }
0x7c: {  	_ =	shalt  }
0x7d: {  	_ =	shalt  }
0x7e: {  	_ =	shalt  }
0x7f: {  	_ =	shalt  }
0x80: {  	_ =	shalt  }
0x81: {  	_ =	shalt  }
0x82: {  	_ =	shalt  }
0x83: {  	_ =	shalt  }
0x84: {  	_ =	shalt  }
0x85: {  	_ =	shalt  }
0x86: {  	_ =	shalt  }
0x87: {  	_ =	shalt  }
.Lfunc_end0:
.L_simem_size_0:
called_computation.1_lowered:
.L_overlay_start_0:
0x88: {  	s2 =	sld [smem:$0x3FD9]  }
0x89: {  	s3 =	sld [smem:$0x3FFE];
	_ =	sdelay $0x1  }
0x8a: {  	s1 =	srdreg.scid  }
0x8b: {  	s0 =	sand.u32 $0x1, s1  }
0x8c: {  	s17 =	sshll.u32 s0, $0xA;
	s2 =	sadd.s32 s3, s2  }
0x8d: {  	s2 =	sadd.s32 s2, s17  }
0x8e: {  	[smem:$0x3FC5] =	sst s2  }
0x8f: {  	_ = 	snop  }
0x90: {  	s2 =	sld [smem:$0x3FD0];
	(tm) =	ssettm $0x1  }
0x91: {  	s18 =	sld [smem:$0x3FFB];
	_ =	sdelay $0x3  }
0x92: {  	_ =	strace s18  }
0x93: {  	s3 =	sld [smem:$0x3FFC];
	_ =	sdelay $0x3  }
0x94: {  	_ =	strace s3  }
0x95: {  	s3 =	sld [smem:$0x3FFD];
	_ =	sdelay $0x3  }
0x96: {  	_ =	strace s3  }
0x97: {  	_ =	strace $0x8FFFFFFF  }
0x98: {  	s19 =	sld [smem:$0x3FDB];
	_ =	sdelay $0x1  }
0x99: {  	s4 =	simm.s32 $_scs_section_size  }
0x9a: {  	s5 =	simm.s32 $_size__tile_overlayer_lowered;
	s6 =	simm.s32 $_tile_overlayer_lowered  }
0x9b: {  	s22 =	simm.s32 $0x1BFF;
	s21 =	sshll.u32 s6, $0x1;
	s3 =	sadd.s32 s4, s19  }
0x9c: {  	s7 =	simm.s32 $0x0;
	s20 =	sshll.u32 s5, $0x1;
	s5 =	sadd.s32 s21, s3  }
0x9d: {  	[timem:s7], [sflag:s22] =	dma.local [hbm:s5], s20  }
0x9e: {  	_ =	swait.ge [sflag:s22], s20  }
0x9f: {  	s4 =	ssub.s32 $0x0, s20;
	[sflag:s22] =	ssyncset.done $0x0  }
0xa0: {  	[sflag:s22] =	ssyncadd.s32 s4;
	_ =	sdelay $0x1  }
0xa1: {  	s23 =	simm.s32 $0x1B8B  }
0xa2: {  	_ =	swait.ge [sflag:s23], $0x1  }
0xa3: {  	[sflag:s23] =	ssyncset.done $0x0  }
0xa4: {  	s25 =	simm.s32 $0x1B8E;
	s24 =	sld [smem:$0x3FFE];
	[sflag:s23] =	ssyncadd.s32 $0xFFFFFFFF  }
0xa5: {  	s26 =	simm.s32 $execute0_lowered;
	[smem:$0x3FD2] =	sst s25  }
0xa6: {  	s5 =	sshll.u32 s26, $0x1;
	_ =	strace $0x80000046;
	[dreg:$0x1] =	wrdreg $0xFFFFFFFF  }
0xa7: {  	s28 =	simm.s32 $_size_execute0_lowered;
	s3 =	sadd.s32 s3, s5;
	[dreg:$0x0] =	wrdreg $0x0  }
0xa8: {  	s5 =	sshll.u32 s28, $0x1;
	[dreg:$0x2] =	wrdreg s3  }
0xa9: {  	[dreg:$0x3] =	wrdreg s5  }
0xaa: {  	[dreg:$0x4] =	wrdreg $0xC0  }
0xab: {  	_ =	task [dreg:s7], $0x5FFFF  }
0xac: {  	[dreg:$0x1] =	wrdreg $0xFFFFFFFF  }
0xad: {  	[dreg:$0x0] =	wrdreg $0x60  }
0xae: {  	[dreg:$0x2] =	wrdreg s2  }
0xaf: {  	[dreg:$0x3] =	wrdreg s24  }
0xb0: {  	[dreg:$0x4] =	wrdreg $0x9  }
0xb1: {  	_ =	task.clear_ibuf [dreg:s7], $0x5FFFF;
	_ =	strace $0x90000046  }
0xb2: {  	s29 =	simm.s32 $0x9;
	_ =	strace $0x80000048  }
0xb3: {  	_ =	swait.ge [sflag:s29], $0x1  }
0xb4: {  	[sflag:s29] =	ssyncadd.s32 $0xFFFFFFFF  }
0xb5: {  	_ =	strace $0x90000048  }
0xb6: {  	_ =	sfence  }
0xb7: {  	s30 =	sld [smem:$0x0];
	_ =	sdelay $0x2  }
0xb8: {  	s31 =	sshll.u32 s1, $0xD;
	s1 =	sshrl.u32 s1, $0x2  }
0xb9: {  	s3 =	sand.u32 $0x4000, s31;
	s1 =	sadd.s32 s1, s30  }
0xba: {  	s0 =	sor.u32 s3, s0;
	s1 =	sshll.u32 s1, $0x11  }
0xbb: {  	s0 =	sor.u32 s1, s0  }
0xbc: {  	s0 =	sadd.s32 $0x8F2B, s0  }
0xbd: {  	[sflag:s0] =	ssyncadd.remote.s32 $0x1  }
0xbe: {  	_ =	sfence.sel $0xFFFF  }
0xbf: {  	[dreg:$0x0] =	wrdreg $0xFFFFFFFF;
	(pc) =	sbr.abs _section_cstart, $3  }
0xc0: {  	[dreg:$0x1] =	wrdreg $0xFFFFFFFF  }
0xc1: {  	_ =	task.clear_ibuf [dreg:s7], $0x2FFFF;
	_ =	strace $0x9FFFFFFF  }
0xc2: {  	(tm) =	ssettm $0x7FFFFFFF  }
0xc3: {  	_ =	shalt  }
tec
execute0_lowered:
.L_overlay_start_1:
0x0: {  	(tag) =	ssettag $0x1  }
0x1: {  	s2 =	srdreg.scid  }
0x2: {  	s4 =	stileid.u32;
	s2 =	sand.u32 $0x1, s2  }
0x3: {  	s4 =	sshll.u32 s4, $0xE;
	s5 =	sshll.u32 s2, $0xD  }
0x4: {  	s4 =	sor.u32 s5, s4  }
0x5: {  	s0 =	rddreg [dreg:$0x1];
	s3 =	simm.s32 $0x0;
	s5 =	sshrl.u32 s4, $0x3  }
0x6: {  	[smem:$0x7FF] =	sst s3;
	s5 =	sadd.s32 s5, s0  }
0x7: {  	s1 =	rddreg [dreg:$0x0];
	_ =	strace $0x80000047;
	s8 =	sadd.s32 $0x10A00, s5  }
0x8: {  	s4 =	sshll.u32 s4, $0x4;
	s9 =	sadd.s32 $0x8A00, s5;
	[dreg:$0x3] =	wrdreg s8  }
0x9: {  	s0 =	sadd.s32 s4, s0;
	s10 =	sadd.s32 $0xA00, s5;
	[dreg:$0x4] =	wrdreg s9  }
0xa: {  	s11 =	sadd.s32 $0x18A00, s0;
	[dreg:$0x5] =	wrdreg s10  }
0xb: {  	s12 =	sadd.s32 $0x19200, s0;
	[dreg:$0x6] =	wrdreg s11  }
0xc: {  	s13 =	sadd.s32 $0x19A00, s0;
	[dreg:$0x7] =	wrdreg s12  }
0xd: {  	s14 =	sadd.s32 $0x1A200, s0;
	[dreg:$0x8] =	wrdreg s13  }
0xe: {  	s15 =	sadd.s32 $0x1AA00, s0;
	[dreg:$0x9] =	wrdreg s14  }
0xf: {  	s16 =	sadd.s32 $0x1B200, s0;
	[dreg:$0xa] =	wrdreg s15  }
0x10: {  	s17 =	sadd.s32 $0x1BA00, s0;
	[dreg:$0xb] =	wrdreg s16  }
0x11: {  	s18 =	sadd.s32 $0x1C200, s0;
	[dreg:$0xc] =	wrdreg s17  }
0x12: {  	s19 =	sadd.s32 $0x1CA00, s0;
	[dreg:$0xd] =	wrdreg s18  }
0x13: {  	s20 =	sadd.s32 $0x1D200, s0;
	[dreg:$0xe] =	wrdreg s19  }
0x14: {  	s21 =	sadd.s32 $0x1DA00, s0;
	[dreg:$0xf] =	wrdreg s20  }
0x15: {  	s22 =	sadd.s32 $0x1E200, s0;
	[dreg:$0x10] =	wrdreg s21  }
0x16: {  	s23 =	sadd.s32 $0x1EA00, s0;
	[dreg:$0x11] =	wrdreg s22  }
0x17: {  	s24 =	sadd.s32 $0x1F200, s0;
	[dreg:$0x12] =	wrdreg s23  }
0x18: {  	s25 =	sadd.s32 $0x1FA00, s0;
	[dreg:$0x13] =	wrdreg s24  }
0x19: {  	s26 =	sadd.s32 $0x20200, s0;
	[dreg:$0x14] =	wrdreg s25  }
0x1a: {  	s2 =	ssub.s32 $0x2, s2;
	s5 =	sadd.s32 $0x20A00, s0;
	[dreg:$0x15] =	wrdreg s26  }
0x1b: {  	s7 =	sshrl.u32 s2, $0x1;
	s6 =	sadd.s32 $0x21200, s0;
	[dreg:$0x16] =	wrdreg s5  }
0x1c: {  	s2 =	ssub.s32 s2, s7;
	s7 =	sadd.s32 $0x21A00, s0;
	[dreg:$0x17] =	wrdreg s6  }
0x1d: {  	[dreg:$0x18] =	wrdreg s7;
	s8 =	sadd.s32 $0x22200, s0  }
0x1e: {  	s9 =	sadd.s32 $0x22A00, s0;
	[dreg:$0x19] =	wrdreg s8  }
0x1f: {  	s10 =	sadd.s32 $0x23200, s0;
	[dreg:$0x1a] =	wrdreg s9  }
0x20: {  	s11 =	sadd.s32 $0x23A00, s0;
	[dreg:$0x1b] =	wrdreg s10  }
0x21: {  	s12 =	sadd.s32 $0x24200, s0;
	[dreg:$0x1c] =	wrdreg s11  }
0x22: {  	s13 =	sadd.s32 $0x24A00, s0;
	[dreg:$0x1d] =	wrdreg s12  }
0x23: {  	s14 =	sadd.s32 $0x25200, s0;
	[dreg:$0x1e] =	wrdreg s13  }
0x24: {  	s15 =	sadd.s32 $0x25A00, s0;
	[dreg:$0x1f] =	wrdreg s14  }
0x25: {  	s16 =	sadd.s32 $0x26200, s0;
	[smem:$0x7DC] =	sst s15  }
0x26: {  	s17 =	sadd.s32 $0x26A00, s0;
	[smem:$0x7DD] =	sst s16  }
0x27: {  	s18 =	sadd.s32 $0x27200, s0;
	[smem:$0x7DE] =	sst s17  }
0x28: {  	s19 =	sadd.s32 $0x27A00, s0;
	[smem:$0x7DF] =	sst s18  }
0x29: {  	s20 =	sadd.s32 $0x28200, s0;
	[smem:$0x7E0] =	sst s19  }
0x2a: {  	s21 =	sadd.s32 $0x28A00, s0;
	[smem:$0x7E1] =	sst s20  }
0x2b: {  	s22 =	sadd.s32 $0x29200, s0;
	[smem:$0x7E2] =	sst s21  }
0x2c: {  	s23 =	sadd.s32 $0x29A00, s0;
	[smem:$0x7E3] =	sst s22  }
0x2d: {  	s24 =	sadd.s32 $0x2A200, s0;
	[smem:$0x7E4] =	sst s23  }
0x2e: {  	s25 =	sadd.s32 $0x2AA00, s0;
	[smem:$0x7E5] =	sst s24  }
0x2f: {  	s26 =	sadd.s32 $0x2B200, s0;
	[smem:$0x7E6] =	sst s25  }
0x30: {  	s5 =	sadd.s32 $0x2BA00, s0;
	[smem:$0x7E7] =	sst s26  }
0x31: {  	s6 =	sadd.s32 $0x2C200, s0;
	[smem:$0x7E8] =	sst s5  }
0x32: {  	s7 =	sadd.s32 $0x2CA00, s0;
	[smem:$0x7E9] =	sst s6  }
0x33: {  	[smem:$0x7EA] =	sst s7;
	s8 =	sadd.s32 $0x2D200, s0  }
0x34: {  	s9 =	sadd.s32 $0x2DA00, s0;
	[smem:$0x7EB] =	sst s8  }
0x35: {  	s10 =	sadd.s32 $0x2E200, s0;
	[smem:$0x7EC] =	sst s9  }
0x36: {  	s11 =	sadd.s32 $0x2EA00, s0;
	[smem:$0x7ED] =	sst s10  }
0x37: {  	s12 =	sadd.s32 $0x2F200, s0;
	[smem:$0x7EE] =	sst s11  }
0x38: {  	s13 =	sadd.s32 $0x2FA00, s0;
	[smem:$0x7EF] =	sst s12  }
0x39: {  	s14 =	sadd.s32 $0x30200, s0;
	[smem:$0x7F0] =	sst s13  }
0x3a: {  	s15 =	sadd.s32 $0x30A00, s0;
	[smem:$0x7F1] =	sst s14  }
0x3b: {  	s16 =	sadd.s32 $0x31200, s0;
	[smem:$0x7F2] =	sst s15  }
0x3c: {  	s17 =	sadd.s32 $0x31A00, s0;
	[smem:$0x7F3] =	sst s16  }
0x3d: {  	s18 =	sadd.s32 $0x32200, s0;
	[smem:$0x7F4] =	sst s17  }
0x3e: {  	s19 =	sadd.s32 $0x32A00, s0;
	[smem:$0x7F5] =	sst s18  }
0x3f: {  	s20 =	sadd.s32 $0x33200, s0;
	[smem:$0x7F6] =	sst s19  }
0x40: {  	s21 =	sadd.s32 $0x33A00, s0;
	[smem:$0x7F7] =	sst s20  }
0x41: {  	s22 =	sadd.s32 $0x34200, s0;
	[smem:$0x7F8] =	sst s21  }
0x42: {  	s23 =	sadd.s32 $0x34A00, s0;
	[smem:$0x7F9] =	sst s22  }
0x43: {  	s28 =	simm.s32 $0x8;
	s24 =	sadd.s32 $0x35200, s0;
	[smem:$0x7FA] =	sst s23  }
0x44: {  	s29 =	simm.s32 $0x5;
	s25 =	sadd.s32 $0x35A00, s0;
	[smem:$0x7FB] =	sst s24  }
0x45: {  	s30 =	simm.s32 $0x9;
	s26 =	sadd.s32 $0x36200, s0;
	[smem:$0x7FC] =	sst s25  }
0x46: {  	s31 =	simm.s32 $0xA;
	[smem:$0x7FD] =	sst s26;
	s9 =	sadd.s32 $0x36A00, s0  }
0x47: {  	s10 =	sadd.s32 $0x37200, s0;
	s11 =	sadd.s32 $0x37A00, s0;
	s12 =	sadd.s32 $0x38200, s0  }
0x48: {  	s13 =	smax.u32 s2, $0x1;
	s14 =	simm.s32 $0xB;
	s15 =	simm.s32 $0x80  }
0x49: {  	v7 =	vlaneseq.u32;
	s16 =	simm.s32 $0x8000;
	s17 =	simm.s32 $0xC000;
	s18 =	simm.s32 $0x10000  }
0x4a: {  	v0 =	vor.u32 $0x7800, v7;
	v1 =	vor.u32 $0x7810, v7;
	s19 =	simm.s32 $0x14000;
	s20 =	simm.s32 $0x1;
	s21 =	simm.s32 $0x18000  }
0x4b: {  	v2 =	vor.u32 $0x7820, v7;
	v3 =	vor.u32 $0x7830, v7;
	v4 =	vor.u32 $0x7840, v7;
	s22 =	simm.s32 $0x2;
	s23 =	simm.s32 $0x6;
	s24 =	simm.s32 $0x3  }
0x4c: {  	v5 =	vor.u32 $0x7850, v7;
	v6 =	vor.u32 $0x7860, v7;
	v7 =	vor.u32 $0x7870, v7;
	s25 =	simm.s32 $0x7;
	s26 =	simm.s32 $0x4;
	s0 =	simm.s32 $0x0  }
.LBB2_1:
0x4d: {  	s2 =	rddreg [dreg:$0x3]  }
0x4e: {  	[tilespmem:s3], [sflag:$0xB] =	stream.linear.gather [hbm4b:s2+s3], $0x2000, $0x38;
	[tilespmem:$0x1C000] =	vst v63  }
0x4f: {  	_ =	swait.ge [sflag:s14], $0x2000  }
0x50: {  	[sflag:s14] =	ssyncset.done $0x0  }
0x51: {  	s4 =	simm.s32 $0x2000;
	s6 =	rddreg [dreg:$0x4];
	[sflag:s14] =	ssyncadd.s32 $0xFFFFE000  }
0x52: {  	[tilespmem:s4], [sflag:$0xB] =	stream.linear.gather [hbm4b:s6+s3], $0x2000, $0x38;
	[tilespmem:$0x1C000] =	vst v63  }
0x53: {  	_ =	swait.ge [sflag:s14], $0x2000  }
0x54: {  	[sflag:s14] =	ssyncset.done $0x0  }
0x55: {  	s8 =	simm.s32 $0x4000;
	s7 =	rddreg [dreg:$0x5];
	[sflag:s14] =	ssyncadd.s32 $0xFFFFE000  }
0x56: {  	[tilespmem:s8], [sflag:$0xB] =	stream.linear.gather [hbm4b:s7+s3], $0x2000, $0x38;
	[tilespmem:$0x1C000] =	vst v63  }
0x57: {  	_ =	swait.ge [sflag:s14], $0x2000  }
0x58: {  	[sflag:s14] =	ssyncset.done $0x0  }
0x59: {  	s2 =	simm.s32 $0x2040;
	[sflag:s14] =	ssyncadd.s32 $0xFFFFE000  }
0x5a: {  	v8 =	vld [tilespmem:s2+$0xFFFFFFC0]  }
0x5b: {  	s6 =	simm.s32 $0x40  }
0x5c: {  	v9 =	vld [tilespmem:s6+$0xFFFFFFC0];
	_ =	sdelay $0x1  }
0x5d: {  	s4 =	simm.s32 $0x4040  }
0x5e: {  	v10 =	vld [tilespmem:s4+$0xFFFFFFC0];
	vm0 =	vgt.s32 v8, $0x0  }
0x5f: {  	v8 =	vnsel vm0, $0x0, v8  }
0x60: {  	vm5 =	vgt.s32 v9, $0x0;
	v8 =	vmin.u32 v8, $0x5F  }
0x61: {  	v9 =	vnsel vm5, $0x0, v9;
	v8 =	vmul.u32 $0x140, v8  }
0x62: {  	v9 =	vmin.u32 v9, $0x13F  }
0x63: {  	vm6 =	vgt.s32 v10, $0x0;
	v8 =	vadd.s32 v9, v8  }
0x64: {  	s5 =	simm.s32 $0x6040;
	v8 =	vsel vm6, v8, v0  }
0x65: {  	[tilespmem:s5+$0xFFFFFFC0] =	vst v8  }
0x66: {  	v8 =	vld [tilespmem:s2+$0xFFFFFFD0];
	_ =	sdelay $0x1  }
0x67: {  	v9 =	vld [tilespmem:s6+$0xFFFFFFD0];
	_ =	sdelay $0x2  }
0x68: {  	v10 =	vld [tilespmem:s4+$0xFFFFFFD0];
	vm7 =	vgt.s32 v8, $0x0  }
0x69: {  	v8 =	vnsel vm7, $0x0, v8  }
0x6a: {  	vm8 =	vgt.s32 v9, $0x0;
	v8 =	vmin.u32 v8, $0x5F  }
0x6b: {  	v9 =	vnsel vm8, $0x0, v9;
	v8 =	vmul.u32 $0x140, v8  }
0x6c: {  	v9 =	vmin.u32 v9, $0x13F  }
0x6d: {  	vm9 =	vgt.s32 v10, $0x0;
	v8 =	vadd.s32 v9, v8  }
0x6e: {  	v8 =	vsel vm9, v8, v1  }
0x6f: {  	[tilespmem:s5+$0xFFFFFFD0] =	vst v8  }
0x70: {  	v8 =	vld [tilespmem:s2+$0xFFFFFFE0];
	_ =	sdelay $0x1  }
0x71: {  	v9 =	vld [tilespmem:s6+$0xFFFFFFE0];
	_ =	sdelay $0x2  }
0x72: {  	v10 =	vld [tilespmem:s4+$0xFFFFFFE0];
	vm10 =	vgt.s32 v8, $0x0  }
0x73: {  	v8 =	vnsel vm10, $0x0, v8  }
0x74: {  	vm11 =	vgt.s32 v9, $0x0;
	v8 =	vmin.u32 v8, $0x5F  }
0x75: {  	v9 =	vnsel vm11, $0x0, v9;
	v8 =	vmul.u32 $0x140, v8  }
0x76: {  	v9 =	vmin.u32 v9, $0x13F  }
0x77: {  	vm12 =	vgt.s32 v10, $0x0;
	v8 =	vadd.s32 v9, v8  }
0x78: {  	v8 =	vsel vm12, v8, v2  }
0x79: {  	[tilespmem:s5+$0xFFFFFFE0] =	vst v8  }
0x7a: {  	v8 =	vld [tilespmem:s2+$0xFFFFFFF0];
	_ =	sdelay $0x1  }
0x7b: {  	v9 =	vld [tilespmem:s6+$0xFFFFFFF0];
	_ =	sdelay $0x2  }
0x7c: {  	v10 =	vld [tilespmem:s4+$0xFFFFFFF0];
	vm13 =	vgt.s32 v8, $0x0  }
0x7d: {  	v8 =	vnsel vm13, $0x0, v8  }
0x7e: {  	vm14 =	vgt.s32 v9, $0x0;
	v8 =	vmin.u32 v8, $0x5F  }
0x7f: {  	v9 =	vnsel vm14, $0x0, v9;
	v8 =	vmul.u32 $0x140, v8  }
0x80: {  	v9 =	vmin.u32 v9, $0x13F  }
0x81: {  	vm15 =	vgt.s32 v10, $0x0;
	v8 =	vadd.s32 v9, v8  }
0x82: {  	v8 =	vsel vm15, v8, v3  }
0x83: {  	[tilespmem:s5+$0xFFFFFFF0] =	vst v8  }
0x84: {  	v8 =	vld [tilespmem:s2+$0x0];
	_ =	sdelay $0x1  }
0x85: {  	v9 =	vld [tilespmem:s6+$0x0];
	_ =	sdelay $0x2  }
0x86: {  	v10 =	vld [tilespmem:s4+$0x0];
	vm4 =	vgt.s32 v8, $0x0  }
0x87: {  	v8 =	vnsel vm4, $0x0, v8  }
0x88: {  	vm5 =	vgt.s32 v9, $0x0;
	v8 =	vmin.u32 v8, $0x5F  }
0x89: {  	v9 =	vnsel vm5, $0x0, v9;
	v8 =	vmul.u32 $0x140, v8  }
0x8a: {  	v9 =	vmin.u32 v9, $0x13F  }
0x8b: {  	vm6 =	vgt.s32 v10, $0x0;
	v8 =	vadd.s32 v9, v8  }
0x8c: {  	v8 =	vsel vm6, v8, v4  }
0x8d: {  	[tilespmem:s5+$0x0] =	vst v8  }
0x8e: {  	v8 =	vld [tilespmem:s2+$0x10];
	_ =	sdelay $0x1  }
0x8f: {  	v9 =	vld [tilespmem:s6+$0x10];
	_ =	sdelay $0x2  }
0x90: {  	v10 =	vld [tilespmem:s4+$0x10];
	vm7 =	vgt.s32 v8, $0x0  }
0x91: {  	v8 =	vnsel vm7, $0x0, v8  }
0x92: {  	vm8 =	vgt.s32 v9, $0x0;
	v8 =	vmin.u32 v8, $0x5F  }
0x93: {  	v9 =	vnsel vm8, $0x0, v9;
	v8 =	vmul.u32 $0x140, v8  }
0x94: {  	v9 =	vmin.u32 v9, $0x13F  }
0x95: {  	vm9 =	vgt.s32 v10, $0x0;
	v8 =	vadd.s32 v9, v8  }
0x96: {  	v8 =	vsel vm9, v8, v5  }
0x97: {  	[tilespmem:s5+$0x10] =	vst v8  }
0x98: {  	v8 =	vld [tilespmem:s2+$0x20];
	_ =	sdelay $0x1  }
0x99: {  	v9 =	vld [tilespmem:s6+$0x20];
	_ =	sdelay $0x2  }
0x9a: {  	v10 =	vld [tilespmem:s4+$0x20];
	vm10 =	vgt.s32 v8, $0x0  }
0x9b: {  	v8 =	vnsel vm10, $0x0, v8  }
0x9c: {  	vm11 =	vgt.s32 v9, $0x0;
	v8 =	vmin.u32 v8, $0x5F  }
0x9d: {  	v9 =	vnsel vm11, $0x0, v9;
	v8 =	vmul.u32 $0x140, v8  }
0x9e: {  	v9 =	vmin.u32 v9, $0x13F  }
0x9f: {  	vm12 =	vgt.s32 v10, $0x0;
	v8 =	vadd.s32 v9, v8  }
0xa0: {  	v8 =	vsel vm12, v8, v6  }
0xa1: {  	[tilespmem:s5+$0x20] =	vst v8  }
0xa2: {  	v8 =	vld [tilespmem:s2+$0x30];
	_ =	sdelay $0x1  }
0xa3: {  	v9 =	vld [tilespmem:s6+$0x30];
	_ =	sdelay $0x2  }
0xa4: {  	v10 =	vld [tilespmem:s4+$0x30];
	vm13 =	vgt.s32 v8, $0x0  }
0xa5: {  	v8 =	vnsel vm13, $0x0, v8  }
0xa6: {  	vm14 =	vgt.s32 v9, $0x0;
	v8 =	vmin.u32 v8, $0x5F  }
0xa7: {  	v9 =	vnsel vm14, $0x0, v9;
	v8 =	vmul.u32 $0x140, v8  }
0xa8: {  	v9 =	vmin.u32 v9, $0x13F  }
0xa9: {  	vm15 =	vgt.s32 v10, $0x0;
	v8 =	vadd.s32 v9, v8  }
0xaa: {  	s7 =	simm.s32 $0xC0;
	s8 =	simm.s32 $0x60C0;
	s6 =	simm.s32 $0x0;
	v8 =	vsel vm15, v8, v7  }
.LBB2_2:
0xab: {  	s6 =	sadd.s32 $0x8, s6;
	[tilespmem:s5+$0x30] =	vst v8;
	s4 =	sadd.s32 $0x80, s4;
	s2 =	sadd.s32 $0x80, s2  }
0xac: {  	s5 =	smov.u32 s8;
	v8 =	vld [tilespmem:s2+$0xFFFFFFC0];
	p0 =	slt.u32 s6, $0x1F8;
	_ =	sdelay $0x1  }
0xad: {  	v9 =	vld [tilespmem:s7+$0xFFFFFFC0];
	_ =	sdelay $0x2  }
0xae: {  	v10 =	vld [tilespmem:s4+$0xFFFFFFC0];
	vm0 =	vgt.s32 v8, $0x0  }
0xaf: {  	v8 =	vnsel vm0, $0x0, v8  }
0xb0: {  	vm0 =	vgt.s32 v9, $0x0;
	v8 =	vmin.u32 v8, $0x5F  }
0xb1: {  	v9 =	vnsel vm0, $0x0, v9;
	v8 =	vmul.u32 $0x140, v8  }
0xb2: {  	v9 =	vmin.u32 v9, $0x13F  }
0xb3: {  	vm0 =	vgt.s32 v10, $0x0;
	v8 =	vadd.s32 v9, v8  }
0xb4: {  	v8 =	vsel vm0, v8, v0  }
0xb5: {  	[tilespmem:s8+$0xFFFFFFC0] =	vst v8  }
0xb6: {  	v8 =	vld [tilespmem:s2+$0xFFFFFFD0];
	_ =	sdelay $0x1  }
0xb7: {  	v9 =	vld [tilespmem:s7+$0xFFFFFFD0];
	_ =	sdelay $0x2  }
0xb8: {  	v10 =	vld [tilespmem:s4+$0xFFFFFFD0];
	vm0 =	vgt.s32 v8, $0x0  }
0xb9: {  	v8 =	vnsel vm0, $0x0, v8  }
0xba: {  	vm0 =	vgt.s32 v9, $0x0;
	v8 =	vmin.u32 v8, $0x5F  }
0xbb: {  	v9 =	vnsel vm0, $0x0, v9;
	v8 =	vmul.u32 $0x140, v8  }
0xbc: {  	v9 =	vmin.u32 v9, $0x13F  }
0xbd: {  	vm0 =	vgt.s32 v10, $0x0;
	v8 =	vadd.s32 v9, v8  }
0xbe: {  	v8 =	vsel vm0, v8, v1  }
0xbf: {  	[tilespmem:s8+$0xFFFFFFD0] =	vst v8  }
0xc0: {  	v8 =	vld [tilespmem:s2+$0xFFFFFFE0];
	_ =	sdelay $0x1  }
0xc1: {  	v9 =	vld [tilespmem:s7+$0xFFFFFFE0];
	_ =	sdelay $0x2  }
0xc2: {  	v10 =	vld [tilespmem:s4+$0xFFFFFFE0];
	vm0 =	vgt.s32 v8, $0x0  }
0xc3: {  	v8 =	vnsel vm0, $0x0, v8  }
0xc4: {  	vm0 =	vgt.s32 v9, $0x0;
	v8 =	vmin.u32 v8, $0x5F  }
0xc5: {  	v9 =	vnsel vm0, $0x0, v9;
	v8 =	vmul.u32 $0x140, v8  }
0xc6: {  	v9 =	vmin.u32 v9, $0x13F  }
0xc7: {  	vm0 =	vgt.s32 v10, $0x0;
	v8 =	vadd.s32 v9, v8  }
0xc8: {  	v8 =	vsel vm0, v8, v2  }
0xc9: {  	[tilespmem:s8+$0xFFFFFFE0] =	vst v8  }
0xca: {  	v8 =	vld [tilespmem:s2+$0xFFFFFFF0];
	_ =	sdelay $0x1  }
0xcb: {  	v9 =	vld [tilespmem:s7+$0xFFFFFFF0];
	_ =	sdelay $0x2  }
0xcc: {  	v10 =	vld [tilespmem:s4+$0xFFFFFFF0];
	vm0 =	vgt.s32 v8, $0x0  }
0xcd: {  	v8 =	vnsel vm0, $0x0, v8  }
0xce: {  	vm0 =	vgt.s32 v9, $0x0;
	v8 =	vmin.u32 v8, $0x5F  }
0xcf: {  	v9 =	vnsel vm0, $0x0, v9;
	v8 =	vmul.u32 $0x140, v8  }
0xd0: {  	v9 =	vmin.u32 v9, $0x13F  }
0xd1: {  	vm0 =	vgt.s32 v10, $0x0;
	v8 =	vadd.s32 v9, v8  }
0xd2: {  	v8 =	vsel vm0, v8, v3  }
0xd3: {  	[tilespmem:s8+$0xFFFFFFF0] =	vst v8  }
0xd4: {  	v8 =	vld [tilespmem:s2+$0x0];
	_ =	sdelay $0x1  }
0xd5: {  	v9 =	vld [tilespmem:s7+$0x0];
	_ =	sdelay $0x2  }
0xd6: {  	v10 =	vld [tilespmem:s4+$0x0];
	vm0 =	vgt.s32 v8, $0x0  }
0xd7: {  	v8 =	vnsel vm0, $0x0, v8  }
0xd8: {  	vm0 =	vgt.s32 v9, $0x0;
	v8 =	vmin.u32 v8, $0x5F  }
0xd9: {  	v9 =	vnsel vm0, $0x0, v9;
	v8 =	vmul.u32 $0x140, v8  }
0xda: {  	v9 =	vmin.u32 v9, $0x13F  }
0xdb: {  	vm0 =	vgt.s32 v10, $0x0;
	v8 =	vadd.s32 v9, v8  }
0xdc: {  	v8 =	vsel vm0, v8, v4  }
0xdd: {  	[tilespmem:s8+$0x0] =	vst v8  }
0xde: {  	v8 =	vld [tilespmem:s2+$0x10]  }
0xdf: {  	v9 =	vld [tilespmem:s7+$0x10]  }
0xe0: {  	v10 =	vld [tilespmem:s4+$0x10];
	_ =	sdelay $0x2  }
0xe1: {  	vm0 =	vgt.s32 v8, $0x0  }
0xe2: {  	vm1 =	vgt.s32 v9, $0x0;
	v8 =	vnsel vm0, $0x0, v8  }
0xe3: {  	v9 =	vnsel vm1, $0x0, v9;
	v8 =	vmin.u32 v8, $0x5F  }
0xe4: {  	v8 =	vmul.u32 $0x140, v8  }
0xe5: {  	v9 =	vmin.u32 v9, $0x13F  }
0xe6: {  	vm0 =	vgt.s32 v10, $0x0;
	v8 =	vadd.s32 v9, v8  }
0xe7: {  	v8 =	vsel vm0, v8, v5  }
0xe8: {  	[tilespmem:s8+$0x10] =	vst v8  }
0xe9: {  	v8 =	vld [tilespmem:s2+$0x20]  }
0xea: {  	v9 =	vld [tilespmem:s7+$0x20]  }
0xeb: {  	v10 =	vld [tilespmem:s4+$0x20];
	_ =	sdelay $0x2  }
0xec: {  	vm0 =	vgt.s32 v8, $0x0  }
0xed: {  	vm1 =	vgt.s32 v9, $0x0;
	v8 =	vnsel vm0, $0x0, v8  }
0xee: {  	v9 =	vnsel vm1, $0x0, v9;
	v8 =	vmin.u32 v8, $0x5F  }
0xef: {  	v8 =	vmul.u32 $0x140, v8  }
0xf0: {  	v9 =	vmin.u32 v9, $0x13F  }
0xf1: {  	vm0 =	vgt.s32 v10, $0x0;
	v8 =	vadd.s32 v9, v8  }
0xf2: {  	v8 =	vsel vm0, v8, v6  }
0xf3: {  	[tilespmem:s8+$0x20] =	vst v8  }
0xf4: {  	v8 =	vld [tilespmem:s2+$0x30]  }
0xf5: {  	v9 =	vld [tilespmem:s7+$0x30]  }
0xf6: {  	v10 =	vld [tilespmem:s4+$0x30];
	_ =	sdelay $0x2  }
0xf7: {  	vm0 =	vgt.s32 v8, $0x0  }
0xf8: {  	vm1 =	vgt.s32 v9, $0x0;
	v8 =	vnsel vm0, $0x0, v8  }
.Ltmp0:
0xf9: {  	v9 =	vnsel vm1, $0x0, v9;
	v8 =	vmin.u32 v8, $0x5F;
	(pc) =	sbr.rel @p0 .LBB2_2-.Ltmp0, $4  }
0xfa: {  	v8 =	vmul.u32 $0x140, v8  }
0xfb: {  	v9 =	vmin.u32 v9, $0x13F  }
0xfc: {  	vm0 =	vgt.s32 v10, $0x0;
	v8 =	vadd.s32 v9, v8  }
0xfd: {  	s8 =	sadd.s32 $0x80, s8;
	s7 =	sadd.s32 $0x80, s7;
	v8 =	vsel vm0, v8, v7  }
0xfe: {  	[tilespmem:s5+$0x30] =	vst v8;
	s2 =	simm.s32 $0x6000  }
0xff: {  	[tilespmem:s16], [sflag:$0x1] =	stream.indirect.gather [hbm4b:s1+s15], $0x80, s2, s15, $0xb8;
	[tilespmem:$0x1C000] =	vst v63  }
0x100: {  	s6 =	simm.s32 $0x6080  }
0x101: {  	[tilespmem:s17], [sflag:$0x2] =	stream.indirect.gather [hbm4b:s1+s15], $0x80, s6, s15, $0xb8;
	[tilespmem:$0x1C000] =	vst v63  }
0x102: {  	s7 =	simm.s32 $0x6100  }
0x103: {  	[tilespmem:s18], [sflag:$0x3] =	stream.indirect.gather [hbm4b:s1+s15], $0x80, s7, s15, $0xb8;
	[tilespmem:$0x1C000] =	vst v63  }
0x104: {  	s8 =	simm.s32 $0x6180  }
0x105: {  	[tilespmem:s19], [sflag:$0x4] =	stream.indirect.gather [hbm4b:s1+s15], $0x80, s8, s15, $0xb8;
	[tilespmem:$0x1C000] =	vst v63  }
0x106: {  	_ =	swait.ge [sflag:s20], $0x4000  }
0x107: {  	[sflag:s20] =	ssyncset.done $0x0  }
0x108: {  	s4 =	rddreg [dreg:$0x6];
	[sflag:s20] =	ssyncadd.s32 $0xFFFFC000  }
0x109: {  	[hbm4b:s4+s3] =	stream.linear.scatter [tilespmem:s16], [sflag:$0x6], $0x4000, $0x38;
	[tilespmem:$0x1C000] =	vst v63  }
0x10a: {  	s5 =	simm.s32 $0x6200  }
0x10b: {  	[tilespmem:s21], [sflag:$0x5] =	stream.indirect.gather [hbm4b:s1+s15], $0x80, s5, s15, $0xb8;
	[tilespmem:$0x1C000] =	vst v63  }
0x10c: {  	_ =	swait.ge [sflag:s22], $0x4000  }
0x10d: {  	[sflag:s22] =	ssyncset.done $0x0  }
0x10e: {  	s6 =	rddreg [dreg:$0x7];
	[sflag:s22] =	ssyncadd.s32 $0xFFFFC000  }
0x10f: {  	[hbm4b:s6+s3] =	stream.linear.scatter [tilespmem:s17], [sflag:$0x7], $0x4000, $0x38;
	[tilespmem:$0x1C000] =	vst v63  }
0x110: {  	_ =	swait.ge [sflag:s23], $0x4000  }
0x111: {  	[sflag:s23] =	ssyncset.done $0x0  }
0x112: {  	s7 =	simm.s32 $0x6280;
	[sflag:s23] =	ssyncadd.s32 $0xFFFFC000  }
0x113: {  	[tilespmem:s16], [sflag:$0x1] =	stream.indirect.gather [hbm4b:s1+s15], $0x80, s7, s15, $0xb8;
	[tilespmem:$0x1C000] =	vst v63  }
0x114: {  	_ =	swait.ge [sflag:s24], $0x4000  }
0x115: {  	[sflag:s24] =	ssyncset.done $0x0  }
0x116: {  	s8 =	rddreg [dreg:$0x8];
	[sflag:s24] =	ssyncadd.s32 $0xFFFFC000  }
0x117: {  	[hbm4b:s8+s3] =	stream.linear.scatter [tilespmem:s18], [sflag:$0x8], $0x4000, $0x38;
	[tilespmem:$0x1C000] =	vst v63  }
0x118: {  	_ =	swait.ge [sflag:s25], $0x4000  }
0x119: {  	[sflag:s25] =	ssyncset.done $0x0  }
0x11a: {  	s4 =	simm.s32 $0x6300;
	[sflag:s25] =	ssyncadd.s32 $0xFFFFC000  }
0x11b: {  	[tilespmem:s17], [sflag:$0x2] =	stream.indirect.gather [hbm4b:s1+s15], $0x80, s4, s15, $0xb8;
	[tilespmem:$0x1C000] =	vst v63  }
0x11c: {  	_ =	swait.ge [sflag:s26], $0x4000  }
0x11d: {  	[sflag:s26] =	ssyncset.done $0x0  }
0x11e: {  	s5 =	rddreg [dreg:$0x9];
	[sflag:s26] =	ssyncadd.s32 $0xFFFFC000  }
0x11f: {  	[hbm4b:s5+s3] =	stream.linear.scatter [tilespmem:s19], [sflag:$0x9], $0x4000, $0x38;
	[tilespmem:$0x1C000] =	vst v63  }
0x120: {  	_ =	swait.ge [sflag:s28], $0x4000  }
0x121: {  	[sflag:s28] =	ssyncset.done $0x0  }
0x122: {  	s6 =	simm.s32 $0x6380;
	[sflag:s28] =	ssyncadd.s32 $0xFFFFC000  }
0x123: {  	[tilespmem:s18], [sflag:$0x3] =	stream.indirect.gather [hbm4b:s1+s15], $0x80, s6, s15, $0xb8;
	[tilespmem:$0x1C000] =	vst v63  }
0x124: {  	_ =	swait.ge [sflag:s29], $0x4000  }
0x125: {  	[sflag:s29] =	ssyncset.done $0x0  }
0x126: {  	s7 =	rddreg [dreg:$0xa];
	[sflag:s29] =	ssyncadd.s32 $0xFFFFC000  }
0x127: {  	[hbm4b:s7+s3] =	stream.linear.scatter [tilespmem:s21], [sflag:$0xA], $0x4000, $0x38;
	[tilespmem:$0x1C000] =	vst v63  }
0x128: {  	_ =	swait.ge [sflag:s30], $0x4000  }
0x129: {  	[sflag:s30] =	ssyncset.done $0x0  }
0x12a: {  	s8 =	simm.s32 $0x6400;
	[sflag:s30] =	ssyncadd.s32 $0xFFFFC000  }
0x12b: {  	[tilespmem:s19], [sflag:$0x4] =	stream.indirect.gather [hbm4b:s1+s15], $0x80, s8, s15, $0xb8;
	[tilespmem:$0x1C000] =	vst v63  }
0x12c: {  	_ =	swait.ge [sflag:s20], $0x4000  }
0x12d: {  	[sflag:s20] =	ssyncset.done $0x0  }
0x12e: {  	s4 =	rddreg [dreg:$0xb];
	[sflag:s20] =	ssyncadd.s32 $0xFFFFC000  }
0x12f: {  	[hbm4b:s4+s3] =	stream.linear.scatter [tilespmem:s16], [sflag:$0x6], $0x4000, $0x38;
	[tilespmem:$0x1C000] =	vst v63  }
0x130: {  	_ =	swait.ge [sflag:s31], $0x4000  }
0x131: {  	[sflag:s31] =	ssyncset.done $0x0  }
0x132: {  	s5 =	simm.s32 $0x6480;
	[sflag:s31] =	ssyncadd.s32 $0xFFFFC000  }
0x133: {  	[tilespmem:s21], [sflag:$0x5] =	stream.indirect.gather [hbm4b:s1+s15], $0x80, s5, s15, $0xb8;
	[tilespmem:$0x1C000] =	vst v63  }
0x134: {  	_ =	swait.ge [sflag:s22], $0x4000  }
0x135: {  	[sflag:s22] =	ssyncset.done $0x0  }
0x136: {  	s6 =	rddreg [dreg:$0xc];
	[sflag:s22] =	ssyncadd.s32 $0xFFFFC000  }
0x137: {  	[hbm4b:s6+s3] =	stream.linear.scatter [tilespmem:s17], [sflag:$0x7], $0x4000, $0x38;
	[tilespmem:$0x1C000] =	vst v63  }
0x138: {  	_ =	swait.ge [sflag:s23], $0x4000  }
0x139: {  	[sflag:s23] =	ssyncset.done $0x0  }
0x13a: {  	s7 =	simm.s32 $0x6500;
	[sflag:s23] =	ssyncadd.s32 $0xFFFFC000  }
0x13b: {  	[tilespmem:s16], [sflag:$0x1] =	stream.indirect.gather [hbm4b:s1+s15], $0x80, s7, s15, $0xb8;
	[tilespmem:$0x1C000] =	vst v63  }
0x13c: {  	_ =	swait.ge [sflag:s24], $0x4000  }
0x13d: {  	[sflag:s24] =	ssyncset.done $0x0  }
0x13e: {  	s8 =	rddreg [dreg:$0xd];
	[sflag:s24] =	ssyncadd.s32 $0xFFFFC000  }
0x13f: {  	[hbm4b:s8+s3] =	stream.linear.scatter [tilespmem:s18], [sflag:$0x8], $0x4000, $0x38;
	[tilespmem:$0x1C000] =	vst v63  }
0x140: {  	_ =	swait.ge [sflag:s25], $0x4000  }
0x141: {  	[sflag:s25] =	ssyncset.done $0x0  }
0x142: {  	s4 =	simm.s32 $0x6580;
	[sflag:s25] =	ssyncadd.s32 $0xFFFFC000  }
0x143: {  	[tilespmem:s17], [sflag:$0x2] =	stream.indirect.gather [hbm4b:s1+s15], $0x80, s4, s15, $0xb8;
	[tilespmem:$0x1C000] =	vst v63  }
0x144: {  	_ =	swait.ge [sflag:s26], $0x4000  }
0x145: {  	[sflag:s26] =	ssyncset.done $0x0  }
0x146: {  	s5 =	rddreg [dreg:$0xe];
	[sflag:s26] =	ssyncadd.s32 $0xFFFFC000  }
0x147: {  	[hbm4b:s5+s3] =	stream.linear.scatter [tilespmem:s19], [sflag:$0x9], $0x4000, $0x38;
	[tilespmem:$0x1C000] =	vst v63  }
0x148: {  	_ =	swait.ge [sflag:s28], $0x4000  }
0x149: {  	[sflag:s28] =	ssyncset.done $0x0  }
0x14a: {  	s6 =	simm.s32 $0x6600;
	[sflag:s28] =	ssyncadd.s32 $0xFFFFC000  }
0x14b: {  	[tilespmem:s18], [sflag:$0x3] =	stream.indirect.gather [hbm4b:s1+s15], $0x80, s6, s15, $0xb8;
	[tilespmem:$0x1C000] =	vst v63  }
0x14c: {  	_ =	swait.ge [sflag:s29], $0x4000  }
0x14d: {  	[sflag:s29] =	ssyncset.done $0x0  }
0x14e: {  	s7 =	rddreg [dreg:$0xf];
	[sflag:s29] =	ssyncadd.s32 $0xFFFFC000  }
0x14f: {  	[hbm4b:s7+s3] =	stream.linear.scatter [tilespmem:s21], [sflag:$0xA], $0x4000, $0x38;
	[tilespmem:$0x1C000] =	vst v63  }
0x150: {  	_ =	swait.ge [sflag:s30], $0x4000  }
0x151: {  	[sflag:s30] =	ssyncset.done $0x0  }
0x152: {  	s8 =	simm.s32 $0x6680;
	[sflag:s30] =	ssyncadd.s32 $0xFFFFC000  }
0x153: {  	[tilespmem:s19], [sflag:$0x4] =	stream.indirect.gather [hbm4b:s1+s15], $0x80, s8, s15, $0xb8;
	[tilespmem:$0x1C000] =	vst v63  }
0x154: {  	_ =	swait.ge [sflag:s20], $0x4000  }
0x155: {  	[sflag:s20] =	ssyncset.done $0x0  }
0x156: {  	s4 =	rddreg [dreg:$0x10];
	[sflag:s20] =	ssyncadd.s32 $0xFFFFC000  }
0x157: {  	[hbm4b:s4+s3] =	stream.linear.scatter [tilespmem:s16], [sflag:$0x6], $0x4000, $0x38;
	[tilespmem:$0x1C000] =	vst v63  }
0x158: {  	_ =	swait.ge [sflag:s31], $0x4000  }
0x159: {  	[sflag:s31] =	ssyncset.done $0x0  }
0x15a: {  	s5 =	simm.s32 $0x6700;
	[sflag:s31] =	ssyncadd.s32 $0xFFFFC000  }
0x15b: {  	[tilespmem:s21], [sflag:$0x5] =	stream.indirect.gather [hbm4b:s1+s15], $0x80, s5, s15, $0xb8;
	[tilespmem:$0x1C000] =	vst v63  }
0x15c: {  	_ =	swait.ge [sflag:s22], $0x4000  }
0x15d: {  	[sflag:s22] =	ssyncset.done $0x0  }
0x15e: {  	s6 =	rddreg [dreg:$0x11];
	[sflag:s22] =	ssyncadd.s32 $0xFFFFC000  }
0x15f: {  	[hbm4b:s6+s3] =	stream.linear.scatter [tilespmem:s17], [sflag:$0x7], $0x4000, $0x38;
	[tilespmem:$0x1C000] =	vst v63  }
0x160: {  	_ =	swait.ge [sflag:s23], $0x4000  }
0x161: {  	[sflag:s23] =	ssyncset.done $0x0  }
0x162: {  	s7 =	simm.s32 $0x6780;
	[sflag:s23] =	ssyncadd.s32 $0xFFFFC000  }
0x163: {  	[tilespmem:s16], [sflag:$0x1] =	stream.indirect.gather [hbm4b:s1+s15], $0x80, s7, s15, $0xb8;
	[tilespmem:$0x1C000] =	vst v63  }
0x164: {  	_ =	swait.ge [sflag:s24], $0x4000  }
0x165: {  	[sflag:s24] =	ssyncset.done $0x0  }
0x166: {  	s8 =	rddreg [dreg:$0x12];
	[sflag:s24] =	ssyncadd.s32 $0xFFFFC000  }
0x167: {  	[hbm4b:s8+s3] =	stream.linear.scatter [tilespmem:s18], [sflag:$0x8], $0x4000, $0x38;
	[tilespmem:$0x1C000] =	vst v63  }
0x168: {  	_ =	swait.ge [sflag:s25], $0x4000  }
0x169: {  	[sflag:s25] =	ssyncset.done $0x0  }
0x16a: {  	s4 =	simm.s32 $0x6800;
	[sflag:s25] =	ssyncadd.s32 $0xFFFFC000  }
0x16b: {  	[tilespmem:s17], [sflag:$0x2] =	stream.indirect.gather [hbm4b:s1+s15], $0x80, s4, s15, $0xb8;
	[tilespmem:$0x1C000] =	vst v63  }
0x16c: {  	_ =	swait.ge [sflag:s26], $0x4000  }
0x16d: {  	[sflag:s26] =	ssyncset.done $0x0  }
0x16e: {  	s5 =	rddreg [dreg:$0x13];
	[sflag:s26] =	ssyncadd.s32 $0xFFFFC000  }
0x16f: {  	[hbm4b:s5+s3] =	stream.linear.scatter [tilespmem:s19], [sflag:$0x9], $0x4000, $0x38;
	[tilespmem:$0x1C000] =	vst v63  }
0x170: {  	_ =	swait.ge [sflag:s28], $0x4000  }
0x171: {  	[sflag:s28] =	ssyncset.done $0x0  }
0x172: {  	s6 =	simm.s32 $0x6880;
	[sflag:s28] =	ssyncadd.s32 $0xFFFFC000  }
0x173: {  	[tilespmem:s18], [sflag:$0x3] =	stream.indirect.gather [hbm4b:s1+s15], $0x80, s6, s15, $0xb8;
	[tilespmem:$0x1C000] =	vst v63  }
0x174: {  	_ =	swait.ge [sflag:s29], $0x4000  }
0x175: {  	[sflag:s29] =	ssyncset.done $0x0  }
0x176: {  	s7 =	rddreg [dreg:$0x14];
	[sflag:s29] =	ssyncadd.s32 $0xFFFFC000  }
0x177: {  	[hbm4b:s7+s3] =	stream.linear.scatter [tilespmem:s21], [sflag:$0xA], $0x4000, $0x38;
	[tilespmem:$0x1C000] =	vst v63  }
0x178: {  	_ =	swait.ge [sflag:s30], $0x4000  }
0x179: {  	[sflag:s30] =	ssyncset.done $0x0  }
0x17a: {  	s8 =	simm.s32 $0x6900;
	[sflag:s30] =	ssyncadd.s32 $0xFFFFC000  }
0x17b: {  	[tilespmem:s19], [sflag:$0x4] =	stream.indirect.gather [hbm4b:s1+s15], $0x80, s8, s15, $0xb8;
	[tilespmem:$0x1C000] =	vst v63  }
0x17c: {  	_ =	swait.ge [sflag:s20], $0x4000  }
0x17d: {  	[sflag:s20] =	ssyncset.done $0x0  }
0x17e: {  	s4 =	rddreg [dreg:$0x15];
	[sflag:s20] =	ssyncadd.s32 $0xFFFFC000  }
0x17f: {  	[hbm4b:s4+s3] =	stream.linear.scatter [tilespmem:s16], [sflag:$0x6], $0x4000, $0x38;
	[tilespmem:$0x1C000] =	vst v63  }
0x180: {  	_ =	swait.ge [sflag:s31], $0x4000  }
0x181: {  	[sflag:s31] =	ssyncset.done $0x0  }
0x182: {  	s5 =	simm.s32 $0x6980;
	[sflag:s31] =	ssyncadd.s32 $0xFFFFC000  }
0x183: {  	[tilespmem:s21], [sflag:$0x5] =	stream.indirect.gather [hbm4b:s1+s15], $0x80, s5, s15, $0xb8;
	[tilespmem:$0x1C000] =	vst v63  }
0x184: {  	_ =	swait.ge [sflag:s22], $0x4000  }
0x185: {  	[sflag:s22] =	ssyncset.done $0x0  }
0x186: {  	s6 =	rddreg [dreg:$0x16];
	[sflag:s22] =	ssyncadd.s32 $0xFFFFC000  }
0x187: {  	[hbm4b:s6+s3] =	stream.linear.scatter [tilespmem:s17], [sflag:$0x7], $0x4000, $0x38;
	[tilespmem:$0x1C000] =	vst v63  }
0x188: {  	_ =	swait.ge [sflag:s23], $0x4000  }
0x189: {  	[sflag:s23] =	ssyncset.done $0x0  }
0x18a: {  	s7 =	simm.s32 $0x6A00;
	[sflag:s23] =	ssyncadd.s32 $0xFFFFC000  }
0x18b: {  	[tilespmem:s16], [sflag:$0x1] =	stream.indirect.gather [hbm4b:s1+s15], $0x80, s7, s15, $0xb8;
	[tilespmem:$0x1C000] =	vst v63  }
0x18c: {  	_ =	swait.ge [sflag:s24], $0x4000  }
0x18d: {  	[sflag:s24] =	ssyncset.done $0x0  }
0x18e: {  	s8 =	rddreg [dreg:$0x17];
	[sflag:s24] =	ssyncadd.s32 $0xFFFFC000  }
0x18f: {  	[hbm4b:s8+s3] =	stream.linear.scatter [tilespmem:s18], [sflag:$0x8], $0x4000, $0x38;
	[tilespmem:$0x1C000] =	vst v63  }
0x190: {  	_ =	swait.ge [sflag:s25], $0x4000  }
0x191: {  	[sflag:s25] =	ssyncset.done $0x0  }
0x192: {  	s4 =	simm.s32 $0x6A80;
	[sflag:s25] =	ssyncadd.s32 $0xFFFFC000  }
0x193: {  	[tilespmem:s17], [sflag:$0x2] =	stream.indirect.gather [hbm4b:s1+s15], $0x80, s4, s15, $0xb8;
	[tilespmem:$0x1C000] =	vst v63  }
0x194: {  	_ =	swait.ge [sflag:s26], $0x4000  }
0x195: {  	[sflag:s26] =	ssyncset.done $0x0  }
0x196: {  	s5 =	rddreg [dreg:$0x18];
	[sflag:s26] =	ssyncadd.s32 $0xFFFFC000  }
0x197: {  	[hbm4b:s5+s3] =	stream.linear.scatter [tilespmem:s19], [sflag:$0x9], $0x4000, $0x38;
	[tilespmem:$0x1C000] =	vst v63  }
0x198: {  	_ =	swait.ge [sflag:s28], $0x4000  }
0x199: {  	[sflag:s28] =	ssyncset.done $0x0  }
0x19a: {  	s6 =	simm.s32 $0x6B00;
	[sflag:s28] =	ssyncadd.s32 $0xFFFFC000  }
0x19b: {  	[tilespmem:s18], [sflag:$0x3] =	stream.indirect.gather [hbm4b:s1+s15], $0x80, s6, s15, $0xb8;
	[tilespmem:$0x1C000] =	vst v63  }
0x19c: {  	_ =	swait.ge [sflag:s29], $0x4000  }
0x19d: {  	[sflag:s29] =	ssyncset.done $0x0  }
0x19e: {  	s7 =	rddreg [dreg:$0x19];
	[sflag:s29] =	ssyncadd.s32 $0xFFFFC000  }
0x19f: {  	[hbm4b:s7+s3] =	stream.linear.scatter [tilespmem:s21], [sflag:$0xA], $0x4000, $0x38;
	[tilespmem:$0x1C000] =	vst v63  }
0x1a0: {  	_ =	swait.ge [sflag:s30], $0x4000  }
0x1a1: {  	[sflag:s30] =	ssyncset.done $0x0  }
0x1a2: {  	s8 =	simm.s32 $0x6B80;
	[sflag:s30] =	ssyncadd.s32 $0xFFFFC000  }
0x1a3: {  	[tilespmem:s19], [sflag:$0x4] =	stream.indirect.gather [hbm4b:s1+s15], $0x80, s8, s15, $0xb8;
	[tilespmem:$0x1C000] =	vst v63  }
0x1a4: {  	_ =	swait.ge [sflag:s20], $0x4000  }
0x1a5: {  	[sflag:s20] =	ssyncset.done $0x0  }
0x1a6: {  	s4 =	rddreg [dreg:$0x1a];
	[sflag:s20] =	ssyncadd.s32 $0xFFFFC000  }
0x1a7: {  	[hbm4b:s4+s3] =	stream.linear.scatter [tilespmem:s16], [sflag:$0x6], $0x4000, $0x38;
	[tilespmem:$0x1C000] =	vst v63  }
0x1a8: {  	_ =	swait.ge [sflag:s31], $0x4000  }
0x1a9: {  	[sflag:s31] =	ssyncset.done $0x0  }
0x1aa: {  	s5 =	simm.s32 $0x6C00;
	[sflag:s31] =	ssyncadd.s32 $0xFFFFC000  }
0x1ab: {  	[tilespmem:s21], [sflag:$0x5] =	stream.indirect.gather [hbm4b:s1+s15], $0x80, s5, s15, $0xb8;
	[tilespmem:$0x1C000] =	vst v63  }
0x1ac: {  	_ =	swait.ge [sflag:s22], $0x4000  }
0x1ad: {  	[sflag:s22] =	ssyncset.done $0x0  }
0x1ae: {  	s6 =	rddreg [dreg:$0x1b];
	[sflag:s22] =	ssyncadd.s32 $0xFFFFC000  }
0x1af: {  	[hbm4b:s6+s3] =	stream.linear.scatter [tilespmem:s17], [sflag:$0x7], $0x4000, $0x38;
	[tilespmem:$0x1C000] =	vst v63  }
0x1b0: {  	_ =	swait.ge [sflag:s23], $0x4000  }
0x1b1: {  	[sflag:s23] =	ssyncset.done $0x0  }
0x1b2: {  	s7 =	simm.s32 $0x6C80;
	[sflag:s23] =	ssyncadd.s32 $0xFFFFC000  }
0x1b3: {  	[tilespmem:s16], [sflag:$0x1] =	stream.indirect.gather [hbm4b:s1+s15], $0x80, s7, s15, $0xb8;
	[tilespmem:$0x1C000] =	vst v63  }
0x1b4: {  	_ =	swait.ge [sflag:s24], $0x4000  }
0x1b5: {  	[sflag:s24] =	ssyncset.done $0x0  }
0x1b6: {  	s8 =	rddreg [dreg:$0x1c];
	[sflag:s24] =	ssyncadd.s32 $0xFFFFC000  }
0x1b7: {  	[hbm4b:s8+s3] =	stream.linear.scatter [tilespmem:s18], [sflag:$0x8], $0x4000, $0x38;
	[tilespmem:$0x1C000] =	vst v63  }
0x1b8: {  	_ =	swait.ge [sflag:s25], $0x4000  }
0x1b9: {  	[sflag:s25] =	ssyncset.done $0x0  }
0x1ba: {  	s4 =	simm.s32 $0x6D00;
	[sflag:s25] =	ssyncadd.s32 $0xFFFFC000  }
0x1bb: {  	[tilespmem:s17], [sflag:$0x2] =	stream.indirect.gather [hbm4b:s1+s15], $0x80, s4, s15, $0xb8;
	[tilespmem:$0x1C000] =	vst v63  }
0x1bc: {  	_ =	swait.ge [sflag:s26], $0x4000  }
0x1bd: {  	[sflag:s26] =	ssyncset.done $0x0  }
0x1be: {  	s5 =	rddreg [dreg:$0x1d];
	[sflag:s26] =	ssyncadd.s32 $0xFFFFC000  }
0x1bf: {  	[hbm4b:s5+s3] =	stream.linear.scatter [tilespmem:s19], [sflag:$0x9], $0x4000, $0x38;
	[tilespmem:$0x1C000] =	vst v63  }
0x1c0: {  	_ =	swait.ge [sflag:s28], $0x4000  }
0x1c1: {  	[sflag:s28] =	ssyncset.done $0x0  }
0x1c2: {  	s6 =	simm.s32 $0x6D80;
	[sflag:s28] =	ssyncadd.s32 $0xFFFFC000  }
0x1c3: {  	[tilespmem:s18], [sflag:$0x3] =	stream.indirect.gather [hbm4b:s1+s15], $0x80, s6, s15, $0xb8;
	[tilespmem:$0x1C000] =	vst v63  }
0x1c4: {  	_ =	swait.ge [sflag:s29], $0x4000  }
0x1c5: {  	[sflag:s29] =	ssyncset.done $0x0  }
0x1c6: {  	s7 =	rddreg [dreg:$0x1e];
	[sflag:s29] =	ssyncadd.s32 $0xFFFFC000  }
0x1c7: {  	[hbm4b:s7+s3] =	stream.linear.scatter [tilespmem:s21], [sflag:$0xA], $0x4000, $0x38;
	[tilespmem:$0x1C000] =	vst v63  }
0x1c8: {  	_ =	swait.ge [sflag:s30], $0x4000  }
0x1c9: {  	[sflag:s30] =	ssyncset.done $0x0  }
0x1ca: {  	s8 =	simm.s32 $0x6E00;
	[sflag:s30] =	ssyncadd.s32 $0xFFFFC000  }
0x1cb: {  	[tilespmem:s19], [sflag:$0x4] =	stream.indirect.gather [hbm4b:s1+s15], $0x80, s8, s15, $0xb8;
	[tilespmem:$0x1C000] =	vst v63  }
0x1cc: {  	_ =	swait.ge [sflag:s20], $0x4000  }
0x1cd: {  	[sflag:s20] =	ssyncset.done $0x0  }
0x1ce: {  	s4 =	rddreg [dreg:$0x1f];
	[sflag:s20] =	ssyncadd.s32 $0xFFFFC000  }
0x1cf: {  	[hbm4b:s4+s3] =	stream.linear.scatter [tilespmem:s16], [sflag:$0x6], $0x4000, $0x38;
	[tilespmem:$0x1C000] =	vst v63  }
0x1d0: {  	_ =	swait.ge [sflag:s31], $0x4000  }
0x1d1: {  	[sflag:s31] =	ssyncset.done $0x0  }
0x1d2: {  	s5 =	simm.s32 $0x6E80;
	[sflag:s31] =	ssyncadd.s32 $0xFFFFC000  }
0x1d3: {  	[tilespmem:s21], [sflag:$0x5] =	stream.indirect.gather [hbm4b:s1+s15], $0x80, s5, s15, $0xb8;
	[tilespmem:$0x1C000] =	vst v63  }
0x1d4: {  	_ =	swait.ge [sflag:s22], $0x4000  }
0x1d5: {  	s6 =	sld [smem:$0x7DC]  }
0x1d6: {  	[sflag:s22] =	ssyncset.done $0x0  }
0x1d7: {  	[sflag:s22] =	ssyncadd.s32 $0xFFFFC000  }
0x1d8: {  	[hbm4b:s6+s3] =	stream.linear.scatter [tilespmem:s17], [sflag:$0x7], $0x4000, $0x38;
	[tilespmem:$0x1C000] =	vst v63  }
0x1d9: {  	_ =	swait.ge [sflag:s23], $0x4000  }
0x1da: {  	[sflag:s23] =	ssyncset.done $0x0  }
0x1db: {  	s7 =	simm.s32 $0x6F00;
	[sflag:s23] =	ssyncadd.s32 $0xFFFFC000  }
0x1dc: {  	[tilespmem:s16], [sflag:$0x1] =	stream.indirect.gather [hbm4b:s1+s15], $0x80, s7, s15, $0xb8;
	[tilespmem:$0x1C000] =	vst v63  }
0x1dd: {  	_ =	swait.ge [sflag:s24], $0x4000  }
0x1de: {  	s8 =	sld [smem:$0x7DD]  }
0x1df: {  	[sflag:s24] =	ssyncset.done $0x0  }
0x1e0: {  	[sflag:s24] =	ssyncadd.s32 $0xFFFFC000  }
0x1e1: {  	[hbm4b:s8+s3] =	stream.linear.scatter [tilespmem:s18], [sflag:$0x8], $0x4000, $0x38;
	[tilespmem:$0x1C000] =	vst v63  }
0x1e2: {  	_ =	swait.ge [sflag:s25], $0x4000  }
0x1e3: {  	[sflag:s25] =	ssyncset.done $0x0  }
0x1e4: {  	s4 =	simm.s32 $0x6F80;
	[sflag:s25] =	ssyncadd.s32 $0xFFFFC000  }
0x1e5: {  	[tilespmem:s17], [sflag:$0x2] =	stream.indirect.gather [hbm4b:s1+s15], $0x80, s4, s15, $0xb8;
	[tilespmem:$0x1C000] =	vst v63  }
0x1e6: {  	_ =	swait.ge [sflag:s26], $0x4000  }
0x1e7: {  	s5 =	sld [smem:$0x7DE]  }
0x1e8: {  	[sflag:s26] =	ssyncset.done $0x0  }
0x1e9: {  	[sflag:s26] =	ssyncadd.s32 $0xFFFFC000  }
0x1ea: {  	[hbm4b:s5+s3] =	stream.linear.scatter [tilespmem:s19], [sflag:$0x9], $0x4000, $0x38;
	[tilespmem:$0x1C000] =	vst v63  }
0x1eb: {  	_ =	swait.ge [sflag:s28], $0x4000  }
0x1ec: {  	[sflag:s28] =	ssyncset.done $0x0  }
0x1ed: {  	s6 =	simm.s32 $0x7000;
	[sflag:s28] =	ssyncadd.s32 $0xFFFFC000  }
0x1ee: {  	[tilespmem:s18], [sflag:$0x3] =	stream.indirect.gather [hbm4b:s1+s15], $0x80, s6, s15, $0xb8;
	[tilespmem:$0x1C000] =	vst v63  }
0x1ef: {  	_ =	swait.ge [sflag:s29], $0x4000  }
0x1f0: {  	s7 =	sld [smem:$0x7DF]  }
0x1f1: {  	[sflag:s29] =	ssyncset.done $0x0  }
0x1f2: {  	[sflag:s29] =	ssyncadd.s32 $0xFFFFC000  }
0x1f3: {  	[hbm4b:s7+s3] =	stream.linear.scatter [tilespmem:s21], [sflag:$0xA], $0x4000, $0x38;
	[tilespmem:$0x1C000] =	vst v63  }
0x1f4: {  	_ =	swait.ge [sflag:s30], $0x4000  }
0x1f5: {  	[sflag:s30] =	ssyncset.done $0x0  }
0x1f6: {  	s8 =	simm.s32 $0x7080;
	[sflag:s30] =	ssyncadd.s32 $0xFFFFC000  }
0x1f7: {  	[tilespmem:s19], [sflag:$0x4] =	stream.indirect.gather [hbm4b:s1+s15], $0x80, s8, s15, $0xb8;
	[tilespmem:$0x1C000] =	vst v63  }
0x1f8: {  	_ =	swait.ge [sflag:s20], $0x4000  }
0x1f9: {  	s4 =	sld [smem:$0x7E0]  }
0x1fa: {  	[sflag:s20] =	ssyncset.done $0x0  }
0x1fb: {  	[sflag:s20] =	ssyncadd.s32 $0xFFFFC000  }
0x1fc: {  	[hbm4b:s4+s3] =	stream.linear.scatter [tilespmem:s16], [sflag:$0x6], $0x4000, $0x38;
	[tilespmem:$0x1C000] =	vst v63  }
0x1fd: {  	_ =	swait.ge [sflag:s31], $0x4000  }
0x1fe: {  	[sflag:s31] =	ssyncset.done $0x0  }
0x1ff: {  	s5 =	simm.s32 $0x7100;
	[sflag:s31] =	ssyncadd.s32 $0xFFFFC000  }
0x200: {  	[tilespmem:s21], [sflag:$0x5] =	stream.indirect.gather [hbm4b:s1+s15], $0x80, s5, s15, $0xb8;
	[tilespmem:$0x1C000] =	vst v63  }
0x201: {  	_ =	swait.ge [sflag:s22], $0x4000  }
0x202: {  	s6 =	sld [smem:$0x7E1]  }
0x203: {  	[sflag:s22] =	ssyncset.done $0x0  }
0x204: {  	[sflag:s22] =	ssyncadd.s32 $0xFFFFC000  }
0x205: {  	[hbm4b:s6+s3] =	stream.linear.scatter [tilespmem:s17], [sflag:$0x7], $0x4000, $0x38;
	[tilespmem:$0x1C000] =	vst v63  }
0x206: {  	_ =	swait.ge [sflag:s23], $0x4000  }
0x207: {  	[sflag:s23] =	ssyncset.done $0x0  }
0x208: {  	s7 =	simm.s32 $0x7180;
	[sflag:s23] =	ssyncadd.s32 $0xFFFFC000  }
0x209: {  	[tilespmem:s16], [sflag:$0x1] =	stream.indirect.gather [hbm4b:s1+s15], $0x80, s7, s15, $0xb8;
	[tilespmem:$0x1C000] =	vst v63  }
0x20a: {  	_ =	swait.ge [sflag:s24], $0x4000  }
0x20b: {  	s8 =	sld [smem:$0x7E2]  }
0x20c: {  	[sflag:s24] =	ssyncset.done $0x0  }
0x20d: {  	[sflag:s24] =	ssyncadd.s32 $0xFFFFC000  }
0x20e: {  	[hbm4b:s8+s3] =	stream.linear.scatter [tilespmem:s18], [sflag:$0x8], $0x4000, $0x38;
	[tilespmem:$0x1C000] =	vst v63  }
0x20f: {  	_ =	swait.ge [sflag:s25], $0x4000  }
0x210: {  	[sflag:s25] =	ssyncset.done $0x0  }
0x211: {  	s4 =	simm.s32 $0x7200;
	[sflag:s25] =	ssyncadd.s32 $0xFFFFC000  }
0x212: {  	[tilespmem:s17], [sflag:$0x2] =	stream.indirect.gather [hbm4b:s1+s15], $0x80, s4, s15, $0xb8;
	[tilespmem:$0x1C000] =	vst v63  }
0x213: {  	_ =	swait.ge [sflag:s26], $0x4000  }
0x214: {  	s5 =	sld [smem:$0x7E3]  }
0x215: {  	[sflag:s26] =	ssyncset.done $0x0  }
0x216: {  	[sflag:s26] =	ssyncadd.s32 $0xFFFFC000  }
0x217: {  	[hbm4b:s5+s3] =	stream.linear.scatter [tilespmem:s19], [sflag:$0x9], $0x4000, $0x38;
	[tilespmem:$0x1C000] =	vst v63  }
0x218: {  	_ =	swait.ge [sflag:s28], $0x4000  }
0x219: {  	[sflag:s28] =	ssyncset.done $0x0  }
0x21a: {  	s6 =	simm.s32 $0x7280;
	[sflag:s28] =	ssyncadd.s32 $0xFFFFC000  }
0x21b: {  	[tilespmem:s18], [sflag:$0x3] =	stream.indirect.gather [hbm4b:s1+s15], $0x80, s6, s15, $0xb8;
	[tilespmem:$0x1C000] =	vst v63  }
0x21c: {  	_ =	swait.ge [sflag:s29], $0x4000  }
0x21d: {  	s7 =	sld [smem:$0x7E4]  }
0x21e: {  	[sflag:s29] =	ssyncset.done $0x0  }
0x21f: {  	[sflag:s29] =	ssyncadd.s32 $0xFFFFC000  }
0x220: {  	[hbm4b:s7+s3] =	stream.linear.scatter [tilespmem:s21], [sflag:$0xA], $0x4000, $0x38;
	[tilespmem:$0x1C000] =	vst v63  }
0x221: {  	_ =	swait.ge [sflag:s30], $0x4000  }
0x222: {  	[sflag:s30] =	ssyncset.done $0x0  }
0x223: {  	s8 =	simm.s32 $0x7300;
	[sflag:s30] =	ssyncadd.s32 $0xFFFFC000  }
0x224: {  	[tilespmem:s19], [sflag:$0x4] =	stream.indirect.gather [hbm4b:s1+s15], $0x80, s8, s15, $0xb8;
	[tilespmem:$0x1C000] =	vst v63  }
0x225: {  	_ =	swait.ge [sflag:s20], $0x4000  }
0x226: {  	s4 =	sld [smem:$0x7E5]  }
0x227: {  	[sflag:s20] =	ssyncset.done $0x0  }
0x228: {  	[sflag:s20] =	ssyncadd.s32 $0xFFFFC000  }
0x229: {  	[hbm4b:s4+s3] =	stream.linear.scatter [tilespmem:s16], [sflag:$0x6], $0x4000, $0x38;
	[tilespmem:$0x1C000] =	vst v63  }
0x22a: {  	_ =	swait.ge [sflag:s31], $0x4000  }
0x22b: {  	[sflag:s31] =	ssyncset.done $0x0  }
0x22c: {  	s5 =	simm.s32 $0x7380;
	[sflag:s31] =	ssyncadd.s32 $0xFFFFC000  }
0x22d: {  	[tilespmem:s21], [sflag:$0x5] =	stream.indirect.gather [hbm4b:s1+s15], $0x80, s5, s15, $0xb8;
	[tilespmem:$0x1C000] =	vst v63  }
0x22e: {  	_ =	swait.ge [sflag:s22], $0x4000  }
0x22f: {  	s6 =	sld [smem:$0x7E6]  }
0x230: {  	[sflag:s22] =	ssyncset.done $0x0  }
0x231: {  	[sflag:s22] =	ssyncadd.s32 $0xFFFFC000  }
0x232: {  	[hbm4b:s6+s3] =	stream.linear.scatter [tilespmem:s17], [sflag:$0x7], $0x4000, $0x38;
	[tilespmem:$0x1C000] =	vst v63  }
0x233: {  	_ =	swait.ge [sflag:s23], $0x4000  }
0x234: {  	[sflag:s23] =	ssyncset.done $0x0  }
0x235: {  	s7 =	simm.s32 $0x7400;
	[sflag:s23] =	ssyncadd.s32 $0xFFFFC000  }
0x236: {  	[tilespmem:s16], [sflag:$0x1] =	stream.indirect.gather [hbm4b:s1+s15], $0x80, s7, s15, $0xb8;
	[tilespmem:$0x1C000] =	vst v63  }
0x237: {  	_ =	swait.ge [sflag:s24], $0x4000  }
0x238: {  	s8 =	sld [smem:$0x7E7]  }
0x239: {  	[sflag:s24] =	ssyncset.done $0x0  }
0x23a: {  	[sflag:s24] =	ssyncadd.s32 $0xFFFFC000  }
0x23b: {  	[hbm4b:s8+s3] =	stream.linear.scatter [tilespmem:s18], [sflag:$0x8], $0x4000, $0x38;
	[tilespmem:$0x1C000] =	vst v63  }
0x23c: {  	_ =	swait.ge [sflag:s25], $0x4000  }
0x23d: {  	[sflag:s25] =	ssyncset.done $0x0  }
0x23e: {  	s4 =	simm.s32 $0x7480;
	[sflag:s25] =	ssyncadd.s32 $0xFFFFC000  }
0x23f: {  	[tilespmem:s17], [sflag:$0x2] =	stream.indirect.gather [hbm4b:s1+s15], $0x80, s4, s15, $0xb8;
	[tilespmem:$0x1C000] =	vst v63  }
0x240: {  	_ =	swait.ge [sflag:s26], $0x4000  }
0x241: {  	s5 =	sld [smem:$0x7E8]  }
0x242: {  	[sflag:s26] =	ssyncset.done $0x0  }
0x243: {  	[sflag:s26] =	ssyncadd.s32 $0xFFFFC000  }
0x244: {  	[hbm4b:s5+s3] =	stream.linear.scatter [tilespmem:s19], [sflag:$0x9], $0x4000, $0x38;
	[tilespmem:$0x1C000] =	vst v63  }
0x245: {  	_ =	swait.ge [sflag:s28], $0x4000  }
0x246: {  	[sflag:s28] =	ssyncset.done $0x0  }
0x247: {  	s6 =	simm.s32 $0x7500;
	[sflag:s28] =	ssyncadd.s32 $0xFFFFC000  }
0x248: {  	[tilespmem:s18], [sflag:$0x3] =	stream.indirect.gather [hbm4b:s1+s15], $0x80, s6, s15, $0xb8;
	[tilespmem:$0x1C000] =	vst v63  }
0x249: {  	_ =	swait.ge [sflag:s29], $0x4000  }
0x24a: {  	s7 =	sld [smem:$0x7E9]  }
0x24b: {  	[sflag:s29] =	ssyncset.done $0x0  }
0x24c: {  	[sflag:s29] =	ssyncadd.s32 $0xFFFFC000  }
0x24d: {  	[hbm4b:s7+s3] =	stream.linear.scatter [tilespmem:s21], [sflag:$0xA], $0x4000, $0x38;
	[tilespmem:$0x1C000] =	vst v63  }
0x24e: {  	_ =	swait.ge [sflag:s30], $0x4000  }
0x24f: {  	[sflag:s30] =	ssyncset.done $0x0  }
0x250: {  	s8 =	simm.s32 $0x7580;
	[sflag:s30] =	ssyncadd.s32 $0xFFFFC000  }
0x251: {  	[tilespmem:s19], [sflag:$0x4] =	stream.indirect.gather [hbm4b:s1+s15], $0x80, s8, s15, $0xb8;
	[tilespmem:$0x1C000] =	vst v63  }
0x252: {  	_ =	swait.ge [sflag:s20], $0x4000  }
0x253: {  	s4 =	sld [smem:$0x7EA]  }
0x254: {  	[sflag:s20] =	ssyncset.done $0x0  }
0x255: {  	[sflag:s20] =	ssyncadd.s32 $0xFFFFC000  }
0x256: {  	[hbm4b:s4+s3] =	stream.linear.scatter [tilespmem:s16], [sflag:$0x6], $0x4000, $0x38;
	[tilespmem:$0x1C000] =	vst v63  }
0x257: {  	_ =	swait.ge [sflag:s31], $0x4000  }
0x258: {  	[sflag:s31] =	ssyncset.done $0x0  }
0x259: {  	s5 =	simm.s32 $0x7600;
	[sflag:s31] =	ssyncadd.s32 $0xFFFFC000  }
0x25a: {  	[tilespmem:s21], [sflag:$0x5] =	stream.indirect.gather [hbm4b:s1+s15], $0x80, s5, s15, $0xb8;
	[tilespmem:$0x1C000] =	vst v63  }
0x25b: {  	_ =	swait.ge [sflag:s22], $0x4000  }
0x25c: {  	s6 =	sld [smem:$0x7EB]  }
0x25d: {  	[sflag:s22] =	ssyncset.done $0x0  }
0x25e: {  	[sflag:s22] =	ssyncadd.s32 $0xFFFFC000  }
0x25f: {  	[hbm4b:s6+s3] =	stream.linear.scatter [tilespmem:s17], [sflag:$0x7], $0x4000, $0x38;
	[tilespmem:$0x1C000] =	vst v63  }
0x260: {  	_ =	swait.ge [sflag:s23], $0x4000  }
0x261: {  	[sflag:s23] =	ssyncset.done $0x0  }
0x262: {  	s7 =	simm.s32 $0x7680;
	[sflag:s23] =	ssyncadd.s32 $0xFFFFC000  }
0x263: {  	[tilespmem:s16], [sflag:$0x1] =	stream.indirect.gather [hbm4b:s1+s15], $0x80, s7, s15, $0xb8;
	[tilespmem:$0x1C000] =	vst v63  }
0x264: {  	_ =	swait.ge [sflag:s24], $0x4000  }
0x265: {  	s8 =	sld [smem:$0x7EC]  }
0x266: {  	[sflag:s24] =	ssyncset.done $0x0  }
0x267: {  	[sflag:s24] =	ssyncadd.s32 $0xFFFFC000  }
0x268: {  	[hbm4b:s8+s3] =	stream.linear.scatter [tilespmem:s18], [sflag:$0x8], $0x4000, $0x38;
	[tilespmem:$0x1C000] =	vst v63  }
0x269: {  	_ =	swait.ge [sflag:s25], $0x4000  }
0x26a: {  	[sflag:s25] =	ssyncset.done $0x0  }
0x26b: {  	s4 =	simm.s32 $0x7700;
	[sflag:s25] =	ssyncadd.s32 $0xFFFFC000  }
0x26c: {  	[tilespmem:s17], [sflag:$0x2] =	stream.indirect.gather [hbm4b:s1+s15], $0x80, s4, s15, $0xb8;
	[tilespmem:$0x1C000] =	vst v63  }
0x26d: {  	_ =	swait.ge [sflag:s26], $0x4000  }
0x26e: {  	s5 =	sld [smem:$0x7ED]  }
0x26f: {  	[sflag:s26] =	ssyncset.done $0x0  }
0x270: {  	[sflag:s26] =	ssyncadd.s32 $0xFFFFC000  }
0x271: {  	[hbm4b:s5+s3] =	stream.linear.scatter [tilespmem:s19], [sflag:$0x9], $0x4000, $0x38;
	[tilespmem:$0x1C000] =	vst v63  }
0x272: {  	_ =	swait.ge [sflag:s28], $0x4000  }
0x273: {  	[sflag:s28] =	ssyncset.done $0x0  }
0x274: {  	s6 =	simm.s32 $0x7780;
	[sflag:s28] =	ssyncadd.s32 $0xFFFFC000  }
0x275: {  	[tilespmem:s18], [sflag:$0x3] =	stream.indirect.gather [hbm4b:s1+s15], $0x80, s6, s15, $0xb8;
	[tilespmem:$0x1C000] =	vst v63  }
0x276: {  	_ =	swait.ge [sflag:s29], $0x4000  }
0x277: {  	s7 =	sld [smem:$0x7EE]  }
0x278: {  	[sflag:s29] =	ssyncset.done $0x0  }
0x279: {  	[sflag:s29] =	ssyncadd.s32 $0xFFFFC000  }
0x27a: {  	[hbm4b:s7+s3] =	stream.linear.scatter [tilespmem:s21], [sflag:$0xA], $0x4000, $0x38;
	[tilespmem:$0x1C000] =	vst v63  }
0x27b: {  	_ =	swait.ge [sflag:s30], $0x4000  }
0x27c: {  	[sflag:s30] =	ssyncset.done $0x0  }
0x27d: {  	s8 =	simm.s32 $0x7800;
	[sflag:s30] =	ssyncadd.s32 $0xFFFFC000  }
0x27e: {  	[tilespmem:s19], [sflag:$0x4] =	stream.indirect.gather [hbm4b:s1+s15], $0x80, s8, s15, $0xb8;
	[tilespmem:$0x1C000] =	vst v63  }
0x27f: {  	_ =	swait.ge [sflag:s20], $0x4000  }
0x280: {  	s4 =	sld [smem:$0x7EF]  }
0x281: {  	[sflag:s20] =	ssyncset.done $0x0  }
0x282: {  	[sflag:s20] =	ssyncadd.s32 $0xFFFFC000  }
0x283: {  	[hbm4b:s4+s3] =	stream.linear.scatter [tilespmem:s16], [sflag:$0x6], $0x4000, $0x38;
	[tilespmem:$0x1C000] =	vst v63  }
0x284: {  	_ =	swait.ge [sflag:s31], $0x4000  }
0x285: {  	[sflag:s31] =	ssyncset.done $0x0  }
0x286: {  	s5 =	simm.s32 $0x7880;
	[sflag:s31] =	ssyncadd.s32 $0xFFFFC000  }
0x287: {  	[tilespmem:s21], [sflag:$0x5] =	stream.indirect.gather [hbm4b:s1+s15], $0x80, s5, s15, $0xb8;
	[tilespmem:$0x1C000] =	vst v63  }
0x288: {  	_ =	swait.ge [sflag:s22], $0x4000  }
0x289: {  	s6 =	sld [smem:$0x7F0]  }
0x28a: {  	[sflag:s22] =	ssyncset.done $0x0  }
0x28b: {  	[sflag:s22] =	ssyncadd.s32 $0xFFFFC000  }
0x28c: {  	[hbm4b:s6+s3] =	stream.linear.scatter [tilespmem:s17], [sflag:$0x7], $0x4000, $0x38;
	[tilespmem:$0x1C000] =	vst v63  }
0x28d: {  	_ =	swait.ge [sflag:s23], $0x4000  }
0x28e: {  	[sflag:s23] =	ssyncset.done $0x0  }
0x28f: {  	s7 =	simm.s32 $0x7900;
	[sflag:s23] =	ssyncadd.s32 $0xFFFFC000  }
0x290: {  	[tilespmem:s16], [sflag:$0x1] =	stream.indirect.gather [hbm4b:s1+s15], $0x80, s7, s15, $0xb8;
	[tilespmem:$0x1C000] =	vst v63  }
0x291: {  	_ =	swait.ge [sflag:s24], $0x4000  }
0x292: {  	s8 =	sld [smem:$0x7F1]  }
0x293: {  	[sflag:s24] =	ssyncset.done $0x0  }
0x294: {  	[sflag:s24] =	ssyncadd.s32 $0xFFFFC000  }
0x295: {  	[hbm4b:s8+s3] =	stream.linear.scatter [tilespmem:s18], [sflag:$0x8], $0x4000, $0x38;
	[tilespmem:$0x1C000] =	vst v63  }
0x296: {  	_ =	swait.ge [sflag:s25], $0x4000  }
0x297: {  	[sflag:s25] =	ssyncset.done $0x0  }
0x298: {  	s4 =	simm.s32 $0x7980;
	[sflag:s25] =	ssyncadd.s32 $0xFFFFC000  }
0x299: {  	[tilespmem:s17], [sflag:$0x2] =	stream.indirect.gather [hbm4b:s1+s15], $0x80, s4, s15, $0xb8;
	[tilespmem:$0x1C000] =	vst v63  }
0x29a: {  	_ =	swait.ge [sflag:s26], $0x4000  }
0x29b: {  	s5 =	sld [smem:$0x7F2]  }
0x29c: {  	[sflag:s26] =	ssyncset.done $0x0  }
0x29d: {  	[sflag:s26] =	ssyncadd.s32 $0xFFFFC000  }
0x29e: {  	[hbm4b:s5+s3] =	stream.linear.scatter [tilespmem:s19], [sflag:$0x9], $0x4000, $0x38;
	[tilespmem:$0x1C000] =	vst v63  }
0x29f: {  	_ =	swait.ge [sflag:s28], $0x4000  }
0x2a0: {  	[sflag:s28] =	ssyncset.done $0x0  }
0x2a1: {  	s6 =	simm.s32 $0x7A00;
	[sflag:s28] =	ssyncadd.s32 $0xFFFFC000  }
0x2a2: {  	[tilespmem:s18], [sflag:$0x3] =	stream.indirect.gather [hbm4b:s1+s15], $0x80, s6, s15, $0xb8;
	[tilespmem:$0x1C000] =	vst v63  }
0x2a3: {  	_ =	swait.ge [sflag:s29], $0x4000  }
0x2a4: {  	s7 =	sld [smem:$0x7F3]  }
0x2a5: {  	[sflag:s29] =	ssyncset.done $0x0  }
0x2a6: {  	[sflag:s29] =	ssyncadd.s32 $0xFFFFC000  }
0x2a7: {  	[hbm4b:s7+s3] =	stream.linear.scatter [tilespmem:s21], [sflag:$0xA], $0x4000, $0x38;
	[tilespmem:$0x1C000] =	vst v63  }
0x2a8: {  	_ =	swait.ge [sflag:s30], $0x4000  }
0x2a9: {  	[sflag:s30] =	ssyncset.done $0x0  }
0x2aa: {  	s8 =	simm.s32 $0x7A80;
	[sflag:s30] =	ssyncadd.s32 $0xFFFFC000  }
0x2ab: {  	[tilespmem:s19], [sflag:$0x4] =	stream.indirect.gather [hbm4b:s1+s15], $0x80, s8, s15, $0xb8;
	[tilespmem:$0x1C000] =	vst v63  }
0x2ac: {  	_ =	swait.ge [sflag:s20], $0x4000  }
0x2ad: {  	s4 =	sld [smem:$0x7F4]  }
0x2ae: {  	[sflag:s20] =	ssyncset.done $0x0  }
0x2af: {  	[sflag:s20] =	ssyncadd.s32 $0xFFFFC000  }
0x2b0: {  	[hbm4b:s4+s3] =	stream.linear.scatter [tilespmem:s16], [sflag:$0x6], $0x4000, $0x38;
	[tilespmem:$0x1C000] =	vst v63  }
0x2b1: {  	_ =	swait.ge [sflag:s31], $0x4000  }
0x2b2: {  	[sflag:s31] =	ssyncset.done $0x0  }
0x2b3: {  	s5 =	simm.s32 $0x7B00;
	[sflag:s31] =	ssyncadd.s32 $0xFFFFC000  }
0x2b4: {  	[tilespmem:s21], [sflag:$0x5] =	stream.indirect.gather [hbm4b:s1+s15], $0x80, s5, s15, $0xb8;
	[tilespmem:$0x1C000] =	vst v63  }
0x2b5: {  	_ =	swait.ge [sflag:s22], $0x4000  }
0x2b6: {  	s6 =	sld [smem:$0x7F5]  }
0x2b7: {  	[sflag:s22] =	ssyncset.done $0x0  }
0x2b8: {  	[sflag:s22] =	ssyncadd.s32 $0xFFFFC000  }
0x2b9: {  	[hbm4b:s6+s3] =	stream.linear.scatter [tilespmem:s17], [sflag:$0x7], $0x4000, $0x38;
	[tilespmem:$0x1C000] =	vst v63  }
0x2ba: {  	_ =	swait.ge [sflag:s23], $0x4000  }
0x2bb: {  	[sflag:s23] =	ssyncset.done $0x0  }
0x2bc: {  	s7 =	simm.s32 $0x7B80;
	[sflag:s23] =	ssyncadd.s32 $0xFFFFC000  }
0x2bd: {  	[tilespmem:s16], [sflag:$0x1] =	stream.indirect.gather [hbm4b:s1+s15], $0x80, s7, s15, $0xb8;
	[tilespmem:$0x1C000] =	vst v63  }
0x2be: {  	_ =	swait.ge [sflag:s24], $0x4000  }
0x2bf: {  	s8 =	sld [smem:$0x7F6]  }
0x2c0: {  	[sflag:s24] =	ssyncset.done $0x0  }
0x2c1: {  	[sflag:s24] =	ssyncadd.s32 $0xFFFFC000  }
0x2c2: {  	[hbm4b:s8+s3] =	stream.linear.scatter [tilespmem:s18], [sflag:$0x8], $0x4000, $0x38;
	[tilespmem:$0x1C000] =	vst v63  }
0x2c3: {  	_ =	swait.ge [sflag:s25], $0x4000  }
0x2c4: {  	[sflag:s25] =	ssyncset.done $0x0  }
0x2c5: {  	s4 =	simm.s32 $0x7C00;
	[sflag:s25] =	ssyncadd.s32 $0xFFFFC000  }
0x2c6: {  	[tilespmem:s17], [sflag:$0x2] =	stream.indirect.gather [hbm4b:s1+s15], $0x80, s4, s15, $0xb8;
	[tilespmem:$0x1C000] =	vst v63  }
0x2c7: {  	_ =	swait.ge [sflag:s26], $0x4000  }
0x2c8: {  	s5 =	sld [smem:$0x7F7]  }
0x2c9: {  	[sflag:s26] =	ssyncset.done $0x0  }
0x2ca: {  	[sflag:s26] =	ssyncadd.s32 $0xFFFFC000  }
0x2cb: {  	[hbm4b:s5+s3] =	stream.linear.scatter [tilespmem:s19], [sflag:$0x9], $0x4000, $0x38;
	[tilespmem:$0x1C000] =	vst v63  }
0x2cc: {  	_ =	swait.ge [sflag:s28], $0x4000  }
0x2cd: {  	[sflag:s28] =	ssyncset.done $0x0  }
0x2ce: {  	s6 =	simm.s32 $0x7C80;
	[sflag:s28] =	ssyncadd.s32 $0xFFFFC000  }
0x2cf: {  	[tilespmem:s18], [sflag:$0x3] =	stream.indirect.gather [hbm4b:s1+s15], $0x80, s6, s15, $0xb8;
	[tilespmem:$0x1C000] =	vst v63  }
0x2d0: {  	_ =	swait.ge [sflag:s29], $0x4000  }
0x2d1: {  	s7 =	sld [smem:$0x7F8]  }
0x2d2: {  	[sflag:s29] =	ssyncset.done $0x0  }
0x2d3: {  	[sflag:s29] =	ssyncadd.s32 $0xFFFFC000  }
0x2d4: {  	[hbm4b:s7+s3] =	stream.linear.scatter [tilespmem:s21], [sflag:$0xA], $0x4000, $0x38;
	[tilespmem:$0x1C000] =	vst v63  }
0x2d5: {  	_ =	swait.ge [sflag:s30], $0x4000  }
0x2d6: {  	[sflag:s30] =	ssyncset.done $0x0  }
0x2d7: {  	s8 =	simm.s32 $0x7D00;
	[sflag:s30] =	ssyncadd.s32 $0xFFFFC000  }
0x2d8: {  	[tilespmem:s19], [sflag:$0x4] =	stream.indirect.gather [hbm4b:s1+s15], $0x80, s8, s15, $0xb8;
	[tilespmem:$0x1C000] =	vst v63  }
0x2d9: {  	_ =	swait.ge [sflag:s20], $0x4000  }
0x2da: {  	s4 =	sld [smem:$0x7F9]  }
0x2db: {  	[sflag:s20] =	ssyncset.done $0x0  }
0x2dc: {  	[sflag:s20] =	ssyncadd.s32 $0xFFFFC000  }
0x2dd: {  	[hbm4b:s4+s3] =	stream.linear.scatter [tilespmem:s16], [sflag:$0x6], $0x4000, $0x38;
	[tilespmem:$0x1C000] =	vst v63  }
0x2de: {  	_ =	swait.ge [sflag:s31], $0x4000  }
0x2df: {  	[sflag:s31] =	ssyncset.done $0x0  }
0x2e0: {  	s5 =	simm.s32 $0x7D80;
	[sflag:s31] =	ssyncadd.s32 $0xFFFFC000  }
0x2e1: {  	[tilespmem:s21], [sflag:$0x5] =	stream.indirect.gather [hbm4b:s1+s15], $0x80, s5, s15, $0xb8;
	[tilespmem:$0x1C000] =	vst v63  }
0x2e2: {  	_ =	swait.ge [sflag:s22], $0x4000  }
0x2e3: {  	s6 =	sld [smem:$0x7FA]  }
0x2e4: {  	[sflag:s22] =	ssyncset.done $0x0  }
0x2e5: {  	[sflag:s22] =	ssyncadd.s32 $0xFFFFC000  }
0x2e6: {  	[hbm4b:s6+s3] =	stream.linear.scatter [tilespmem:s17], [sflag:$0x7], $0x4000, $0x38;
	[tilespmem:$0x1C000] =	vst v63  }
0x2e7: {  	_ =	swait.ge [sflag:s23], $0x4000  }
0x2e8: {  	[sflag:s23] =	ssyncset.done $0x0  }
0x2e9: {  	s7 =	simm.s32 $0x7E00;
	[sflag:s23] =	ssyncadd.s32 $0xFFFFC000  }
0x2ea: {  	[tilespmem:s16], [sflag:$0x1] =	stream.indirect.gather [hbm4b:s1+s15], $0x80, s7, s15, $0xb8;
	[tilespmem:$0x1C000] =	vst v63  }
0x2eb: {  	_ =	swait.ge [sflag:s24], $0x4000  }
0x2ec: {  	s8 =	sld [smem:$0x7FB]  }
0x2ed: {  	[sflag:s24] =	ssyncset.done $0x0  }
0x2ee: {  	[sflag:s24] =	ssyncadd.s32 $0xFFFFC000  }
0x2ef: {  	[hbm4b:s8+s3] =	stream.linear.scatter [tilespmem:s18], [sflag:$0x8], $0x4000, $0x38;
	[tilespmem:$0x1C000] =	vst v63  }
0x2f0: {  	_ =	swait.ge [sflag:s25], $0x4000  }
0x2f1: {  	[sflag:s25] =	ssyncset.done $0x0  }
0x2f2: {  	s4 =	simm.s32 $0x7E80;
	[sflag:s25] =	ssyncadd.s32 $0xFFFFC000  }
0x2f3: {  	[tilespmem:s17], [sflag:$0x2] =	stream.indirect.gather [hbm4b:s1+s15], $0x80, s4, s15, $0xb8;
	[tilespmem:$0x1C000] =	vst v63  }
0x2f4: {  	_ =	swait.ge [sflag:s26], $0x4000  }
0x2f5: {  	s5 =	sld [smem:$0x7FC]  }
0x2f6: {  	[sflag:s26] =	ssyncset.done $0x0  }
0x2f7: {  	[sflag:s26] =	ssyncadd.s32 $0xFFFFC000  }
0x2f8: {  	[hbm4b:s5+s3] =	stream.linear.scatter [tilespmem:s19], [sflag:$0x9], $0x4000, $0x38;
	[tilespmem:$0x1C000] =	vst v63  }
0x2f9: {  	_ =	swait.ge [sflag:s28], $0x4000  }
0x2fa: {  	[sflag:s28] =	ssyncset.done $0x0  }
0x2fb: {  	s6 =	simm.s32 $0x7F00;
	[sflag:s28] =	ssyncadd.s32 $0xFFFFC000  }
0x2fc: {  	[tilespmem:s18], [sflag:$0x3] =	stream.indirect.gather [hbm4b:s1+s15], $0x80, s6, s15, $0xb8;
	[tilespmem:$0x1C000] =	vst v63  }
0x2fd: {  	_ =	swait.ge [sflag:s29], $0x4000  }
0x2fe: {  	s7 =	sld [smem:$0x7FD]  }
0x2ff: {  	[sflag:s29] =	ssyncset.done $0x0  }
0x300: {  	[sflag:s29] =	ssyncadd.s32 $0xFFFFC000  }
0x301: {  	[hbm4b:s7+s3] =	stream.linear.scatter [tilespmem:s21], [sflag:$0xA], $0x4000, $0x38;
	[tilespmem:$0x1C000] =	vst v63  }
0x302: {  	_ =	swait.ge [sflag:s30], $0x4000  }
0x303: {  	[sflag:s30] =	ssyncset.done $0x0  }
0x304: {  	s8 =	simm.s32 $0x7F80;
	[sflag:s30] =	ssyncadd.s32 $0xFFFFC000  }
0x305: {  	[tilespmem:s19], [sflag:$0x4] =	stream.indirect.gather [hbm4b:s1+s15], $0x80, s8, s15, $0xb8;
	[tilespmem:$0x1C000] =	vst v63  }
0x306: {  	_ =	swait.ge [sflag:s20], $0x4000  }
0x307: {  	[sflag:s20] =	ssyncset.done $0x0  }
0x308: {  	[sflag:s20] =	ssyncadd.s32 $0xFFFFC000  }
0x309: {  	[hbm4b:s9+s3] =	stream.linear.scatter [tilespmem:s16], [sflag:$0x6], $0x4000, $0x38;
	[tilespmem:$0x1C000] =	vst v63  }
0x30a: {  	_ =	swait.ge [sflag:s22], $0x4000  }
0x30b: {  	[sflag:s22] =	ssyncset.done $0x0  }
0x30c: {  	[sflag:s22] =	ssyncadd.s32 $0xFFFFC000  }
0x30d: {  	[hbm4b:s10+s3] =	stream.linear.scatter [tilespmem:s17], [sflag:$0x7], $0x4000, $0x38;
	[tilespmem:$0x1C000] =	vst v63  }
0x30e: {  	_ =	swait.ge [sflag:s24], $0x4000  }
0x30f: {  	[sflag:s24] =	ssyncset.done $0x0  }
0x310: {  	[sflag:s24] =	ssyncadd.s32 $0xFFFFC000  }
0x311: {  	[hbm4b:s11+s3] =	stream.linear.scatter [tilespmem:s18], [sflag:$0x8], $0x4000, $0x38;
	[tilespmem:$0x1C000] =	vst v63  }
0x312: {  	_ =	swait.ge [sflag:s26], $0x4000  }
0x313: {  	[sflag:s26] =	ssyncset.done $0x0  }
0x314: {  	[sflag:s26] =	ssyncadd.s32 $0xFFFFC000  }
0x315: {  	[hbm4b:s12+s3] =	stream.linear.scatter [tilespmem:s19], [sflag:$0x9], $0x4000, $0x38;
	[tilespmem:$0x1C000] =	vst v63  }
0x316: {  	_ =	swait.ge [sflag:s31], $0x4000  }
0x317: {  	[sflag:s31] =	ssyncset.done $0x0  }
0x318: {  	[sflag:s31] =	ssyncadd.s32 $0xFFFFC000  }
0x319: {  	_ =	swait.ge [sflag:s23], $0x4000  }
0x31a: {  	[sflag:s23] =	ssyncset.done $0x0  }
0x31b: {  	[sflag:s23] =	ssyncadd.s32 $0xFFFFC000  }
0x31c: {  	_ =	swait.ge [sflag:s25], $0x4000  }
0x31d: {  	[sflag:s25] =	ssyncset.done $0x0  }
0x31e: {  	s0 =	sadd.s32 $0x1, s0;
	[sflag:s25] =	ssyncadd.s32 $0xFFFFC000  }
0x31f: {  	p0 =	sne.s32 s0, s13;
	_ =	swait.ge [sflag:s28], $0x4000  }
.Ltmp1:
0x320: {  	[sflag:s28] =	ssyncset.done $0x0;
	(pc) =	sbr.rel @p0 .LBB2_1-.Ltmp1, $4  }
0x321: {  	[sflag:s28] =	ssyncadd.s32 $0xFFFFC000  }
0x322: {  	_ =	swait.ge [sflag:s30], $0x4000  }
0x323: {  	[sflag:s30] =	ssyncset.done $0x0  }
0x324: {  	[sflag:s30] =	ssyncadd.s32 $0xFFFFC000  }
0x325: {  	_ =	sfence.sel $0x180000  }
0x326: {  	[bflag:$0x0] =	sbarrier.arrive $0xFFFF  }
0x327: {  	_ =	strace $0x90000047  }
0x328: {  	s0 =	stileid.u32;
	[bflag:$0x2] =	sbarrier.arrive $0xFFFF  }
0x329: {  	p0 =	sne.s32 s0, $0x0;
	s0 =	rddreg [dreg:$0x2]  }
0x32a: {  	s0 =	sadd.s32 @!p0 $0x100000, s0  }
0x32b: {  	[sflag:s0] =	ssyncadd.tile.s32 @!p0 $0x1;
	_ =	shalt  }
.Lfunc_end2:
_tile_overlayer_lowered:
.L_overlay_start_2:
0x32c: {  	(tag) =	ssettag $0x2  }
0x32d: {  	s0 =	rddreg [dreg:$0x0];
	s2 =	stileid.u32  }
0x32e: {  	s1 =	rddreg [dreg:$0x1];
	p0 =	sne.s32 s2, $0x0  }
0x32f: {  	s3 =	rddreg [dreg:$0x2];
	[bflag:$0x3] =	sbarrier.arrive $0xFFFF;
	s2 =	simm.s32 @!p0 $0x1C0B  }
0x330: {  	[timem:s3], [sflag:s2] =	dma.local @!p0 [hbm:s0], s1  }
0x331: {  	s0 =	simm.s32 @!p0 $0xB  }
0x332: {  	_ =	swait.ge @!p0 [sflag:s0], s1  }
0x333: {  	s1 =	ssub.s32 @!p0 $0x0, s1;
	[sflag:s0] =	ssyncset.done @!p0 $0x0  }
0x334: {  	[sflag:s0] =	ssyncadd.s32 @!p0 s1  }
0x335: {  	[bflag:$0x3] =	sbarrier.arrive $0xFFFF  }
0x336: {  	_ =	shalt  }

// kernel: sparse-core-data-format-call.cloned.1.call-start
scs
called_computation_lowered:
.L_overlay_start_0:
0x0: {  	s2 =	sld [smem:$0x3FD9]  }
0x1: {  	s3 =	sld [smem:$0x3FFE];
	_ =	sdelay $0x1  }
0x2: {  	s1 =	srdreg.scid  }
0x3: {  	s0 =	sand.u32 $0x1, s1  }
0x4: {  	s18 =	sshll.u32 s0, $0xA;
	s2 =	sadd.s32 s3, s2  }
0x5: {  	s2 =	sadd.s32 s2, s18  }
0x6: {  	[smem:$0x3FC5] =	sst s2  }
0x7: {  	_ = 	snop  }
0x8: {  	s2 =	sld [smem:$0x3FD0];
	(tm) =	ssettm $0x1  }
0x9: {  	s19 =	sld [smem:$0x3FFB];
	_ =	sdelay $0x3  }
0xa: {  	_ =	strace s19  }
0xb: {  	s3 =	sld [smem:$0x3FFC];
	_ =	sdelay $0x3  }
0xc: {  	_ =	strace s3  }
0xd: {  	s3 =	sld [smem:$0x3FFD];
	_ =	sdelay $0x3  }
0xe: {  	_ =	strace s3  }
0xf: {  	_ =	strace $0x8FFFFFFF  }
0x10: {  	s20 =	sld [smem:$0x3FDB];
	_ =	sdelay $0x1  }
0x11: {  	s4 =	simm.s32 $_scs_section_size  }
0x12: {  	s5 =	simm.s32 $_size__tile_overlayer_lowered;
	s6 =	simm.s32 $_tile_overlayer_lowered  }
0x13: {  	s23 =	simm.s32 $0x1BFF;
	s22 =	sshll.u32 s6, $0x1;
	s3 =	sadd.s32 s4, s20  }
0x14: {  	s7 =	simm.s32 $0x0;
	s21 =	sshll.u32 s5, $0x1;
	s5 =	sadd.s32 s22, s3  }
0x15: {  	[timem:s7], [sflag:s23] =	dma.local [hbm:s5], s21  }
0x16: {  	_ =	swait.ge [sflag:s23], s21  }
0x17: {  	s4 =	ssub.s32 $0x0, s21;
	[sflag:s23] =	ssyncset.done $0x0  }
0x18: {  	[sflag:s23] =	ssyncadd.s32 s4;
	_ =	sdelay $0x1  }
0x19: {  	s24 =	simm.s32 $0x1B8B  }
0x1a: {  	_ =	swait.ge [sflag:s24], $0x1  }
0x1b: {  	[sflag:s24] =	ssyncset.done $0x0  }
0x1c: {  	s26 =	simm.s32 $0x1B8E;
	s25 =	sld [smem:$0x3FFE];
	[sflag:s24] =	ssyncadd.s32 $0xFFFFFFFF  }
0x1d: {  	s27 =	simm.s32 $execute0_lowered;
	[smem:$0x3FD2] =	sst s26  }
0x1e: {  	s5 =	sshll.u32 s27, $0x1;
	_ =	strace $0x80000049;
	[dreg:$0x1] =	wrdreg $0xFFFFFFFF  }
0x1f: {  	s28 =	simm.s32 $_size_execute0_lowered;
	s3 =	sadd.s32 s3, s5;
	[dreg:$0x0] =	wrdreg $0x0  }
0x20: {  	s5 =	sshll.u32 s28, $0x1;
	[dreg:$0x2] =	wrdreg s3  }
0x21: {  	[dreg:$0x3] =	wrdreg s5  }
0x22: {  	[dreg:$0x4] =	wrdreg $0xC0  }
0x23: {  	_ =	task [dreg:s7], $0x5FFFF  }
0x24: {  	[dreg:$0x1] =	wrdreg $0xFFFFFFFF  }
0x25: {  	[dreg:$0x0] =	wrdreg $0x60  }
0x26: {  	[dreg:$0x2] =	wrdreg s25  }
0x27: {  	[dreg:$0x3] =	wrdreg s2  }
0x28: {  	[dreg:$0x4] =	wrdreg $0x9  }
0x29: {  	_ =	task.clear_ibuf [dreg:s7], $0x5FFFF;
	_ =	strace $0x90000049  }
0x2a: {  	s29 =	simm.s32 $0x9;
	_ =	strace $0x8000004B  }
0x2b: {  	_ =	swait.ge [sflag:s29], $0x1  }
0x2c: {  	[sflag:s29] =	ssyncadd.s32 $0xFFFFFFFF  }
0x2d: {  	_ =	strace $0x9000004B  }
0x2e: {  	_ =	sfence  }
0x2f: {  	s30 =	sld [smem:$0x0];
	_ =	sdelay $0x2  }
0x30: {  	s31 =	sshll.u32 s1, $0xD;
	s1 =	sshrl.u32 s1, $0x2  }
0x31: {  	s3 =	sand.u32 $0x4000, s31;
	s1 =	sadd.s32 s1, s30  }
0x32: {  	s0 =	sor.u32 s3, s0;
	s1 =	sshll.u32 s1, $0x11  }
0x33: {  	s0 =	sor.u32 s1, s0  }
0x34: {  	s0 =	sadd.s32 $0x8F2B, s0  }
0x35: {  	[sflag:s0] =	ssyncadd.remote.s32 $0x1  }
0x36: {  	_ =	sfence.sel $0xFFFF  }
0x37: {  	[dreg:$0x0] =	wrdreg $0xFFFFFFFF;
	(pc) =	sbr.abs _section_cstart, $3  }
0x38: {  	[dreg:$0x1] =	wrdreg $0xFFFFFFFF  }
0x39: {  	_ =	task.clear_ibuf [dreg:s7], $0x2FFFF;
	_ =	strace $0x9FFFFFFF  }
0x3a: {  	(tm) =	ssettm $0x7FFFFFFF  }
0x3b: {  	_ =	shalt  }
tec
execute0_lowered:
.L_overlay_start_1:
0x0: {  	(tag) =	ssettag $0x1  }
0x1: {  	s1 =	rddreg [dreg:$0x0]  }
0x2: {  	s2 =	rddreg [dreg:$0x1]  }
0x3: {  	s0 =	rddreg [dreg:$0x2]  }
0x4: {  	s4 =	srdreg.scid;
	_ =	strace $0x8000004A;
	s6 =	simm.s32 $0x2  }
0x5: {  	s13 =	simm.s32 $0x0;
	p0 =	por $0x0, $0x0;
	s11 =	simm.s32 $0x0  }
.Ltmp0:
0x6: {  	s12 =	simm.s32 $0x0;
	s8 =	simm.s32 $0x0;
	(pc) =	sbr.rel .LBB1_1-.Ltmp0, $4  }
0x7: {  	s9 =	simm.s32 $0x0;
	s3 =	sadd.s32 $0x18A00, s1;
	s4 =	sshll.u32 s4, $0x4  }
0x8: {  	s1 =	stileid.u32;
	s5 =	sand.u32 $0x10, s4;
	s4 =	simm.s32 $0x1  }
0x9: {  	s7 =	simm.s32 $0x0;
	s5 =	sor.u32 s1, s5;
	[sflag:s4] =	ssyncpa.u1 $0x0  }
0xa: {  	[sflag:s6] =	ssyncpa.u1 $0x0;
	s6 =	simm.s32 $0x40000;
	s10 =	smov.u32 s5  }
.LBB1_5:
0xb: {  	s14 =	sadd.s32 $0x1, s8  }
0xc: {  	s11 =	sadd.s32 $0x80, s9;
	s15 =	smov.u32 s9;
	p2 =	sgt.s32 s14, $0xF  }
0xd: {  	s15 =	smov.u32 @p2 s11  }
0xe: {  	s17 =	smov.u32 s10;
	s11 =	sadd.s32 $0x20, s10;
	p3 =	sgt.s32 s15, $0x7F  }
0xf: {  	p1 =	slt.u32 s7, $0x2;
	s17 =	smov.u32 @p3 s11  }
0x10: {  	s7 =	sadd.s32 $0x1, s7;
	s14 =	simm.s32 @p2 $0x0;
	p2 =	sgt.s32 s17, $0x7F  }
0x11: {  	s17 =	smov.u32 @p2 s5;
	p2 =	sne.s32 s7, $0x42  }
.Ltmp1:
0x12: {  	s16 =	simm.s32 @!p1 $0x2;
	(pc) =	sbr.rel @!p2 .LBB1_6-.Ltmp1, $4  }
0x13: {  	s13 =	smov.u32 s8;
	_ =	swait.ge @!p1 [sflag:s16], $0x4000  }
0x14: {  	s12 =	smov.u32 s10;
	p0 =	por !p0, !p0;
	[sflag:s16] =	ssyncset.done @!p1 $0x0  }
0x15: {  	s8 =	smov.u32 s14;
	s15 =	simm.s32 @p3 $0x0;
	s11 =	smov.u32 s9  }
0x16: {  	[sflag:s16] =	ssyncadd.s32 @!p1 $0xFFFFC000;
	s9 =	smov.u32 s15;
	s10 =	smov.u32 s17  }
.LBB1_1:
0x17: {  	p1 =	sgt.u32 s7, $0x3F  }
0x18: {  	s14 =	sxor.u32 @!p1 $0xFFFFFFFF, s7;
	s15 =	sshll.u32 @!p1 s10, $0xF;
	s16 =	sshll.u32 @!p1 s9, $0x8  }
0x19: {  	s17 =	sshll.u32 @!p1 s8, $0x4;
	s14 =	sshll.u32 @!p1 s14, $0xE;
	s15 =	sadd.s32 @!p1 s3, s15  }
0x1a: {  	s17 =	sand.u32 @!p1 $0xF0, s17;
	s14 =	sand.u32 @!p1 $0x4000, s14;
	s15 =	sadd.s32 @!p1 s16, s15  }
0x1b: {  	s16 =	simm.s32 @!p1 $0x80;
	s15 =	sadd.s32 @!p1 s17, s15;
	s17 =	simm.s32 @!p1 $0x800  }
0x1c: {  	[tilespmem:s14], [sflag:$0x1] =	stream.strided.gather @!p1 [hbm4b:s15+s16], $0x4000, s17, s16, $0x38;
	[tilespmem:$0x10100] =	vst v63  }
0x1d: {  	p1 =	seq.s32 s7, $0x0  }
0x1e: {  	p2 =	seq.s32 @!p1 s7, $0x41  }
0x1f: {  	p1 =	por p1, p2  }
.Ltmp2:
0x20: {  	_ = 	snop;
	(pc) =	sbr.rel @p1 .LBB1_5-.Ltmp2, $1  }
0x21: {  	_ =	sdelay $0x3  }
0x22: {  	s14 =	simm.s32 $0x1  }
0x23: {  	_ =	swait.ge [sflag:s4], $0x4000;
	s14 =	simm.s32 @!p0 $0x0  }
0x24: {  	[sflag:s4] =	ssyncset.done $0x0;
	s15 =	sshll.u32 s14, $0xE  }
0x25: {  	[sflag:s4] =	ssyncadd.s32 $0xFFFFC000;
	s16 =	sor.u32 $0x40, s15  }
0x26: {  	s14 =	smul.u32 $0x10200, s14;
	v0 =	vld [tilespmem:s16+$0x30]  }
0x27: {  	v3 =	vld [tilespmem:s16+$0xFFFFFFD0]  }
0x28: {  	s14 =	sshrl.u32 s14, $0x2;
	v4 =	vld [tilespmem:s16+$0xFFFFFFE0]  }
0x29: {  	v5 =	vld [tilespmem:s16+$0xFFFFFFF0];
	s15 =	sor.u32 $0x8000, s14  }
0x2a: {  	s31 =	sand.u32 $0x1, s7;
	v1 =	vld [tilespmem:s16+$0x0];
	s17 =	sadd.s32 $0x0, s15  }
0x2b: {  	v2 =	vld [tilespmem:s16+$0x10];
	s14 =	smul.u32 $0x10200, s31;
	[tilespmem:s17+$0x3870 ss:$0x81] =	vst.msk $0xffff, v0  }
0x2c: {  	[tilespmem:s17+$0x810 ss:$0x81] =	vst.msk $0xffff, v3;
	v3 =	vld [tilespmem:s16+$0x20]  }
0x2d: {  	s14 =	sshrl.u32 s14, $0x2;
	v0 =	vld [tilespmem:s16+$0xFFFFFFC0];
	[tilespmem:s17+$0x1020 ss:$0x81] =	vst.msk $0xffff, v4;
	s16 =	sadd.s32 $0x80, s16  }
0x2e: {  	s18 =	simm.s32 $0x4;
	s19 =	simm.s32 $0x8;
	s14 =	sor.u32 $0x8000, s14;
	[tilespmem:s17+$0x1830 ss:$0x81] =	vst.msk $0xffff, v5;
	v4 =	vld [tilespmem:s16+$0x30]  }
.LBB1_3:
0x2f: {  	p1 =	sne.s32 s19, $0x1FC;
	v5 =	vld [tilespmem:s16+$0xFFFFFFD0];
	[tilespmem:s17+$0x2040 ss:$0x81] =	vst.msk $0xffff, v1  }
0x30: {  	v6 =	vld [tilespmem:s16+$0xFFFFFFE0];
	[tilespmem:s17+$0x2850 ss:$0x81] =	vst.msk $0xffff, v2  }
0x31: {  	s20 =	sshra.s32 s18, $0x2;
	s18 =	smov.u32 s19;
	v7 =	vld [tilespmem:s16+$0xFFFFFFF0];
	[tilespmem:s17+$0x3060 ss:$0x81] =	vst.msk $0xffff, v3  }
.Ltmp3:
0x32: {  	v1 =	vld [tilespmem:s16+$0x0];
	[tilespmem:s17+$0x0 ss:$0x81] =	vst.msk $0xffff, v0;
	s17 =	sadd.s32 s20, s15;
	(pc) =	sbr.rel @p1 .LBB1_3-.Ltmp3, $4  }
0x33: {  	v2 =	vld [tilespmem:s16+$0x10];
	[tilespmem:s17+$0x3870 ss:$0x81] =	vst.msk $0xffff, v4  }
0x34: {  	[tilespmem:s17+$0x810 ss:$0x81] =	vst.msk $0xffff, v5;
	v3 =	vld [tilespmem:s16+$0x20]  }
0x35: {  	v0 =	vld [tilespmem:s16+$0xFFFFFFC0];
	[tilespmem:s17+$0x1020 ss:$0x81] =	vst.msk $0xffff, v6;
	s16 =	sadd.s32 $0x80, s16  }
0x36: {  	s19 =	sadd.s32 $0x4, s19;
	v4 =	vld [tilespmem:s16+$0x30];
	[tilespmem:s17+$0x1830 ss:$0x81] =	vst.msk $0xffff, v7  }
0x37: {  	v5 =	vld [tilespmem:s16+$0xFFFFFFD0];
	[tilespmem:s17+$0x2040 ss:$0x81] =	vst.msk $0xffff, v1  }
0x38: {  	v58 =	vld [tilespmem:s16+$0xFFFFFFE0];
	[tilespmem:s17+$0x2850 ss:$0x81] =	vst.msk $0xffff, v2  }
0x39: {  	s18 =	sshra.s32 s18, $0x2;
	v59 =	vld [tilespmem:s16+$0xFFFFFFF0];
	[tilespmem:s17+$0x3060 ss:$0x81] =	vst.msk $0xffff, v3  }
0x3a: {  	v60 =	vld [tilespmem:s16+$0x0];
	s15 =	sadd.s32 s18, s15;
	[tilespmem:s17+$0x0 ss:$0x81] =	vst.msk $0xffff, v0  }
0x3b: {  	v61 =	vld [tilespmem:s16+$0x10];
	[tilespmem:s15+$0x3870 ss:$0x81] =	vst.msk $0xffff, v4  }
0x3c: {  	s13 =	sshll.u32 s13, $0x7;
	s27 =	sshll.u32 s11, $0x3;
	v62 =	vld [tilespmem:s16+$0x20];
	[tilespmem:s15+$0x810 ss:$0x81] =	vst.msk $0xffff, v5  }
0x3d: {  	v63 =	vld [tilespmem:s16+$0xFFFFFFC0];
	s12 =	sshll.u32 s12, $0x8;
	s28 =	sand.u32 $0x400, s13;
	s17 =	sand.u32 $0x400, s27;
	[tilespmem:s15+$0x1020 ss:$0x81] =	vst.msk $0xffff, v58  }
0x3e: {  	s30 =	sshrl.u32 s11, $0x3;
	s13 =	sand.u32 $0x380, s13;
	s29 =	sadd.s32 s17, s28;
	[tilespmem:s15+$0x1830 ss:$0x81] =	vst.msk $0xffff, v59  }
.Ltmp4:
0x3f: {  	s31 =	sand.u32 $0x7, s11;
	s13 =	sor.u32 s13, s29;
	[tilespmem:s15+$0x2040 ss:$0x81] =	vst.msk $0xffff, v60;
	(pc) =	sbr.rel .LBB1_5-.Ltmp4, $4  }
0x40: {  	s16 =	sand.u32 $0xF, s30;
	s12 =	sadd.s32 s2, s12;
	[tilespmem:s15+$0x2850 ss:$0x81] =	vst.msk $0xffff, v61;
	s13 =	sshrl.u32 s13, $0x3  }
0x41: {  	s11 =	sshll.u32 s31, $0x12;
	s12 =	sadd.s32 s16, s12;
	[tilespmem:s15+$0x3060 ss:$0x81] =	vst.msk $0xffff, v62;
	s13 =	sand.u32 $0xF0, s13  }
0x42: {  	s11 =	sor.u32 $0x80, s11;
	[tilespmem:s15+$0x0 ss:$0x81] =	vst.msk $0xffff, v63;
	s12 =	sadd.s32 s13, s12  }
0x43: {  	[hbm4b:s12+s11] =	stream.strided.scatter [tilespmem:s14], [sflag:$0x2], $0x4000, s6, s11, $0x20;
	[tilespmem:$0x10100] =	vst v63  }
.LBB1_6:
0x44: {  	_ =	sfence.sel $0x180000  }
0x45: {  	s2 =	simm.s32 $0x1;
	[bflag:$0x0] =	sbarrier.arrive $0xFFFF  }
0x46: {  	s31 =	simm.s32 $0x2;
	[sflag:s2] =	ssyncpa.u1 $0x1  }
0x47: {  	[sflag:s31] =	ssyncpa.u1 $0x1  }
0x48: {  	p0 =	sne.s32 s1, $0x0;
	_ =	strace $0x9000004A  }
0x49: {  	s0 =	sadd.s32 @!p0 $0x100000, s0;
	[bflag:$0x2] =	sbarrier.arrive $0xFFFF  }
0x4a: {  	[sflag:s0] =	ssyncadd.tile.s32 @!p0 $0x1;
	_ =	shalt  }
.Lfunc_end1:
_tile_overlayer_lowered:
.L_overlay_start_2:
0x4b: {  	(tag) =	ssettag $0x2  }
0x4c: {  	s0 =	rddreg [dreg:$0x0];
	s2 =	stileid.u32  }
0x4d: {  	s1 =	rddreg [dreg:$0x1];
	p0 =	sne.s32 s2, $0x0  }
0x4e: {  	s3 =	rddreg [dreg:$0x2];
	[bflag:$0x3] =	sbarrier.arrive $0xFFFF;
	s2 =	simm.s32 @!p0 $0x1C01  }
0x4f: {  	[timem:s3], [sflag:s2] =	dma.local @!p0 [hbm:s0], s1  }
0x50: {  	s0 =	simm.s32 @!p0 $0x1  }
0x51: {  	_ =	swait.ge @!p0 [sflag:s0], s1  }
0x52: {  	s1 =	ssub.s32 @!p0 $0x0, s1;
	[sflag:s0] =	ssyncset.done @!p0 $0x0  }
0x53: {  	[sflag:s0] =	ssyncadd.s32 @!p0 s1  }
0x54: {  	[bflag:$0x3] =	sbarrier.arrive $0xFFFF  }
0x55: {  	_ =	shalt  }

</sc_bundles>
